<compile_context>
chip_gen: v7x
topology: tpu7x:2x2x1
jax: 0.10.2.dev20260603
libtpu: 0.0.44.dev20260713+nightly
codegen_flags: <defaults>
</compile_context>

<pallas_src>
import functools

import jax
import jax.numpy as jnp
import numpy as np
from jax import lax
from jax.experimental import pallas as pl
from jax.experimental.pallas import tpu as pltpu
from jax.experimental.pallas import tpu_sc as plsc

_B, _N = 128, 106
_IN_H, _IN_W = 512, 512
_UPSCALE = 4
_STRIDE = 4
_OUT_H = int(_IN_H * _UPSCALE / _STRIDE)
_OUT_W = int(_IN_W * _UPSCALE / _STRIDE)
_SIGMA = 2.0
_RADIUS = int(_SIGMA * 3)
_KSIZE = 2 * _RADIUS + 1

_NC, _NS, _L = 2, 16, 16
_NW = _NC * _NS
_ROWS = _B * _N
_RPW = _ROWS // _NW
_JOB = 112
_JOBS = (_JOB, _JOB, _JOB, _RPW - 3 * _JOB)
_CPAD = 448

_TC_ROWS = 1696


def _fill_windows(buf, cs_v, os_v, off, nrows, g16, iota16):
    ngrp = (nrows + _L - 1) // _L

    def grp_body(gi, _):
        r0 = gi * _L
        c16 = cs_v[pl.ds(off + r0, _L)].astype(jnp.int32)
        o16 = os_v[pl.ds(off + r0, _L)].astype(jnp.int32)
        ul_c, ul_o = c16 - _RADIUS, o16 - _RADIUS
        br_c, br_o = c16 + (_RADIUS + 1), o16 + (_RADIUS + 1)

        def in_img(px, py):
            return jnp.logical_not((px < 0) | (px > _OUT_W) | (py < 0) | (py > _OUT_H))

        valid = (in_img(ul_c, ul_o) | in_img(br_c, br_o)).astype(jnp.int32)
        for k in range(_L):
            ok = (valid[k] != 0) & (r0 + k < nrows)
            col = iota16 + ul_c[k]
            mask = (col >= 0) & (col < _OUT_W) & (iota16 < _KSIZE) & ok
            row_idx = jnp.full((_L,), r0 + k, jnp.int32)
            plsc.store_scatter(buf, [row_idx, col], g16, mask=mask)
        return 0

    lax.fori_loop(0, ngrp, grp_body, 0)


def _zero_buf(buf, nrows):
    z = jnp.zeros((_L,), jnp.float32)

    def row_body(r, _):
        for c in range(_OUT_W // _L):
            buf[r, pl.ds(c * _L, _L)] = z
        return 0

    lax.fori_loop(0, nrows, row_body, 0)


def _sc_gauss(xs_hbm, ys_hbm, vx_hbm, xs_v, ys_v, buf0, buf1,
              sem_x, sem_y, sem0, sem1):
    wid = lax.axis_index("s") * _NC + lax.axis_index("c")
    r_base = wid * _RPW

    cpx = pltpu.async_copy(xs_hbm.at[pl.ds(r_base, _RPW)], xs_v.at[pl.ds(0, _RPW)], sem_x)
    cpy = pltpu.async_copy(ys_hbm.at[pl.ds(r_base, _RPW)], ys_v.at[pl.ds(0, _RPW)], sem_y)

    iota16 = lax.iota(jnp.int32, _L)
    d = (iota16 - _RADIUS).astype(jnp.float32)
    g16 = jnp.exp(d * d * (-1.0 / (2.0 * _SIGMA * _SIGMA)))

    _zero_buf(buf0, _JOB)
    _zero_buf(buf1, _JOB)
    cpx.wait()
    cpy.wait()

    bufs = (buf0, buf1)
    sems = (sem0, sem1)
    pending = [None, None]
    jobs = []
    off = 0
    for nrows in _JOBS:
        jobs.append((off, nrows))
        off += nrows
    for j, (off, nrows) in enumerate(jobs):
        phase = j % 2
        buf = bufs[phase]
        if pending[phase] is not None:
            pending[phase].wait()
            _zero_buf(buf, _JOB)
        _fill_windows(buf, xs_v, ys_v, off, nrows, g16, iota16)
        cp = pltpu.async_copy(
            buf.at[pl.ds(0, nrows)], vx_hbm.at[pl.ds(r_base + off, nrows)], sems[phase]
        )
        pending[phase] = cp
    pending[0].wait()
    pending[1].wait()


def _tc_gauss(ys_ref, xs_ref, vy_ref):
    nblk = _ROWS // _TC_ROWS
    jd = pl.program_id(0)
    onehot = (jax.lax.broadcasted_iota(jnp.int32, (_TC_ROWS, nblk), 1) == jd)
    onehot = onehot.astype(jnp.float32)
    cf = jnp.trunc(jnp.sum(ys_ref[...] * onehot, axis=1, keepdims=True))
    of = jnp.trunc(jnp.sum(xs_ref[...] * onehot, axis=1, keepdims=True))
    ul_c, ul_o = cf - _RADIUS, of - _RADIUS
    br_c, br_o = cf + (_RADIUS + 1), of + (_RADIUS + 1)

    def in_img(px, py):
        return jnp.logical_not((px < 0) | (px > _OUT_W) | (py < 0) | (py > _OUT_H))

    valid = in_img(ul_c, ul_o) | in_img(br_c, br_o)
    neg_c = -float(np.log2(np.e)) / (2.0 * _SIGMA * _SIGMA)
    pen = jnp.where(valid, 0.0, -jnp.inf)
    r2 = float(_RADIUS * _RADIUS)

    wf = jax.lax.broadcasted_iota(jnp.int32, (_TC_ROWS, _OUT_H), 1).astype(jnp.float32)
    dd = wf - cf
    d2 = dd * dd
    v = jnp.exp2(d2 * neg_c + pen)
    vy_ref[...] = jnp.where(d2 <= r2, v, 0.0)


def kernel(lmks):
    scaled = lmks * (_UPSCALE / _STRIDE)
    xs = scaled[:, :, 0].T.reshape(_ROWS)
    ys = scaled[:, :, 1].T.reshape(_ROWS)

    mesh = plsc.VectorSubcoreMesh(core_axis_name="c", subcore_axis_name="s")
    sc_call = functools.partial(
        pl.kernel,
        mesh=mesh,
        out_type=jax.ShapeDtypeStruct((_ROWS, _OUT_W), jnp.float32),
        scratch_types=[
            pltpu.VMEM((_CPAD,), jnp.float32),
            pltpu.VMEM((_CPAD,), jnp.float32),
            pltpu.VMEM((_JOB, _OUT_W), jnp.float32),
            pltpu.VMEM((_JOB, _OUT_W), jnp.float32),
            pltpu.SemaphoreType.DMA,
            pltpu.SemaphoreType.DMA,
            pltpu.SemaphoreType.DMA,
            pltpu.SemaphoreType.DMA,
        ],
        compiler_params=pltpu.CompilerParams(
            needs_layout_passes=False, skip_device_barrier=True
        ),
    )(_sc_gauss)
    fx = sc_call(xs, ys)

    nblk = _ROWS // _TC_ROWS
    ys2 = ys.reshape(nblk, _TC_ROWS).T
    xs2 = xs.reshape(nblk, _TC_ROWS).T
    fy = pl.pallas_call(
        _tc_gauss,
        grid=(nblk,),
        in_specs=[
            pl.BlockSpec((_TC_ROWS, nblk), lambda i: (0, 0)),
            pl.BlockSpec((_TC_ROWS, nblk), lambda i: (0, 0)),
        ],
        out_specs=pl.BlockSpec((_TC_ROWS, _OUT_H), lambda i: (i, 0)),
        out_shape=jax.ShapeDtypeStruct((_ROWS, _OUT_H), jnp.float32),
        compiler_params=pltpu.CompilerParams(allow_input_fusion=[True, True]),
    )(ys2, xs2)

    vx = fx.reshape(_N, _B, _OUT_W).transpose(1, 0, 2)
    vy = fy.reshape(_N, _B, _OUT_H).transpose(1, 0, 2)
    return vx, vy

# --- scband reference (transcript-rebuilt; emitter-appended) ---
"""Pipeline reference for scband-gaussian-vector-16020228014569 (READ-ONLY COPY).

The authoritative reference and input builder live on the scoring server;
editing this copy changes nothing except your own understanding.
"""

import jax, jax.numpy as jnp
import numpy as np

B, N = 128, 106
IN_H, IN_W = 512, 512
UPSCALE = 4
STRIDE = 4
OUT_H = int(IN_H * UPSCALE / STRIDE)
OUT_W = int(IN_W * UPSCALE / STRIDE)
SIGMA = 2.0
RADIUS = int(SIGMA * 3)
KSIZE = 2 * RADIUS + 1
CENTER = KSIZE // 2


def setup_inputs(seed: int = 0) -> dict:
    key = jax.random.key(seed)
    # landmark pixel coordinates in the input image, stored as float32
    lmks = jax.random.randint(key, (B, N, 2), 0, IN_W).astype(jnp.float32)
    return {"lmks": lmks}


def _gaussian_clip():
    g = jnp.exp(-((jnp.arange(KSIZE, dtype=jnp.float32) - CENTER) ** 2) / (2.0 * SIGMA ** 2))
    # heighten_peak = False, so no peak boost
    return g


def _forward(lmks):
    g = _gaussian_clip()
    # lmks -> output-grid integer coords (non-differentiable cast, as in original)
    l = jax.lax.stop_gradient(lmks * UPSCALE / STRIDE).astype(jnp.int32)
    x = l[..., 0]
    y = l[..., 1]
    ulx = x - RADIUS
    uly = y - RADIUS
    brx = x + RADIUS + 1
    bry = y + RADIUS + 1

    def in_img(px, py):
        # original is_point_in_img: inside iff 0 <= px <= W and 0 <= py <= H
        return jnp.logical_not((px < 0) | (px > OUT_W) | (py < 0) | (py > OUT_H))

    # original: if BOTH ul and br are out of image -> all zeros for this landmark
    valid = in_img(ulx, uly) | in_img(brx, bry)

    # scatter gaussian window into x-vector: vector_x[b,n,w] = g[w - ulx] for w in [max(0,ulx), min(W,brx))
    w_idx = jnp.arange(OUT_W)
    relx = w_idx[None, None, :] - ulx[..., None]            # [B, N, OUT_W]
    maskx = (relx >= 0) & (relx < KSIZE) & valid[..., None]
    vector_x = jnp.where(maskx, g[jnp.clip(relx, 0, KSIZE - 1)], 0.0)

    h_idx = jnp.arange(OUT_H)
    rely = h_idx[None, None, :] - uly[..., None]            # [B, N, OUT_H]
    masky = (rely >= 0) & (rely < KSIZE) & valid[..., None]
    vector_y = jnp.where(masky, g[jnp.clip(rely, 0, KSIZE - 1)], 0.0)

    return vector_x, vector_y


def reference(lmks):
    return _forward(lmks)

if __name__ == "__main__":
    import jax
    _d = setup_inputs()
    print(jax.jit(kernel)(*tuple(_d.values())))

</pallas_src>

<mosaic_0001>
#map = affine_map<(d0, d1) -> (0)>
#map1 = affine_map<(d0, d1) -> (0, 0)>
module attributes {stable_mosaic.version = 14 : i64} {
  func.func @_sc_gauss(%arg0: i32, %arg1: i32, %arg2: memref<13568xf32, #tpu.memory_space<hbm>>, %arg3: memref<13568xf32, #tpu.memory_space<hbm>>, %arg4: memref<13568x512xf32, #tpu.memory_space<hbm>>, %arg5: memref<448xf32, #tpu.memory_space<vmem>>, %arg6: memref<448xf32, #tpu.memory_space<vmem>>, %arg7: memref<112x512xf32, #tpu.memory_space<vmem>>, %arg8: memref<112x512xf32, #tpu.memory_space<vmem>>, %arg9: memref<!tpu.dma_semaphore, #tpu.memory_space<semaphore_mem>>, %arg10: memref<!tpu.dma_semaphore, #tpu.memory_space<semaphore_mem>>, %arg11: memref<!tpu.dma_semaphore, #tpu.memory_space<semaphore_mem>>, %arg12: memref<!tpu.dma_semaphore, #tpu.memory_space<semaphore_mem>>) attributes {dimension_semantics = [#tpu.dimension_semantics<core_parallel>, #tpu.dimension_semantics<subcore_parallel>], iteration_bounds = array<i64: 2, 16>, scalar_prefetch = 0 : i64, scratch_operands = 8 : i64, tpu.core_type = #tpu.core_type<sc_vector_subcore>, window_params = [{transform_indices = #map}, {transform_indices = #map}, {transform_indices = #map1}]} {
    %mul3A = arith.constant 2 : i32
    %mul3A_0 = arith.muli %arg1, %mul3A : i32
    %add3A = arith.addi %mul3A_0, %arg0 : i32
    %mul3A_1 = arith.constant 424 : i32
    %mul3A_2 = arith.muli %add3A, %mul3A_1 : i32
    %dma_start3A = arith.constant 0 : i32
    %dma_start3A_3 = tpu.memref_slice %arg5[%dma_start3A] : memref<448xf32, #tpu.memory_space<vmem>> -> memref<424xf32, #tpu.memory_space<vmem>>
    %dma_start3A_4 = tpu.memref_slice %arg2[%mul3A_2] : memref<13568xf32, #tpu.memory_space<hbm>> -> memref<424xf32, #tpu.memory_space<hbm>>
    %dma_start3A_5 = arith.constant 0 : i32
    %dma_start3A_6 = tpu.memref_slice %arg5[%dma_start3A_5] : memref<448xf32, #tpu.memory_space<vmem>> -> memref<424xf32, #tpu.memory_space<vmem>>
    %dma_start3A_7 = tpu.memref_slice %arg2[%mul3A_2] : memref<13568xf32, #tpu.memory_space<hbm>> -> memref<424xf32, #tpu.memory_space<hbm>>
    tpu.enqueue_dma source(%dma_start3A_7 : memref<424xf32, #tpu.memory_space<hbm>>) target(%dma_start3A_6 : memref<424xf32, #tpu.memory_space<vmem>>) target_semaphore(%arg9 : memref<!tpu.dma_semaphore, #tpu.memory_space<semaphore_mem>>)
    %dma_start3A_8 = arith.constant 0 : i32
    %dma_start3A_9 = tpu.memref_slice %arg6[%dma_start3A_8] : memref<448xf32, #tpu.memory_space<vmem>> -> memref<424xf32, #tpu.memory_space<vmem>>
    %dma_start3A_10 = tpu.memref_slice %arg3[%mul3A_2] : memref<13568xf32, #tpu.memory_space<hbm>> -> memref<424xf32, #tpu.memory_space<hbm>>
    %dma_start3A_11 = arith.constant 0 : i32
    %dma_start3A_12 = tpu.memref_slice %arg6[%dma_start3A_11] : memref<448xf32, #tpu.memory_space<vmem>> -> memref<424xf32, #tpu.memory_space<vmem>>
    %dma_start3A_13 = tpu.memref_slice %arg3[%mul3A_2] : memref<13568xf32, #tpu.memory_space<hbm>> -> memref<424xf32, #tpu.memory_space<hbm>>
    tpu.enqueue_dma source(%dma_start3A_13 : memref<424xf32, #tpu.memory_space<hbm>>) target(%dma_start3A_12 : memref<424xf32, #tpu.memory_space<vmem>>) target_semaphore(%arg10 : memref<!tpu.dma_semaphore, #tpu.memory_space<semaphore_mem>>)
    %iota3A = tpu.iota {dimensions = array<i32: 0>} : vector<16xi32>
    %sub3A = arith.constant 6 : i32
    %sub3A_14 = vector.broadcast %sub3A : i32 to vector<16xi32>
    %sub3A_15 = arith.subi %iota3A, %sub3A_14 : vector<16xi32>
    %convert_element_type3A = arith.sitofp %sub3A_15 : vector<16xi32> to vector<16xf32>
    %mul3A_16 = arith.mulf %convert_element_type3A, %convert_element_type3A : vector<16xf32>
    %mul3A_17 = arith.constant -1.250000e-01 : f32
    %mul3A_18 = vector.broadcast %mul3A_17 : f32 to vector<16xf32>
    %mul3A_19 = arith.mulf %mul3A_16, %mul3A_18 : vector<16xf32>
    %exp3A = math.exp %mul3A_19 : vector<16xf32>
    %broadcast_in_dim3A = arith.constant 0.000000e+00 : f32
    %broadcast_in_dim3A_20 = vector.broadcast %broadcast_in_dim3A : f32 to vector<16xf32>
    %scan3A = arith.constant 0 : i32
    %scan3A_21 = arith.constant 0 : i32
    %scan3A_22 = arith.constant 112 : i32
    %scan3A_23 = arith.addi %scan3A_21, %scan3A_22 : i32
    %scan3A_24 = arith.constant 1 : i32
    %scan3A_25 = scf.for %scan3A_181 = %scan3A_21 to %scan3A_23 step %scan3A_24 iter_args(%scan3A_182 = %scan3A) -> (i32)  : i32 {
      %swap3A = arith.index_cast %scan3A_181 : i32 to index
      %swap3A_183 = arith.constant 0 : index
      %swap3A_184 = tpu.vector_load %arg7[%swap3A, %swap3A_183] {strides = array<i32>} : memref<112x512xf32, #tpu.memory_space<vmem>>, vector<16xf32>,
      tpu.vector_store %arg7[%swap3A, %swap3A_183], %broadcast_in_dim3A_20 {strides = array<i32>} : memref<112x512xf32, #tpu.memory_space<vmem>>, vector<16xf32>,
      %swap3A_185 = arith.index_cast %scan3A_181 : i32 to index
      %swap3A_186 = arith.constant 16 : index
      %swap3A_187 = tpu.vector_load %arg7[%swap3A_185, %swap3A_186] {strides = array<i32>} : memref<112x512xf32, #tpu.memory_space<vmem>>, vector<16xf32>,
      tpu.vector_store %arg7[%swap3A_185, %swap3A_186], %broadcast_in_dim3A_20 {strides = array<i32>} : memref<112x512xf32, #tpu.memory_space<vmem>>, vector<16xf32>,
      %swap3A_188 = arith.index_cast %scan3A_181 : i32 to index
      %swap3A_189 = arith.constant 32 : index
      %swap3A_190 = tpu.vector_load %arg7[%swap3A_188, %swap3A_189] {strides = array<i32>} : memref<112x512xf32, #tpu.memory_space<vmem>>, vector<16xf32>,
      tpu.vector_store %arg7[%swap3A_188, %swap3A_189], %broadcast_in_dim3A_20 {strides = array<i32>} : memref<112x512xf32, #tpu.memory_space<vmem>>, vector<16xf32>,
      %swap3A_191 = arith.index_cast %scan3A_181 : i32 to index
      %swap3A_192 = arith.constant 48 : index
      %swap3A_193 = tpu.vector_load %arg7[%swap3A_191, %swap3A_192] {strides = array<i32>} : memref<112x512xf32, #tpu.memory_space<vmem>>, vector<16xf32>,
      tpu.vector_store %arg7[%swap3A_191, %swap3A_192], %broadcast_in_dim3A_20 {strides = array<i32>} : memref<112x512xf32, #tpu.memory_space<vmem>>, vector<16xf32>,
      %swap3A_194 = arith.index_cast %scan3A_181 : i32 to index
      %swap3A_195 = arith.constant 64 : index
      %swap3A_196 = tpu.vector_load %arg7[%swap3A_194, %swap3A_195] {strides = array<i32>} : memref<112x512xf32, #tpu.memory_space<vmem>>, vector<16xf32>,
      tpu.vector_store %arg7[%swap3A_194, %swap3A_195], %broadcast_in_dim3A_20 {strides = array<i32>} : memref<112x512xf32, #tpu.memory_space<vmem>>, vector<16xf32>,
      %swap3A_197 = arith.index_cast %scan3A_181 : i32 to index
      %swap3A_198 = arith.constant 80 : index
      %swap3A_199 = tpu.vector_load %arg7[%swap3A_197, %swap3A_198] {strides = array<i32>} : memref<112x512xf32, #tpu.memory_space<vmem>>, vector<16xf32>,
      tpu.vector_store %arg7[%swap3A_197, %swap3A_198], %broadcast_in_dim3A_20 {strides = array<i32>} : memref<112x512xf32, #tpu.memory_space<vmem>>, vector<16xf32>,
      %swap3A_200 = arith.index_cast %scan3A_181 : i32 to index
      %swap3A_201 = arith.constant 96 : index
      %swap3A_202 = tpu.vector_load %arg7[%swap3A_200, %swap3A_201] {strides = array<i32>} : memref<112x512xf32, #tpu.memory_space<vmem>>, vector<16xf32>,
      tpu.vector_store %arg7[%swap3A_200, %swap3A_201], %broadcast_in_dim3A_20 {strides = array<i32>} : memref<112x512xf32, #tpu.memory_space<vmem>>, vector<16xf32>,
      %swap3A_203 = arith.index_cast %scan3A_181 : i32 to index
      %swap3A_204 = arith.constant 112 : index
      %swap3A_205 = tpu.vector_load %arg7[%swap3A_203, %swap3A_204] {strides = array<i32>} : memref<112x512xf32, #tpu.memory_space<vmem>>, vector<16xf32>,
      tpu.vector_store %arg7[%swap3A_203, %swap3A_204], %broadcast_in_dim3A_20 {strides = array<i32>} : memref<112x512xf32, #tpu.memory_space<vmem>>, vector<16xf32>,
      %swap3A_206 = arith.index_cast %scan3A_181 : i32 to index
      %swap3A_207 = arith.constant 128 : index
      %swap3A_208 = tpu.vector_load %arg7[%swap3A_206, %swap3A_207] {strides = array<i32>} : memref<112x512xf32, #tpu.memory_space<vmem>>, vector<16xf32>,
      tpu.vector_store %arg7[%swap3A_206, %swap3A_207], %broadcast_in_dim3A_20 {strides = array<i32>} : memref<112x512xf32, #tpu.memory_space<vmem>>, vector<16xf32>,
      %swap3A_209 = arith.index_cast %scan3A_181 : i32 to index
      %swap3A_210 = arith.constant 144 : index
      %swap3A_211 = tpu.vector_load %arg7[%swap3A_209, %swap3A_210] {strides = array<i32>} : memref<112x512xf32, #tpu.memory_space<vmem>>, vector<16xf32>,
      tpu.vector_store %arg7[%swap3A_209, %swap3A_210], %broadcast_in_dim3A_20 {strides = array<i32>} : memref<112x512xf32, #tpu.memory_space<vmem>>, vector<16xf32>,
      %swap3A_212 = arith.index_cast %scan3A_181 : i32 to index
      %swap3A_213 = arith.constant 160 : index
      %swap3A_214 = tpu.vector_load %arg7[%swap3A_212, %swap3A_213] {strides = array<i32>} : memref<112x512xf32, #tpu.memory_space<vmem>>, vector<16xf32>,
      tpu.vector_store %arg7[%swap3A_212, %swap3A_213], %broadcast_in_dim3A_20 {strides = array<i32>} : memref<112x512xf32, #tpu.memory_space<vmem>>, vector<16xf32>,
      %swap3A_215 = arith.index_cast %scan3A_181 : i32 to index
      %swap3A_216 = arith.constant 176 : index
      %swap3A_217 = tpu.vector_load %arg7[%swap3A_215, %swap3A_216] {strides = array<i32>} : memref<112x512xf32, #tpu.memory_space<vmem>>, vector<16xf32>,
      tpu.vector_store %arg7[%swap3A_215, %swap3A_216], %broadcast_in_dim3A_20 {strides = array<i32>} : memref<112x512xf32, #tpu.memory_space<vmem>>, vector<16xf32>,
      %swap3A_218 = arith.index_cast %scan3A_181 : i32 to index
      %swap3A_219 = arith.constant 192 : index
      %swap3A_220 = tpu.vector_load %arg7[%swap3A_218, %swap3A_219] {strides = array<i32>} : memref<112x512xf32, #tpu.memory_space<vmem>>, vector<16xf32>,
      tpu.vector_store %arg7[%swap3A_218, %swap3A_219], %broadcast_in_dim3A_20 {strides = array<i32>} : memref<112x512xf32, #tpu.memory_space<vmem>>, vector<16xf32>,
      %swap3A_221 = arith.index_cast %scan3A_181 : i32 to index
      %swap3A_222 = arith.constant 208 : index
      %swap3A_223 = tpu.vector_load %arg7[%swap3A_221, %swap3A_222] {strides = array<i32>} : memref<112x512xf32, #tpu.memory_space<vmem>>, vector<16xf32>,
      tpu.vector_store %arg7[%swap3A_221, %swap3A_222], %broadcast_in_dim3A_20 {strides = array<i32>} : memref<112x512xf32, #tpu.memory_space<vmem>>, vector<16xf32>,
      %swap3A_224 = arith.index_cast %scan3A_181 : i32 to index
      %swap3A_225 = arith.constant 224 : index
      %swap3A_226 = tpu.vector_load %arg7[%swap3A_224, %swap3A_225] {strides = array<i32>} : memref<112x512xf32, #tpu.memory_space<vmem>>, vector<16xf32>,
      tpu.vector_store %arg7[%swap3A_224, %swap3A_225], %broadcast_in_dim3A_20 {strides = array<i32>} : memref<112x512xf32, #tpu.memory_space<vmem>>, vector<16xf32>,
      %swap3A_227 = arith.index_cast %scan3A_181 : i32 to index
      %swap3A_228 = arith.constant 240 : index
      %swap3A_229 = tpu.vector_load %arg7[%swap3A_227, %swap3A_228] {strides = array<i32>} : memref<112x512xf32, #tpu.memory_space<vmem>>, vector<16xf32>,
      tpu.vector_store %arg7[%swap3A_227, %swap3A_228], %broadcast_in_dim3A_20 {strides = array<i32>} : memref<112x512xf32, #tpu.memory_space<vmem>>, vector<16xf32>,
      %swap3A_230 = arith.index_cast %scan3A_181 : i32 to index
      %swap3A_231 = arith.constant 256 : index
      %swap3A_232 = tpu.vector_load %arg7[%swap3A_230, %swap3A_231] {strides = array<i32>} : memref<112x512xf32, #tpu.memory_space<vmem>>, vector<16xf32>,
      tpu.vector_store %arg7[%swap3A_230, %swap3A_231], %broadcast_in_dim3A_20 {strides = array<i32>} : memref<112x512xf32, #tpu.memory_space<vmem>>, vector<16xf32>,
      %swap3A_233 = arith.index_cast %scan3A_181 : i32 to index
      %swap3A_234 = arith.constant 272 : index
      %swap3A_235 = tpu.vector_load %arg7[%swap3A_233, %swap3A_234] {strides = array<i32>} : memref<112x512xf32, #tpu.memory_space<vmem>>, vector<16xf32>,
      tpu.vector_store %arg7[%swap3A_233, %swap3A_234], %broadcast_in_dim3A_20 {strides = array<i32>} : memref<112x512xf32, #tpu.memory_space<vmem>>, vector<16xf32>,
      %swap3A_236 = arith.index_cast %scan3A_181 : i32 to index
      %swap3A_237 = arith.constant 288 : index
      %swap3A_238 = tpu.vector_load %arg7[%swap3A_236, %swap3A_237] {strides = array<i32>} : memref<112x512xf32, #tpu.memory_space<vmem>>, vector<16xf32>,
      tpu.vector_store %arg7[%swap3A_236, %swap3A_237], %broadcast_in_dim3A_20 {strides = array<i32>} : memref<112x512xf32, #tpu.memory_space<vmem>>, vector<16xf32>,
      %swap3A_239 = arith.index_cast %scan3A_181 : i32 to index
      %swap3A_240 = arith.constant 304 : index
      %swap3A_241 = tpu.vector_load %arg7[%swap3A_239, %swap3A_240] {strides = array<i32>} : memref<112x512xf32, #tpu.memory_space<vmem>>, vector<16xf32>,
      tpu.vector_store %arg7[%swap3A_239, %swap3A_240], %broadcast_in_dim3A_20 {strides = array<i32>} : memref<112x512xf32, #tpu.memory_space<vmem>>, vector<16xf32>,
      %swap3A_242 = arith.index_cast %scan3A_181 : i32 to index
      %swap3A_243 = arith.constant 320 : index
      %swap3A_244 = tpu.vector_load %arg7[%swap3A_242, %swap3A_243] {strides = array<i32>} : memref<112x512xf32, #tpu.memory_space<vmem>>, vector<16xf32>,
      tpu.vector_store %arg7[%swap3A_242, %swap3A_243], %broadcast_in_dim3A_20 {strides = array<i32>} : memref<112x512xf32, #tpu.memory_space<vmem>>, vector<16xf32>,
      %swap3A_245 = arith.index_cast %scan3A_181 : i32 to index
      %swap3A_246 = arith.constant 336 : index
      %swap3A_247 = tpu.vector_load %arg7[%swap3A_245, %swap3A_246] {strides = array<i32>} : memref<112x512xf32, #tpu.memory_space<vmem>>, vector<16xf32>,
      tpu.vector_store %arg7[%swap3A_245, %swap3A_246], %broadcast_in_dim3A_20 {strides = array<i32>} : memref<112x512xf32, #tpu.memory_space<vmem>>, vector<16xf32>,
      %swap3A_248 = arith.index_cast %scan3A_181 : i32 to index
      %swap3A_249 = arith.constant 352 : index
      %swap3A_250 = tpu.vector_load %arg7[%swap3A_248, %swap3A_249] {strides = array<i32>} : memref<112x512xf32, #tpu.memory_space<vmem>>, vector<16xf32>,
      tpu.vector_store %arg7[%swap3A_248, %swap3A_249], %broadcast_in_dim3A_20 {strides = array<i32>} : memref<112x512xf32, #tpu.memory_space<vmem>>, vector<16xf32>,
      %swap3A_251 = arith.index_cast %scan3A_181 : i32 to index
      %swap3A_252 = arith.constant 368 : index
      %swap3A_253 = tpu.vector_load %arg7[%swap3A_251, %swap3A_252] {strides = array<i32>} : memref<112x512xf32, #tpu.memory_space<vmem>>, vector<16xf32>,
      tpu.vector_store %arg7[%swap3A_251, %swap3A_252], %broadcast_in_dim3A_20 {strides = array<i32>} : memref<112x512xf32, #tpu.memory_space<vmem>>, vector<16xf32>,
      %swap3A_254 = arith.index_cast %scan3A_181 : i32 to index
      %swap3A_255 = arith.constant 384 : index
      %swap3A_256 = tpu.vector_load %arg7[%swap3A_254, %swap3A_255] {strides = array<i32>} : memref<112x512xf32, #tpu.memory_space<vmem>>, vector<16xf32>,
      tpu.vector_store %arg7[%swap3A_254, %swap3A_255], %broadcast_in_dim3A_20 {strides = array<i32>} : memref<112x512xf32, #tpu.memory_space<vmem>>, vector<16xf32>,
      %swap3A_257 = arith.index_cast %scan3A_181 : i32 to index
      %swap3A_258 = arith.constant 400 : index
      %swap3A_259 = tpu.vector_load %arg7[%swap3A_257, %swap3A_258] {strides = array<i32>} : memref<112x512xf32, #tpu.memory_space<vmem>>, vector<16xf32>,
      tpu.vector_store %arg7[%swap3A_257, %swap3A_258], %broadcast_in_dim3A_20 {strides = array<i32>} : memref<112x512xf32, #tpu.memory_space<vmem>>, vector<16xf32>,
      %swap3A_260 = arith.index_cast %scan3A_181 : i32 to index
      %swap3A_261 = arith.constant 416 : index
      %swap3A_262 = tpu.vector_load %arg7[%swap3A_260, %swap3A_261] {strides = array<i32>} : memref<112x512xf32, #tpu.memory_space<vmem>>, vector<16xf32>,
      tpu.vector_store %arg7[%swap3A_260, %swap3A_261], %broadcast_in_dim3A_20 {strides = array<i32>} : memref<112x512xf32, #tpu.memory_space<vmem>>, vector<16xf32>,
      %swap3A_263 = arith.index_cast %scan3A_181 : i32 to index
      %swap3A_264 = arith.constant 432 : index
      %swap3A_265 = tpu.vector_load %arg7[%swap3A_263, %swap3A_264] {strides = array<i32>} : memref<112x512xf32, #tpu.memory_space<vmem>>, vector<16xf32>,
      tpu.vector_store %arg7[%swap3A_263, %swap3A_264], %broadcast_in_dim3A_20 {strides = array<i32>} : memref<112x512xf32, #tpu.memory_space<vmem>>, vector<16xf32>,
      %swap3A_266 = arith.index_cast %scan3A_181 : i32 to index
      %swap3A_267 = arith.constant 448 : index
      %swap3A_268 = tpu.vector_load %arg7[%swap3A_266, %swap3A_267] {strides = array<i32>} : memref<112x512xf32, #tpu.memory_space<vmem>>, vector<16xf32>,
      tpu.vector_store %arg7[%swap3A_266, %swap3A_267], %broadcast_in_dim3A_20 {strides = array<i32>} : memref<112x512xf32, #tpu.memory_space<vmem>>, vector<16xf32>,
      %swap3A_269 = arith.index_cast %scan3A_181 : i32 to index
      %swap3A_270 = arith.constant 464 : index
      %swap3A_271 = tpu.vector_load %arg7[%swap3A_269, %swap3A_270] {strides = array<i32>} : memref<112x512xf32, #tpu.memory_space<vmem>>, vector<16xf32>,
      tpu.vector_store %arg7[%swap3A_269, %swap3A_270], %broadcast_in_dim3A_20 {strides = array<i32>} : memref<112x512xf32, #tpu.memory_space<vmem>>, vector<16xf32>,
      %swap3A_272 = arith.index_cast %scan3A_181 : i32 to index
      %swap3A_273 = arith.constant 480 : index
      %swap3A_274 = tpu.vector_load %arg7[%swap3A_272, %swap3A_273] {strides = array<i32>} : memref<112x512xf32, #tpu.memory_space<vmem>>, vector<16xf32>,
      tpu.vector_store %arg7[%swap3A_272, %swap3A_273], %broadcast_in_dim3A_20 {strides = array<i32>} : memref<112x512xf32, #tpu.memory_space<vmem>>, vector<16xf32>,
      %swap3A_275 = arith.index_cast %scan3A_181 : i32 to index
      %swap3A_276 = arith.constant 496 : index
      %swap3A_277 = tpu.vector_load %arg7[%swap3A_275, %swap3A_276] {strides = array<i32>} : memref<112x512xf32, #tpu.memory_space<vmem>>, vector<16xf32>,
      tpu.vector_store %arg7[%swap3A_275, %swap3A_276], %broadcast_in_dim3A_20 {strides = array<i32>} : memref<112x512xf32, #tpu.memory_space<vmem>>, vector<16xf32>,
      %scan3A_278 = arith.constant 0 : i32
      scf.yield %scan3A_278 : i32
    }
    %scan3A_26 = arith.constant 112 : i32
    %broadcast_in_dim3A_27 = arith.constant 0.000000e+00 : f32
    %broadcast_in_dim3A_28 = vector.broadcast %broadcast_in_dim3A_27 : f32 to vector<16xf32>
    %scan3A_29 = arith.constant 0 : i32
    %scan3A_30 = arith.constant 0 : i32
    %scan3A_31 = arith.constant 112 : i32
    %scan3A_32 = arith.addi %scan3A_30, %scan3A_31 : i32
    %scan3A_33 = arith.constant 1 : i32
    %scan3A_34 = scf.for %scan3A_181 = %scan3A_30 to %scan3A_32 step %scan3A_33 iter_args(%scan3A_182 = %scan3A_29) -> (i32)  : i32 {
      %swap3A = arith.index_cast %scan3A_181 : i32 to index
      %swap3A_183 = arith.constant 0 : index
      %swap3A_184 = tpu.vector_load %arg8[%swap3A, %swap3A_183] {strides = array<i32>} : memref<112x512xf32, #tpu.memory_space<vmem>>, vector<16xf32>,
      tpu.vector_store %arg8[%swap3A, %swap3A_183], %broadcast_in_dim3A_28 {strides = array<i32>} : memref<112x512xf32, #tpu.memory_space<vmem>>, vector<16xf32>,
      %swap3A_185 = arith.index_cast %scan3A_181 : i32 to index
      %swap3A_186 = arith.constant 16 : index
      %swap3A_187 = tpu.vector_load %arg8[%swap3A_185, %swap3A_186] {strides = array<i32>} : memref<112x512xf32, #tpu.memory_space<vmem>>, vector<16xf32>,
      tpu.vector_store %arg8[%swap3A_185, %swap3A_186], %broadcast_in_dim3A_28 {strides = array<i32>} : memref<112x512xf32, #tpu.memory_space<vmem>>, vector<16xf32>,
      %swap3A_188 = arith.index_cast %scan3A_181 : i32 to index
      %swap3A_189 = arith.constant 32 : index
      %swap3A_190 = tpu.vector_load %arg8[%swap3A_188, %swap3A_189] {strides = array<i32>} : memref<112x512xf32, #tpu.memory_space<vmem>>, vector<16xf32>,
      tpu.vector_store %arg8[%swap3A_188, %swap3A_189], %broadcast_in_dim3A_28 {strides = array<i32>} : memref<112x512xf32, #tpu.memory_space<vmem>>, vector<16xf32>,
      %swap3A_191 = arith.index_cast %scan3A_181 : i32 to index
      %swap3A_192 = arith.constant 48 : index
      %swap3A_193 = tpu.vector_load %arg8[%swap3A_191, %swap3A_192] {strides = array<i32>} : memref<112x512xf32, #tpu.memory_space<vmem>>, vector<16xf32>,
      tpu.vector_store %arg8[%swap3A_191, %swap3A_192], %broadcast_in_dim3A_28 {strides = array<i32>} : memref<112x512xf32, #tpu.memory_space<vmem>>, vector<16xf32>,
      %swap3A_194 = arith.index_cast %scan3A_181 : i32 to index
      %swap3A_195 = arith.constant 64 : index
      %swap3A_196 = tpu.vector_load %arg8[%swap3A_194, %swap3A_195] {strides = array<i32>} : memref<112x512xf32, #tpu.memory_space<vmem>>, vector<16xf32>,
      tpu.vector_store %arg8[%swap3A_194, %swap3A_195], %broadcast_in_dim3A_28 {strides = array<i32>} : memref<112x512xf32, #tpu.memory_space<vmem>>, vector<16xf32>,
      %swap3A_197 = arith.index_cast %scan3A_181 : i32 to index
      %swap3A_198 = arith.constant 80 : index
      %swap3A_199 = tpu.vector_load %arg8[%swap3A_197, %swap3A_198] {strides = array<i32>} : memref<112x512xf32, #tpu.memory_space<vmem>>, vector<16xf32>,
      tpu.vector_store %arg8[%swap3A_197, %swap3A_198], %broadcast_in_dim3A_28 {strides = array<i32>} : memref<112x512xf32, #tpu.memory_space<vmem>>, vector<16xf32>,
      %swap3A_200 = arith.index_cast %scan3A_181 : i32 to index
      %swap3A_201 = arith.constant 96 : index
      %swap3A_202 = tpu.vector_load %arg8[%swap3A_200, %swap3A_201] {strides = array<i32>} : memref<112x512xf32, #tpu.memory_space<vmem>>, vector<16xf32>,
      tpu.vector_store %arg8[%swap3A_200, %swap3A_201], %broadcast_in_dim3A_28 {strides = array<i32>} : memref<112x512xf32, #tpu.memory_space<vmem>>, vector<16xf32>,
      %swap3A_203 = arith.index_cast %scan3A_181 : i32 to index
      %swap3A_204 = arith.constant 112 : index
      %swap3A_205 = tpu.vector_load %arg8[%swap3A_203, %swap3A_204] {strides = array<i32>} : memref<112x512xf32, #tpu.memory_space<vmem>>, vector<16xf32>,
      tpu.vector_store %arg8[%swap3A_203, %swap3A_204], %broadcast_in_dim3A_28 {strides = array<i32>} : memref<112x512xf32, #tpu.memory_space<vmem>>, vector<16xf32>,
      %swap3A_206 = arith.index_cast %scan3A_181 : i32 to index
      %swap3A_207 = arith.constant 128 : index
      %swap3A_208 = tpu.vector_load %arg8[%swap3A_206, %swap3A_207] {strides = array<i32>} : memref<112x512xf32, #tpu.memory_space<vmem>>, vector<16xf32>,
      tpu.vector_store %arg8[%swap3A_206, %swap3A_207], %broadcast_in_dim3A_28 {strides = array<i32>} : memref<112x512xf32, #tpu.memory_space<vmem>>, vector<16xf32>,
      %swap3A_209 = arith.index_cast %scan3A_181 : i32 to index
      %swap3A_210 = arith.constant 144 : index
      %swap3A_211 = tpu.vector_load %arg8[%swap3A_209, %swap3A_210] {strides = array<i32>} : memref<112x512xf32, #tpu.memory_space<vmem>>, vector<16xf32>,
      tpu.vector_store %arg8[%swap3A_209, %swap3A_210], %broadcast_in_dim3A_28 {strides = array<i32>} : memref<112x512xf32, #tpu.memory_space<vmem>>, vector<16xf32>,
      %swap3A_212 = arith.index_cast %scan3A_181 : i32 to index
      %swap3A_213 = arith.constant 160 : index
      %swap3A_214 = tpu.vector_load %arg8[%swap3A_212, %swap3A_213] {strides = array<i32>} : memref<112x512xf32, #tpu.memory_space<vmem>>, vector<16xf32>,
      tpu.vector_store %arg8[%swap3A_212, %swap3A_213], %broadcast_in_dim3A_28 {strides = array<i32>} : memref<112x512xf32, #tpu.memory_space<vmem>>, vector<16xf32>,
      %swap3A_215 = arith.index_cast %scan3A_181 : i32 to index
      %swap3A_216 = arith.constant 176 : index
      %swap3A_217 = tpu.vector_load %arg8[%swap3A_215, %swap3A_216] {strides = array<i32>} : memref<112x512xf32, #tpu.memory_space<vmem>>, vector<16xf32>,
      tpu.vector_store %arg8[%swap3A_215, %swap3A_216], %broadcast_in_dim3A_28 {strides = array<i32>} : memref<112x512xf32, #tpu.memory_space<vmem>>, vector<16xf32>,
      %swap3A_218 = arith.index_cast %scan3A_181 : i32 to index
      %swap3A_219 = arith.constant 192 : index
      %swap3A_220 = tpu.vector_load %arg8[%swap3A_218, %swap3A_219] {strides = array<i32>} : memref<112x512xf32, #tpu.memory_space<vmem>>, vector<16xf32>,
      tpu.vector_store %arg8[%swap3A_218, %swap3A_219], %broadcast_in_dim3A_28 {strides = array<i32>} : memref<112x512xf32, #tpu.memory_space<vmem>>, vector<16xf32>,
      %swap3A_221 = arith.index_cast %scan3A_181 : i32 to index
      %swap3A_222 = arith.constant 208 : index
      %swap3A_223 = tpu.vector_load %arg8[%swap3A_221, %swap3A_222] {strides = array<i32>} : memref<112x512xf32, #tpu.memory_space<vmem>>, vector<16xf32>,
      tpu.vector_store %arg8[%swap3A_221, %swap3A_222], %broadcast_in_dim3A_28 {strides = array<i32>} : memref<112x512xf32, #tpu.memory_space<vmem>>, vector<16xf32>,
      %swap3A_224 = arith.index_cast %scan3A_181 : i32 to index
      %swap3A_225 = arith.constant 224 : index
      %swap3A_226 = tpu.vector_load %arg8[%swap3A_224, %swap3A_225] {strides = array<i32>} : memref<112x512xf32, #tpu.memory_space<vmem>>, vector<16xf32>,
      tpu.vector_store %arg8[%swap3A_224, %swap3A_225], %broadcast_in_dim3A_28 {strides = array<i32>} : memref<112x512xf32, #tpu.memory_space<vmem>>, vector<16xf32>,
      %swap3A_227 = arith.index_cast %scan3A_181 : i32 to index
      %swap3A_228 = arith.constant 240 : index
      %swap3A_229 = tpu.vector_load %arg8[%swap3A_227, %swap3A_228] {strides = array<i32>} : memref<112x512xf32, #tpu.memory_space<vmem>>, vector<16xf32>,
      tpu.vector_store %arg8[%swap3A_227, %swap3A_228], %broadcast_in_dim3A_28 {strides = array<i32>} : memref<112x512xf32, #tpu.memory_space<vmem>>, vector<16xf32>,
      %swap3A_230 = arith.index_cast %scan3A_181 : i32 to index
      %swap3A_231 = arith.constant 256 : index
      %swap3A_232 = tpu.vector_load %arg8[%swap3A_230, %swap3A_231] {strides = array<i32>} : memref<112x512xf32, #tpu.memory_space<vmem>>, vector<16xf32>,
      tpu.vector_store %arg8[%swap3A_230, %swap3A_231], %broadcast_in_dim3A_28 {strides = array<i32>} : memref<112x512xf32, #tpu.memory_space<vmem>>, vector<16xf32>,
      %swap3A_233 = arith.index_cast %scan3A_181 : i32 to index
      %swap3A_234 = arith.constant 272 : index
      %swap3A_235 = tpu.vector_load %arg8[%swap3A_233, %swap3A_234] {strides = array<i32>} : memref<112x512xf32, #tpu.memory_space<vmem>>, vector<16xf32>,
      tpu.vector_store %arg8[%swap3A_233, %swap3A_234], %broadcast_in_dim3A_28 {strides = array<i32>} : memref<112x512xf32, #tpu.memory_space<vmem>>, vector<16xf32>,
      %swap3A_236 = arith.index_cast %scan3A_181 : i32 to index
      %swap3A_237 = arith.constant 288 : index
      %swap3A_238 = tpu.vector_load %arg8[%swap3A_236, %swap3A_237] {strides = array<i32>} : memref<112x512xf32, #tpu.memory_space<vmem>>, vector<16xf32>,
      tpu.vector_store %arg8[%swap3A_236, %swap3A_237], %broadcast_in_dim3A_28 {strides = array<i32>} : memref<112x512xf32, #tpu.memory_space<vmem>>, vector<16xf32>,
      %swap3A_239 = arith.index_cast %scan3A_181 : i32 to index
      %swap3A_240 = arith.constant 304 : index
      %swap3A_241 = tpu.vector_load %arg8[%swap3A_239, %swap3A_240] {strides = array<i32>} : memref<112x512xf32, #tpu.memory_space<vmem>>, vector<16xf32>,
      tpu.vector_store %arg8[%swap3A_239, %swap3A_240], %broadcast_in_dim3A_28 {strides = array<i32>} : memref<112x512xf32, #tpu.memory_space<vmem>>, vector<16xf32>,
      %swap3A_242 = arith.index_cast %scan3A_181 : i32 to index
      %swap3A_243 = arith.constant 320 : index
      %swap3A_244 = tpu.vector_load %arg8[%swap3A_242, %swap3A_243] {strides = array<i32>} : memref<112x512xf32, #tpu.memory_space<vmem>>, vector<16xf32>,
      tpu.vector_store %arg8[%swap3A_242, %swap3A_243], %broadcast_in_dim3A_28 {strides = array<i32>} : memref<112x512xf32, #tpu.memory_space<vmem>>, vector<16xf32>,
      %swap3A_245 = arith.index_cast %scan3A_181 : i32 to index
      %swap3A_246 = arith.constant 336 : index
      %swap3A_247 = tpu.vector_load %arg8[%swap3A_245, %swap3A_246] {strides = array<i32>} : memref<112x512xf32, #tpu.memory_space<vmem>>, vector<16xf32>,
      tpu.vector_store %arg8[%swap3A_245, %swap3A_246], %broadcast_in_dim3A_28 {strides = array<i32>} : memref<112x512xf32, #tpu.memory_space<vmem>>, vector<16xf32>,
      %swap3A_248 = arith.index_cast %scan3A_181 : i32 to index
      %swap3A_249 = arith.constant 352 : index
      %swap3A_250 = tpu.vector_load %arg8[%swap3A_248, %swap3A_249] {strides = array<i32>} : memref<112x512xf32, #tpu.memory_space<vmem>>, vector<16xf32>,
      tpu.vector_store %arg8[%swap3A_248, %swap3A_249], %broadcast_in_dim3A_28 {strides = array<i32>} : memref<112x512xf32, #tpu.memory_space<vmem>>, vector<16xf32>,
      %swap3A_251 = arith.index_cast %scan3A_181 : i32 to index
      %swap3A_252 = arith.constant 368 : index
      %swap3A_253 = tpu.vector_load %arg8[%swap3A_251, %swap3A_252] {strides = array<i32>} : memref<112x512xf32, #tpu.memory_space<vmem>>, vector<16xf32>,
      tpu.vector_store %arg8[%swap3A_251, %swap3A_252], %broadcast_in_dim3A_28 {strides = array<i32>} : memref<112x512xf32, #tpu.memory_space<vmem>>, vector<16xf32>,
      %swap3A_254 = arith.index_cast %scan3A_181 : i32 to index
      %swap3A_255 = arith.constant 384 : index
      %swap3A_256 = tpu.vector_load %arg8[%swap3A_254, %swap3A_255] {strides = array<i32>} : memref<112x512xf32, #tpu.memory_space<vmem>>, vector<16xf32>,
      tpu.vector_store %arg8[%swap3A_254, %swap3A_255], %broadcast_in_dim3A_28 {strides = array<i32>} : memref<112x512xf32, #tpu.memory_space<vmem>>, vector<16xf32>,
      %swap3A_257 = arith.index_cast %scan3A_181 : i32 to index
      %swap3A_258 = arith.constant 400 : index
      %swap3A_259 = tpu.vector_load %arg8[%swap3A_257, %swap3A_258] {strides = array<i32>} : memref<112x512xf32, #tpu.memory_space<vmem>>, vector<16xf32>,
      tpu.vector_store %arg8[%swap3A_257, %swap3A_258], %broadcast_in_dim3A_28 {strides = array<i32>} : memref<112x512xf32, #tpu.memory_space<vmem>>, vector<16xf32>,
      %swap3A_260 = arith.index_cast %scan3A_181 : i32 to index
      %swap3A_261 = arith.constant 416 : index
      %swap3A_262 = tpu.vector_load %arg8[%swap3A_260, %swap3A_261] {strides = array<i32>} : memref<112x512xf32, #tpu.memory_space<vmem>>, vector<16xf32>,
      tpu.vector_store %arg8[%swap3A_260, %swap3A_261], %broadcast_in_dim3A_28 {strides = array<i32>} : memref<112x512xf32, #tpu.memory_space<vmem>>, vector<16xf32>,
      %swap3A_263 = arith.index_cast %scan3A_181 : i32 to index
      %swap3A_264 = arith.constant 432 : index
      %swap3A_265 = tpu.vector_load %arg8[%swap3A_263, %swap3A_264] {strides = array<i32>} : memref<112x512xf32, #tpu.memory_space<vmem>>, vector<16xf32>,
      tpu.vector_store %arg8[%swap3A_263, %swap3A_264], %broadcast_in_dim3A_28 {strides = array<i32>} : memref<112x512xf32, #tpu.memory_space<vmem>>, vector<16xf32>,
      %swap3A_266 = arith.index_cast %scan3A_181 : i32 to index
      %swap3A_267 = arith.constant 448 : index
      %swap3A_268 = tpu.vector_load %arg8[%swap3A_266, %swap3A_267] {strides = array<i32>} : memref<112x512xf32, #tpu.memory_space<vmem>>, vector<16xf32>,
      tpu.vector_store %arg8[%swap3A_266, %swap3A_267], %broadcast_in_dim3A_28 {strides = array<i32>} : memref<112x512xf32, #tpu.memory_space<vmem>>, vector<16xf32>,
      %swap3A_269 = arith.index_cast %scan3A_181 : i32 to index
      %swap3A_270 = arith.constant 464 : index
      %swap3A_271 = tpu.vector_load %arg8[%swap3A_269, %swap3A_270] {strides = array<i32>} : memref<112x512xf32, #tpu.memory_space<vmem>>, vector<16xf32>,
      tpu.vector_store %arg8[%swap3A_269, %swap3A_270], %broadcast_in_dim3A_28 {strides = array<i32>} : memref<112x512xf32, #tpu.memory_space<vmem>>, vector<16xf32>,
      %swap3A_272 = arith.index_cast %scan3A_181 : i32 to index
      %swap3A_273 = arith.constant 480 : index
      %swap3A_274 = tpu.vector_load %arg8[%swap3A_272, %swap3A_273] {strides = array<i32>} : memref<112x512xf32, #tpu.memory_space<vmem>>, vector<16xf32>,
      tpu.vector_store %arg8[%swap3A_272, %swap3A_273], %broadcast_in_dim3A_28 {strides = array<i32>} : memref<112x512xf32, #tpu.memory_space<vmem>>, vector<16xf32>,
      %swap3A_275 = arith.index_cast %scan3A_181 : i32 to index
      %swap3A_276 = arith.constant 496 : index
      %swap3A_277 = tpu.vector_load %arg8[%swap3A_275, %swap3A_276] {strides = array<i32>} : memref<112x512xf32, #tpu.memory_space<vmem>>, vector<16xf32>,
      tpu.vector_store %arg8[%swap3A_275, %swap3A_276], %broadcast_in_dim3A_28 {strides = array<i32>} : memref<112x512xf32, #tpu.memory_space<vmem>>, vector<16xf32>,
      %scan3A_278 = arith.constant 0 : i32
      scf.yield %scan3A_278 : i32
    }
    %scan3A_35 = arith.constant 112 : i32
    %dma_wait3A = arith.constant 0 : i32
    %dma_wait3A_36 = tpu.memref_slice %arg5[%dma_wait3A] : memref<448xf32, #tpu.memory_space<vmem>> -> memref<424xf32, #tpu.memory_space<vmem>>
    %dma_wait3A_37 = tpu.memref_slice %arg2[%mul3A_2] : memref<13568xf32, #tpu.memory_space<hbm>> -> memref<424xf32, #tpu.memory_space<hbm>>
    %dma_wait3A_38 = arith.constant 0 : i32
    %dma_wait3A_39 = tpu.memref_slice %arg5[%dma_wait3A_38] : memref<448xf32, #tpu.memory_space<vmem>> -> memref<424xf32, #tpu.memory_space<vmem>>
    %dma_wait3A_40 = tpu.memref_slice %arg2[%mul3A_2] : memref<13568xf32, #tpu.memory_space<hbm>> -> memref<424xf32, #tpu.memory_space<hbm>>
    tpu.wait_dma2 semaphore(%arg9 : memref<!tpu.dma_semaphore, #tpu.memory_space<semaphore_mem>>) src(%dma_wait3A_40 : memref<424xf32, #tpu.memory_space<hbm>>) dst(%dma_wait3A_39 : memref<424xf32, #tpu.memory_space<vmem>>)
    %dma_wait3A_41 = arith.constant 0 : i32
    %dma_wait3A_42 = tpu.memref_slice %arg6[%dma_wait3A_41] : memref<448xf32, #tpu.memory_space<vmem>> -> memref<424xf32, #tpu.memory_space<vmem>>
    %dma_wait3A_43 = tpu.memref_slice %arg3[%mul3A_2] : memref<13568xf32, #tpu.memory_space<hbm>> -> memref<424xf32, #tpu.memory_space<hbm>>
    %dma_wait3A_44 = arith.constant 0 : i32
    %dma_wait3A_45 = tpu.memref_slice %arg6[%dma_wait3A_44] : memref<448xf32, #tpu.memory_space<vmem>> -> memref<424xf32, #tpu.memory_space<vmem>>
    %dma_wait3A_46 = tpu.memref_slice %arg3[%mul3A_2] : memref<13568xf32, #tpu.memory_space<hbm>> -> memref<424xf32, #tpu.memory_space<hbm>>
    tpu.wait_dma2 semaphore(%arg10 : memref<!tpu.dma_semaphore, #tpu.memory_space<semaphore_mem>>) src(%dma_wait3A_46 : memref<424xf32, #tpu.memory_space<hbm>>) dst(%dma_wait3A_45 : memref<424xf32, #tpu.memory_space<vmem>>)
    %scan3A_47 = arith.constant 0 : i32
    %scan3A_48 = arith.constant 0 : i32
    %scan3A_49 = arith.constant 7 : i32
    %scan3A_50 = arith.addi %scan3A_48, %scan3A_49 : i32
    %scan3A_51 = arith.constant 1 : i32
    %scan3A_52 = scf.for %scan3A_181 = %scan3A_48 to %scan3A_50 step %scan3A_51 iter_args(%scan3A_182 = %scan3A_47) -> (i32)  : i32 {
      %mul3A_183 = arith.constant 16 : i32
      %mul3A_184 = arith.muli %scan3A_181, %mul3A_183 : i32
      %add3A_185 = arith.constant 0 : i32
      %add3A_186 = arith.addi %add3A_185, %mul3A_184 : i32
      %get3A = arith.index_cast %add3A_186 : i32 to index
      %get3A_187 = tpu.vector_load %arg5[%get3A] {strides = array<i32>} : memref<448xf32, #tpu.memory_space<vmem>>, vector<16xf32>,
      %convert_element_type3A_188 = arith.fptosi %get3A_187 : vector<16xf32> to vector<16xi32>
      %add3A_189 = arith.constant 0 : i32
      %add3A_190 = arith.addi %add3A_189, %mul3A_184 : i32
      %get3A_191 = arith.index_cast %add3A_190 : i32 to index
      %get3A_192 = tpu.vector_load %arg6[%get3A_191] {strides = array<i32>} : memref<448xf32, #tpu.memory_space<vmem>>, vector<16xf32>,
      %convert_element_type3A_193 = arith.fptosi %get3A_192 : vector<16xf32> to vector<16xi32>
      %sub3A_194 = arith.constant 6 : i32
      %sub3A_195 = vector.broadcast %sub3A_194 : i32 to vector<16xi32>
      %sub3A_196 = arith.subi %convert_element_type3A_188, %sub3A_195 : vector<16xi32>
      %sub3A_197 = arith.constant 6 : i32
      %sub3A_198 = vector.broadcast %sub3A_197 : i32 to vector<16xi32>
      %sub3A_199 = arith.subi %convert_element_type3A_193, %sub3A_198 : vector<16xi32>
      %add3A_200 = arith.constant 7 : i32
      %add3A_201 = vector.broadcast %add3A_200 : i32 to vector<16xi32>
      %add3A_202 = arith.addi %convert_element_type3A_188, %add3A_201 : vector<16xi32>
      %add3A_203 = arith.constant 7 : i32
      %add3A_204 = vector.broadcast %add3A_203 : i32 to vector<16xi32>
      %add3A_205 = arith.addi %convert_element_type3A_193, %add3A_204 : vector<16xi32>
      %lt3A = arith.constant 0 : i32
      %lt3A_206 = vector.broadcast %lt3A : i32 to vector<16xi32>
      %lt3A_207 = arith.cmpi slt, %sub3A_196, %lt3A_206 : vector<16xi32>
      %gt3A = arith.constant 512 : i32
      %gt3A_208 = vector.broadcast %gt3A : i32 to vector<16xi32>
      %gt3A_209 = arith.cmpi sgt, %sub3A_196, %gt3A_208 : vector<16xi32>
      %or3A = arith.ori %lt3A_207, %gt3A_209 : vector<16xi1>
      %lt3A_210 = arith.constant 0 : i32
      %lt3A_211 = vector.broadcast %lt3A_210 : i32 to vector<16xi32>
      %lt3A_212 = arith.cmpi slt, %sub3A_199, %lt3A_211 : vector<16xi32>
      %or3A_213 = arith.ori %or3A, %lt3A_212 : vector<16xi1>
      %gt3A_214 = arith.constant 512 : i32
      %gt3A_215 = vector.broadcast %gt3A_214 : i32 to vector<16xi32>
      %gt3A_216 = arith.cmpi sgt, %sub3A_199, %gt3A_215 : vector<16xi32>
      %or3A_217 = arith.ori %or3A_213, %gt3A_216 : vector<16xi1>
      %not3A = arith.constant dense<true> : vector<16xi1>
      %not3A_218 = arith.xori %or3A_217, %not3A : vector<16xi1>
      %lt3A_219 = arith.constant 0 : i32
      %lt3A_220 = vector.broadcast %lt3A_219 : i32 to vector<16xi32>
      %lt3A_221 = arith.cmpi slt, %add3A_202, %lt3A_220 : vector<16xi32>
      %gt3A_222 = arith.constant 512 : i32
      %gt3A_223 = vector.broadcast %gt3A_222 : i32 to vector<16xi32>
      %gt3A_224 = arith.cmpi sgt, %add3A_202, %gt3A_223 : vector<16xi32>
      %or3A_225 = arith.ori %lt3A_221, %gt3A_224 : vector<16xi1>
      %lt3A_226 = arith.constant 0 : i32
      %lt3A_227 = vector.broadcast %lt3A_226 : i32 to vector<16xi32>
      %lt3A_228 = arith.cmpi slt, %add3A_205, %lt3A_227 : vector<16xi32>
      %or3A_229 = arith.ori %or3A_225, %lt3A_228 : vector<16xi1>
      %gt3A_230 = arith.constant 512 : i32
      %gt3A_231 = vector.broadcast %gt3A_230 : i32 to vector<16xi32>
      %gt3A_232 = arith.cmpi sgt, %add3A_205, %gt3A_231 : vector<16xi32>
      %or3A_233 = arith.ori %or3A_229, %gt3A_232 : vector<16xi1>
      %not3A_234 = arith.constant dense<true> : vector<16xi1>
      %not3A_235 = arith.xori %or3A_233, %not3A_234 : vector<16xi1>
      %or3A_236 = arith.ori %not3A_218, %not3A_235 : vector<16xi1>
      %convert_element_type3A_237 = arith.extui %or3A_236 : vector<16xi1> to vector<16xi32>
      %slice3A = vector.extract_strided_slice %convert_element_type3A_237 {offsets = [0], sizes = [1], strides = [1]} : vector<16xi32> to vector<1xi32>
      %squeeze3A = vector.extract %slice3A[0] : i32 from vector<1xi32>
      %ne3A = arith.constant 0 : i32
      %ne3A_238 = arith.cmpi ne, %squeeze3A, %ne3A : i32
      %add3A_239 = arith.constant 0 : i32
      %add3A_240 = arith.addi %mul3A_184, %add3A_239 : i32
      %lt3A_241 = arith.constant 112 : i32
      %lt3A_242 = arith.cmpi slt, %add3A_240, %lt3A_241 : i32
      %and3A = arith.andi %ne3A_238, %lt3A_242 : i1
      %slice3A_243 = vector.extract_strided_slice %sub3A_196 {offsets = [0], sizes = [1], strides = [1]} : vector<16xi32> to vector<1xi32>
      %squeeze3A_244 = vector.extract %slice3A_243[0] : i32 from vector<1xi32>
      %add3A_245 = vector.broadcast %squeeze3A_244 : i32 to vector<16xi32>
      %add3A_246 = arith.addi %iota3A, %add3A_245 : vector<16xi32>
      %ge3A = arith.constant 0 : i32
      %ge3A_247 = vector.broadcast %ge3A : i32 to vector<16xi32>
      %ge3A_248 = arith.cmpi sge, %add3A_246, %ge3A_247 : vector<16xi32>
      %lt3A_249 = arith.constant 512 : i32
      %lt3A_250 = vector.broadcast %lt3A_249 : i32 to vector<16xi32>
      %lt3A_251 = arith.cmpi slt, %add3A_246, %lt3A_250 : vector<16xi32>
      %and3A_252 = arith.andi %ge3A_248, %lt3A_251 : vector<16xi1>
      %lt3A_253 = arith.constant 13 : i32
      %lt3A_254 = vector.broadcast %lt3A_253 : i32 to vector<16xi32>
      %lt3A_255 = arith.cmpi slt, %iota3A, %lt3A_254 : vector<16xi32>
      %and3A_256 = arith.andi %and3A_252, %lt3A_255 : vector<16xi1>
      %and3A_257 = vector.broadcast %and3A : i1 to vector<16xi1>
      %and3A_258 = arith.andi %and3A_256, %and3A_257 : vector<16xi1>
      %add3A_259 = arith.constant 0 : i32
      %add3A_260 = arith.addi %mul3A_184, %add3A_259 : i32
      %broadcast_in_dim3A_261 = vector.broadcast %add3A_260 : i32 to vector<16xi32>
      tpu.vector_store_idx %arg7[%broadcast_in_dim3A_261, %add3A_246], %exp3A masked %and3A_258 : memref<112x512xf32, #tpu.memory_space<vmem>>[vector<16xi32>, vector<16xi32>], vector<16xf32>, vector<16xi1>
      %slice3A_262 = vector.extract_strided_slice %convert_element_type3A_237 {offsets = [1], sizes = [1], strides = [1]} : vector<16xi32> to vector<1xi32>
      %squeeze3A_263 = vector.extract %slice3A_262[0] : i32 from vector<1xi32>
      %ne3A_264 = arith.constant 0 : i32
      %ne3A_265 = arith.cmpi ne, %squeeze3A_263, %ne3A_264 : i32
      %add3A_266 = arith.constant 1 : i32
      %add3A_267 = arith.addi %mul3A_184, %add3A_266 : i32
      %lt3A_268 = arith.constant 112 : i32
      %lt3A_269 = arith.cmpi slt, %add3A_267, %lt3A_268 : i32
      %and3A_270 = arith.andi %ne3A_265, %lt3A_269 : i1
      %slice3A_271 = vector.extract_strided_slice %sub3A_196 {offsets = [1], sizes = [1], strides = [1]} : vector<16xi32> to vector<1xi32>
      %squeeze3A_272 = vector.extract %slice3A_271[0] : i32 from vector<1xi32>
      %add3A_273 = vector.broadcast %squeeze3A_272 : i32 to vector<16xi32>
      %add3A_274 = arith.addi %iota3A, %add3A_273 : vector<16xi32>
      %ge3A_275 = arith.constant 0 : i32
      %ge3A_276 = vector.broadcast %ge3A_275 : i32 to vector<16xi32>
      %ge3A_277 = arith.cmpi sge, %add3A_274, %ge3A_276 : vector<16xi32>
      %lt3A_278 = arith.constant 512 : i32
      %lt3A_279 = vector.broadcast %lt3A_278 : i32 to vector<16xi32>
      %lt3A_280 = arith.cmpi slt, %add3A_274, %lt3A_279 : vector<16xi32>
      %and3A_281 = arith.andi %ge3A_277, %lt3A_280 : vector<16xi1>
      %lt3A_282 = arith.constant 13 : i32
      %lt3A_283 = vector.broadcast %lt3A_282 : i32 to vector<16xi32>
      %lt3A_284 = arith.cmpi slt, %iota3A, %lt3A_283 : vector<16xi32>
      %and3A_285 = arith.andi %and3A_281, %lt3A_284 : vector<16xi1>
      %and3A_286 = vector.broadcast %and3A_270 : i1 to vector<16xi1>
      %and3A_287 = arith.andi %and3A_285, %and3A_286 : vector<16xi1>
      %add3A_288 = arith.constant 1 : i32
      %add3A_289 = arith.addi %mul3A_184, %add3A_288 : i32
      %broadcast_in_dim3A_290 = vector.broadcast %add3A_289 : i32 to vector<16xi32>
      tpu.vector_store_idx %arg7[%broadcast_in_dim3A_290, %add3A_274], %exp3A masked %and3A_287 : memref<112x512xf32, #tpu.memory_space<vmem>>[vector<16xi32>, vector<16xi32>], vector<16xf32>, vector<16xi1>
      %slice3A_291 = vector.extract_strided_slice %convert_element_type3A_237 {offsets = [2], sizes = [1], strides = [1]} : vector<16xi32> to vector<1xi32>
      %squeeze3A_292 = vector.extract %slice3A_291[0] : i32 from vector<1xi32>
      %ne3A_293 = arith.constant 0 : i32
      %ne3A_294 = arith.cmpi ne, %squeeze3A_292, %ne3A_293 : i32
      %add3A_295 = arith.constant 2 : i32
      %add3A_296 = arith.addi %mul3A_184, %add3A_295 : i32
      %lt3A_297 = arith.constant 112 : i32
      %lt3A_298 = arith.cmpi slt, %add3A_296, %lt3A_297 : i32
      %and3A_299 = arith.andi %ne3A_294, %lt3A_298 : i1
      %slice3A_300 = vector.extract_strided_slice %sub3A_196 {offsets = [2], sizes = [1], strides = [1]} : vector<16xi32> to vector<1xi32>
      %squeeze3A_301 = vector.extract %slice3A_300[0] : i32 from vector<1xi32>
      %add3A_302 = vector.broadcast %squeeze3A_301 : i32 to vector<16xi32>
      %add3A_303 = arith.addi %iota3A, %add3A_302 : vector<16xi32>
      %ge3A_304 = arith.constant 0 : i32
      %ge3A_305 = vector.broadcast %ge3A_304 : i32 to vector<16xi32>
      %ge3A_306 = arith.cmpi sge, %add3A_303, %ge3A_305 : vector<16xi32>
      %lt3A_307 = arith.constant 512 : i32
      %lt3A_308 = vector.broadcast %lt3A_307 : i32 to vector<16xi32>
      %lt3A_309 = arith.cmpi slt, %add3A_303, %lt3A_308 : vector<16xi32>
      %and3A_310 = arith.andi %ge3A_306, %lt3A_309 : vector<16xi1>
      %lt3A_311 = arith.constant 13 : i32
      %lt3A_312 = vector.broadcast %lt3A_311 : i32 to vector<16xi32>
      %lt3A_313 = arith.cmpi slt, %iota3A, %lt3A_312 : vector<16xi32>
      %and3A_314 = arith.andi %and3A_310, %lt3A_313 : vector<16xi1>
      %and3A_315 = vector.broadcast %and3A_299 : i1 to vector<16xi1>
      %and3A_316 = arith.andi %and3A_314, %and3A_315 : vector<16xi1>
      %add3A_317 = arith.constant 2 : i32
      %add3A_318 = arith.addi %mul3A_184, %add3A_317 : i32
      %broadcast_in_dim3A_319 = vector.broadcast %add3A_318 : i32 to vector<16xi32>
      tpu.vector_store_idx %arg7[%broadcast_in_dim3A_319, %add3A_303], %exp3A masked %and3A_316 : memref<112x512xf32, #tpu.memory_space<vmem>>[vector<16xi32>, vector<16xi32>], vector<16xf32>, vector<16xi1>
      %slice3A_320 = vector.extract_strided_slice %convert_element_type3A_237 {offsets = [3], sizes = [1], strides = [1]} : vector<16xi32> to vector<1xi32>
      %squeeze3A_321 = vector.extract %slice3A_320[0] : i32 from vector<1xi32>
      %ne3A_322 = arith.constant 0 : i32
      %ne3A_323 = arith.cmpi ne, %squeeze3A_321, %ne3A_322 : i32
      %add3A_324 = arith.constant 3 : i32
      %add3A_325 = arith.addi %mul3A_184, %add3A_324 : i32
      %lt3A_326 = arith.constant 112 : i32
      %lt3A_327 = arith.cmpi slt, %add3A_325, %lt3A_326 : i32
      %and3A_328 = arith.andi %ne3A_323, %lt3A_327 : i1
      %slice3A_329 = vector.extract_strided_slice %sub3A_196 {offsets = [3], sizes = [1], strides = [1]} : vector<16xi32> to vector<1xi32>
      %squeeze3A_330 = vector.extract %slice3A_329[0] : i32 from vector<1xi32>
      %add3A_331 = vector.broadcast %squeeze3A_330 : i32 to vector<16xi32>
      %add3A_332 = arith.addi %iota3A, %add3A_331 : vector<16xi32>
      %ge3A_333 = arith.constant 0 : i32
      %ge3A_334 = vector.broadcast %ge3A_333 : i32 to vector<16xi32>
      %ge3A_335 = arith.cmpi sge, %add3A_332, %ge3A_334 : vector<16xi32>
      %lt3A_336 = arith.constant 512 : i32
      %lt3A_337 = vector.broadcast %lt3A_336 : i32 to vector<16xi32>
      %lt3A_338 = arith.cmpi slt, %add3A_332, %lt3A_337 : vector<16xi32>
      %and3A_339 = arith.andi %ge3A_335, %lt3A_338 : vector<16xi1>
      %lt3A_340 = arith.constant 13 : i32
      %lt3A_341 = vector.broadcast %lt3A_340 : i32 to vector<16xi32>
      %lt3A_342 = arith.cmpi slt, %iota3A, %lt3A_341 : vector<16xi32>
      %and3A_343 = arith.andi %and3A_339, %lt3A_342 : vector<16xi1>
      %and3A_344 = vector.broadcast %and3A_328 : i1 to vector<16xi1>
      %and3A_345 = arith.andi %and3A_343, %and3A_344 : vector<16xi1>
      %add3A_346 = arith.constant 3 : i32
      %add3A_347 = arith.addi %mul3A_184, %add3A_346 : i32
      %broadcast_in_dim3A_348 = vector.broadcast %add3A_347 : i32 to vector<16xi32>
      tpu.vector_store_idx %arg7[%broadcast_in_dim3A_348, %add3A_332], %exp3A masked %and3A_345 : memref<112x512xf32, #tpu.memory_space<vmem>>[vector<16xi32>, vector<16xi32>], vector<16xf32>, vector<16xi1>
      %slice3A_349 = vector.extract_strided_slice %convert_element_type3A_237 {offsets = [4], sizes = [1], strides = [1]} : vector<16xi32> to vector<1xi32>
      %squeeze3A_350 = vector.extract %slice3A_349[0] : i32 from vector<1xi32>
      %ne3A_351 = arith.constant 0 : i32
      %ne3A_352 = arith.cmpi ne, %squeeze3A_350, %ne3A_351 : i32
      %add3A_353 = arith.constant 4 : i32
      %add3A_354 = arith.addi %mul3A_184, %add3A_353 : i32
      %lt3A_355 = arith.constant 112 : i32
      %lt3A_356 = arith.cmpi slt, %add3A_354, %lt3A_355 : i32
      %and3A_357 = arith.andi %ne3A_352, %lt3A_356 : i1
      %slice3A_358 = vector.extract_strided_slice %sub3A_196 {offsets = [4], sizes = [1], strides = [1]} : vector<16xi32> to vector<1xi32>
      %squeeze3A_359 = vector.extract %slice3A_358[0] : i32 from vector<1xi32>
      %add3A_360 = vector.broadcast %squeeze3A_359 : i32 to vector<16xi32>
      %add3A_361 = arith.addi %iota3A, %add3A_360 : vector<16xi32>
      %ge3A_362 = arith.constant 0 : i32
      %ge3A_363 = vector.broadcast %ge3A_362 : i32 to vector<16xi32>
      %ge3A_364 = arith.cmpi sge, %add3A_361, %ge3A_363 : vector<16xi32>
      %lt3A_365 = arith.constant 512 : i32
      %lt3A_366 = vector.broadcast %lt3A_365 : i32 to vector<16xi32>
      %lt3A_367 = arith.cmpi slt, %add3A_361, %lt3A_366 : vector<16xi32>
      %and3A_368 = arith.andi %ge3A_364, %lt3A_367 : vector<16xi1>
      %lt3A_369 = arith.constant 13 : i32
      %lt3A_370 = vector.broadcast %lt3A_369 : i32 to vector<16xi32>
      %lt3A_371 = arith.cmpi slt, %iota3A, %lt3A_370 : vector<16xi32>
      %and3A_372 = arith.andi %and3A_368, %lt3A_371 : vector<16xi1>
      %and3A_373 = vector.broadcast %and3A_357 : i1 to vector<16xi1>
      %and3A_374 = arith.andi %and3A_372, %and3A_373 : vector<16xi1>
      %add3A_375 = arith.constant 4 : i32
      %add3A_376 = arith.addi %mul3A_184, %add3A_375 : i32
      %broadcast_in_dim3A_377 = vector.broadcast %add3A_376 : i32 to vector<16xi32>
      tpu.vector_store_idx %arg7[%broadcast_in_dim3A_377, %add3A_361], %exp3A masked %and3A_374 : memref<112x512xf32, #tpu.memory_space<vmem>>[vector<16xi32>, vector<16xi32>], vector<16xf32>, vector<16xi1>
      %slice3A_378 = vector.extract_strided_slice %convert_element_type3A_237 {offsets = [5], sizes = [1], strides = [1]} : vector<16xi32> to vector<1xi32>
      %squeeze3A_379 = vector.extract %slice3A_378[0] : i32 from vector<1xi32>
      %ne3A_380 = arith.constant 0 : i32
      %ne3A_381 = arith.cmpi ne, %squeeze3A_379, %ne3A_380 : i32
      %add3A_382 = arith.constant 5 : i32
      %add3A_383 = arith.addi %mul3A_184, %add3A_382 : i32
      %lt3A_384 = arith.constant 112 : i32
      %lt3A_385 = arith.cmpi slt, %add3A_383, %lt3A_384 : i32
      %and3A_386 = arith.andi %ne3A_381, %lt3A_385 : i1
      %slice3A_387 = vector.extract_strided_slice %sub3A_196 {offsets = [5], sizes = [1], strides = [1]} : vector<16xi32> to vector<1xi32>
      %squeeze3A_388 = vector.extract %slice3A_387[0] : i32 from vector<1xi32>
      %add3A_389 = vector.broadcast %squeeze3A_388 : i32 to vector<16xi32>
      %add3A_390 = arith.addi %iota3A, %add3A_389 : vector<16xi32>
      %ge3A_391 = arith.constant 0 : i32
      %ge3A_392 = vector.broadcast %ge3A_391 : i32 to vector<16xi32>
      %ge3A_393 = arith.cmpi sge, %add3A_390, %ge3A_392 : vector<16xi32>
      %lt3A_394 = arith.constant 512 : i32
      %lt3A_395 = vector.broadcast %lt3A_394 : i32 to vector<16xi32>
      %lt3A_396 = arith.cmpi slt, %add3A_390, %lt3A_395 : vector<16xi32>
      %and3A_397 = arith.andi %ge3A_393, %lt3A_396 : vector<16xi1>
      %lt3A_398 = arith.constant 13 : i32
      %lt3A_399 = vector.broadcast %lt3A_398 : i32 to vector<16xi32>
      %lt3A_400 = arith.cmpi slt, %iota3A, %lt3A_399 : vector<16xi32>
      %and3A_401 = arith.andi %and3A_397, %lt3A_400 : vector<16xi1>
      %and3A_402 = vector.broadcast %and3A_386 : i1 to vector<16xi1>
      %and3A_403 = arith.andi %and3A_401, %and3A_402 : vector<16xi1>
      %add3A_404 = arith.constant 5 : i32
      %add3A_405 = arith.addi %mul3A_184, %add3A_404 : i32
      %broadcast_in_dim3A_406 = vector.broadcast %add3A_405 : i32 to vector<16xi32>
      tpu.vector_store_idx %arg7[%broadcast_in_dim3A_406, %add3A_390], %exp3A masked %and3A_403 : memref<112x512xf32, #tpu.memory_space<vmem>>[vector<16xi32>, vector<16xi32>], vector<16xf32>, vector<16xi1>
      %slice3A_407 = vector.extract_strided_slice %convert_element_type3A_237 {offsets = [6], sizes = [1], strides = [1]} : vector<16xi32> to vector<1xi32>
      %squeeze3A_408 = vector.extract %slice3A_407[0] : i32 from vector<1xi32>
      %ne3A_409 = arith.constant 0 : i32
      %ne3A_410 = arith.cmpi ne, %squeeze3A_408, %ne3A_409 : i32
      %add3A_411 = arith.constant 6 : i32
      %add3A_412 = arith.addi %mul3A_184, %add3A_411 : i32
      %lt3A_413 = arith.constant 112 : i32
      %lt3A_414 = arith.cmpi slt, %add3A_412, %lt3A_413 : i32
      %and3A_415 = arith.andi %ne3A_410, %lt3A_414 : i1
      %slice3A_416 = vector.extract_strided_slice %sub3A_196 {offsets = [6], sizes = [1], strides = [1]} : vector<16xi32> to vector<1xi32>
      %squeeze3A_417 = vector.extract %slice3A_416[0] : i32 from vector<1xi32>
      %add3A_418 = vector.broadcast %squeeze3A_417 : i32 to vector<16xi32>
      %add3A_419 = arith.addi %iota3A, %add3A_418 : vector<16xi32>
      %ge3A_420 = arith.constant 0 : i32
      %ge3A_421 = vector.broadcast %ge3A_420 : i32 to vector<16xi32>
      %ge3A_422 = arith.cmpi sge, %add3A_419, %ge3A_421 : vector<16xi32>
      %lt3A_423 = arith.constant 512 : i32
      %lt3A_424 = vector.broadcast %lt3A_423 : i32 to vector<16xi32>
      %lt3A_425 = arith.cmpi slt, %add3A_419, %lt3A_424 : vector<16xi32>
      %and3A_426 = arith.andi %ge3A_422, %lt3A_425 : vector<16xi1>
      %lt3A_427 = arith.constant 13 : i32
      %lt3A_428 = vector.broadcast %lt3A_427 : i32 to vector<16xi32>
      %lt3A_429 = arith.cmpi slt, %iota3A, %lt3A_428 : vector<16xi32>
      %and3A_430 = arith.andi %and3A_426, %lt3A_429 : vector<16xi1>
      %and3A_431 = vector.broadcast %and3A_415 : i1 to vector<16xi1>
      %and3A_432 = arith.andi %and3A_430, %and3A_431 : vector<16xi1>
      %add3A_433 = arith.constant 6 : i32
      %add3A_434 = arith.addi %mul3A_184, %add3A_433 : i32
      %broadcast_in_dim3A_435 = vector.broadcast %add3A_434 : i32 to vector<16xi32>
      tpu.vector_store_idx %arg7[%broadcast_in_dim3A_435, %add3A_419], %exp3A masked %and3A_432 : memref<112x512xf32, #tpu.memory_space<vmem>>[vector<16xi32>, vector<16xi32>], vector<16xf32>, vector<16xi1>
      %slice3A_436 = vector.extract_strided_slice %convert_element_type3A_237 {offsets = [7], sizes = [1], strides = [1]} : vector<16xi32> to vector<1xi32>
      %squeeze3A_437 = vector.extract %slice3A_436[0] : i32 from vector<1xi32>
      %ne3A_438 = arith.constant 0 : i32
      %ne3A_439 = arith.cmpi ne, %squeeze3A_437, %ne3A_438 : i32
      %add3A_440 = arith.constant 7 : i32
      %add3A_441 = arith.addi %mul3A_184, %add3A_440 : i32
      %lt3A_442 = arith.constant 112 : i32
      %lt3A_443 = arith.cmpi slt, %add3A_441, %lt3A_442 : i32
      %and3A_444 = arith.andi %ne3A_439, %lt3A_443 : i1
      %slice3A_445 = vector.extract_strided_slice %sub3A_196 {offsets = [7], sizes = [1], strides = [1]} : vector<16xi32> to vector<1xi32>
      %squeeze3A_446 = vector.extract %slice3A_445[0] : i32 from vector<1xi32>
      %add3A_447 = vector.broadcast %squeeze3A_446 : i32 to vector<16xi32>
      %add3A_448 = arith.addi %iota3A, %add3A_447 : vector<16xi32>
      %ge3A_449 = arith.constant 0 : i32
      %ge3A_450 = vector.broadcast %ge3A_449 : i32 to vector<16xi32>
      %ge3A_451 = arith.cmpi sge, %add3A_448, %ge3A_450 : vector<16xi32>
      %lt3A_452 = arith.constant 512 : i32
      %lt3A_453 = vector.broadcast %lt3A_452 : i32 to vector<16xi32>
      %lt3A_454 = arith.cmpi slt, %add3A_448, %lt3A_453 : vector<16xi32>
      %and3A_455 = arith.andi %ge3A_451, %lt3A_454 : vector<16xi1>
      %lt3A_456 = arith.constant 13 : i32
      %lt3A_457 = vector.broadcast %lt3A_456 : i32 to vector<16xi32>
      %lt3A_458 = arith.cmpi slt, %iota3A, %lt3A_457 : vector<16xi32>
      %and3A_459 = arith.andi %and3A_455, %lt3A_458 : vector<16xi1>
      %and3A_460 = vector.broadcast %and3A_444 : i1 to vector<16xi1>
      %and3A_461 = arith.andi %and3A_459, %and3A_460 : vector<16xi1>
      %add3A_462 = arith.constant 7 : i32
      %add3A_463 = arith.addi %mul3A_184, %add3A_462 : i32
      %broadcast_in_dim3A_464 = vector.broadcast %add3A_463 : i32 to vector<16xi32>
      tpu.vector_store_idx %arg7[%broadcast_in_dim3A_464, %add3A_448], %exp3A masked %and3A_461 : memref<112x512xf32, #tpu.memory_space<vmem>>[vector<16xi32>, vector<16xi32>], vector<16xf32>, vector<16xi1>
      %slice3A_465 = vector.extract_strided_slice %convert_element_type3A_237 {offsets = [8], sizes = [1], strides = [1]} : vector<16xi32> to vector<1xi32>
      %squeeze3A_466 = vector.extract %slice3A_465[0] : i32 from vector<1xi32>
      %ne3A_467 = arith.constant 0 : i32
      %ne3A_468 = arith.cmpi ne, %squeeze3A_466, %ne3A_467 : i32
      %add3A_469 = arith.constant 8 : i32
      %add3A_470 = arith.addi %mul3A_184, %add3A_469 : i32
      %lt3A_471 = arith.constant 112 : i32
      %lt3A_472 = arith.cmpi slt, %add3A_470, %lt3A_471 : i32
      %and3A_473 = arith.andi %ne3A_468, %lt3A_472 : i1
      %slice3A_474 = vector.extract_strided_slice %sub3A_196 {offsets = [8], sizes = [1], strides = [1]} : vector<16xi32> to vector<1xi32>
      %squeeze3A_475 = vector.extract %slice3A_474[0] : i32 from vector<1xi32>
      %add3A_476 = vector.broadcast %squeeze3A_475 : i32 to vector<16xi32>
      %add3A_477 = arith.addi %iota3A, %add3A_476 : vector<16xi32>
      %ge3A_478 = arith.constant 0 : i32
      %ge3A_479 = vector.broadcast %ge3A_478 : i32 to vector<16xi32>
      %ge3A_480 = arith.cmpi sge, %add3A_477, %ge3A_479 : vector<16xi32>
      %lt3A_481 = arith.constant 512 : i32
      %lt3A_482 = vector.broadcast %lt3A_481 : i32 to vector<16xi32>
      %lt3A_483 = arith.cmpi slt, %add3A_477, %lt3A_482 : vector<16xi32>
      %and3A_484 = arith.andi %ge3A_480, %lt3A_483 : vector<16xi1>
      %lt3A_485 = arith.constant 13 : i32
      %lt3A_486 = vector.broadcast %lt3A_485 : i32 to vector<16xi32>
      %lt3A_487 = arith.cmpi slt, %iota3A, %lt3A_486 : vector<16xi32>
      %and3A_488 = arith.andi %and3A_484, %lt3A_487 : vector<16xi1>
      %and3A_489 = vector.broadcast %and3A_473 : i1 to vector<16xi1>
      %and3A_490 = arith.andi %and3A_488, %and3A_489 : vector<16xi1>
      %add3A_491 = arith.constant 8 : i32
      %add3A_492 = arith.addi %mul3A_184, %add3A_491 : i32
      %broadcast_in_dim3A_493 = vector.broadcast %add3A_492 : i32 to vector<16xi32>
      tpu.vector_store_idx %arg7[%broadcast_in_dim3A_493, %add3A_477], %exp3A masked %and3A_490 : memref<112x512xf32, #tpu.memory_space<vmem>>[vector<16xi32>, vector<16xi32>], vector<16xf32>, vector<16xi1>
      %slice3A_494 = vector.extract_strided_slice %convert_element_type3A_237 {offsets = [9], sizes = [1], strides = [1]} : vector<16xi32> to vector<1xi32>
      %squeeze3A_495 = vector.extract %slice3A_494[0] : i32 from vector<1xi32>
      %ne3A_496 = arith.constant 0 : i32
      %ne3A_497 = arith.cmpi ne, %squeeze3A_495, %ne3A_496 : i32
      %add3A_498 = arith.constant 9 : i32
      %add3A_499 = arith.addi %mul3A_184, %add3A_498 : i32
      %lt3A_500 = arith.constant 112 : i32
      %lt3A_501 = arith.cmpi slt, %add3A_499, %lt3A_500 : i32
      %and3A_502 = arith.andi %ne3A_497, %lt3A_501 : i1
      %slice3A_503 = vector.extract_strided_slice %sub3A_196 {offsets = [9], sizes = [1], strides = [1]} : vector<16xi32> to vector<1xi32>
      %squeeze3A_504 = vector.extract %slice3A_503[0] : i32 from vector<1xi32>
      %add3A_505 = vector.broadcast %squeeze3A_504 : i32 to vector<16xi32>
      %add3A_506 = arith.addi %iota3A, %add3A_505 : vector<16xi32>
      %ge3A_507 = arith.constant 0 : i32
      %ge3A_508 = vector.broadcast %ge3A_507 : i32 to vector<16xi32>
      %ge3A_509 = arith.cmpi sge, %add3A_506, %ge3A_508 : vector<16xi32>
      %lt3A_510 = arith.constant 512 : i32
      %lt3A_511 = vector.broadcast %lt3A_510 : i32 to vector<16xi32>
      %lt3A_512 = arith.cmpi slt, %add3A_506, %lt3A_511 : vector<16xi32>
      %and3A_513 = arith.andi %ge3A_509, %lt3A_512 : vector<16xi1>
      %lt3A_514 = arith.constant 13 : i32
      %lt3A_515 = vector.broadcast %lt3A_514 : i32 to vector<16xi32>
      %lt3A_516 = arith.cmpi slt, %iota3A, %lt3A_515 : vector<16xi32>
      %and3A_517 = arith.andi %and3A_513, %lt3A_516 : vector<16xi1>
      %and3A_518 = vector.broadcast %and3A_502 : i1 to vector<16xi1>
      %and3A_519 = arith.andi %and3A_517, %and3A_518 : vector<16xi1>
      %add3A_520 = arith.constant 9 : i32
      %add3A_521 = arith.addi %mul3A_184, %add3A_520 : i32
      %broadcast_in_dim3A_522 = vector.broadcast %add3A_521 : i32 to vector<16xi32>
      tpu.vector_store_idx %arg7[%broadcast_in_dim3A_522, %add3A_506], %exp3A masked %and3A_519 : memref<112x512xf32, #tpu.memory_space<vmem>>[vector<16xi32>, vector<16xi32>], vector<16xf32>, vector<16xi1>
      %slice3A_523 = vector.extract_strided_slice %convert_element_type3A_237 {offsets = [10], sizes = [1], strides = [1]} : vector<16xi32> to vector<1xi32>
      %squeeze3A_524 = vector.extract %slice3A_523[0] : i32 from vector<1xi32>
      %ne3A_525 = arith.constant 0 : i32
      %ne3A_526 = arith.cmpi ne, %squeeze3A_524, %ne3A_525 : i32
      %add3A_527 = arith.constant 10 : i32
      %add3A_528 = arith.addi %mul3A_184, %add3A_527 : i32
      %lt3A_529 = arith.constant 112 : i32
      %lt3A_530 = arith.cmpi slt, %add3A_528, %lt3A_529 : i32
      %and3A_531 = arith.andi %ne3A_526, %lt3A_530 : i1
      %slice3A_532 = vector.extract_strided_slice %sub3A_196 {offsets = [10], sizes = [1], strides = [1]} : vector<16xi32> to vector<1xi32>
      %squeeze3A_533 = vector.extract %slice3A_532[0] : i32 from vector<1xi32>
      %add3A_534 = vector.broadcast %squeeze3A_533 : i32 to vector<16xi32>
      %add3A_535 = arith.addi %iota3A, %add3A_534 : vector<16xi32>
      %ge3A_536 = arith.constant 0 : i32
      %ge3A_537 = vector.broadcast %ge3A_536 : i32 to vector<16xi32>
      %ge3A_538 = arith.cmpi sge, %add3A_535, %ge3A_537 : vector<16xi32>
      %lt3A_539 = arith.constant 512 : i32
      %lt3A_540 = vector.broadcast %lt3A_539 : i32 to vector<16xi32>
      %lt3A_541 = arith.cmpi slt, %add3A_535, %lt3A_540 : vector<16xi32>
      %and3A_542 = arith.andi %ge3A_538, %lt3A_541 : vector<16xi1>
      %lt3A_543 = arith.constant 13 : i32
      %lt3A_544 = vector.broadcast %lt3A_543 : i32 to vector<16xi32>
      %lt3A_545 = arith.cmpi slt, %iota3A, %lt3A_544 : vector<16xi32>
      %and3A_546 = arith.andi %and3A_542, %lt3A_545 : vector<16xi1>
      %and3A_547 = vector.broadcast %and3A_531 : i1 to vector<16xi1>
      %and3A_548 = arith.andi %and3A_546, %and3A_547 : vector<16xi1>
      %add3A_549 = arith.constant 10 : i32
      %add3A_550 = arith.addi %mul3A_184, %add3A_549 : i32
      %broadcast_in_dim3A_551 = vector.broadcast %add3A_550 : i32 to vector<16xi32>
      tpu.vector_store_idx %arg7[%broadcast_in_dim3A_551, %add3A_535], %exp3A masked %and3A_548 : memref<112x512xf32, #tpu.memory_space<vmem>>[vector<16xi32>, vector<16xi32>], vector<16xf32>, vector<16xi1>
      %slice3A_552 = vector.extract_strided_slice %convert_element_type3A_237 {offsets = [11], sizes = [1], strides = [1]} : vector<16xi32> to vector<1xi32>
      %squeeze3A_553 = vector.extract %slice3A_552[0] : i32 from vector<1xi32>
      %ne3A_554 = arith.constant 0 : i32
      %ne3A_555 = arith.cmpi ne, %squeeze3A_553, %ne3A_554 : i32
      %add3A_556 = arith.constant 11 : i32
      %add3A_557 = arith.addi %mul3A_184, %add3A_556 : i32
      %lt3A_558 = arith.constant 112 : i32
      %lt3A_559 = arith.cmpi slt, %add3A_557, %lt3A_558 : i32
      %and3A_560 = arith.andi %ne3A_555, %lt3A_559 : i1
      %slice3A_561 = vector.extract_strided_slice %sub3A_196 {offsets = [11], sizes = [1], strides = [1]} : vector<16xi32> to vector<1xi32>
      %squeeze3A_562 = vector.extract %slice3A_561[0] : i32 from vector<1xi32>
      %add3A_563 = vector.broadcast %squeeze3A_562 : i32 to vector<16xi32>
      %add3A_564 = arith.addi %iota3A, %add3A_563 : vector<16xi32>
      %ge3A_565 = arith.constant 0 : i32
      %ge3A_566 = vector.broadcast %ge3A_565 : i32 to vector<16xi32>
      %ge3A_567 = arith.cmpi sge, %add3A_564, %ge3A_566 : vector<16xi32>
      %lt3A_568 = arith.constant 512 : i32
      %lt3A_569 = vector.broadcast %lt3A_568 : i32 to vector<16xi32>
      %lt3A_570 = arith.cmpi slt, %add3A_564, %lt3A_569 : vector<16xi32>
      %and3A_571 = arith.andi %ge3A_567, %lt3A_570 : vector<16xi1>
      %lt3A_572 = arith.constant 13 : i32
      %lt3A_573 = vector.broadcast %lt3A_572 : i32 to vector<16xi32>
      %lt3A_574 = arith.cmpi slt, %iota3A, %lt3A_573 : vector<16xi32>
      %and3A_575 = arith.andi %and3A_571, %lt3A_574 : vector<16xi1>
      %and3A_576 = vector.broadcast %and3A_560 : i1 to vector<16xi1>
      %and3A_577 = arith.andi %and3A_575, %and3A_576 : vector<16xi1>
      %add3A_578 = arith.constant 11 : i32
      %add3A_579 = arith.addi %mul3A_184, %add3A_578 : i32
      %broadcast_in_dim3A_580 = vector.broadcast %add3A_579 : i32 to vector<16xi32>
      tpu.vector_store_idx %arg7[%broadcast_in_dim3A_580, %add3A_564], %exp3A masked %and3A_577 : memref<112x512xf32, #tpu.memory_space<vmem>>[vector<16xi32>, vector<16xi32>], vector<16xf32>, vector<16xi1>
      %slice3A_581 = vector.extract_strided_slice %convert_element_type3A_237 {offsets = [12], sizes = [1], strides = [1]} : vector<16xi32> to vector<1xi32>
      %squeeze3A_582 = vector.extract %slice3A_581[0] : i32 from vector<1xi32>
      %ne3A_583 = arith.constant 0 : i32
      %ne3A_584 = arith.cmpi ne, %squeeze3A_582, %ne3A_583 : i32
      %add3A_585 = arith.constant 12 : i32
      %add3A_586 = arith.addi %mul3A_184, %add3A_585 : i32
      %lt3A_587 = arith.constant 112 : i32
      %lt3A_588 = arith.cmpi slt, %add3A_586, %lt3A_587 : i32
      %and3A_589 = arith.andi %ne3A_584, %lt3A_588 : i1
      %slice3A_590 = vector.extract_strided_slice %sub3A_196 {offsets = [12], sizes = [1], strides = [1]} : vector<16xi32> to vector<1xi32>
      %squeeze3A_591 = vector.extract %slice3A_590[0] : i32 from vector<1xi32>
      %add3A_592 = vector.broadcast %squeeze3A_591 : i32 to vector<16xi32>
      %add3A_593 = arith.addi %iota3A, %add3A_592 : vector<16xi32>
      %ge3A_594 = arith.constant 0 : i32
      %ge3A_595 = vector.broadcast %ge3A_594 : i32 to vector<16xi32>
      %ge3A_596 = arith.cmpi sge, %add3A_593, %ge3A_595 : vector<16xi32>
      %lt3A_597 = arith.constant 512 : i32
      %lt3A_598 = vector.broadcast %lt3A_597 : i32 to vector<16xi32>
      %lt3A_599 = arith.cmpi slt, %add3A_593, %lt3A_598 : vector<16xi32>
      %and3A_600 = arith.andi %ge3A_596, %lt3A_599 : vector<16xi1>
      %lt3A_601 = arith.constant 13 : i32
      %lt3A_602 = vector.broadcast %lt3A_601 : i32 to vector<16xi32>
      %lt3A_603 = arith.cmpi slt, %iota3A, %lt3A_602 : vector<16xi32>
      %and3A_604 = arith.andi %and3A_600, %lt3A_603 : vector<16xi1>
      %and3A_605 = vector.broadcast %and3A_589 : i1 to vector<16xi1>
      %and3A_606 = arith.andi %and3A_604, %and3A_605 : vector<16xi1>
      %add3A_607 = arith.constant 12 : i32
      %add3A_608 = arith.addi %mul3A_184, %add3A_607 : i32
      %broadcast_in_dim3A_609 = vector.broadcast %add3A_608 : i32 to vector<16xi32>
      tpu.vector_store_idx %arg7[%broadcast_in_dim3A_609, %add3A_593], %exp3A masked %and3A_606 : memref<112x512xf32, #tpu.memory_space<vmem>>[vector<16xi32>, vector<16xi32>], vector<16xf32>, vector<16xi1>
      %slice3A_610 = vector.extract_strided_slice %convert_element_type3A_237 {offsets = [13], sizes = [1], strides = [1]} : vector<16xi32> to vector<1xi32>
      %squeeze3A_611 = vector.extract %slice3A_610[0] : i32 from vector<1xi32>
      %ne3A_612 = arith.constant 0 : i32
      %ne3A_613 = arith.cmpi ne, %squeeze3A_611, %ne3A_612 : i32
      %add3A_614 = arith.constant 13 : i32
      %add3A_615 = arith.addi %mul3A_184, %add3A_614 : i32
      %lt3A_616 = arith.constant 112 : i32
      %lt3A_617 = arith.cmpi slt, %add3A_615, %lt3A_616 : i32
      %and3A_618 = arith.andi %ne3A_613, %lt3A_617 : i1
      %slice3A_619 = vector.extract_strided_slice %sub3A_196 {offsets = [13], sizes = [1], strides = [1]} : vector<16xi32> to vector<1xi32>
      %squeeze3A_620 = vector.extract %slice3A_619[0] : i32 from vector<1xi32>
      %add3A_621 = vector.broadcast %squeeze3A_620 : i32 to vector<16xi32>
      %add3A_622 = arith.addi %iota3A, %add3A_621 : vector<16xi32>
      %ge3A_623 = arith.constant 0 : i32
      %ge3A_624 = vector.broadcast %ge3A_623 : i32 to vector<16xi32>
      %ge3A_625 = arith.cmpi sge, %add3A_622, %ge3A_624 : vector<16xi32>
      %lt3A_626 = arith.constant 512 : i32
      %lt3A_627 = vector.broadcast %lt3A_626 : i32 to vector<16xi32>
      %lt3A_628 = arith.cmpi slt, %add3A_622, %lt3A_627 : vector<16xi32>
      %and3A_629 = arith.andi %ge3A_625, %lt3A_628 : vector<16xi1>
      %lt3A_630 = arith.constant 13 : i32
      %lt3A_631 = vector.broadcast %lt3A_630 : i32 to vector<16xi32>
      %lt3A_632 = arith.cmpi slt, %iota3A, %lt3A_631 : vector<16xi32>
      %and3A_633 = arith.andi %and3A_629, %lt3A_632 : vector<16xi1>
      %and3A_634 = vector.broadcast %and3A_618 : i1 to vector<16xi1>
      %and3A_635 = arith.andi %and3A_633, %and3A_634 : vector<16xi1>
      %add3A_636 = arith.constant 13 : i32
      %add3A_637 = arith.addi %mul3A_184, %add3A_636 : i32
      %broadcast_in_dim3A_638 = vector.broadcast %add3A_637 : i32 to vector<16xi32>
      tpu.vector_store_idx %arg7[%broadcast_in_dim3A_638, %add3A_622], %exp3A masked %and3A_635 : memref<112x512xf32, #tpu.memory_space<vmem>>[vector<16xi32>, vector<16xi32>], vector<16xf32>, vector<16xi1>
      %slice3A_639 = vector.extract_strided_slice %convert_element_type3A_237 {offsets = [14], sizes = [1], strides = [1]} : vector<16xi32> to vector<1xi32>
      %squeeze3A_640 = vector.extract %slice3A_639[0] : i32 from vector<1xi32>
      %ne3A_641 = arith.constant 0 : i32
      %ne3A_642 = arith.cmpi ne, %squeeze3A_640, %ne3A_641 : i32
      %add3A_643 = arith.constant 14 : i32
      %add3A_644 = arith.addi %mul3A_184, %add3A_643 : i32
      %lt3A_645 = arith.constant 112 : i32
      %lt3A_646 = arith.cmpi slt, %add3A_644, %lt3A_645 : i32
      %and3A_647 = arith.andi %ne3A_642, %lt3A_646 : i1
      %slice3A_648 = vector.extract_strided_slice %sub3A_196 {offsets = [14], sizes = [1], strides = [1]} : vector<16xi32> to vector<1xi32>
      %squeeze3A_649 = vector.extract %slice3A_648[0] : i32 from vector<1xi32>
      %add3A_650 = vector.broadcast %squeeze3A_649 : i32 to vector<16xi32>
      %add3A_651 = arith.addi %iota3A, %add3A_650 : vector<16xi32>
      %ge3A_652 = arith.constant 0 : i32
      %ge3A_653 = vector.broadcast %ge3A_652 : i32 to vector<16xi32>
      %ge3A_654 = arith.cmpi sge, %add3A_651, %ge3A_653 : vector<16xi32>
      %lt3A_655 = arith.constant 512 : i32
      %lt3A_656 = vector.broadcast %lt3A_655 : i32 to vector<16xi32>
      %lt3A_657 = arith.cmpi slt, %add3A_651, %lt3A_656 : vector<16xi32>
      %and3A_658 = arith.andi %ge3A_654, %lt3A_657 : vector<16xi1>
      %lt3A_659 = arith.constant 13 : i32
      %lt3A_660 = vector.broadcast %lt3A_659 : i32 to vector<16xi32>
      %lt3A_661 = arith.cmpi slt, %iota3A, %lt3A_660 : vector<16xi32>
      %and3A_662 = arith.andi %and3A_658, %lt3A_661 : vector<16xi1>
      %and3A_663 = vector.broadcast %and3A_647 : i1 to vector<16xi1>
      %and3A_664 = arith.andi %and3A_662, %and3A_663 : vector<16xi1>
      %add3A_665 = arith.constant 14 : i32
      %add3A_666 = arith.addi %mul3A_184, %add3A_665 : i32
      %broadcast_in_dim3A_667 = vector.broadcast %add3A_666 : i32 to vector<16xi32>
      tpu.vector_store_idx %arg7[%broadcast_in_dim3A_667, %add3A_651], %exp3A masked %and3A_664 : memref<112x512xf32, #tpu.memory_space<vmem>>[vector<16xi32>, vector<16xi32>], vector<16xf32>, vector<16xi1>
      %slice3A_668 = vector.extract_strided_slice %convert_element_type3A_237 {offsets = [15], sizes = [1], strides = [1]} : vector<16xi32> to vector<1xi32>
      %squeeze3A_669 = vector.extract %slice3A_668[0] : i32 from vector<1xi32>
      %ne3A_670 = arith.constant 0 : i32
      %ne3A_671 = arith.cmpi ne, %squeeze3A_669, %ne3A_670 : i32
      %add3A_672 = arith.constant 15 : i32
      %add3A_673 = arith.addi %mul3A_184, %add3A_672 : i32
      %lt3A_674 = arith.constant 112 : i32
      %lt3A_675 = arith.cmpi slt, %add3A_673, %lt3A_674 : i32
      %and3A_676 = arith.andi %ne3A_671, %lt3A_675 : i1
      %slice3A_677 = vector.extract_strided_slice %sub3A_196 {offsets = [15], sizes = [1], strides = [1]} : vector<16xi32> to vector<1xi32>
      %squeeze3A_678 = vector.extract %slice3A_677[0] : i32 from vector<1xi32>
      %add3A_679 = vector.broadcast %squeeze3A_678 : i32 to vector<16xi32>
      %add3A_680 = arith.addi %iota3A, %add3A_679 : vector<16xi32>
      %ge3A_681 = arith.constant 0 : i32
      %ge3A_682 = vector.broadcast %ge3A_681 : i32 to vector<16xi32>
      %ge3A_683 = arith.cmpi sge, %add3A_680, %ge3A_682 : vector<16xi32>
      %lt3A_684 = arith.constant 512 : i32
      %lt3A_685 = vector.broadcast %lt3A_684 : i32 to vector<16xi32>
      %lt3A_686 = arith.cmpi slt, %add3A_680, %lt3A_685 : vector<16xi32>
      %and3A_687 = arith.andi %ge3A_683, %lt3A_686 : vector<16xi1>
      %lt3A_688 = arith.constant 13 : i32
      %lt3A_689 = vector.broadcast %lt3A_688 : i32 to vector<16xi32>
      %lt3A_690 = arith.cmpi slt, %iota3A, %lt3A_689 : vector<16xi32>
      %and3A_691 = arith.andi %and3A_687, %lt3A_690 : vector<16xi1>
      %and3A_692 = vector.broadcast %and3A_676 : i1 to vector<16xi1>
      %and3A_693 = arith.andi %and3A_691, %and3A_692 : vector<16xi1>
      %add3A_694 = arith.constant 15 : i32
      %add3A_695 = arith.addi %mul3A_184, %add3A_694 : i32
      %broadcast_in_dim3A_696 = vector.broadcast %add3A_695 : i32 to vector<16xi32>
      tpu.vector_store_idx %arg7[%broadcast_in_dim3A_696, %add3A_680], %exp3A masked %and3A_693 : memref<112x512xf32, #tpu.memory_space<vmem>>[vector<16xi32>, vector<16xi32>], vector<16xf32>, vector<16xi1>
      %scan3A_697 = arith.constant 0 : i32
      scf.yield %scan3A_697 : i32
    }
    %scan3A_53 = arith.constant 7 : i32
    %add3A_54 = arith.constant 0 : i32
    %add3A_55 = arith.addi %mul3A_2, %add3A_54 : i32
    %dma_start3A_56 = arith.constant 0 : i32
    %dma_start3A_57 = arith.constant 0 : i32
    %dma_start3A_58 = tpu.memref_slice %arg7[%dma_start3A_56, %dma_start3A_57] : memref<112x512xf32, #tpu.memory_space<vmem>> -> memref<112x512xf32, #tpu.memory_space<vmem>>
    %dma_start3A_59 = arith.constant 0 : i32
    %dma_start3A_60 = tpu.memref_slice %arg4[%add3A_55, %dma_start3A_59] : memref<13568x512xf32, #tpu.memory_space<hbm>> -> memref<112x512xf32, #tpu.memory_space<hbm>>
    %dma_start3A_61 = arith.constant 0 : i32
    %dma_start3A_62 = tpu.memref_slice %arg4[%add3A_55, %dma_start3A_61] : memref<13568x512xf32, #tpu.memory_space<hbm>> -> memref<112x512xf32, #tpu.memory_space<hbm>>
    %dma_start3A_63 = arith.constant 0 : i32
    %dma_start3A_64 = arith.constant 0 : i32
    %dma_start3A_65 = tpu.memref_slice %arg7[%dma_start3A_63, %dma_start3A_64] : memref<112x512xf32, #tpu.memory_space<vmem>> -> memref<112x512xf32, #tpu.memory_space<vmem>>
    tpu.enqueue_dma source(%dma_start3A_65 : memref<112x512xf32, #tpu.memory_space<vmem>>) target(%dma_start3A_62 : memref<112x512xf32, #tpu.memory_space<hbm>>) target_semaphore(%arg11 : memref<!tpu.dma_semaphore, #tpu.memory_space<semaphore_mem>>)
    %scan3A_66 = arith.constant 0 : i32
    %scan3A_67 = arith.constant 0 : i32
    %scan3A_68 = arith.constant 7 : i32
    %scan3A_69 = arith.addi %scan3A_67, %scan3A_68 : i32
    %scan3A_70 = arith.constant 1 : i32
    %scan3A_71 = scf.for %scan3A_181 = %scan3A_67 to %scan3A_69 step %scan3A_70 iter_args(%scan3A_182 = %scan3A_66) -> (i32)  : i32 {
      %mul3A_183 = arith.constant 16 : i32
      %mul3A_184 = arith.muli %scan3A_181, %mul3A_183 : i32
      %add3A_185 = arith.constant 112 : i32
      %add3A_186 = arith.addi %add3A_185, %mul3A_184 : i32
      %get3A = arith.index_cast %add3A_186 : i32 to index
      %get3A_187 = tpu.vector_load %arg5[%get3A] {strides = array<i32>} : memref<448xf32, #tpu.memory_space<vmem>>, vector<16xf32>,
      %convert_element_type3A_188 = arith.fptosi %get3A_187 : vector<16xf32> to vector<16xi32>
      %add3A_189 = arith.constant 112 : i32
      %add3A_190 = arith.addi %add3A_189, %mul3A_184 : i32
      %get3A_191 = arith.index_cast %add3A_190 : i32 to index
      %get3A_192 = tpu.vector_load %arg6[%get3A_191] {strides = array<i32>} : memref<448xf32, #tpu.memory_space<vmem>>, vector<16xf32>,
      %convert_element_type3A_193 = arith.fptosi %get3A_192 : vector<16xf32> to vector<16xi32>
      %sub3A_194 = arith.constant 6 : i32
      %sub3A_195 = vector.broadcast %sub3A_194 : i32 to vector<16xi32>
      %sub3A_196 = arith.subi %convert_element_type3A_188, %sub3A_195 : vector<16xi32>
      %sub3A_197 = arith.constant 6 : i32
      %sub3A_198 = vector.broadcast %sub3A_197 : i32 to vector<16xi32>
      %sub3A_199 = arith.subi %convert_element_type3A_193, %sub3A_198 : vector<16xi32>
      %add3A_200 = arith.constant 7 : i32
      %add3A_201 = vector.broadcast %add3A_200 : i32 to vector<16xi32>
      %add3A_202 = arith.addi %convert_element_type3A_188, %add3A_201 : vector<16xi32>
      %add3A_203 = arith.constant 7 : i32
      %add3A_204 = vector.broadcast %add3A_203 : i32 to vector<16xi32>
      %add3A_205 = arith.addi %convert_element_type3A_193, %add3A_204 : vector<16xi32>
      %lt3A = arith.constant 0 : i32
      %lt3A_206 = vector.broadcast %lt3A : i32 to vector<16xi32>
      %lt3A_207 = arith.cmpi slt, %sub3A_196, %lt3A_206 : vector<16xi32>
      %gt3A = arith.constant 512 : i32
      %gt3A_208 = vector.broadcast %gt3A : i32 to vector<16xi32>
      %gt3A_209 = arith.cmpi sgt, %sub3A_196, %gt3A_208 : vector<16xi32>
      %or3A = arith.ori %lt3A_207, %gt3A_209 : vector<16xi1>
      %lt3A_210 = arith.constant 0 : i32
      %lt3A_211 = vector.broadcast %lt3A_210 : i32 to vector<16xi32>
      %lt3A_212 = arith.cmpi slt, %sub3A_199, %lt3A_211 : vector<16xi32>
      %or3A_213 = arith.ori %or3A, %lt3A_212 : vector<16xi1>
      %gt3A_214 = arith.constant 512 : i32
      %gt3A_215 = vector.broadcast %gt3A_214 : i32 to vector<16xi32>
      %gt3A_216 = arith.cmpi sgt, %sub3A_199, %gt3A_215 : vector<16xi32>
      %or3A_217 = arith.ori %or3A_213, %gt3A_216 : vector<16xi1>
      %not3A = arith.constant dense<true> : vector<16xi1>
      %not3A_218 = arith.xori %or3A_217, %not3A : vector<16xi1>
      %lt3A_219 = arith.constant 0 : i32
      %lt3A_220 = vector.broadcast %lt3A_219 : i32 to vector<16xi32>
      %lt3A_221 = arith.cmpi slt, %add3A_202, %lt3A_220 : vector<16xi32>
      %gt3A_222 = arith.constant 512 : i32
      %gt3A_223 = vector.broadcast %gt3A_222 : i32 to vector<16xi32>
      %gt3A_224 = arith.cmpi sgt, %add3A_202, %gt3A_223 : vector<16xi32>
      %or3A_225 = arith.ori %lt3A_221, %gt3A_224 : vector<16xi1>
      %lt3A_226 = arith.constant 0 : i32
      %lt3A_227 = vector.broadcast %lt3A_226 : i32 to vector<16xi32>
      %lt3A_228 = arith.cmpi slt, %add3A_205, %lt3A_227 : vector<16xi32>
      %or3A_229 = arith.ori %or3A_225, %lt3A_228 : vector<16xi1>
      %gt3A_230 = arith.constant 512 : i32
      %gt3A_231 = vector.broadcast %gt3A_230 : i32 to vector<16xi32>
      %gt3A_232 = arith.cmpi sgt, %add3A_205, %gt3A_231 : vector<16xi32>
      %or3A_233 = arith.ori %or3A_229, %gt3A_232 : vector<16xi1>
      %not3A_234 = arith.constant dense<true> : vector<16xi1>
      %not3A_235 = arith.xori %or3A_233, %not3A_234 : vector<16xi1>
      %or3A_236 = arith.ori %not3A_218, %not3A_235 : vector<16xi1>
      %convert_element_type3A_237 = arith.extui %or3A_236 : vector<16xi1> to vector<16xi32>
      %slice3A = vector.extract_strided_slice %convert_element_type3A_237 {offsets = [0], sizes = [1], strides = [1]} : vector<16xi32> to vector<1xi32>
      %squeeze3A = vector.extract %slice3A[0] : i32 from vector<1xi32>
      %ne3A = arith.constant 0 : i32
      %ne3A_238 = arith.cmpi ne, %squeeze3A, %ne3A : i32
      %add3A_239 = arith.constant 0 : i32
      %add3A_240 = arith.addi %mul3A_184, %add3A_239 : i32
      %lt3A_241 = arith.constant 112 : i32
      %lt3A_242 = arith.cmpi slt, %add3A_240, %lt3A_241 : i32
      %and3A = arith.andi %ne3A_238, %lt3A_242 : i1
      %slice3A_243 = vector.extract_strided_slice %sub3A_196 {offsets = [0], sizes = [1], strides = [1]} : vector<16xi32> to vector<1xi32>
      %squeeze3A_244 = vector.extract %slice3A_243[0] : i32 from vector<1xi32>
      %add3A_245 = vector.broadcast %squeeze3A_244 : i32 to vector<16xi32>
      %add3A_246 = arith.addi %iota3A, %add3A_245 : vector<16xi32>
      %ge3A = arith.constant 0 : i32
      %ge3A_247 = vector.broadcast %ge3A : i32 to vector<16xi32>
      %ge3A_248 = arith.cmpi sge, %add3A_246, %ge3A_247 : vector<16xi32>
      %lt3A_249 = arith.constant 512 : i32
      %lt3A_250 = vector.broadcast %lt3A_249 : i32 to vector<16xi32>
      %lt3A_251 = arith.cmpi slt, %add3A_246, %lt3A_250 : vector<16xi32>
      %and3A_252 = arith.andi %ge3A_248, %lt3A_251 : vector<16xi1>
      %lt3A_253 = arith.constant 13 : i32
      %lt3A_254 = vector.broadcast %lt3A_253 : i32 to vector<16xi32>
      %lt3A_255 = arith.cmpi slt, %iota3A, %lt3A_254 : vector<16xi32>
      %and3A_256 = arith.andi %and3A_252, %lt3A_255 : vector<16xi1>
      %and3A_257 = vector.broadcast %and3A : i1 to vector<16xi1>
      %and3A_258 = arith.andi %and3A_256, %and3A_257 : vector<16xi1>
      %add3A_259 = arith.constant 0 : i32
      %add3A_260 = arith.addi %mul3A_184, %add3A_259 : i32
      %broadcast_in_dim3A_261 = vector.broadcast %add3A_260 : i32 to vector<16xi32>
      tpu.vector_store_idx %arg8[%broadcast_in_dim3A_261, %add3A_246], %exp3A masked %and3A_258 : memref<112x512xf32, #tpu.memory_space<vmem>>[vector<16xi32>, vector<16xi32>], vector<16xf32>, vector<16xi1>
      %slice3A_262 = vector.extract_strided_slice %convert_element_type3A_237 {offsets = [1], sizes = [1], strides = [1]} : vector<16xi32> to vector<1xi32>
      %squeeze3A_263 = vector.extract %slice3A_262[0] : i32 from vector<1xi32>
      %ne3A_264 = arith.constant 0 : i32
      %ne3A_265 = arith.cmpi ne, %squeeze3A_263, %ne3A_264 : i32
      %add3A_266 = arith.constant 1 : i32
      %add3A_267 = arith.addi %mul3A_184, %add3A_266 : i32
      %lt3A_268 = arith.constant 112 : i32
      %lt3A_269 = arith.cmpi slt, %add3A_267, %lt3A_268 : i32
      %and3A_270 = arith.andi %ne3A_265, %lt3A_269 : i1
      %slice3A_271 = vector.extract_strided_slice %sub3A_196 {offsets = [1], sizes = [1], strides = [1]} : vector<16xi32> to vector<1xi32>
      %squeeze3A_272 = vector.extract %slice3A_271[0] : i32 from vector<1xi32>
      %add3A_273 = vector.broadcast %squeeze3A_272 : i32 to vector<16xi32>
      %add3A_274 = arith.addi %iota3A, %add3A_273 : vector<16xi32>
      %ge3A_275 = arith.constant 0 : i32
      %ge3A_276 = vector.broadcast %ge3A_275 : i32 to vector<16xi32>
      %ge3A_277 = arith.cmpi sge, %add3A_274, %ge3A_276 : vector<16xi32>
      %lt3A_278 = arith.constant 512 : i32
      %lt3A_279 = vector.broadcast %lt3A_278 : i32 to vector<16xi32>
      %lt3A_280 = arith.cmpi slt, %add3A_274, %lt3A_279 : vector<16xi32>
      %and3A_281 = arith.andi %ge3A_277, %lt3A_280 : vector<16xi1>
      %lt3A_282 = arith.constant 13 : i32
      %lt3A_283 = vector.broadcast %lt3A_282 : i32 to vector<16xi32>
      %lt3A_284 = arith.cmpi slt, %iota3A, %lt3A_283 : vector<16xi32>
      %and3A_285 = arith.andi %and3A_281, %lt3A_284 : vector<16xi1>
      %and3A_286 = vector.broadcast %and3A_270 : i1 to vector<16xi1>
      %and3A_287 = arith.andi %and3A_285, %and3A_286 : vector<16xi1>
      %add3A_288 = arith.constant 1 : i32
      %add3A_289 = arith.addi %mul3A_184, %add3A_288 : i32
      %broadcast_in_dim3A_290 = vector.broadcast %add3A_289 : i32 to vector<16xi32>
      tpu.vector_store_idx %arg8[%broadcast_in_dim3A_290, %add3A_274], %exp3A masked %and3A_287 : memref<112x512xf32, #tpu.memory_space<vmem>>[vector<16xi32>, vector<16xi32>], vector<16xf32>, vector<16xi1>
      %slice3A_291 = vector.extract_strided_slice %convert_element_type3A_237 {offsets = [2], sizes = [1], strides = [1]} : vector<16xi32> to vector<1xi32>
      %squeeze3A_292 = vector.extract %slice3A_291[0] : i32 from vector<1xi32>
      %ne3A_293 = arith.constant 0 : i32
      %ne3A_294 = arith.cmpi ne, %squeeze3A_292, %ne3A_293 : i32
      %add3A_295 = arith.constant 2 : i32
      %add3A_296 = arith.addi %mul3A_184, %add3A_295 : i32
      %lt3A_297 = arith.constant 112 : i32
      %lt3A_298 = arith.cmpi slt, %add3A_296, %lt3A_297 : i32
      %and3A_299 = arith.andi %ne3A_294, %lt3A_298 : i1
      %slice3A_300 = vector.extract_strided_slice %sub3A_196 {offsets = [2], sizes = [1], strides = [1]} : vector<16xi32> to vector<1xi32>
      %squeeze3A_301 = vector.extract %slice3A_300[0] : i32 from vector<1xi32>
      %add3A_302 = vector.broadcast %squeeze3A_301 : i32 to vector<16xi32>
      %add3A_303 = arith.addi %iota3A, %add3A_302 : vector<16xi32>
      %ge3A_304 = arith.constant 0 : i32
      %ge3A_305 = vector.broadcast %ge3A_304 : i32 to vector<16xi32>
      %ge3A_306 = arith.cmpi sge, %add3A_303, %ge3A_305 : vector<16xi32>
      %lt3A_307 = arith.constant 512 : i32
      %lt3A_308 = vector.broadcast %lt3A_307 : i32 to vector<16xi32>
      %lt3A_309 = arith.cmpi slt, %add3A_303, %lt3A_308 : vector<16xi32>
      %and3A_310 = arith.andi %ge3A_306, %lt3A_309 : vector<16xi1>
      %lt3A_311 = arith.constant 13 : i32
      %lt3A_312 = vector.broadcast %lt3A_311 : i32 to vector<16xi32>
      %lt3A_313 = arith.cmpi slt, %iota3A, %lt3A_312 : vector<16xi32>
      %and3A_314 = arith.andi %and3A_310, %lt3A_313 : vector<16xi1>
      %and3A_315 = vector.broadcast %and3A_299 : i1 to vector<16xi1>
      %and3A_316 = arith.andi %and3A_314, %and3A_315 : vector<16xi1>
      %add3A_317 = arith.constant 2 : i32
      %add3A_318 = arith.addi %mul3A_184, %add3A_317 : i32
      %broadcast_in_dim3A_319 = vector.broadcast %add3A_318 : i32 to vector<16xi32>
      tpu.vector_store_idx %arg8[%broadcast_in_dim3A_319, %add3A_303], %exp3A masked %and3A_316 : memref<112x512xf32, #tpu.memory_space<vmem>>[vector<16xi32>, vector<16xi32>], vector<16xf32>, vector<16xi1>
      %slice3A_320 = vector.extract_strided_slice %convert_element_type3A_237 {offsets = [3], sizes = [1], strides = [1]} : vector<16xi32> to vector<1xi32>
      %squeeze3A_321 = vector.extract %slice3A_320[0] : i32 from vector<1xi32>
      %ne3A_322 = arith.constant 0 : i32
      %ne3A_323 = arith.cmpi ne, %squeeze3A_321, %ne3A_322 : i32
      %add3A_324 = arith.constant 3 : i32
      %add3A_325 = arith.addi %mul3A_184, %add3A_324 : i32
      %lt3A_326 = arith.constant 112 : i32
      %lt3A_327 = arith.cmpi slt, %add3A_325, %lt3A_326 : i32
      %and3A_328 = arith.andi %ne3A_323, %lt3A_327 : i1
      %slice3A_329 = vector.extract_strided_slice %sub3A_196 {offsets = [3], sizes = [1], strides = [1]} : vector<16xi32> to vector<1xi32>
      %squeeze3A_330 = vector.extract %slice3A_329[0] : i32 from vector<1xi32>
      %add3A_331 = vector.broadcast %squeeze3A_330 : i32 to vector<16xi32>
      %add3A_332 = arith.addi %iota3A, %add3A_331 : vector<16xi32>
      %ge3A_333 = arith.constant 0 : i32
      %ge3A_334 = vector.broadcast %ge3A_333 : i32 to vector<16xi32>
      %ge3A_335 = arith.cmpi sge, %add3A_332, %ge3A_334 : vector<16xi32>
      %lt3A_336 = arith.constant 512 : i32
      %lt3A_337 = vector.broadcast %lt3A_336 : i32 to vector<16xi32>
      %lt3A_338 = arith.cmpi slt, %add3A_332, %lt3A_337 : vector<16xi32>
      %and3A_339 = arith.andi %ge3A_335, %lt3A_338 : vector<16xi1>
      %lt3A_340 = arith.constant 13 : i32
      %lt3A_341 = vector.broadcast %lt3A_340 : i32 to vector<16xi32>
      %lt3A_342 = arith.cmpi slt, %iota3A, %lt3A_341 : vector<16xi32>
      %and3A_343 = arith.andi %and3A_339, %lt3A_342 : vector<16xi1>
      %and3A_344 = vector.broadcast %and3A_328 : i1 to vector<16xi1>
      %and3A_345 = arith.andi %and3A_343, %and3A_344 : vector<16xi1>
      %add3A_346 = arith.constant 3 : i32
      %add3A_347 = arith.addi %mul3A_184, %add3A_346 : i32
      %broadcast_in_dim3A_348 = vector.broadcast %add3A_347 : i32 to vector<16xi32>
      tpu.vector_store_idx %arg8[%broadcast_in_dim3A_348, %add3A_332], %exp3A masked %and3A_345 : memref<112x512xf32, #tpu.memory_space<vmem>>[vector<16xi32>, vector<16xi32>], vector<16xf32>, vector<16xi1>
      %slice3A_349 = vector.extract_strided_slice %convert_element_type3A_237 {offsets = [4], sizes = [1], strides = [1]} : vector<16xi32> to vector<1xi32>
      %squeeze3A_350 = vector.extract %slice3A_349[0] : i32 from vector<1xi32>
      %ne3A_351 = arith.constant 0 : i32
      %ne3A_352 = arith.cmpi ne, %squeeze3A_350, %ne3A_351 : i32
      %add3A_353 = arith.constant 4 : i32
      %add3A_354 = arith.addi %mul3A_184, %add3A_353 : i32
      %lt3A_355 = arith.constant 112 : i32
      %lt3A_356 = arith.cmpi slt, %add3A_354, %lt3A_355 : i32
      %and3A_357 = arith.andi %ne3A_352, %lt3A_356 : i1
      %slice3A_358 = vector.extract_strided_slice %sub3A_196 {offsets = [4], sizes = [1], strides = [1]} : vector<16xi32> to vector<1xi32>
      %squeeze3A_359 = vector.extract %slice3A_358[0] : i32 from vector<1xi32>
      %add3A_360 = vector.broadcast %squeeze3A_359 : i32 to vector<16xi32>
      %add3A_361 = arith.addi %iota3A, %add3A_360 : vector<16xi32>
      %ge3A_362 = arith.constant 0 : i32
      %ge3A_363 = vector.broadcast %ge3A_362 : i32 to vector<16xi32>
      %ge3A_364 = arith.cmpi sge, %add3A_361, %ge3A_363 : vector<16xi32>
      %lt3A_365 = arith.constant 512 : i32
      %lt3A_366 = vector.broadcast %lt3A_365 : i32 to vector<16xi32>
      %lt3A_367 = arith.cmpi slt, %add3A_361, %lt3A_366 : vector<16xi32>
      %and3A_368 = arith.andi %ge3A_364, %lt3A_367 : vector<16xi1>
      %lt3A_369 = arith.constant 13 : i32
      %lt3A_370 = vector.broadcast %lt3A_369 : i32 to vector<16xi32>
      %lt3A_371 = arith.cmpi slt, %iota3A, %lt3A_370 : vector<16xi32>
      %and3A_372 = arith.andi %and3A_368, %lt3A_371 : vector<16xi1>
      %and3A_373 = vector.broadcast %and3A_357 : i1 to vector<16xi1>
      %and3A_374 = arith.andi %and3A_372, %and3A_373 : vector<16xi1>
      %add3A_375 = arith.constant 4 : i32
      %add3A_376 = arith.addi %mul3A_184, %add3A_375 : i32
      %broadcast_in_dim3A_377 = vector.broadcast %add3A_376 : i32 to vector<16xi32>
      tpu.vector_store_idx %arg8[%broadcast_in_dim3A_377, %add3A_361], %exp3A masked %and3A_374 : memref<112x512xf32, #tpu.memory_space<vmem>>[vector<16xi32>, vector<16xi32>], vector<16xf32>, vector<16xi1>
      %slice3A_378 = vector.extract_strided_slice %convert_element_type3A_237 {offsets = [5], sizes = [1], strides = [1]} : vector<16xi32> to vector<1xi32>
      %squeeze3A_379 = vector.extract %slice3A_378[0] : i32 from vector<1xi32>
      %ne3A_380 = arith.constant 0 : i32
      %ne3A_381 = arith.cmpi ne, %squeeze3A_379, %ne3A_380 : i32
      %add3A_382 = arith.constant 5 : i32
      %add3A_383 = arith.addi %mul3A_184, %add3A_382 : i32
      %lt3A_384 = arith.constant 112 : i32
      %lt3A_385 = arith.cmpi slt, %add3A_383, %lt3A_384 : i32
      %and3A_386 = arith.andi %ne3A_381, %lt3A_385 : i1
      %slice3A_387 = vector.extract_strided_slice %sub3A_196 {offsets = [5], sizes = [1], strides = [1]} : vector<16xi32> to vector<1xi32>
      %squeeze3A_388 = vector.extract %slice3A_387[0] : i32 from vector<1xi32>
      %add3A_389 = vector.broadcast %squeeze3A_388 : i32 to vector<16xi32>
      %add3A_390 = arith.addi %iota3A, %add3A_389 : vector<16xi32>
      %ge3A_391 = arith.constant 0 : i32
      %ge3A_392 = vector.broadcast %ge3A_391 : i32 to vector<16xi32>
      %ge3A_393 = arith.cmpi sge, %add3A_390, %ge3A_392 : vector<16xi32>
      %lt3A_394 = arith.constant 512 : i32
      %lt3A_395 = vector.broadcast %lt3A_394 : i32 to vector<16xi32>
      %lt3A_396 = arith.cmpi slt, %add3A_390, %lt3A_395 : vector<16xi32>
      %and3A_397 = arith.andi %ge3A_393, %lt3A_396 : vector<16xi1>
      %lt3A_398 = arith.constant 13 : i32
      %lt3A_399 = vector.broadcast %lt3A_398 : i32 to vector<16xi32>
      %lt3A_400 = arith.cmpi slt, %iota3A, %lt3A_399 : vector<16xi32>
      %and3A_401 = arith.andi %and3A_397, %lt3A_400 : vector<16xi1>
      %and3A_402 = vector.broadcast %and3A_386 : i1 to vector<16xi1>
      %and3A_403 = arith.andi %and3A_401, %and3A_402 : vector<16xi1>
      %add3A_404 = arith.constant 5 : i32
      %add3A_405 = arith.addi %mul3A_184, %add3A_404 : i32
      %broadcast_in_dim3A_406 = vector.broadcast %add3A_405 : i32 to vector<16xi32>
      tpu.vector_store_idx %arg8[%broadcast_in_dim3A_406, %add3A_390], %exp3A masked %and3A_403 : memref<112x512xf32, #tpu.memory_space<vmem>>[vector<16xi32>, vector<16xi32>], vector<16xf32>, vector<16xi1>
      %slice3A_407 = vector.extract_strided_slice %convert_element_type3A_237 {offsets = [6], sizes = [1], strides = [1]} : vector<16xi32> to vector<1xi32>
      %squeeze3A_408 = vector.extract %slice3A_407[0] : i32 from vector<1xi32>
      %ne3A_409 = arith.constant 0 : i32
      %ne3A_410 = arith.cmpi ne, %squeeze3A_408, %ne3A_409 : i32
      %add3A_411 = arith.constant 6 : i32
      %add3A_412 = arith.addi %mul3A_184, %add3A_411 : i32
      %lt3A_413 = arith.constant 112 : i32
      %lt3A_414 = arith.cmpi slt, %add3A_412, %lt3A_413 : i32
      %and3A_415 = arith.andi %ne3A_410, %lt3A_414 : i1
      %slice3A_416 = vector.extract_strided_slice %sub3A_196 {offsets = [6], sizes = [1], strides = [1]} : vector<16xi32> to vector<1xi32>
      %squeeze3A_417 = vector.extract %slice3A_416[0] : i32 from vector<1xi32>
      %add3A_418 = vector.broadcast %squeeze3A_417 : i32 to vector<16xi32>
      %add3A_419 = arith.addi %iota3A, %add3A_418 : vector<16xi32>
      %ge3A_420 = arith.constant 0 : i32
      %ge3A_421 = vector.broadcast %ge3A_420 : i32 to vector<16xi32>
      %ge3A_422 = arith.cmpi sge, %add3A_419, %ge3A_421 : vector<16xi32>
      %lt3A_423 = arith.constant 512 : i32
      %lt3A_424 = vector.broadcast %lt3A_423 : i32 to vector<16xi32>
      %lt3A_425 = arith.cmpi slt, %add3A_419, %lt3A_424 : vector<16xi32>
      %and3A_426 = arith.andi %ge3A_422, %lt3A_425 : vector<16xi1>
      %lt3A_427 = arith.constant 13 : i32
      %lt3A_428 = vector.broadcast %lt3A_427 : i32 to vector<16xi32>
      %lt3A_429 = arith.cmpi slt, %iota3A, %lt3A_428 : vector<16xi32>
      %and3A_430 = arith.andi %and3A_426, %lt3A_429 : vector<16xi1>
      %and3A_431 = vector.broadcast %and3A_415 : i1 to vector<16xi1>
      %and3A_432 = arith.andi %and3A_430, %and3A_431 : vector<16xi1>
      %add3A_433 = arith.constant 6 : i32
      %add3A_434 = arith.addi %mul3A_184, %add3A_433 : i32
      %broadcast_in_dim3A_435 = vector.broadcast %add3A_434 : i32 to vector<16xi32>
      tpu.vector_store_idx %arg8[%broadcast_in_dim3A_435, %add3A_419], %exp3A masked %and3A_432 : memref<112x512xf32, #tpu.memory_space<vmem>>[vector<16xi32>, vector<16xi32>], vector<16xf32>, vector<16xi1>
      %slice3A_436 = vector.extract_strided_slice %convert_element_type3A_237 {offsets = [7], sizes = [1], strides = [1]} : vector<16xi32> to vector<1xi32>
      %squeeze3A_437 = vector.extract %slice3A_436[0] : i32 from vector<1xi32>
      %ne3A_438 = arith.constant 0 : i32
      %ne3A_439 = arith.cmpi ne, %squeeze3A_437, %ne3A_438 : i32
      %add3A_440 = arith.constant 7 : i32
      %add3A_441 = arith.addi %mul3A_184, %add3A_440 : i32
      %lt3A_442 = arith.constant 112 : i32
      %lt3A_443 = arith.cmpi slt, %add3A_441, %lt3A_442 : i32
      %and3A_444 = arith.andi %ne3A_439, %lt3A_443 : i1
      %slice3A_445 = vector.extract_strided_slice %sub3A_196 {offsets = [7], sizes = [1], strides = [1]} : vector<16xi32> to vector<1xi32>
      %squeeze3A_446 = vector.extract %slice3A_445[0] : i32 from vector<1xi32>
      %add3A_447 = vector.broadcast %squeeze3A_446 : i32 to vector<16xi32>
      %add3A_448 = arith.addi %iota3A, %add3A_447 : vector<16xi32>
      %ge3A_449 = arith.constant 0 : i32
      %ge3A_450 = vector.broadcast %ge3A_449 : i32 to vector<16xi32>
      %ge3A_451 = arith.cmpi sge, %add3A_448, %ge3A_450 : vector<16xi32>
      %lt3A_452 = arith.constant 512 : i32
      %lt3A_453 = vector.broadcast %lt3A_452 : i32 to vector<16xi32>
      %lt3A_454 = arith.cmpi slt, %add3A_448, %lt3A_453 : vector<16xi32>
      %and3A_455 = arith.andi %ge3A_451, %lt3A_454 : vector<16xi1>
      %lt3A_456 = arith.constant 13 : i32
      %lt3A_457 = vector.broadcast %lt3A_456 : i32 to vector<16xi32>
      %lt3A_458 = arith.cmpi slt, %iota3A, %lt3A_457 : vector<16xi32>
      %and3A_459 = arith.andi %and3A_455, %lt3A_458 : vector<16xi1>
      %and3A_460 = vector.broadcast %and3A_444 : i1 to vector<16xi1>
      %and3A_461 = arith.andi %and3A_459, %and3A_460 : vector<16xi1>
      %add3A_462 = arith.constant 7 : i32
      %add3A_463 = arith.addi %mul3A_184, %add3A_462 : i32
      %broadcast_in_dim3A_464 = vector.broadcast %add3A_463 : i32 to vector<16xi32>
      tpu.vector_store_idx %arg8[%broadcast_in_dim3A_464, %add3A_448], %exp3A masked %and3A_461 : memref<112x512xf32, #tpu.memory_space<vmem>>[vector<16xi32>, vector<16xi32>], vector<16xf32>, vector<16xi1>
      %slice3A_465 = vector.extract_strided_slice %convert_element_type3A_237 {offsets = [8], sizes = [1], strides = [1]} : vector<16xi32> to vector<1xi32>
      %squeeze3A_466 = vector.extract %slice3A_465[0] : i32 from vector<1xi32>
      %ne3A_467 = arith.constant 0 : i32
      %ne3A_468 = arith.cmpi ne, %squeeze3A_466, %ne3A_467 : i32
      %add3A_469 = arith.constant 8 : i32
      %add3A_470 = arith.addi %mul3A_184, %add3A_469 : i32
      %lt3A_471 = arith.constant 112 : i32
      %lt3A_472 = arith.cmpi slt, %add3A_470, %lt3A_471 : i32
      %and3A_473 = arith.andi %ne3A_468, %lt3A_472 : i1
      %slice3A_474 = vector.extract_strided_slice %sub3A_196 {offsets = [8], sizes = [1], strides = [1]} : vector<16xi32> to vector<1xi32>
      %squeeze3A_475 = vector.extract %slice3A_474[0] : i32 from vector<1xi32>
      %add3A_476 = vector.broadcast %squeeze3A_475 : i32 to vector<16xi32>
      %add3A_477 = arith.addi %iota3A, %add3A_476 : vector<16xi32>
      %ge3A_478 = arith.constant 0 : i32
      %ge3A_479 = vector.broadcast %ge3A_478 : i32 to vector<16xi32>
      %ge3A_480 = arith.cmpi sge, %add3A_477, %ge3A_479 : vector<16xi32>
      %lt3A_481 = arith.constant 512 : i32
      %lt3A_482 = vector.broadcast %lt3A_481 : i32 to vector<16xi32>
      %lt3A_483 = arith.cmpi slt, %add3A_477, %lt3A_482 : vector<16xi32>
      %and3A_484 = arith.andi %ge3A_480, %lt3A_483 : vector<16xi1>
      %lt3A_485 = arith.constant 13 : i32
      %lt3A_486 = vector.broadcast %lt3A_485 : i32 to vector<16xi32>
      %lt3A_487 = arith.cmpi slt, %iota3A, %lt3A_486 : vector<16xi32>
      %and3A_488 = arith.andi %and3A_484, %lt3A_487 : vector<16xi1>
      %and3A_489 = vector.broadcast %and3A_473 : i1 to vector<16xi1>
      %and3A_490 = arith.andi %and3A_488, %and3A_489 : vector<16xi1>
      %add3A_491 = arith.constant 8 : i32
      %add3A_492 = arith.addi %mul3A_184, %add3A_491 : i32
      %broadcast_in_dim3A_493 = vector.broadcast %add3A_492 : i32 to vector<16xi32>
      tpu.vector_store_idx %arg8[%broadcast_in_dim3A_493, %add3A_477], %exp3A masked %and3A_490 : memref<112x512xf32, #tpu.memory_space<vmem>>[vector<16xi32>, vector<16xi32>], vector<16xf32>, vector<16xi1>
      %slice3A_494 = vector.extract_strided_slice %convert_element_type3A_237 {offsets = [9], sizes = [1], strides = [1]} : vector<16xi32> to vector<1xi32>
      %squeeze3A_495 = vector.extract %slice3A_494[0] : i32 from vector<1xi32>
      %ne3A_496 = arith.constant 0 : i32
      %ne3A_497 = arith.cmpi ne, %squeeze3A_495, %ne3A_496 : i32
      %add3A_498 = arith.constant 9 : i32
      %add3A_499 = arith.addi %mul3A_184, %add3A_498 : i32
      %lt3A_500 = arith.constant 112 : i32
      %lt3A_501 = arith.cmpi slt, %add3A_499, %lt3A_500 : i32
      %and3A_502 = arith.andi %ne3A_497, %lt3A_501 : i1
      %slice3A_503 = vector.extract_strided_slice %sub3A_196 {offsets = [9], sizes = [1], strides = [1]} : vector<16xi32> to vector<1xi32>
      %squeeze3A_504 = vector.extract %slice3A_503[0] : i32 from vector<1xi32>
      %add3A_505 = vector.broadcast %squeeze3A_504 : i32 to vector<16xi32>
      %add3A_506 = arith.addi %iota3A, %add3A_505 : vector<16xi32>
      %ge3A_507 = arith.constant 0 : i32
      %ge3A_508 = vector.broadcast %ge3A_507 : i32 to vector<16xi32>
      %ge3A_509 = arith.cmpi sge, %add3A_506, %ge3A_508 : vector<16xi32>
      %lt3A_510 = arith.constant 512 : i32
      %lt3A_511 = vector.broadcast %lt3A_510 : i32 to vector<16xi32>
      %lt3A_512 = arith.cmpi slt, %add3A_506, %lt3A_511 : vector<16xi32>
      %and3A_513 = arith.andi %ge3A_509, %lt3A_512 : vector<16xi1>
      %lt3A_514 = arith.constant 13 : i32
      %lt3A_515 = vector.broadcast %lt3A_514 : i32 to vector<16xi32>
      %lt3A_516 = arith.cmpi slt, %iota3A, %lt3A_515 : vector<16xi32>
      %and3A_517 = arith.andi %and3A_513, %lt3A_516 : vector<16xi1>
      %and3A_518 = vector.broadcast %and3A_502 : i1 to vector<16xi1>
      %and3A_519 = arith.andi %and3A_517, %and3A_518 : vector<16xi1>
      %add3A_520 = arith.constant 9 : i32
      %add3A_521 = arith.addi %mul3A_184, %add3A_520 : i32
      %broadcast_in_dim3A_522 = vector.broadcast %add3A_521 : i32 to vector<16xi32>
      tpu.vector_store_idx %arg8[%broadcast_in_dim3A_522, %add3A_506], %exp3A masked %and3A_519 : memref<112x512xf32, #tpu.memory_space<vmem>>[vector<16xi32>, vector<16xi32>], vector<16xf32>, vector<16xi1>
      %slice3A_523 = vector.extract_strided_slice %convert_element_type3A_237 {offsets = [10], sizes = [1], strides = [1]} : vector<16xi32> to vector<1xi32>
      %squeeze3A_524 = vector.extract %slice3A_523[0] : i32 from vector<1xi32>
      %ne3A_525 = arith.constant 0 : i32
      %ne3A_526 = arith.cmpi ne, %squeeze3A_524, %ne3A_525 : i32
      %add3A_527 = arith.constant 10 : i32
      %add3A_528 = arith.addi %mul3A_184, %add3A_527 : i32
      %lt3A_529 = arith.constant 112 : i32
      %lt3A_530 = arith.cmpi slt, %add3A_528, %lt3A_529 : i32
      %and3A_531 = arith.andi %ne3A_526, %lt3A_530 : i1
      %slice3A_532 = vector.extract_strided_slice %sub3A_196 {offsets = [10], sizes = [1], strides = [1]} : vector<16xi32> to vector<1xi32>
      %squeeze3A_533 = vector.extract %slice3A_532[0] : i32 from vector<1xi32>
      %add3A_534 = vector.broadcast %squeeze3A_533 : i32 to vector<16xi32>
      %add3A_535 = arith.addi %iota3A, %add3A_534 : vector<16xi32>
      %ge3A_536 = arith.constant 0 : i32
      %ge3A_537 = vector.broadcast %ge3A_536 : i32 to vector<16xi32>
      %ge3A_538 = arith.cmpi sge, %add3A_535, %ge3A_537 : vector<16xi32>
      %lt3A_539 = arith.constant 512 : i32
      %lt3A_540 = vector.broadcast %lt3A_539 : i32 to vector<16xi32>
      %lt3A_541 = arith.cmpi slt, %add3A_535, %lt3A_540 : vector<16xi32>
      %and3A_542 = arith.andi %ge3A_538, %lt3A_541 : vector<16xi1>
      %lt3A_543 = arith.constant 13 : i32
      %lt3A_544 = vector.broadcast %lt3A_543 : i32 to vector<16xi32>
      %lt3A_545 = arith.cmpi slt, %iota3A, %lt3A_544 : vector<16xi32>
      %and3A_546 = arith.andi %and3A_542, %lt3A_545 : vector<16xi1>
      %and3A_547 = vector.broadcast %and3A_531 : i1 to vector<16xi1>
      %and3A_548 = arith.andi %and3A_546, %and3A_547 : vector<16xi1>
      %add3A_549 = arith.constant 10 : i32
      %add3A_550 = arith.addi %mul3A_184, %add3A_549 : i32
      %broadcast_in_dim3A_551 = vector.broadcast %add3A_550 : i32 to vector<16xi32>
      tpu.vector_store_idx %arg8[%broadcast_in_dim3A_551, %add3A_535], %exp3A masked %and3A_548 : memref<112x512xf32, #tpu.memory_space<vmem>>[vector<16xi32>, vector<16xi32>], vector<16xf32>, vector<16xi1>
      %slice3A_552 = vector.extract_strided_slice %convert_element_type3A_237 {offsets = [11], sizes = [1], strides = [1]} : vector<16xi32> to vector<1xi32>
      %squeeze3A_553 = vector.extract %slice3A_552[0] : i32 from vector<1xi32>
      %ne3A_554 = arith.constant 0 : i32
      %ne3A_555 = arith.cmpi ne, %squeeze3A_553, %ne3A_554 : i32
      %add3A_556 = arith.constant 11 : i32
      %add3A_557 = arith.addi %mul3A_184, %add3A_556 : i32
      %lt3A_558 = arith.constant 112 : i32
      %lt3A_559 = arith.cmpi slt, %add3A_557, %lt3A_558 : i32
      %and3A_560 = arith.andi %ne3A_555, %lt3A_559 : i1
      %slice3A_561 = vector.extract_strided_slice %sub3A_196 {offsets = [11], sizes = [1], strides = [1]} : vector<16xi32> to vector<1xi32>
      %squeeze3A_562 = vector.extract %slice3A_561[0] : i32 from vector<1xi32>
      %add3A_563 = vector.broadcast %squeeze3A_562 : i32 to vector<16xi32>
      %add3A_564 = arith.addi %iota3A, %add3A_563 : vector<16xi32>
      %ge3A_565 = arith.constant 0 : i32
      %ge3A_566 = vector.broadcast %ge3A_565 : i32 to vector<16xi32>
      %ge3A_567 = arith.cmpi sge, %add3A_564, %ge3A_566 : vector<16xi32>
      %lt3A_568 = arith.constant 512 : i32
      %lt3A_569 = vector.broadcast %lt3A_568 : i32 to vector<16xi32>
      %lt3A_570 = arith.cmpi slt, %add3A_564, %lt3A_569 : vector<16xi32>
      %and3A_571 = arith.andi %ge3A_567, %lt3A_570 : vector<16xi1>
      %lt3A_572 = arith.constant 13 : i32
      %lt3A_573 = vector.broadcast %lt3A_572 : i32 to vector<16xi32>
      %lt3A_574 = arith.cmpi slt, %iota3A, %lt3A_573 : vector<16xi32>
      %and3A_575 = arith.andi %and3A_571, %lt3A_574 : vector<16xi1>
      %and3A_576 = vector.broadcast %and3A_560 : i1 to vector<16xi1>
      %and3A_577 = arith.andi %and3A_575, %and3A_576 : vector<16xi1>
      %add3A_578 = arith.constant 11 : i32
      %add3A_579 = arith.addi %mul3A_184, %add3A_578 : i32
      %broadcast_in_dim3A_580 = vector.broadcast %add3A_579 : i32 to vector<16xi32>
      tpu.vector_store_idx %arg8[%broadcast_in_dim3A_580, %add3A_564], %exp3A masked %and3A_577 : memref<112x512xf32, #tpu.memory_space<vmem>>[vector<16xi32>, vector<16xi32>], vector<16xf32>, vector<16xi1>
      %slice3A_581 = vector.extract_strided_slice %convert_element_type3A_237 {offsets = [12], sizes = [1], strides = [1]} : vector<16xi32> to vector<1xi32>
      %squeeze3A_582 = vector.extract %slice3A_581[0] : i32 from vector<1xi32>
      %ne3A_583 = arith.constant 0 : i32
      %ne3A_584 = arith.cmpi ne, %squeeze3A_582, %ne3A_583 : i32
      %add3A_585 = arith.constant 12 : i32
      %add3A_586 = arith.addi %mul3A_184, %add3A_585 : i32
      %lt3A_587 = arith.constant 112 : i32
      %lt3A_588 = arith.cmpi slt, %add3A_586, %lt3A_587 : i32
      %and3A_589 = arith.andi %ne3A_584, %lt3A_588 : i1
      %slice3A_590 = vector.extract_strided_slice %sub3A_196 {offsets = [12], sizes = [1], strides = [1]} : vector<16xi32> to vector<1xi32>
      %squeeze3A_591 = vector.extract %slice3A_590[0] : i32 from vector<1xi32>
      %add3A_592 = vector.broadcast %squeeze3A_591 : i32 to vector<16xi32>
      %add3A_593 = arith.addi %iota3A, %add3A_592 : vector<16xi32>
      %ge3A_594 = arith.constant 0 : i32
      %ge3A_595 = vector.broadcast %ge3A_594 : i32 to vector<16xi32>
      %ge3A_596 = arith.cmpi sge, %add3A_593, %ge3A_595 : vector<16xi32>
      %lt3A_597 = arith.constant 512 : i32
      %lt3A_598 = vector.broadcast %lt3A_597 : i32 to vector<16xi32>
      %lt3A_599 = arith.cmpi slt, %add3A_593, %lt3A_598 : vector<16xi32>
      %and3A_600 = arith.andi %ge3A_596, %lt3A_599 : vector<16xi1>
      %lt3A_601 = arith.constant 13 : i32
      %lt3A_602 = vector.broadcast %lt3A_601 : i32 to vector<16xi32>
      %lt3A_603 = arith.cmpi slt, %iota3A, %lt3A_602 : vector<16xi32>
      %and3A_604 = arith.andi %and3A_600, %lt3A_603 : vector<16xi1>
      %and3A_605 = vector.broadcast %and3A_589 : i1 to vector<16xi1>
      %and3A_606 = arith.andi %and3A_604, %and3A_605 : vector<16xi1>
      %add3A_607 = arith.constant 12 : i32
      %add3A_608 = arith.addi %mul3A_184, %add3A_607 : i32
      %broadcast_in_dim3A_609 = vector.broadcast %add3A_608 : i32 to vector<16xi32>
      tpu.vector_store_idx %arg8[%broadcast_in_dim3A_609, %add3A_593], %exp3A masked %and3A_606 : memref<112x512xf32, #tpu.memory_space<vmem>>[vector<16xi32>, vector<16xi32>], vector<16xf32>, vector<16xi1>
      %slice3A_610 = vector.extract_strided_slice %convert_element_type3A_237 {offsets = [13], sizes = [1], strides = [1]} : vector<16xi32> to vector<1xi32>
      %squeeze3A_611 = vector.extract %slice3A_610[0] : i32 from vector<1xi32>
      %ne3A_612 = arith.constant 0 : i32
      %ne3A_613 = arith.cmpi ne, %squeeze3A_611, %ne3A_612 : i32
      %add3A_614 = arith.constant 13 : i32
      %add3A_615 = arith.addi %mul3A_184, %add3A_614 : i32
      %lt3A_616 = arith.constant 112 : i32
      %lt3A_617 = arith.cmpi slt, %add3A_615, %lt3A_616 : i32
      %and3A_618 = arith.andi %ne3A_613, %lt3A_617 : i1
      %slice3A_619 = vector.extract_strided_slice %sub3A_196 {offsets = [13], sizes = [1], strides = [1]} : vector<16xi32> to vector<1xi32>
      %squeeze3A_620 = vector.extract %slice3A_619[0] : i32 from vector<1xi32>
      %add3A_621 = vector.broadcast %squeeze3A_620 : i32 to vector<16xi32>
      %add3A_622 = arith.addi %iota3A, %add3A_621 : vector<16xi32>
      %ge3A_623 = arith.constant 0 : i32
      %ge3A_624 = vector.broadcast %ge3A_623 : i32 to vector<16xi32>
      %ge3A_625 = arith.cmpi sge, %add3A_622, %ge3A_624 : vector<16xi32>
      %lt3A_626 = arith.constant 512 : i32
      %lt3A_627 = vector.broadcast %lt3A_626 : i32 to vector<16xi32>
      %lt3A_628 = arith.cmpi slt, %add3A_622, %lt3A_627 : vector<16xi32>
      %and3A_629 = arith.andi %ge3A_625, %lt3A_628 : vector<16xi1>
      %lt3A_630 = arith.constant 13 : i32
      %lt3A_631 = vector.broadcast %lt3A_630 : i32 to vector<16xi32>
      %lt3A_632 = arith.cmpi slt, %iota3A, %lt3A_631 : vector<16xi32>
      %and3A_633 = arith.andi %and3A_629, %lt3A_632 : vector<16xi1>
      %and3A_634 = vector.broadcast %and3A_618 : i1 to vector<16xi1>
      %and3A_635 = arith.andi %and3A_633, %and3A_634 : vector<16xi1>
      %add3A_636 = arith.constant 13 : i32
      %add3A_637 = arith.addi %mul3A_184, %add3A_636 : i32
      %broadcast_in_dim3A_638 = vector.broadcast %add3A_637 : i32 to vector<16xi32>
      tpu.vector_store_idx %arg8[%broadcast_in_dim3A_638, %add3A_622], %exp3A masked %and3A_635 : memref<112x512xf32, #tpu.memory_space<vmem>>[vector<16xi32>, vector<16xi32>], vector<16xf32>, vector<16xi1>
      %slice3A_639 = vector.extract_strided_slice %convert_element_type3A_237 {offsets = [14], sizes = [1], strides = [1]} : vector<16xi32> to vector<1xi32>
      %squeeze3A_640 = vector.extract %slice3A_639[0] : i32 from vector<1xi32>
      %ne3A_641 = arith.constant 0 : i32
      %ne3A_642 = arith.cmpi ne, %squeeze3A_640, %ne3A_641 : i32
      %add3A_643 = arith.constant 14 : i32
      %add3A_644 = arith.addi %mul3A_184, %add3A_643 : i32
      %lt3A_645 = arith.constant 112 : i32
      %lt3A_646 = arith.cmpi slt, %add3A_644, %lt3A_645 : i32
      %and3A_647 = arith.andi %ne3A_642, %lt3A_646 : i1
      %slice3A_648 = vector.extract_strided_slice %sub3A_196 {offsets = [14], sizes = [1], strides = [1]} : vector<16xi32> to vector<1xi32>
      %squeeze3A_649 = vector.extract %slice3A_648[0] : i32 from vector<1xi32>
      %add3A_650 = vector.broadcast %squeeze3A_649 : i32 to vector<16xi32>
      %add3A_651 = arith.addi %iota3A, %add3A_650 : vector<16xi32>
      %ge3A_652 = arith.constant 0 : i32
      %ge3A_653 = vector.broadcast %ge3A_652 : i32 to vector<16xi32>
      %ge3A_654 = arith.cmpi sge, %add3A_651, %ge3A_653 : vector<16xi32>
      %lt3A_655 = arith.constant 512 : i32
      %lt3A_656 = vector.broadcast %lt3A_655 : i32 to vector<16xi32>
      %lt3A_657 = arith.cmpi slt, %add3A_651, %lt3A_656 : vector<16xi32>
      %and3A_658 = arith.andi %ge3A_654, %lt3A_657 : vector<16xi1>
      %lt3A_659 = arith.constant 13 : i32
      %lt3A_660 = vector.broadcast %lt3A_659 : i32 to vector<16xi32>
      %lt3A_661 = arith.cmpi slt, %iota3A, %lt3A_660 : vector<16xi32>
      %and3A_662 = arith.andi %and3A_658, %lt3A_661 : vector<16xi1>
      %and3A_663 = vector.broadcast %and3A_647 : i1 to vector<16xi1>
      %and3A_664 = arith.andi %and3A_662, %and3A_663 : vector<16xi1>
      %add3A_665 = arith.constant 14 : i32
      %add3A_666 = arith.addi %mul3A_184, %add3A_665 : i32
      %broadcast_in_dim3A_667 = vector.broadcast %add3A_666 : i32 to vector<16xi32>
      tpu.vector_store_idx %arg8[%broadcast_in_dim3A_667, %add3A_651], %exp3A masked %and3A_664 : memref<112x512xf32, #tpu.memory_space<vmem>>[vector<16xi32>, vector<16xi32>], vector<16xf32>, vector<16xi1>
      %slice3A_668 = vector.extract_strided_slice %convert_element_type3A_237 {offsets = [15], sizes = [1], strides = [1]} : vector<16xi32> to vector<1xi32>
      %squeeze3A_669 = vector.extract %slice3A_668[0] : i32 from vector<1xi32>
      %ne3A_670 = arith.constant 0 : i32
      %ne3A_671 = arith.cmpi ne, %squeeze3A_669, %ne3A_670 : i32
      %add3A_672 = arith.constant 15 : i32
      %add3A_673 = arith.addi %mul3A_184, %add3A_672 : i32
      %lt3A_674 = arith.constant 112 : i32
      %lt3A_675 = arith.cmpi slt, %add3A_673, %lt3A_674 : i32
      %and3A_676 = arith.andi %ne3A_671, %lt3A_675 : i1
      %slice3A_677 = vector.extract_strided_slice %sub3A_196 {offsets = [15], sizes = [1], strides = [1]} : vector<16xi32> to vector<1xi32>
      %squeeze3A_678 = vector.extract %slice3A_677[0] : i32 from vector<1xi32>
      %add3A_679 = vector.broadcast %squeeze3A_678 : i32 to vector<16xi32>
      %add3A_680 = arith.addi %iota3A, %add3A_679 : vector<16xi32>
      %ge3A_681 = arith.constant 0 : i32
      %ge3A_682 = vector.broadcast %ge3A_681 : i32 to vector<16xi32>
      %ge3A_683 = arith.cmpi sge, %add3A_680, %ge3A_682 : vector<16xi32>
      %lt3A_684 = arith.constant 512 : i32
      %lt3A_685 = vector.broadcast %lt3A_684 : i32 to vector<16xi32>
      %lt3A_686 = arith.cmpi slt, %add3A_680, %lt3A_685 : vector<16xi32>
      %and3A_687 = arith.andi %ge3A_683, %lt3A_686 : vector<16xi1>
      %lt3A_688 = arith.constant 13 : i32
      %lt3A_689 = vector.broadcast %lt3A_688 : i32 to vector<16xi32>
      %lt3A_690 = arith.cmpi slt, %iota3A, %lt3A_689 : vector<16xi32>
      %and3A_691 = arith.andi %and3A_687, %lt3A_690 : vector<16xi1>
      %and3A_692 = vector.broadcast %and3A_676 : i1 to vector<16xi1>
      %and3A_693 = arith.andi %and3A_691, %and3A_692 : vector<16xi1>
      %add3A_694 = arith.constant 15 : i32
      %add3A_695 = arith.addi %mul3A_184, %add3A_694 : i32
      %broadcast_in_dim3A_696 = vector.broadcast %add3A_695 : i32 to vector<16xi32>
      tpu.vector_store_idx %arg8[%broadcast_in_dim3A_696, %add3A_680], %exp3A masked %and3A_693 : memref<112x512xf32, #tpu.memory_space<vmem>>[vector<16xi32>, vector<16xi32>], vector<16xf32>, vector<16xi1>
      %scan3A_697 = arith.constant 0 : i32
      scf.yield %scan3A_697 : i32
    }
    %scan3A_72 = arith.constant 7 : i32
    %add3A_73 = arith.constant 112 : i32
    %add3A_74 = arith.addi %mul3A_2, %add3A_73 : i32
    %dma_start3A_75 = arith.constant 0 : i32
    %dma_start3A_76 = arith.constant 0 : i32
    %dma_start3A_77 = tpu.memref_slice %arg8[%dma_start3A_75, %dma_start3A_76] : memref<112x512xf32, #tpu.memory_space<vmem>> -> memref<112x512xf32, #tpu.memory_space<vmem>>
    %dma_start3A_78 = arith.constant 0 : i32
    %dma_start3A_79 = tpu.memref_slice %arg4[%add3A_74, %dma_start3A_78] : memref<13568x512xf32, #tpu.memory_space<hbm>> -> memref<112x512xf32, #tpu.memory_space<hbm>>
    %dma_start3A_80 = arith.constant 0 : i32
    %dma_start3A_81 = tpu.memref_slice %arg4[%add3A_74, %dma_start3A_80] : memref<13568x512xf32, #tpu.memory_space<hbm>> -> memref<112x512xf32, #tpu.memory_space<hbm>>
    %dma_start3A_82 = arith.constant 0 : i32
    %dma_start3A_83 = arith.constant 0 : i32
    %dma_start3A_84 = tpu.memref_slice %arg8[%dma_start3A_82, %dma_start3A_83] : memref<112x512xf32, #tpu.memory_space<vmem>> -> memref<112x512xf32, #tpu.memory_space<vmem>>
    tpu.enqueue_dma source(%dma_start3A_84 : memref<112x512xf32, #tpu.memory_space<vmem>>) target(%dma_start3A_81 : memref<112x512xf32, #tpu.memory_space<hbm>>) target_semaphore(%arg12 : memref<!tpu.dma_semaphore, #tpu.memory_space<semaphore_mem>>)
    %dma_wait3A_85 = arith.constant 0 : i32
    %dma_wait3A_86 = arith.constant 0 : i32
    %dma_wait3A_87 = tpu.memref_slice %arg7[%dma_wait3A_85, %dma_wait3A_86] : memref<112x512xf32, #tpu.memory_space<vmem>> -> memref<112x512xf32, #tpu.memory_space<vmem>>
    %dma_wait3A_88 = arith.constant 0 : i32
    %dma_wait3A_89 = tpu.memref_slice %arg4[%add3A_55, %dma_wait3A_88] : memref<13568x512xf32, #tpu.memory_space<hbm>> -> memref<112x512xf32, #tpu.memory_space<hbm>>
    %dma_wait3A_90 = arith.constant 0 : i32
    %dma_wait3A_91 = tpu.memref_slice %arg4[%add3A_55, %dma_wait3A_90] : memref<13568x512xf32, #tpu.memory_space<hbm>> -> memref<112x512xf32, #tpu.memory_space<hbm>>
    %dma_wait3A_92 = arith.constant 0 : i32
    %dma_wait3A_93 = arith.constant 0 : i32
    %dma_wait3A_94 = tpu.memref_slice %arg7[%dma_wait3A_92, %dma_wait3A_93] : memref<112x512xf32, #tpu.memory_space<vmem>> -> memref<112x512xf32, #tpu.memory_space<vmem>>
    tpu.wait_dma2 semaphore(%arg11 : memref<!tpu.dma_semaphore, #tpu.memory_space<semaphore_mem>>) src(%dma_wait3A_94 : memref<112x512xf32, #tpu.memory_space<vmem>>) dst(%dma_wait3A_91 : memref<112x512xf32, #tpu.memory_space<hbm>>)
    %broadcast_in_dim3A_95 = arith.constant 0.000000e+00 : f32
    %broadcast_in_dim3A_96 = vector.broadcast %broadcast_in_dim3A_95 : f32 to vector<16xf32>
    %scan3A_97 = arith.constant 0 : i32
    %scan3A_98 = arith.constant 0 : i32
    %scan3A_99 = arith.constant 112 : i32
    %scan3A_100 = arith.addi %scan3A_98, %scan3A_99 : i32
    %scan3A_101 = arith.constant 1 : i32
    %scan3A_102 = scf.for %scan3A_181 = %scan3A_98 to %scan3A_100 step %scan3A_101 iter_args(%scan3A_182 = %scan3A_97) -> (i32)  : i32 {
      %swap3A = arith.index_cast %scan3A_181 : i32 to index
      %swap3A_183 = arith.constant 0 : index
      %swap3A_184 = tpu.vector_load %arg7[%swap3A, %swap3A_183] {strides = array<i32>} : memref<112x512xf32, #tpu.memory_space<vmem>>, vector<16xf32>,
      tpu.vector_store %arg7[%swap3A, %swap3A_183], %broadcast_in_dim3A_96 {strides = array<i32>} : memref<112x512xf32, #tpu.memory_space<vmem>>, vector<16xf32>,
      %swap3A_185 = arith.index_cast %scan3A_181 : i32 to index
      %swap3A_186 = arith.constant 16 : index
      %swap3A_187 = tpu.vector_load %arg7[%swap3A_185, %swap3A_186] {strides = array<i32>} : memref<112x512xf32, #tpu.memory_space<vmem>>, vector<16xf32>,
      tpu.vector_store %arg7[%swap3A_185, %swap3A_186], %broadcast_in_dim3A_96 {strides = array<i32>} : memref<112x512xf32, #tpu.memory_space<vmem>>, vector<16xf32>,
      %swap3A_188 = arith.index_cast %scan3A_181 : i32 to index
      %swap3A_189 = arith.constant 32 : index
      %swap3A_190 = tpu.vector_load %arg7[%swap3A_188, %swap3A_189] {strides = array<i32>} : memref<112x512xf32, #tpu.memory_space<vmem>>, vector<16xf32>,
      tpu.vector_store %arg7[%swap3A_188, %swap3A_189], %broadcast_in_dim3A_96 {strides = array<i32>} : memref<112x512xf32, #tpu.memory_space<vmem>>, vector<16xf32>,
      %swap3A_191 = arith.index_cast %scan3A_181 : i32 to index
      %swap3A_192 = arith.constant 48 : index
      %swap3A_193 = tpu.vector_load %arg7[%swap3A_191, %swap3A_192] {strides = array<i32>} : memref<112x512xf32, #tpu.memory_space<vmem>>, vector<16xf32>,
      tpu.vector_store %arg7[%swap3A_191, %swap3A_192], %broadcast_in_dim3A_96 {strides = array<i32>} : memref<112x512xf32, #tpu.memory_space<vmem>>, vector<16xf32>,
      %swap3A_194 = arith.index_cast %scan3A_181 : i32 to index
      %swap3A_195 = arith.constant 64 : index
      %swap3A_196 = tpu.vector_load %arg7[%swap3A_194, %swap3A_195] {strides = array<i32>} : memref<112x512xf32, #tpu.memory_space<vmem>>, vector<16xf32>,
      tpu.vector_store %arg7[%swap3A_194, %swap3A_195], %broadcast_in_dim3A_96 {strides = array<i32>} : memref<112x512xf32, #tpu.memory_space<vmem>>, vector<16xf32>,
      %swap3A_197 = arith.index_cast %scan3A_181 : i32 to index
      %swap3A_198 = arith.constant 80 : index
      %swap3A_199 = tpu.vector_load %arg7[%swap3A_197, %swap3A_198] {strides = array<i32>} : memref<112x512xf32, #tpu.memory_space<vmem>>, vector<16xf32>,
      tpu.vector_store %arg7[%swap3A_197, %swap3A_198], %broadcast_in_dim3A_96 {strides = array<i32>} : memref<112x512xf32, #tpu.memory_space<vmem>>, vector<16xf32>,
      %swap3A_200 = arith.index_cast %scan3A_181 : i32 to index
      %swap3A_201 = arith.constant 96 : index
      %swap3A_202 = tpu.vector_load %arg7[%swap3A_200, %swap3A_201] {strides = array<i32>} : memref<112x512xf32, #tpu.memory_space<vmem>>, vector<16xf32>,
      tpu.vector_store %arg7[%swap3A_200, %swap3A_201], %broadcast_in_dim3A_96 {strides = array<i32>} : memref<112x512xf32, #tpu.memory_space<vmem>>, vector<16xf32>,
      %swap3A_203 = arith.index_cast %scan3A_181 : i32 to index
      %swap3A_204 = arith.constant 112 : index
      %swap3A_205 = tpu.vector_load %arg7[%swap3A_203, %swap3A_204] {strides = array<i32>} : memref<112x512xf32, #tpu.memory_space<vmem>>, vector<16xf32>,
      tpu.vector_store %arg7[%swap3A_203, %swap3A_204], %broadcast_in_dim3A_96 {strides = array<i32>} : memref<112x512xf32, #tpu.memory_space<vmem>>, vector<16xf32>,
      %swap3A_206 = arith.index_cast %scan3A_181 : i32 to index
      %swap3A_207 = arith.constant 128 : index
      %swap3A_208 = tpu.vector_load %arg7[%swap3A_206, %swap3A_207] {strides = array<i32>} : memref<112x512xf32, #tpu.memory_space<vmem>>, vector<16xf32>,
      tpu.vector_store %arg7[%swap3A_206, %swap3A_207], %broadcast_in_dim3A_96 {strides = array<i32>} : memref<112x512xf32, #tpu.memory_space<vmem>>, vector<16xf32>,
      %swap3A_209 = arith.index_cast %scan3A_181 : i32 to index
      %swap3A_210 = arith.constant 144 : index
      %swap3A_211 = tpu.vector_load %arg7[%swap3A_209, %swap3A_210] {strides = array<i32>} : memref<112x512xf32, #tpu.memory_space<vmem>>, vector<16xf32>,
      tpu.vector_store %arg7[%swap3A_209, %swap3A_210], %broadcast_in_dim3A_96 {strides = array<i32>} : memref<112x512xf32, #tpu.memory_space<vmem>>, vector<16xf32>,
      %swap3A_212 = arith.index_cast %scan3A_181 : i32 to index
      %swap3A_213 = arith.constant 160 : index
      %swap3A_214 = tpu.vector_load %arg7[%swap3A_212, %swap3A_213] {strides = array<i32>} : memref<112x512xf32, #tpu.memory_space<vmem>>, vector<16xf32>,
      tpu.vector_store %arg7[%swap3A_212, %swap3A_213], %broadcast_in_dim3A_96 {strides = array<i32>} : memref<112x512xf32, #tpu.memory_space<vmem>>, vector<16xf32>,
      %swap3A_215 = arith.index_cast %scan3A_181 : i32 to index
      %swap3A_216 = arith.constant 176 : index
      %swap3A_217 = tpu.vector_load %arg7[%swap3A_215, %swap3A_216] {strides = array<i32>} : memref<112x512xf32, #tpu.memory_space<vmem>>, vector<16xf32>,
      tpu.vector_store %arg7[%swap3A_215, %swap3A_216], %broadcast_in_dim3A_96 {strides = array<i32>} : memref<112x512xf32, #tpu.memory_space<vmem>>, vector<16xf32>,
      %swap3A_218 = arith.index_cast %scan3A_181 : i32 to index
      %swap3A_219 = arith.constant 192 : index
      %swap3A_220 = tpu.vector_load %arg7[%swap3A_218, %swap3A_219] {strides = array<i32>} : memref<112x512xf32, #tpu.memory_space<vmem>>, vector<16xf32>,
      tpu.vector_store %arg7[%swap3A_218, %swap3A_219], %broadcast_in_dim3A_96 {strides = array<i32>} : memref<112x512xf32, #tpu.memory_space<vmem>>, vector<16xf32>,
      %swap3A_221 = arith.index_cast %scan3A_181 : i32 to index
      %swap3A_222 = arith.constant 208 : index
      %swap3A_223 = tpu.vector_load %arg7[%swap3A_221, %swap3A_222] {strides = array<i32>} : memref<112x512xf32, #tpu.memory_space<vmem>>, vector<16xf32>,
      tpu.vector_store %arg7[%swap3A_221, %swap3A_222], %broadcast_in_dim3A_96 {strides = array<i32>} : memref<112x512xf32, #tpu.memory_space<vmem>>, vector<16xf32>,
      %swap3A_224 = arith.index_cast %scan3A_181 : i32 to index
      %swap3A_225 = arith.constant 224 : index
      %swap3A_226 = tpu.vector_load %arg7[%swap3A_224, %swap3A_225] {strides = array<i32>} : memref<112x512xf32, #tpu.memory_space<vmem>>, vector<16xf32>,
      tpu.vector_store %arg7[%swap3A_224, %swap3A_225], %broadcast_in_dim3A_96 {strides = array<i32>} : memref<112x512xf32, #tpu.memory_space<vmem>>, vector<16xf32>,
      %swap3A_227 = arith.index_cast %scan3A_181 : i32 to index
      %swap3A_228 = arith.constant 240 : index
      %swap3A_229 = tpu.vector_load %arg7[%swap3A_227, %swap3A_228] {strides = array<i32>} : memref<112x512xf32, #tpu.memory_space<vmem>>, vector<16xf32>,
      tpu.vector_store %arg7[%swap3A_227, %swap3A_228], %broadcast_in_dim3A_96 {strides = array<i32>} : memref<112x512xf32, #tpu.memory_space<vmem>>, vector<16xf32>,
      %swap3A_230 = arith.index_cast %scan3A_181 : i32 to index
      %swap3A_231 = arith.constant 256 : index
      %swap3A_232 = tpu.vector_load %arg7[%swap3A_230, %swap3A_231] {strides = array<i32>} : memref<112x512xf32, #tpu.memory_space<vmem>>, vector<16xf32>,
      tpu.vector_store %arg7[%swap3A_230, %swap3A_231], %broadcast_in_dim3A_96 {strides = array<i32>} : memref<112x512xf32, #tpu.memory_space<vmem>>, vector<16xf32>,
      %swap3A_233 = arith.index_cast %scan3A_181 : i32 to index
      %swap3A_234 = arith.constant 272 : index
      %swap3A_235 = tpu.vector_load %arg7[%swap3A_233, %swap3A_234] {strides = array<i32>} : memref<112x512xf32, #tpu.memory_space<vmem>>, vector<16xf32>,
      tpu.vector_store %arg7[%swap3A_233, %swap3A_234], %broadcast_in_dim3A_96 {strides = array<i32>} : memref<112x512xf32, #tpu.memory_space<vmem>>, vector<16xf32>,
      %swap3A_236 = arith.index_cast %scan3A_181 : i32 to index
      %swap3A_237 = arith.constant 288 : index
      %swap3A_238 = tpu.vector_load %arg7[%swap3A_236, %swap3A_237] {strides = array<i32>} : memref<112x512xf32, #tpu.memory_space<vmem>>, vector<16xf32>,
      tpu.vector_store %arg7[%swap3A_236, %swap3A_237], %broadcast_in_dim3A_96 {strides = array<i32>} : memref<112x512xf32, #tpu.memory_space<vmem>>, vector<16xf32>,
      %swap3A_239 = arith.index_cast %scan3A_181 : i32 to index
      %swap3A_240 = arith.constant 304 : index
      %swap3A_241 = tpu.vector_load %arg7[%swap3A_239, %swap3A_240] {strides = array<i32>} : memref<112x512xf32, #tpu.memory_space<vmem>>, vector<16xf32>,
      tpu.vector_store %arg7[%swap3A_239, %swap3A_240], %broadcast_in_dim3A_96 {strides = array<i32>} : memref<112x512xf32, #tpu.memory_space<vmem>>, vector<16xf32>,
      %swap3A_242 = arith.index_cast %scan3A_181 : i32 to index
      %swap3A_243 = arith.constant 320 : index
      %swap3A_244 = tpu.vector_load %arg7[%swap3A_242, %swap3A_243] {strides = array<i32>} : memref<112x512xf32, #tpu.memory_space<vmem>>, vector<16xf32>,
      tpu.vector_store %arg7[%swap3A_242, %swap3A_243], %broadcast_in_dim3A_96 {strides = array<i32>} : memref<112x512xf32, #tpu.memory_space<vmem>>, vector<16xf32>,
      %swap3A_245 = arith.index_cast %scan3A_181 : i32 to index
      %swap3A_246 = arith.constant 336 : index
      %swap3A_247 = tpu.vector_load %arg7[%swap3A_245, %swap3A_246] {strides = array<i32>} : memref<112x512xf32, #tpu.memory_space<vmem>>, vector<16xf32>,
      tpu.vector_store %arg7[%swap3A_245, %swap3A_246], %broadcast_in_dim3A_96 {strides = array<i32>} : memref<112x512xf32, #tpu.memory_space<vmem>>, vector<16xf32>,
      %swap3A_248 = arith.index_cast %scan3A_181 : i32 to index
      %swap3A_249 = arith.constant 352 : index
      %swap3A_250 = tpu.vector_load %arg7[%swap3A_248, %swap3A_249] {strides = array<i32>} : memref<112x512xf32, #tpu.memory_space<vmem>>, vector<16xf32>,
      tpu.vector_store %arg7[%swap3A_248, %swap3A_249], %broadcast_in_dim3A_96 {strides = array<i32>} : memref<112x512xf32, #tpu.memory_space<vmem>>, vector<16xf32>,
      %swap3A_251 = arith.index_cast %scan3A_181 : i32 to index
      %swap3A_252 = arith.constant 368 : index
      %swap3A_253 = tpu.vector_load %arg7[%swap3A_251, %swap3A_252] {strides = array<i32>} : memref<112x512xf32, #tpu.memory_space<vmem>>, vector<16xf32>,
      tpu.vector_store %arg7[%swap3A_251, %swap3A_252], %broadcast_in_dim3A_96 {strides = array<i32>} : memref<112x512xf32, #tpu.memory_space<vmem>>, vector<16xf32>,
      %swap3A_254 = arith.index_cast %scan3A_181 : i32 to index
      %swap3A_255 = arith.constant 384 : index
      %swap3A_256 = tpu.vector_load %arg7[%swap3A_254, %swap3A_255] {strides = array<i32>} : memref<112x512xf32, #tpu.memory_space<vmem>>, vector<16xf32>,
      tpu.vector_store %arg7[%swap3A_254, %swap3A_255], %broadcast_in_dim3A_96 {strides = array<i32>} : memref<112x512xf32, #tpu.memory_space<vmem>>, vector<16xf32>,
      %swap3A_257 = arith.index_cast %scan3A_181 : i32 to index
      %swap3A_258 = arith.constant 400 : index
      %swap3A_259 = tpu.vector_load %arg7[%swap3A_257, %swap3A_258] {strides = array<i32>} : memref<112x512xf32, #tpu.memory_space<vmem>>, vector<16xf32>,
      tpu.vector_store %arg7[%swap3A_257, %swap3A_258], %broadcast_in_dim3A_96 {strides = array<i32>} : memref<112x512xf32, #tpu.memory_space<vmem>>, vector<16xf32>,
      %swap3A_260 = arith.index_cast %scan3A_181 : i32 to index
      %swap3A_261 = arith.constant 416 : index
      %swap3A_262 = tpu.vector_load %arg7[%swap3A_260, %swap3A_261] {strides = array<i32>} : memref<112x512xf32, #tpu.memory_space<vmem>>, vector<16xf32>,
      tpu.vector_store %arg7[%swap3A_260, %swap3A_261], %broadcast_in_dim3A_96 {strides = array<i32>} : memref<112x512xf32, #tpu.memory_space<vmem>>, vector<16xf32>,
      %swap3A_263 = arith.index_cast %scan3A_181 : i32 to index
      %swap3A_264 = arith.constant 432 : index
      %swap3A_265 = tpu.vector_load %arg7[%swap3A_263, %swap3A_264] {strides = array<i32>} : memref<112x512xf32, #tpu.memory_space<vmem>>, vector<16xf32>,
      tpu.vector_store %arg7[%swap3A_263, %swap3A_264], %broadcast_in_dim3A_96 {strides = array<i32>} : memref<112x512xf32, #tpu.memory_space<vmem>>, vector<16xf32>,
      %swap3A_266 = arith.index_cast %scan3A_181 : i32 to index
      %swap3A_267 = arith.constant 448 : index
      %swap3A_268 = tpu.vector_load %arg7[%swap3A_266, %swap3A_267] {strides = array<i32>} : memref<112x512xf32, #tpu.memory_space<vmem>>, vector<16xf32>,
      tpu.vector_store %arg7[%swap3A_266, %swap3A_267], %broadcast_in_dim3A_96 {strides = array<i32>} : memref<112x512xf32, #tpu.memory_space<vmem>>, vector<16xf32>,
      %swap3A_269 = arith.index_cast %scan3A_181 : i32 to index
      %swap3A_270 = arith.constant 464 : index
      %swap3A_271 = tpu.vector_load %arg7[%swap3A_269, %swap3A_270] {strides = array<i32>} : memref<112x512xf32, #tpu.memory_space<vmem>>, vector<16xf32>,
      tpu.vector_store %arg7[%swap3A_269, %swap3A_270], %broadcast_in_dim3A_96 {strides = array<i32>} : memref<112x512xf32, #tpu.memory_space<vmem>>, vector<16xf32>,
      %swap3A_272 = arith.index_cast %scan3A_181 : i32 to index
      %swap3A_273 = arith.constant 480 : index
      %swap3A_274 = tpu.vector_load %arg7[%swap3A_272, %swap3A_273] {strides = array<i32>} : memref<112x512xf32, #tpu.memory_space<vmem>>, vector<16xf32>,
      tpu.vector_store %arg7[%swap3A_272, %swap3A_273], %broadcast_in_dim3A_96 {strides = array<i32>} : memref<112x512xf32, #tpu.memory_space<vmem>>, vector<16xf32>,
      %swap3A_275 = arith.index_cast %scan3A_181 : i32 to index
      %swap3A_276 = arith.constant 496 : index
      %swap3A_277 = tpu.vector_load %arg7[%swap3A_275, %swap3A_276] {strides = array<i32>} : memref<112x512xf32, #tpu.memory_space<vmem>>, vector<16xf32>,
      tpu.vector_store %arg7[%swap3A_275, %swap3A_276], %broadcast_in_dim3A_96 {strides = array<i32>} : memref<112x512xf32, #tpu.memory_space<vmem>>, vector<16xf32>,
      %scan3A_278 = arith.constant 0 : i32
      scf.yield %scan3A_278 : i32
    }
    %scan3A_103 = arith.constant 112 : i32
    %scan3A_104 = arith.constant 0 : i32
    %scan3A_105 = arith.constant 0 : i32
    %scan3A_106 = arith.constant 7 : i32
    %scan3A_107 = arith.addi %scan3A_105, %scan3A_106 : i32
    %scan3A_108 = arith.constant 1 : i32
    %scan3A_109 = scf.for %scan3A_181 = %scan3A_105 to %scan3A_107 step %scan3A_108 iter_args(%scan3A_182 = %scan3A_104) -> (i32)  : i32 {
      %mul3A_183 = arith.constant 16 : i32
      %mul3A_184 = arith.muli %scan3A_181, %mul3A_183 : i32
      %add3A_185 = arith.constant 224 : i32
      %add3A_186 = arith.addi %add3A_185, %mul3A_184 : i32
      %get3A = arith.index_cast %add3A_186 : i32 to index
      %get3A_187 = tpu.vector_load %arg5[%get3A] {strides = array<i32>} : memref<448xf32, #tpu.memory_space<vmem>>, vector<16xf32>,
      %convert_element_type3A_188 = arith.fptosi %get3A_187 : vector<16xf32> to vector<16xi32>
      %add3A_189 = arith.constant 224 : i32
      %add3A_190 = arith.addi %add3A_189, %mul3A_184 : i32
      %get3A_191 = arith.index_cast %add3A_190 : i32 to index
      %get3A_192 = tpu.vector_load %arg6[%get3A_191] {strides = array<i32>} : memref<448xf32, #tpu.memory_space<vmem>>, vector<16xf32>,
      %convert_element_type3A_193 = arith.fptosi %get3A_192 : vector<16xf32> to vector<16xi32>
      %sub3A_194 = arith.constant 6 : i32
      %sub3A_195 = vector.broadcast %sub3A_194 : i32 to vector<16xi32>
      %sub3A_196 = arith.subi %convert_element_type3A_188, %sub3A_195 : vector<16xi32>
      %sub3A_197 = arith.constant 6 : i32
      %sub3A_198 = vector.broadcast %sub3A_197 : i32 to vector<16xi32>
      %sub3A_199 = arith.subi %convert_element_type3A_193, %sub3A_198 : vector<16xi32>
      %add3A_200 = arith.constant 7 : i32
      %add3A_201 = vector.broadcast %add3A_200 : i32 to vector<16xi32>
      %add3A_202 = arith.addi %convert_element_type3A_188, %add3A_201 : vector<16xi32>
      %add3A_203 = arith.constant 7 : i32
      %add3A_204 = vector.broadcast %add3A_203 : i32 to vector<16xi32>
      %add3A_205 = arith.addi %convert_element_type3A_193, %add3A_204 : vector<16xi32>
      %lt3A = arith.constant 0 : i32
      %lt3A_206 = vector.broadcast %lt3A : i32 to vector<16xi32>
      %lt3A_207 = arith.cmpi slt, %sub3A_196, %lt3A_206 : vector<16xi32>
      %gt3A = arith.constant 512 : i32
      %gt3A_208 = vector.broadcast %gt3A : i32 to vector<16xi32>
      %gt3A_209 = arith.cmpi sgt, %sub3A_196, %gt3A_208 : vector<16xi32>
      %or3A = arith.ori %lt3A_207, %gt3A_209 : vector<16xi1>
      %lt3A_210 = arith.constant 0 : i32
      %lt3A_211 = vector.broadcast %lt3A_210 : i32 to vector<16xi32>
      %lt3A_212 = arith.cmpi slt, %sub3A_199, %lt3A_211 : vector<16xi32>
      %or3A_213 = arith.ori %or3A, %lt3A_212 : vector<16xi1>
      %gt3A_214 = arith.constant 512 : i32
      %gt3A_215 = vector.broadcast %gt3A_214 : i32 to vector<16xi32>
      %gt3A_216 = arith.cmpi sgt, %sub3A_199, %gt3A_215 : vector<16xi32>
      %or3A_217 = arith.ori %or3A_213, %gt3A_216 : vector<16xi1>
      %not3A = arith.constant dense<true> : vector<16xi1>
      %not3A_218 = arith.xori %or3A_217, %not3A : vector<16xi1>
      %lt3A_219 = arith.constant 0 : i32
      %lt3A_220 = vector.broadcast %lt3A_219 : i32 to vector<16xi32>
      %lt3A_221 = arith.cmpi slt, %add3A_202, %lt3A_220 : vector<16xi32>
      %gt3A_222 = arith.constant 512 : i32
      %gt3A_223 = vector.broadcast %gt3A_222 : i32 to vector<16xi32>
      %gt3A_224 = arith.cmpi sgt, %add3A_202, %gt3A_223 : vector<16xi32>
      %or3A_225 = arith.ori %lt3A_221, %gt3A_224 : vector<16xi1>
      %lt3A_226 = arith.constant 0 : i32
      %lt3A_227 = vector.broadcast %lt3A_226 : i32 to vector<16xi32>
      %lt3A_228 = arith.cmpi slt, %add3A_205, %lt3A_227 : vector<16xi32>
      %or3A_229 = arith.ori %or3A_225, %lt3A_228 : vector<16xi1>
      %gt3A_230 = arith.constant 512 : i32
      %gt3A_231 = vector.broadcast %gt3A_230 : i32 to vector<16xi32>
      %gt3A_232 = arith.cmpi sgt, %add3A_205, %gt3A_231 : vector<16xi32>
      %or3A_233 = arith.ori %or3A_229, %gt3A_232 : vector<16xi1>
      %not3A_234 = arith.constant dense<true> : vector<16xi1>
      %not3A_235 = arith.xori %or3A_233, %not3A_234 : vector<16xi1>
      %or3A_236 = arith.ori %not3A_218, %not3A_235 : vector<16xi1>
      %convert_element_type3A_237 = arith.extui %or3A_236 : vector<16xi1> to vector<16xi32>
      %slice3A = vector.extract_strided_slice %convert_element_type3A_237 {offsets = [0], sizes = [1], strides = [1]} : vector<16xi32> to vector<1xi32>
      %squeeze3A = vector.extract %slice3A[0] : i32 from vector<1xi32>
      %ne3A = arith.constant 0 : i32
      %ne3A_238 = arith.cmpi ne, %squeeze3A, %ne3A : i32
      %add3A_239 = arith.constant 0 : i32
      %add3A_240 = arith.addi %mul3A_184, %add3A_239 : i32
      %lt3A_241 = arith.constant 112 : i32
      %lt3A_242 = arith.cmpi slt, %add3A_240, %lt3A_241 : i32
      %and3A = arith.andi %ne3A_238, %lt3A_242 : i1
      %slice3A_243 = vector.extract_strided_slice %sub3A_196 {offsets = [0], sizes = [1], strides = [1]} : vector<16xi32> to vector<1xi32>
      %squeeze3A_244 = vector.extract %slice3A_243[0] : i32 from vector<1xi32>
      %add3A_245 = vector.broadcast %squeeze3A_244 : i32 to vector<16xi32>
      %add3A_246 = arith.addi %iota3A, %add3A_245 : vector<16xi32>
      %ge3A = arith.constant 0 : i32
      %ge3A_247 = vector.broadcast %ge3A : i32 to vector<16xi32>
      %ge3A_248 = arith.cmpi sge, %add3A_246, %ge3A_247 : vector<16xi32>
      %lt3A_249 = arith.constant 512 : i32
      %lt3A_250 = vector.broadcast %lt3A_249 : i32 to vector<16xi32>
      %lt3A_251 = arith.cmpi slt, %add3A_246, %lt3A_250 : vector<16xi32>
      %and3A_252 = arith.andi %ge3A_248, %lt3A_251 : vector<16xi1>
      %lt3A_253 = arith.constant 13 : i32
      %lt3A_254 = vector.broadcast %lt3A_253 : i32 to vector<16xi32>
      %lt3A_255 = arith.cmpi slt, %iota3A, %lt3A_254 : vector<16xi32>
      %and3A_256 = arith.andi %and3A_252, %lt3A_255 : vector<16xi1>
      %and3A_257 = vector.broadcast %and3A : i1 to vector<16xi1>
      %and3A_258 = arith.andi %and3A_256, %and3A_257 : vector<16xi1>
      %add3A_259 = arith.constant 0 : i32
      %add3A_260 = arith.addi %mul3A_184, %add3A_259 : i32
      %broadcast_in_dim3A_261 = vector.broadcast %add3A_260 : i32 to vector<16xi32>
      tpu.vector_store_idx %arg7[%broadcast_in_dim3A_261, %add3A_246], %exp3A masked %and3A_258 : memref<112x512xf32, #tpu.memory_space<vmem>>[vector<16xi32>, vector<16xi32>], vector<16xf32>, vector<16xi1>
      %slice3A_262 = vector.extract_strided_slice %convert_element_type3A_237 {offsets = [1], sizes = [1], strides = [1]} : vector<16xi32> to vector<1xi32>
      %squeeze3A_263 = vector.extract %slice3A_262[0] : i32 from vector<1xi32>
      %ne3A_264 = arith.constant 0 : i32
      %ne3A_265 = arith.cmpi ne, %squeeze3A_263, %ne3A_264 : i32
      %add3A_266 = arith.constant 1 : i32
      %add3A_267 = arith.addi %mul3A_184, %add3A_266 : i32
      %lt3A_268 = arith.constant 112 : i32
      %lt3A_269 = arith.cmpi slt, %add3A_267, %lt3A_268 : i32
      %and3A_270 = arith.andi %ne3A_265, %lt3A_269 : i1
      %slice3A_271 = vector.extract_strided_slice %sub3A_196 {offsets = [1], sizes = [1], strides = [1]} : vector<16xi32> to vector<1xi32>
      %squeeze3A_272 = vector.extract %slice3A_271[0] : i32 from vector<1xi32>
      %add3A_273 = vector.broadcast %squeeze3A_272 : i32 to vector<16xi32>
      %add3A_274 = arith.addi %iota3A, %add3A_273 : vector<16xi32>
      %ge3A_275 = arith.constant 0 : i32
      %ge3A_276 = vector.broadcast %ge3A_275 : i32 to vector<16xi32>
      %ge3A_277 = arith.cmpi sge, %add3A_274, %ge3A_276 : vector<16xi32>
      %lt3A_278 = arith.constant 512 : i32
      %lt3A_279 = vector.broadcast %lt3A_278 : i32 to vector<16xi32>
      %lt3A_280 = arith.cmpi slt, %add3A_274, %lt3A_279 : vector<16xi32>
      %and3A_281 = arith.andi %ge3A_277, %lt3A_280 : vector<16xi1>
      %lt3A_282 = arith.constant 13 : i32
      %lt3A_283 = vector.broadcast %lt3A_282 : i32 to vector<16xi32>
      %lt3A_284 = arith.cmpi slt, %iota3A, %lt3A_283 : vector<16xi32>
      %and3A_285 = arith.andi %and3A_281, %lt3A_284 : vector<16xi1>
      %and3A_286 = vector.broadcast %and3A_270 : i1 to vector<16xi1>
      %and3A_287 = arith.andi %and3A_285, %and3A_286 : vector<16xi1>
      %add3A_288 = arith.constant 1 : i32
      %add3A_289 = arith.addi %mul3A_184, %add3A_288 : i32
      %broadcast_in_dim3A_290 = vector.broadcast %add3A_289 : i32 to vector<16xi32>
      tpu.vector_store_idx %arg7[%broadcast_in_dim3A_290, %add3A_274], %exp3A masked %and3A_287 : memref<112x512xf32, #tpu.memory_space<vmem>>[vector<16xi32>, vector<16xi32>], vector<16xf32>, vector<16xi1>
      %slice3A_291 = vector.extract_strided_slice %convert_element_type3A_237 {offsets = [2], sizes = [1], strides = [1]} : vector<16xi32> to vector<1xi32>
      %squeeze3A_292 = vector.extract %slice3A_291[0] : i32 from vector<1xi32>
      %ne3A_293 = arith.constant 0 : i32
      %ne3A_294 = arith.cmpi ne, %squeeze3A_292, %ne3A_293 : i32
      %add3A_295 = arith.constant 2 : i32
      %add3A_296 = arith.addi %mul3A_184, %add3A_295 : i32
      %lt3A_297 = arith.constant 112 : i32
      %lt3A_298 = arith.cmpi slt, %add3A_296, %lt3A_297 : i32
      %and3A_299 = arith.andi %ne3A_294, %lt3A_298 : i1
      %slice3A_300 = vector.extract_strided_slice %sub3A_196 {offsets = [2], sizes = [1], strides = [1]} : vector<16xi32> to vector<1xi32>
      %squeeze3A_301 = vector.extract %slice3A_300[0] : i32 from vector<1xi32>
      %add3A_302 = vector.broadcast %squeeze3A_301 : i32 to vector<16xi32>
      %add3A_303 = arith.addi %iota3A, %add3A_302 : vector<16xi32>
      %ge3A_304 = arith.constant 0 : i32
      %ge3A_305 = vector.broadcast %ge3A_304 : i32 to vector<16xi32>
      %ge3A_306 = arith.cmpi sge, %add3A_303, %ge3A_305 : vector<16xi32>
      %lt3A_307 = arith.constant 512 : i32
      %lt3A_308 = vector.broadcast %lt3A_307 : i32 to vector<16xi32>
      %lt3A_309 = arith.cmpi slt, %add3A_303, %lt3A_308 : vector<16xi32>
      %and3A_310 = arith.andi %ge3A_306, %lt3A_309 : vector<16xi1>
      %lt3A_311 = arith.constant 13 : i32
      %lt3A_312 = vector.broadcast %lt3A_311 : i32 to vector<16xi32>
      %lt3A_313 = arith.cmpi slt, %iota3A, %lt3A_312 : vector<16xi32>
      %and3A_314 = arith.andi %and3A_310, %lt3A_313 : vector<16xi1>
      %and3A_315 = vector.broadcast %and3A_299 : i1 to vector<16xi1>
      %and3A_316 = arith.andi %and3A_314, %and3A_315 : vector<16xi1>
      %add3A_317 = arith.constant 2 : i32
      %add3A_318 = arith.addi %mul3A_184, %add3A_317 : i32
      %broadcast_in_dim3A_319 = vector.broadcast %add3A_318 : i32 to vector<16xi32>
      tpu.vector_store_idx %arg7[%broadcast_in_dim3A_319, %add3A_303], %exp3A masked %and3A_316 : memref<112x512xf32, #tpu.memory_space<vmem>>[vector<16xi32>, vector<16xi32>], vector<16xf32>, vector<16xi1>
      %slice3A_320 = vector.extract_strided_slice %convert_element_type3A_237 {offsets = [3], sizes = [1], strides = [1]} : vector<16xi32> to vector<1xi32>
      %squeeze3A_321 = vector.extract %slice3A_320[0] : i32 from vector<1xi32>
      %ne3A_322 = arith.constant 0 : i32
      %ne3A_323 = arith.cmpi ne, %squeeze3A_321, %ne3A_322 : i32
      %add3A_324 = arith.constant 3 : i32
      %add3A_325 = arith.addi %mul3A_184, %add3A_324 : i32
      %lt3A_326 = arith.constant 112 : i32
      %lt3A_327 = arith.cmpi slt, %add3A_325, %lt3A_326 : i32
      %and3A_328 = arith.andi %ne3A_323, %lt3A_327 : i1
      %slice3A_329 = vector.extract_strided_slice %sub3A_196 {offsets = [3], sizes = [1], strides = [1]} : vector<16xi32> to vector<1xi32>
      %squeeze3A_330 = vector.extract %slice3A_329[0] : i32 from vector<1xi32>
      %add3A_331 = vector.broadcast %squeeze3A_330 : i32 to vector<16xi32>
      %add3A_332 = arith.addi %iota3A, %add3A_331 : vector<16xi32>
      %ge3A_333 = arith.constant 0 : i32
      %ge3A_334 = vector.broadcast %ge3A_333 : i32 to vector<16xi32>
      %ge3A_335 = arith.cmpi sge, %add3A_332, %ge3A_334 : vector<16xi32>
      %lt3A_336 = arith.constant 512 : i32
      %lt3A_337 = vector.broadcast %lt3A_336 : i32 to vector<16xi32>
      %lt3A_338 = arith.cmpi slt, %add3A_332, %lt3A_337 : vector<16xi32>
      %and3A_339 = arith.andi %ge3A_335, %lt3A_338 : vector<16xi1>
      %lt3A_340 = arith.constant 13 : i32
      %lt3A_341 = vector.broadcast %lt3A_340 : i32 to vector<16xi32>
      %lt3A_342 = arith.cmpi slt, %iota3A, %lt3A_341 : vector<16xi32>
      %and3A_343 = arith.andi %and3A_339, %lt3A_342 : vector<16xi1>
      %and3A_344 = vector.broadcast %and3A_328 : i1 to vector<16xi1>
      %and3A_345 = arith.andi %and3A_343, %and3A_344 : vector<16xi1>
      %add3A_346 = arith.constant 3 : i32
      %add3A_347 = arith.addi %mul3A_184, %add3A_346 : i32
      %broadcast_in_dim3A_348 = vector.broadcast %add3A_347 : i32 to vector<16xi32>
      tpu.vector_store_idx %arg7[%broadcast_in_dim3A_348, %add3A_332], %exp3A masked %and3A_345 : memref<112x512xf32, #tpu.memory_space<vmem>>[vector<16xi32>, vector<16xi32>], vector<16xf32>, vector<16xi1>
      %slice3A_349 = vector.extract_strided_slice %convert_element_type3A_237 {offsets = [4], sizes = [1], strides = [1]} : vector<16xi32> to vector<1xi32>
      %squeeze3A_350 = vector.extract %slice3A_349[0] : i32 from vector<1xi32>
      %ne3A_351 = arith.constant 0 : i32
      %ne3A_352 = arith.cmpi ne, %squeeze3A_350, %ne3A_351 : i32
      %add3A_353 = arith.constant 4 : i32
      %add3A_354 = arith.addi %mul3A_184, %add3A_353 : i32
      %lt3A_355 = arith.constant 112 : i32
      %lt3A_356 = arith.cmpi slt, %add3A_354, %lt3A_355 : i32
      %and3A_357 = arith.andi %ne3A_352, %lt3A_356 : i1
      %slice3A_358 = vector.extract_strided_slice %sub3A_196 {offsets = [4], sizes = [1], strides = [1]} : vector<16xi32> to vector<1xi32>
      %squeeze3A_359 = vector.extract %slice3A_358[0] : i32 from vector<1xi32>
      %add3A_360 = vector.broadcast %squeeze3A_359 : i32 to vector<16xi32>
      %add3A_361 = arith.addi %iota3A, %add3A_360 : vector<16xi32>
      %ge3A_362 = arith.constant 0 : i32
      %ge3A_363 = vector.broadcast %ge3A_362 : i32 to vector<16xi32>
      %ge3A_364 = arith.cmpi sge, %add3A_361, %ge3A_363 : vector<16xi32>
      %lt3A_365 = arith.constant 512 : i32
      %lt3A_366 = vector.broadcast %lt3A_365 : i32 to vector<16xi32>
      %lt3A_367 = arith.cmpi slt, %add3A_361, %lt3A_366 : vector<16xi32>
      %and3A_368 = arith.andi %ge3A_364, %lt3A_367 : vector<16xi1>
      %lt3A_369 = arith.constant 13 : i32
      %lt3A_370 = vector.broadcast %lt3A_369 : i32 to vector<16xi32>
      %lt3A_371 = arith.cmpi slt, %iota3A, %lt3A_370 : vector<16xi32>
      %and3A_372 = arith.andi %and3A_368, %lt3A_371 : vector<16xi1>
      %and3A_373 = vector.broadcast %and3A_357 : i1 to vector<16xi1>
      %and3A_374 = arith.andi %and3A_372, %and3A_373 : vector<16xi1>
      %add3A_375 = arith.constant 4 : i32
      %add3A_376 = arith.addi %mul3A_184, %add3A_375 : i32
      %broadcast_in_dim3A_377 = vector.broadcast %add3A_376 : i32 to vector<16xi32>
      tpu.vector_store_idx %arg7[%broadcast_in_dim3A_377, %add3A_361], %exp3A masked %and3A_374 : memref<112x512xf32, #tpu.memory_space<vmem>>[vector<16xi32>, vector<16xi32>], vector<16xf32>, vector<16xi1>
      %slice3A_378 = vector.extract_strided_slice %convert_element_type3A_237 {offsets = [5], sizes = [1], strides = [1]} : vector<16xi32> to vector<1xi32>
      %squeeze3A_379 = vector.extract %slice3A_378[0] : i32 from vector<1xi32>
      %ne3A_380 = arith.constant 0 : i32
      %ne3A_381 = arith.cmpi ne, %squeeze3A_379, %ne3A_380 : i32
      %add3A_382 = arith.constant 5 : i32
      %add3A_383 = arith.addi %mul3A_184, %add3A_382 : i32
      %lt3A_384 = arith.constant 112 : i32
      %lt3A_385 = arith.cmpi slt, %add3A_383, %lt3A_384 : i32
      %and3A_386 = arith.andi %ne3A_381, %lt3A_385 : i1
      %slice3A_387 = vector.extract_strided_slice %sub3A_196 {offsets = [5], sizes = [1], strides = [1]} : vector<16xi32> to vector<1xi32>
      %squeeze3A_388 = vector.extract %slice3A_387[0] : i32 from vector<1xi32>
      %add3A_389 = vector.broadcast %squeeze3A_388 : i32 to vector<16xi32>
      %add3A_390 = arith.addi %iota3A, %add3A_389 : vector<16xi32>
      %ge3A_391 = arith.constant 0 : i32
      %ge3A_392 = vector.broadcast %ge3A_391 : i32 to vector<16xi32>
      %ge3A_393 = arith.cmpi sge, %add3A_390, %ge3A_392 : vector<16xi32>
      %lt3A_394 = arith.constant 512 : i32
      %lt3A_395 = vector.broadcast %lt3A_394 : i32 to vector<16xi32>
      %lt3A_396 = arith.cmpi slt, %add3A_390, %lt3A_395 : vector<16xi32>
      %and3A_397 = arith.andi %ge3A_393, %lt3A_396 : vector<16xi1>
      %lt3A_398 = arith.constant 13 : i32
      %lt3A_399 = vector.broadcast %lt3A_398 : i32 to vector<16xi32>
      %lt3A_400 = arith.cmpi slt, %iota3A, %lt3A_399 : vector<16xi32>
      %and3A_401 = arith.andi %and3A_397, %lt3A_400 : vector<16xi1>
      %and3A_402 = vector.broadcast %and3A_386 : i1 to vector<16xi1>
      %and3A_403 = arith.andi %and3A_401, %and3A_402 : vector<16xi1>
      %add3A_404 = arith.constant 5 : i32
      %add3A_405 = arith.addi %mul3A_184, %add3A_404 : i32
      %broadcast_in_dim3A_406 = vector.broadcast %add3A_405 : i32 to vector<16xi32>
      tpu.vector_store_idx %arg7[%broadcast_in_dim3A_406, %add3A_390], %exp3A masked %and3A_403 : memref<112x512xf32, #tpu.memory_space<vmem>>[vector<16xi32>, vector<16xi32>], vector<16xf32>, vector<16xi1>
      %slice3A_407 = vector.extract_strided_slice %convert_element_type3A_237 {offsets = [6], sizes = [1], strides = [1]} : vector<16xi32> to vector<1xi32>
      %squeeze3A_408 = vector.extract %slice3A_407[0] : i32 from vector<1xi32>
      %ne3A_409 = arith.constant 0 : i32
      %ne3A_410 = arith.cmpi ne, %squeeze3A_408, %ne3A_409 : i32
      %add3A_411 = arith.constant 6 : i32
      %add3A_412 = arith.addi %mul3A_184, %add3A_411 : i32
      %lt3A_413 = arith.constant 112 : i32
      %lt3A_414 = arith.cmpi slt, %add3A_412, %lt3A_413 : i32
      %and3A_415 = arith.andi %ne3A_410, %lt3A_414 : i1
      %slice3A_416 = vector.extract_strided_slice %sub3A_196 {offsets = [6], sizes = [1], strides = [1]} : vector<16xi32> to vector<1xi32>
      %squeeze3A_417 = vector.extract %slice3A_416[0] : i32 from vector<1xi32>
      %add3A_418 = vector.broadcast %squeeze3A_417 : i32 to vector<16xi32>
      %add3A_419 = arith.addi %iota3A, %add3A_418 : vector<16xi32>
      %ge3A_420 = arith.constant 0 : i32
      %ge3A_421 = vector.broadcast %ge3A_420 : i32 to vector<16xi32>
      %ge3A_422 = arith.cmpi sge, %add3A_419, %ge3A_421 : vector<16xi32>
      %lt3A_423 = arith.constant 512 : i32
      %lt3A_424 = vector.broadcast %lt3A_423 : i32 to vector<16xi32>
      %lt3A_425 = arith.cmpi slt, %add3A_419, %lt3A_424 : vector<16xi32>
      %and3A_426 = arith.andi %ge3A_422, %lt3A_425 : vector<16xi1>
      %lt3A_427 = arith.constant 13 : i32
      %lt3A_428 = vector.broadcast %lt3A_427 : i32 to vector<16xi32>
      %lt3A_429 = arith.cmpi slt, %iota3A, %lt3A_428 : vector<16xi32>
      %and3A_430 = arith.andi %and3A_426, %lt3A_429 : vector<16xi1>
      %and3A_431 = vector.broadcast %and3A_415 : i1 to vector<16xi1>
      %and3A_432 = arith.andi %and3A_430, %and3A_431 : vector<16xi1>
      %add3A_433 = arith.constant 6 : i32
      %add3A_434 = arith.addi %mul3A_184, %add3A_433 : i32
      %broadcast_in_dim3A_435 = vector.broadcast %add3A_434 : i32 to vector<16xi32>
      tpu.vector_store_idx %arg7[%broadcast_in_dim3A_435, %add3A_419], %exp3A masked %and3A_432 : memref<112x512xf32, #tpu.memory_space<vmem>>[vector<16xi32>, vector<16xi32>], vector<16xf32>, vector<16xi1>
      %slice3A_436 = vector.extract_strided_slice %convert_element_type3A_237 {offsets = [7], sizes = [1], strides = [1]} : vector<16xi32> to vector<1xi32>
      %squeeze3A_437 = vector.extract %slice3A_436[0] : i32 from vector<1xi32>
      %ne3A_438 = arith.constant 0 : i32
      %ne3A_439 = arith.cmpi ne, %squeeze3A_437, %ne3A_438 : i32
      %add3A_440 = arith.constant 7 : i32
      %add3A_441 = arith.addi %mul3A_184, %add3A_440 : i32
      %lt3A_442 = arith.constant 112 : i32
      %lt3A_443 = arith.cmpi slt, %add3A_441, %lt3A_442 : i32
      %and3A_444 = arith.andi %ne3A_439, %lt3A_443 : i1
      %slice3A_445 = vector.extract_strided_slice %sub3A_196 {offsets = [7], sizes = [1], strides = [1]} : vector<16xi32> to vector<1xi32>
      %squeeze3A_446 = vector.extract %slice3A_445[0] : i32 from vector<1xi32>
      %add3A_447 = vector.broadcast %squeeze3A_446 : i32 to vector<16xi32>
      %add3A_448 = arith.addi %iota3A, %add3A_447 : vector<16xi32>
      %ge3A_449 = arith.constant 0 : i32
      %ge3A_450 = vector.broadcast %ge3A_449 : i32 to vector<16xi32>
      %ge3A_451 = arith.cmpi sge, %add3A_448, %ge3A_450 : vector<16xi32>
      %lt3A_452 = arith.constant 512 : i32
      %lt3A_453 = vector.broadcast %lt3A_452 : i32 to vector<16xi32>
      %lt3A_454 = arith.cmpi slt, %add3A_448, %lt3A_453 : vector<16xi32>
      %and3A_455 = arith.andi %ge3A_451, %lt3A_454 : vector<16xi1>
      %lt3A_456 = arith.constant 13 : i32
      %lt3A_457 = vector.broadcast %lt3A_456 : i32 to vector<16xi32>
      %lt3A_458 = arith.cmpi slt, %iota3A, %lt3A_457 : vector<16xi32>
      %and3A_459 = arith.andi %and3A_455, %lt3A_458 : vector<16xi1>
      %and3A_460 = vector.broadcast %and3A_444 : i1 to vector<16xi1>
      %and3A_461 = arith.andi %and3A_459, %and3A_460 : vector<16xi1>
      %add3A_462 = arith.constant 7 : i32
      %add3A_463 = arith.addi %mul3A_184, %add3A_462 : i32
      %broadcast_in_dim3A_464 = vector.broadcast %add3A_463 : i32 to vector<16xi32>
      tpu.vector_store_idx %arg7[%broadcast_in_dim3A_464, %add3A_448], %exp3A masked %and3A_461 : memref<112x512xf32, #tpu.memory_space<vmem>>[vector<16xi32>, vector<16xi32>], vector<16xf32>, vector<16xi1>
      %slice3A_465 = vector.extract_strided_slice %convert_element_type3A_237 {offsets = [8], sizes = [1], strides = [1]} : vector<16xi32> to vector<1xi32>
      %squeeze3A_466 = vector.extract %slice3A_465[0] : i32 from vector<1xi32>
      %ne3A_467 = arith.constant 0 : i32
      %ne3A_468 = arith.cmpi ne, %squeeze3A_466, %ne3A_467 : i32
      %add3A_469 = arith.constant 8 : i32
      %add3A_470 = arith.addi %mul3A_184, %add3A_469 : i32
      %lt3A_471 = arith.constant 112 : i32
      %lt3A_472 = arith.cmpi slt, %add3A_470, %lt3A_471 : i32
      %and3A_473 = arith.andi %ne3A_468, %lt3A_472 : i1
      %slice3A_474 = vector.extract_strided_slice %sub3A_196 {offsets = [8], sizes = [1], strides = [1]} : vector<16xi32> to vector<1xi32>
      %squeeze3A_475 = vector.extract %slice3A_474[0] : i32 from vector<1xi32>
      %add3A_476 = vector.broadcast %squeeze3A_475 : i32 to vector<16xi32>
      %add3A_477 = arith.addi %iota3A, %add3A_476 : vector<16xi32>
      %ge3A_478 = arith.constant 0 : i32
      %ge3A_479 = vector.broadcast %ge3A_478 : i32 to vector<16xi32>
      %ge3A_480 = arith.cmpi sge, %add3A_477, %ge3A_479 : vector<16xi32>
      %lt3A_481 = arith.constant 512 : i32
      %lt3A_482 = vector.broadcast %lt3A_481 : i32 to vector<16xi32>
      %lt3A_483 = arith.cmpi slt, %add3A_477, %lt3A_482 : vector<16xi32>
      %and3A_484 = arith.andi %ge3A_480, %lt3A_483 : vector<16xi1>
      %lt3A_485 = arith.constant 13 : i32
      %lt3A_486 = vector.broadcast %lt3A_485 : i32 to vector<16xi32>
      %lt3A_487 = arith.cmpi slt, %iota3A, %lt3A_486 : vector<16xi32>
      %and3A_488 = arith.andi %and3A_484, %lt3A_487 : vector<16xi1>
      %and3A_489 = vector.broadcast %and3A_473 : i1 to vector<16xi1>
      %and3A_490 = arith.andi %and3A_488, %and3A_489 : vector<16xi1>
      %add3A_491 = arith.constant 8 : i32
      %add3A_492 = arith.addi %mul3A_184, %add3A_491 : i32
      %broadcast_in_dim3A_493 = vector.broadcast %add3A_492 : i32 to vector<16xi32>
      tpu.vector_store_idx %arg7[%broadcast_in_dim3A_493, %add3A_477], %exp3A masked %and3A_490 : memref<112x512xf32, #tpu.memory_space<vmem>>[vector<16xi32>, vector<16xi32>], vector<16xf32>, vector<16xi1>
      %slice3A_494 = vector.extract_strided_slice %convert_element_type3A_237 {offsets = [9], sizes = [1], strides = [1]} : vector<16xi32> to vector<1xi32>
      %squeeze3A_495 = vector.extract %slice3A_494[0] : i32 from vector<1xi32>
      %ne3A_496 = arith.constant 0 : i32
      %ne3A_497 = arith.cmpi ne, %squeeze3A_495, %ne3A_496 : i32
      %add3A_498 = arith.constant 9 : i32
      %add3A_499 = arith.addi %mul3A_184, %add3A_498 : i32
      %lt3A_500 = arith.constant 112 : i32
      %lt3A_501 = arith.cmpi slt, %add3A_499, %lt3A_500 : i32
      %and3A_502 = arith.andi %ne3A_497, %lt3A_501 : i1
      %slice3A_503 = vector.extract_strided_slice %sub3A_196 {offsets = [9], sizes = [1], strides = [1]} : vector<16xi32> to vector<1xi32>
      %squeeze3A_504 = vector.extract %slice3A_503[0] : i32 from vector<1xi32>
      %add3A_505 = vector.broadcast %squeeze3A_504 : i32 to vector<16xi32>
      %add3A_506 = arith.addi %iota3A, %add3A_505 : vector<16xi32>
      %ge3A_507 = arith.constant 0 : i32
      %ge3A_508 = vector.broadcast %ge3A_507 : i32 to vector<16xi32>
      %ge3A_509 = arith.cmpi sge, %add3A_506, %ge3A_508 : vector<16xi32>
      %lt3A_510 = arith.constant 512 : i32
      %lt3A_511 = vector.broadcast %lt3A_510 : i32 to vector<16xi32>
      %lt3A_512 = arith.cmpi slt, %add3A_506, %lt3A_511 : vector<16xi32>
      %and3A_513 = arith.andi %ge3A_509, %lt3A_512 : vector<16xi1>
      %lt3A_514 = arith.constant 13 : i32
      %lt3A_515 = vector.broadcast %lt3A_514 : i32 to vector<16xi32>
      %lt3A_516 = arith.cmpi slt, %iota3A, %lt3A_515 : vector<16xi32>
      %and3A_517 = arith.andi %and3A_513, %lt3A_516 : vector<16xi1>
      %and3A_518 = vector.broadcast %and3A_502 : i1 to vector<16xi1>
      %and3A_519 = arith.andi %and3A_517, %and3A_518 : vector<16xi1>
      %add3A_520 = arith.constant 9 : i32
      %add3A_521 = arith.addi %mul3A_184, %add3A_520 : i32
      %broadcast_in_dim3A_522 = vector.broadcast %add3A_521 : i32 to vector<16xi32>
      tpu.vector_store_idx %arg7[%broadcast_in_dim3A_522, %add3A_506], %exp3A masked %and3A_519 : memref<112x512xf32, #tpu.memory_space<vmem>>[vector<16xi32>, vector<16xi32>], vector<16xf32>, vector<16xi1>
      %slice3A_523 = vector.extract_strided_slice %convert_element_type3A_237 {offsets = [10], sizes = [1], strides = [1]} : vector<16xi32> to vector<1xi32>
      %squeeze3A_524 = vector.extract %slice3A_523[0] : i32 from vector<1xi32>
      %ne3A_525 = arith.constant 0 : i32
      %ne3A_526 = arith.cmpi ne, %squeeze3A_524, %ne3A_525 : i32
      %add3A_527 = arith.constant 10 : i32
      %add3A_528 = arith.addi %mul3A_184, %add3A_527 : i32
      %lt3A_529 = arith.constant 112 : i32
      %lt3A_530 = arith.cmpi slt, %add3A_528, %lt3A_529 : i32
      %and3A_531 = arith.andi %ne3A_526, %lt3A_530 : i1
      %slice3A_532 = vector.extract_strided_slice %sub3A_196 {offsets = [10], sizes = [1], strides = [1]} : vector<16xi32> to vector<1xi32>
      %squeeze3A_533 = vector.extract %slice3A_532[0] : i32 from vector<1xi32>
      %add3A_534 = vector.broadcast %squeeze3A_533 : i32 to vector<16xi32>
      %add3A_535 = arith.addi %iota3A, %add3A_534 : vector<16xi32>
      %ge3A_536 = arith.constant 0 : i32
      %ge3A_537 = vector.broadcast %ge3A_536 : i32 to vector<16xi32>
      %ge3A_538 = arith.cmpi sge, %add3A_535, %ge3A_537 : vector<16xi32>
      %lt3A_539 = arith.constant 512 : i32
      %lt3A_540 = vector.broadcast %lt3A_539 : i32 to vector<16xi32>
      %lt3A_541 = arith.cmpi slt, %add3A_535, %lt3A_540 : vector<16xi32>
      %and3A_542 = arith.andi %ge3A_538, %lt3A_541 : vector<16xi1>
      %lt3A_543 = arith.constant 13 : i32
      %lt3A_544 = vector.broadcast %lt3A_543 : i32 to vector<16xi32>
      %lt3A_545 = arith.cmpi slt, %iota3A, %lt3A_544 : vector<16xi32>
      %and3A_546 = arith.andi %and3A_542, %lt3A_545 : vector<16xi1>
      %and3A_547 = vector.broadcast %and3A_531 : i1 to vector<16xi1>
      %and3A_548 = arith.andi %and3A_546, %and3A_547 : vector<16xi1>
      %add3A_549 = arith.constant 10 : i32
      %add3A_550 = arith.addi %mul3A_184, %add3A_549 : i32
      %broadcast_in_dim3A_551 = vector.broadcast %add3A_550 : i32 to vector<16xi32>
      tpu.vector_store_idx %arg7[%broadcast_in_dim3A_551, %add3A_535], %exp3A masked %and3A_548 : memref<112x512xf32, #tpu.memory_space<vmem>>[vector<16xi32>, vector<16xi32>], vector<16xf32>, vector<16xi1>
      %slice3A_552 = vector.extract_strided_slice %convert_element_type3A_237 {offsets = [11], sizes = [1], strides = [1]} : vector<16xi32> to vector<1xi32>
      %squeeze3A_553 = vector.extract %slice3A_552[0] : i32 from vector<1xi32>
      %ne3A_554 = arith.constant 0 : i32
      %ne3A_555 = arith.cmpi ne, %squeeze3A_553, %ne3A_554 : i32
      %add3A_556 = arith.constant 11 : i32
      %add3A_557 = arith.addi %mul3A_184, %add3A_556 : i32
      %lt3A_558 = arith.constant 112 : i32
      %lt3A_559 = arith.cmpi slt, %add3A_557, %lt3A_558 : i32
      %and3A_560 = arith.andi %ne3A_555, %lt3A_559 : i1
      %slice3A_561 = vector.extract_strided_slice %sub3A_196 {offsets = [11], sizes = [1], strides = [1]} : vector<16xi32> to vector<1xi32>
      %squeeze3A_562 = vector.extract %slice3A_561[0] : i32 from vector<1xi32>
      %add3A_563 = vector.broadcast %squeeze3A_562 : i32 to vector<16xi32>
      %add3A_564 = arith.addi %iota3A, %add3A_563 : vector<16xi32>
      %ge3A_565 = arith.constant 0 : i32
      %ge3A_566 = vector.broadcast %ge3A_565 : i32 to vector<16xi32>
      %ge3A_567 = arith.cmpi sge, %add3A_564, %ge3A_566 : vector<16xi32>
      %lt3A_568 = arith.constant 512 : i32
      %lt3A_569 = vector.broadcast %lt3A_568 : i32 to vector<16xi32>
      %lt3A_570 = arith.cmpi slt, %add3A_564, %lt3A_569 : vector<16xi32>
      %and3A_571 = arith.andi %ge3A_567, %lt3A_570 : vector<16xi1>
      %lt3A_572 = arith.constant 13 : i32
      %lt3A_573 = vector.broadcast %lt3A_572 : i32 to vector<16xi32>
      %lt3A_574 = arith.cmpi slt, %iota3A, %lt3A_573 : vector<16xi32>
      %and3A_575 = arith.andi %and3A_571, %lt3A_574 : vector<16xi1>
      %and3A_576 = vector.broadcast %and3A_560 : i1 to vector<16xi1>
      %and3A_577 = arith.andi %and3A_575, %and3A_576 : vector<16xi1>
      %add3A_578 = arith.constant 11 : i32
      %add3A_579 = arith.addi %mul3A_184, %add3A_578 : i32
      %broadcast_in_dim3A_580 = vector.broadcast %add3A_579 : i32 to vector<16xi32>
      tpu.vector_store_idx %arg7[%broadcast_in_dim3A_580, %add3A_564], %exp3A masked %and3A_577 : memref<112x512xf32, #tpu.memory_space<vmem>>[vector<16xi32>, vector<16xi32>], vector<16xf32>, vector<16xi1>
      %slice3A_581 = vector.extract_strided_slice %convert_element_type3A_237 {offsets = [12], sizes = [1], strides = [1]} : vector<16xi32> to vector<1xi32>
      %squeeze3A_582 = vector.extract %slice3A_581[0] : i32 from vector<1xi32>
      %ne3A_583 = arith.constant 0 : i32
      %ne3A_584 = arith.cmpi ne, %squeeze3A_582, %ne3A_583 : i32
      %add3A_585 = arith.constant 12 : i32
      %add3A_586 = arith.addi %mul3A_184, %add3A_585 : i32
      %lt3A_587 = arith.constant 112 : i32
      %lt3A_588 = arith.cmpi slt, %add3A_586, %lt3A_587 : i32
      %and3A_589 = arith.andi %ne3A_584, %lt3A_588 : i1
      %slice3A_590 = vector.extract_strided_slice %sub3A_196 {offsets = [12], sizes = [1], strides = [1]} : vector<16xi32> to vector<1xi32>
      %squeeze3A_591 = vector.extract %slice3A_590[0] : i32 from vector<1xi32>
      %add3A_592 = vector.broadcast %squeeze3A_591 : i32 to vector<16xi32>
      %add3A_593 = arith.addi %iota3A, %add3A_592 : vector<16xi32>
      %ge3A_594 = arith.constant 0 : i32
      %ge3A_595 = vector.broadcast %ge3A_594 : i32 to vector<16xi32>
      %ge3A_596 = arith.cmpi sge, %add3A_593, %ge3A_595 : vector<16xi32>
      %lt3A_597 = arith.constant 512 : i32
      %lt3A_598 = vector.broadcast %lt3A_597 : i32 to vector<16xi32>
      %lt3A_599 = arith.cmpi slt, %add3A_593, %lt3A_598 : vector<16xi32>
      %and3A_600 = arith.andi %ge3A_596, %lt3A_599 : vector<16xi1>
      %lt3A_601 = arith.constant 13 : i32
      %lt3A_602 = vector.broadcast %lt3A_601 : i32 to vector<16xi32>
      %lt3A_603 = arith.cmpi slt, %iota3A, %lt3A_602 : vector<16xi32>
      %and3A_604 = arith.andi %and3A_600, %lt3A_603 : vector<16xi1>
      %and3A_605 = vector.broadcast %and3A_589 : i1 to vector<16xi1>
      %and3A_606 = arith.andi %and3A_604, %and3A_605 : vector<16xi1>
      %add3A_607 = arith.constant 12 : i32
      %add3A_608 = arith.addi %mul3A_184, %add3A_607 : i32
      %broadcast_in_dim3A_609 = vector.broadcast %add3A_608 : i32 to vector<16xi32>
      tpu.vector_store_idx %arg7[%broadcast_in_dim3A_609, %add3A_593], %exp3A masked %and3A_606 : memref<112x512xf32, #tpu.memory_space<vmem>>[vector<16xi32>, vector<16xi32>], vector<16xf32>, vector<16xi1>
      %slice3A_610 = vector.extract_strided_slice %convert_element_type3A_237 {offsets = [13], sizes = [1], strides = [1]} : vector<16xi32> to vector<1xi32>
      %squeeze3A_611 = vector.extract %slice3A_610[0] : i32 from vector<1xi32>
      %ne3A_612 = arith.constant 0 : i32
      %ne3A_613 = arith.cmpi ne, %squeeze3A_611, %ne3A_612 : i32
      %add3A_614 = arith.constant 13 : i32
      %add3A_615 = arith.addi %mul3A_184, %add3A_614 : i32
      %lt3A_616 = arith.constant 112 : i32
      %lt3A_617 = arith.cmpi slt, %add3A_615, %lt3A_616 : i32
      %and3A_618 = arith.andi %ne3A_613, %lt3A_617 : i1
      %slice3A_619 = vector.extract_strided_slice %sub3A_196 {offsets = [13], sizes = [1], strides = [1]} : vector<16xi32> to vector<1xi32>
      %squeeze3A_620 = vector.extract %slice3A_619[0] : i32 from vector<1xi32>
      %add3A_621 = vector.broadcast %squeeze3A_620 : i32 to vector<16xi32>
      %add3A_622 = arith.addi %iota3A, %add3A_621 : vector<16xi32>
      %ge3A_623 = arith.constant 0 : i32
      %ge3A_624 = vector.broadcast %ge3A_623 : i32 to vector<16xi32>
      %ge3A_625 = arith.cmpi sge, %add3A_622, %ge3A_624 : vector<16xi32>
      %lt3A_626 = arith.constant 512 : i32
      %lt3A_627 = vector.broadcast %lt3A_626 : i32 to vector<16xi32>
      %lt3A_628 = arith.cmpi slt, %add3A_622, %lt3A_627 : vector<16xi32>
      %and3A_629 = arith.andi %ge3A_625, %lt3A_628 : vector<16xi1>
      %lt3A_630 = arith.constant 13 : i32
      %lt3A_631 = vector.broadcast %lt3A_630 : i32 to vector<16xi32>
      %lt3A_632 = arith.cmpi slt, %iota3A, %lt3A_631 : vector<16xi32>
      %and3A_633 = arith.andi %and3A_629, %lt3A_632 : vector<16xi1>
      %and3A_634 = vector.broadcast %and3A_618 : i1 to vector<16xi1>
      %and3A_635 = arith.andi %and3A_633, %and3A_634 : vector<16xi1>
      %add3A_636 = arith.constant 13 : i32
      %add3A_637 = arith.addi %mul3A_184, %add3A_636 : i32
      %broadcast_in_dim3A_638 = vector.broadcast %add3A_637 : i32 to vector<16xi32>
      tpu.vector_store_idx %arg7[%broadcast_in_dim3A_638, %add3A_622], %exp3A masked %and3A_635 : memref<112x512xf32, #tpu.memory_space<vmem>>[vector<16xi32>, vector<16xi32>], vector<16xf32>, vector<16xi1>
      %slice3A_639 = vector.extract_strided_slice %convert_element_type3A_237 {offsets = [14], sizes = [1], strides = [1]} : vector<16xi32> to vector<1xi32>
      %squeeze3A_640 = vector.extract %slice3A_639[0] : i32 from vector<1xi32>
      %ne3A_641 = arith.constant 0 : i32
      %ne3A_642 = arith.cmpi ne, %squeeze3A_640, %ne3A_641 : i32
      %add3A_643 = arith.constant 14 : i32
      %add3A_644 = arith.addi %mul3A_184, %add3A_643 : i32
      %lt3A_645 = arith.constant 112 : i32
      %lt3A_646 = arith.cmpi slt, %add3A_644, %lt3A_645 : i32
      %and3A_647 = arith.andi %ne3A_642, %lt3A_646 : i1
      %slice3A_648 = vector.extract_strided_slice %sub3A_196 {offsets = [14], sizes = [1], strides = [1]} : vector<16xi32> to vector<1xi32>
      %squeeze3A_649 = vector.extract %slice3A_648[0] : i32 from vector<1xi32>
      %add3A_650 = vector.broadcast %squeeze3A_649 : i32 to vector<16xi32>
      %add3A_651 = arith.addi %iota3A, %add3A_650 : vector<16xi32>
      %ge3A_652 = arith.constant 0 : i32
      %ge3A_653 = vector.broadcast %ge3A_652 : i32 to vector<16xi32>
      %ge3A_654 = arith.cmpi sge, %add3A_651, %ge3A_653 : vector<16xi32>
      %lt3A_655 = arith.constant 512 : i32
      %lt3A_656 = vector.broadcast %lt3A_655 : i32 to vector<16xi32>
      %lt3A_657 = arith.cmpi slt, %add3A_651, %lt3A_656 : vector<16xi32>
      %and3A_658 = arith.andi %ge3A_654, %lt3A_657 : vector<16xi1>
      %lt3A_659 = arith.constant 13 : i32
      %lt3A_660 = vector.broadcast %lt3A_659 : i32 to vector<16xi32>
      %lt3A_661 = arith.cmpi slt, %iota3A, %lt3A_660 : vector<16xi32>
      %and3A_662 = arith.andi %and3A_658, %lt3A_661 : vector<16xi1>
      %and3A_663 = vector.broadcast %and3A_647 : i1 to vector<16xi1>
      %and3A_664 = arith.andi %and3A_662, %and3A_663 : vector<16xi1>
      %add3A_665 = arith.constant 14 : i32
      %add3A_666 = arith.addi %mul3A_184, %add3A_665 : i32
      %broadcast_in_dim3A_667 = vector.broadcast %add3A_666 : i32 to vector<16xi32>
      tpu.vector_store_idx %arg7[%broadcast_in_dim3A_667, %add3A_651], %exp3A masked %and3A_664 : memref<112x512xf32, #tpu.memory_space<vmem>>[vector<16xi32>, vector<16xi32>], vector<16xf32>, vector<16xi1>
      %slice3A_668 = vector.extract_strided_slice %convert_element_type3A_237 {offsets = [15], sizes = [1], strides = [1]} : vector<16xi32> to vector<1xi32>
      %squeeze3A_669 = vector.extract %slice3A_668[0] : i32 from vector<1xi32>
      %ne3A_670 = arith.constant 0 : i32
      %ne3A_671 = arith.cmpi ne, %squeeze3A_669, %ne3A_670 : i32
      %add3A_672 = arith.constant 15 : i32
      %add3A_673 = arith.addi %mul3A_184, %add3A_672 : i32
      %lt3A_674 = arith.constant 112 : i32
      %lt3A_675 = arith.cmpi slt, %add3A_673, %lt3A_674 : i32
      %and3A_676 = arith.andi %ne3A_671, %lt3A_675 : i1
      %slice3A_677 = vector.extract_strided_slice %sub3A_196 {offsets = [15], sizes = [1], strides = [1]} : vector<16xi32> to vector<1xi32>
      %squeeze3A_678 = vector.extract %slice3A_677[0] : i32 from vector<1xi32>
      %add3A_679 = vector.broadcast %squeeze3A_678 : i32 to vector<16xi32>
      %add3A_680 = arith.addi %iota3A, %add3A_679 : vector<16xi32>
      %ge3A_681 = arith.constant 0 : i32
      %ge3A_682 = vector.broadcast %ge3A_681 : i32 to vector<16xi32>
      %ge3A_683 = arith.cmpi sge, %add3A_680, %ge3A_682 : vector<16xi32>
      %lt3A_684 = arith.constant 512 : i32
      %lt3A_685 = vector.broadcast %lt3A_684 : i32 to vector<16xi32>
      %lt3A_686 = arith.cmpi slt, %add3A_680, %lt3A_685 : vector<16xi32>
      %and3A_687 = arith.andi %ge3A_683, %lt3A_686 : vector<16xi1>
      %lt3A_688 = arith.constant 13 : i32
      %lt3A_689 = vector.broadcast %lt3A_688 : i32 to vector<16xi32>
      %lt3A_690 = arith.cmpi slt, %iota3A, %lt3A_689 : vector<16xi32>
      %and3A_691 = arith.andi %and3A_687, %lt3A_690 : vector<16xi1>
      %and3A_692 = vector.broadcast %and3A_676 : i1 to vector<16xi1>
      %and3A_693 = arith.andi %and3A_691, %and3A_692 : vector<16xi1>
      %add3A_694 = arith.constant 15 : i32
      %add3A_695 = arith.addi %mul3A_184, %add3A_694 : i32
      %broadcast_in_dim3A_696 = vector.broadcast %add3A_695 : i32 to vector<16xi32>
      tpu.vector_store_idx %arg7[%broadcast_in_dim3A_696, %add3A_680], %exp3A masked %and3A_693 : memref<112x512xf32, #tpu.memory_space<vmem>>[vector<16xi32>, vector<16xi32>], vector<16xf32>, vector<16xi1>
      %scan3A_697 = arith.constant 0 : i32
      scf.yield %scan3A_697 : i32
    }
    %scan3A_110 = arith.constant 7 : i32
    %add3A_111 = arith.constant 224 : i32
    %add3A_112 = arith.addi %mul3A_2, %add3A_111 : i32
    %dma_start3A_113 = arith.constant 0 : i32
    %dma_start3A_114 = arith.constant 0 : i32
    %dma_start3A_115 = tpu.memref_slice %arg7[%dma_start3A_113, %dma_start3A_114] : memref<112x512xf32, #tpu.memory_space<vmem>> -> memref<112x512xf32, #tpu.memory_space<vmem>>
    %dma_start3A_116 = arith.constant 0 : i32
    %dma_start3A_117 = tpu.memref_slice %arg4[%add3A_112, %dma_start3A_116] : memref<13568x512xf32, #tpu.memory_space<hbm>> -> memref<112x512xf32, #tpu.memory_space<hbm>>
    %dma_start3A_118 = arith.constant 0 : i32
    %dma_start3A_119 = tpu.memref_slice %arg4[%add3A_112, %dma_start3A_118] : memref<13568x512xf32, #tpu.memory_space<hbm>> -> memref<112x512xf32, #tpu.memory_space<hbm>>
    %dma_start3A_120 = arith.constant 0 : i32
    %dma_start3A_121 = arith.constant 0 : i32
    %dma_start3A_122 = tpu.memref_slice %arg7[%dma_start3A_120, %dma_start3A_121] : memref<112x512xf32, #tpu.memory_space<vmem>> -> memref<112x512xf32, #tpu.memory_space<vmem>>
    tpu.enqueue_dma source(%dma_start3A_122 : memref<112x512xf32, #tpu.memory_space<vmem>>) target(%dma_start3A_119 : memref<112x512xf32, #tpu.memory_space<hbm>>) target_semaphore(%arg11 : memref<!tpu.dma_semaphore, #tpu.memory_space<semaphore_mem>>)
    %dma_wait3A_123 = arith.constant 0 : i32
    %dma_wait3A_124 = arith.constant 0 : i32
    %dma_wait3A_125 = tpu.memref_slice %arg8[%dma_wait3A_123, %dma_wait3A_124] : memref<112x512xf32, #tpu.memory_space<vmem>> -> memref<112x512xf32, #tpu.memory_space<vmem>>
    %dma_wait3A_126 = arith.constant 0 : i32
    %dma_wait3A_127 = tpu.memref_slice %arg4[%add3A_74, %dma_wait3A_126] : memref<13568x512xf32, #tpu.memory_space<hbm>> -> memref<112x512xf32, #tpu.memory_space<hbm>>
    %dma_wait3A_128 = arith.constant 0 : i32
    %dma_wait3A_129 = tpu.memref_slice %arg4[%add3A_74, %dma_wait3A_128] : memref<13568x512xf32, #tpu.memory_space<hbm>> -> memref<112x512xf32, #tpu.memory_space<hbm>>
    %dma_wait3A_130 = arith.constant 0 : i32
    %dma_wait3A_131 = arith.constant 0 : i32
    %dma_wait3A_132 = tpu.memref_slice %arg8[%dma_wait3A_130, %dma_wait3A_131] : memref<112x512xf32, #tpu.memory_space<vmem>> -> memref<112x512xf32, #tpu.memory_space<vmem>>
    tpu.wait_dma2 semaphore(%arg12 : memref<!tpu.dma_semaphore, #tpu.memory_space<semaphore_mem>>) src(%dma_wait3A_132 : memref<112x512xf32, #tpu.memory_space<vmem>>) dst(%dma_wait3A_129 : memref<112x512xf32, #tpu.memory_space<hbm>>)
    %broadcast_in_dim3A_133 = arith.constant 0.000000e+00 : f32
    %broadcast_in_dim3A_134 = vector.broadcast %broadcast_in_dim3A_133 : f32 to vector<16xf32>
    %scan3A_135 = arith.constant 0 : i32
    %scan3A_136 = arith.constant 0 : i32
    %scan3A_137 = arith.constant 112 : i32
    %scan3A_138 = arith.addi %scan3A_136, %scan3A_137 : i32
    %scan3A_139 = arith.constant 1 : i32
    %scan3A_140 = scf.for %scan3A_181 = %scan3A_136 to %scan3A_138 step %scan3A_139 iter_args(%scan3A_182 = %scan3A_135) -> (i32)  : i32 {
      %swap3A = arith.index_cast %scan3A_181 : i32 to index
      %swap3A_183 = arith.constant 0 : index
      %swap3A_184 = tpu.vector_load %arg8[%swap3A, %swap3A_183] {strides = array<i32>} : memref<112x512xf32, #tpu.memory_space<vmem>>, vector<16xf32>,
      tpu.vector_store %arg8[%swap3A, %swap3A_183], %broadcast_in_dim3A_134 {strides = array<i32>} : memref<112x512xf32, #tpu.memory_space<vmem>>, vector<16xf32>,
      %swap3A_185 = arith.index_cast %scan3A_181 : i32 to index
      %swap3A_186 = arith.constant 16 : index
      %swap3A_187 = tpu.vector_load %arg8[%swap3A_185, %swap3A_186] {strides = array<i32>} : memref<112x512xf32, #tpu.memory_space<vmem>>, vector<16xf32>,
      tpu.vector_store %arg8[%swap3A_185, %swap3A_186], %broadcast_in_dim3A_134 {strides = array<i32>} : memref<112x512xf32, #tpu.memory_space<vmem>>, vector<16xf32>,
      %swap3A_188 = arith.index_cast %scan3A_181 : i32 to index
      %swap3A_189 = arith.constant 32 : index
      %swap3A_190 = tpu.vector_load %arg8[%swap3A_188, %swap3A_189] {strides = array<i32>} : memref<112x512xf32, #tpu.memory_space<vmem>>, vector<16xf32>,
      tpu.vector_store %arg8[%swap3A_188, %swap3A_189], %broadcast_in_dim3A_134 {strides = array<i32>} : memref<112x512xf32, #tpu.memory_space<vmem>>, vector<16xf32>,
      %swap3A_191 = arith.index_cast %scan3A_181 : i32 to index
      %swap3A_192 = arith.constant 48 : index
      %swap3A_193 = tpu.vector_load %arg8[%swap3A_191, %swap3A_192] {strides = array<i32>} : memref<112x512xf32, #tpu.memory_space<vmem>>, vector<16xf32>,
      tpu.vector_store %arg8[%swap3A_191, %swap3A_192], %broadcast_in_dim3A_134 {strides = array<i32>} : memref<112x512xf32, #tpu.memory_space<vmem>>, vector<16xf32>,
      %swap3A_194 = arith.index_cast %scan3A_181 : i32 to index
      %swap3A_195 = arith.constant 64 : index
      %swap3A_196 = tpu.vector_load %arg8[%swap3A_194, %swap3A_195] {strides = array<i32>} : memref<112x512xf32, #tpu.memory_space<vmem>>, vector<16xf32>,
      tpu.vector_store %arg8[%swap3A_194, %swap3A_195], %broadcast_in_dim3A_134 {strides = array<i32>} : memref<112x512xf32, #tpu.memory_space<vmem>>, vector<16xf32>,
      %swap3A_197 = arith.index_cast %scan3A_181 : i32 to index
      %swap3A_198 = arith.constant 80 : index
      %swap3A_199 = tpu.vector_load %arg8[%swap3A_197, %swap3A_198] {strides = array<i32>} : memref<112x512xf32, #tpu.memory_space<vmem>>, vector<16xf32>,
      tpu.vector_store %arg8[%swap3A_197, %swap3A_198], %broadcast_in_dim3A_134 {strides = array<i32>} : memref<112x512xf32, #tpu.memory_space<vmem>>, vector<16xf32>,
      %swap3A_200 = arith.index_cast %scan3A_181 : i32 to index
      %swap3A_201 = arith.constant 96 : index
      %swap3A_202 = tpu.vector_load %arg8[%swap3A_200, %swap3A_201] {strides = array<i32>} : memref<112x512xf32, #tpu.memory_space<vmem>>, vector<16xf32>,
      tpu.vector_store %arg8[%swap3A_200, %swap3A_201], %broadcast_in_dim3A_134 {strides = array<i32>} : memref<112x512xf32, #tpu.memory_space<vmem>>, vector<16xf32>,
      %swap3A_203 = arith.index_cast %scan3A_181 : i32 to index
      %swap3A_204 = arith.constant 112 : index
      %swap3A_205 = tpu.vector_load %arg8[%swap3A_203, %swap3A_204] {strides = array<i32>} : memref<112x512xf32, #tpu.memory_space<vmem>>, vector<16xf32>,
      tpu.vector_store %arg8[%swap3A_203, %swap3A_204], %broadcast_in_dim3A_134 {strides = array<i32>} : memref<112x512xf32, #tpu.memory_space<vmem>>, vector<16xf32>,
      %swap3A_206 = arith.index_cast %scan3A_181 : i32 to index
      %swap3A_207 = arith.constant 128 : index
      %swap3A_208 = tpu.vector_load %arg8[%swap3A_206, %swap3A_207] {strides = array<i32>} : memref<112x512xf32, #tpu.memory_space<vmem>>, vector<16xf32>,
      tpu.vector_store %arg8[%swap3A_206, %swap3A_207], %broadcast_in_dim3A_134 {strides = array<i32>} : memref<112x512xf32, #tpu.memory_space<vmem>>, vector<16xf32>,
      %swap3A_209 = arith.index_cast %scan3A_181 : i32 to index
      %swap3A_210 = arith.constant 144 : index
      %swap3A_211 = tpu.vector_load %arg8[%swap3A_209, %swap3A_210] {strides = array<i32>} : memref<112x512xf32, #tpu.memory_space<vmem>>, vector<16xf32>,
      tpu.vector_store %arg8[%swap3A_209, %swap3A_210], %broadcast_in_dim3A_134 {strides = array<i32>} : memref<112x512xf32, #tpu.memory_space<vmem>>, vector<16xf32>,
      %swap3A_212 = arith.index_cast %scan3A_181 : i32 to index
      %swap3A_213 = arith.constant 160 : index
      %swap3A_214 = tpu.vector_load %arg8[%swap3A_212, %swap3A_213] {strides = array<i32>} : memref<112x512xf32, #tpu.memory_space<vmem>>, vector<16xf32>,
      tpu.vector_store %arg8[%swap3A_212, %swap3A_213], %broadcast_in_dim3A_134 {strides = array<i32>} : memref<112x512xf32, #tpu.memory_space<vmem>>, vector<16xf32>,
      %swap3A_215 = arith.index_cast %scan3A_181 : i32 to index
      %swap3A_216 = arith.constant 176 : index
      %swap3A_217 = tpu.vector_load %arg8[%swap3A_215, %swap3A_216] {strides = array<i32>} : memref<112x512xf32, #tpu.memory_space<vmem>>, vector<16xf32>,
      tpu.vector_store %arg8[%swap3A_215, %swap3A_216], %broadcast_in_dim3A_134 {strides = array<i32>} : memref<112x512xf32, #tpu.memory_space<vmem>>, vector<16xf32>,
      %swap3A_218 = arith.index_cast %scan3A_181 : i32 to index
      %swap3A_219 = arith.constant 192 : index
      %swap3A_220 = tpu.vector_load %arg8[%swap3A_218, %swap3A_219] {strides = array<i32>} : memref<112x512xf32, #tpu.memory_space<vmem>>, vector<16xf32>,
      tpu.vector_store %arg8[%swap3A_218, %swap3A_219], %broadcast_in_dim3A_134 {strides = array<i32>} : memref<112x512xf32, #tpu.memory_space<vmem>>, vector<16xf32>,
      %swap3A_221 = arith.index_cast %scan3A_181 : i32 to index
      %swap3A_222 = arith.constant 208 : index
      %swap3A_223 = tpu.vector_load %arg8[%swap3A_221, %swap3A_222] {strides = array<i32>} : memref<112x512xf32, #tpu.memory_space<vmem>>, vector<16xf32>,
      tpu.vector_store %arg8[%swap3A_221, %swap3A_222], %broadcast_in_dim3A_134 {strides = array<i32>} : memref<112x512xf32, #tpu.memory_space<vmem>>, vector<16xf32>,
      %swap3A_224 = arith.index_cast %scan3A_181 : i32 to index
      %swap3A_225 = arith.constant 224 : index
      %swap3A_226 = tpu.vector_load %arg8[%swap3A_224, %swap3A_225] {strides = array<i32>} : memref<112x512xf32, #tpu.memory_space<vmem>>, vector<16xf32>,
      tpu.vector_store %arg8[%swap3A_224, %swap3A_225], %broadcast_in_dim3A_134 {strides = array<i32>} : memref<112x512xf32, #tpu.memory_space<vmem>>, vector<16xf32>,
      %swap3A_227 = arith.index_cast %scan3A_181 : i32 to index
      %swap3A_228 = arith.constant 240 : index
      %swap3A_229 = tpu.vector_load %arg8[%swap3A_227, %swap3A_228] {strides = array<i32>} : memref<112x512xf32, #tpu.memory_space<vmem>>, vector<16xf32>,
      tpu.vector_store %arg8[%swap3A_227, %swap3A_228], %broadcast_in_dim3A_134 {strides = array<i32>} : memref<112x512xf32, #tpu.memory_space<vmem>>, vector<16xf32>,
      %swap3A_230 = arith.index_cast %scan3A_181 : i32 to index
      %swap3A_231 = arith.constant 256 : index
      %swap3A_232 = tpu.vector_load %arg8[%swap3A_230, %swap3A_231] {strides = array<i32>} : memref<112x512xf32, #tpu.memory_space<vmem>>, vector<16xf32>,
      tpu.vector_store %arg8[%swap3A_230, %swap3A_231], %broadcast_in_dim3A_134 {strides = array<i32>} : memref<112x512xf32, #tpu.memory_space<vmem>>, vector<16xf32>,
      %swap3A_233 = arith.index_cast %scan3A_181 : i32 to index
      %swap3A_234 = arith.constant 272 : index
      %swap3A_235 = tpu.vector_load %arg8[%swap3A_233, %swap3A_234] {strides = array<i32>} : memref<112x512xf32, #tpu.memory_space<vmem>>, vector<16xf32>,
      tpu.vector_store %arg8[%swap3A_233, %swap3A_234], %broadcast_in_dim3A_134 {strides = array<i32>} : memref<112x512xf32, #tpu.memory_space<vmem>>, vector<16xf32>,
      %swap3A_236 = arith.index_cast %scan3A_181 : i32 to index
      %swap3A_237 = arith.constant 288 : index
      %swap3A_238 = tpu.vector_load %arg8[%swap3A_236, %swap3A_237] {strides = array<i32>} : memref<112x512xf32, #tpu.memory_space<vmem>>, vector<16xf32>,
      tpu.vector_store %arg8[%swap3A_236, %swap3A_237], %broadcast_in_dim3A_134 {strides = array<i32>} : memref<112x512xf32, #tpu.memory_space<vmem>>, vector<16xf32>,
      %swap3A_239 = arith.index_cast %scan3A_181 : i32 to index
      %swap3A_240 = arith.constant 304 : index
      %swap3A_241 = tpu.vector_load %arg8[%swap3A_239, %swap3A_240] {strides = array<i32>} : memref<112x512xf32, #tpu.memory_space<vmem>>, vector<16xf32>,
      tpu.vector_store %arg8[%swap3A_239, %swap3A_240], %broadcast_in_dim3A_134 {strides = array<i32>} : memref<112x512xf32, #tpu.memory_space<vmem>>, vector<16xf32>,
      %swap3A_242 = arith.index_cast %scan3A_181 : i32 to index
      %swap3A_243 = arith.constant 320 : index
      %swap3A_244 = tpu.vector_load %arg8[%swap3A_242, %swap3A_243] {strides = array<i32>} : memref<112x512xf32, #tpu.memory_space<vmem>>, vector<16xf32>,
      tpu.vector_store %arg8[%swap3A_242, %swap3A_243], %broadcast_in_dim3A_134 {strides = array<i32>} : memref<112x512xf32, #tpu.memory_space<vmem>>, vector<16xf32>,
      %swap3A_245 = arith.index_cast %scan3A_181 : i32 to index
      %swap3A_246 = arith.constant 336 : index
      %swap3A_247 = tpu.vector_load %arg8[%swap3A_245, %swap3A_246] {strides = array<i32>} : memref<112x512xf32, #tpu.memory_space<vmem>>, vector<16xf32>,
      tpu.vector_store %arg8[%swap3A_245, %swap3A_246], %broadcast_in_dim3A_134 {strides = array<i32>} : memref<112x512xf32, #tpu.memory_space<vmem>>, vector<16xf32>,
      %swap3A_248 = arith.index_cast %scan3A_181 : i32 to index
      %swap3A_249 = arith.constant 352 : index
      %swap3A_250 = tpu.vector_load %arg8[%swap3A_248, %swap3A_249] {strides = array<i32>} : memref<112x512xf32, #tpu.memory_space<vmem>>, vector<16xf32>,
      tpu.vector_store %arg8[%swap3A_248, %swap3A_249], %broadcast_in_dim3A_134 {strides = array<i32>} : memref<112x512xf32, #tpu.memory_space<vmem>>, vector<16xf32>,
      %swap3A_251 = arith.index_cast %scan3A_181 : i32 to index
      %swap3A_252 = arith.constant 368 : index
      %swap3A_253 = tpu.vector_load %arg8[%swap3A_251, %swap3A_252] {strides = array<i32>} : memref<112x512xf32, #tpu.memory_space<vmem>>, vector<16xf32>,
      tpu.vector_store %arg8[%swap3A_251, %swap3A_252], %broadcast_in_dim3A_134 {strides = array<i32>} : memref<112x512xf32, #tpu.memory_space<vmem>>, vector<16xf32>,
      %swap3A_254 = arith.index_cast %scan3A_181 : i32 to index
      %swap3A_255 = arith.constant 384 : index
      %swap3A_256 = tpu.vector_load %arg8[%swap3A_254, %swap3A_255] {strides = array<i32>} : memref<112x512xf32, #tpu.memory_space<vmem>>, vector<16xf32>,
      tpu.vector_store %arg8[%swap3A_254, %swap3A_255], %broadcast_in_dim3A_134 {strides = array<i32>} : memref<112x512xf32, #tpu.memory_space<vmem>>, vector<16xf32>,
      %swap3A_257 = arith.index_cast %scan3A_181 : i32 to index
      %swap3A_258 = arith.constant 400 : index
      %swap3A_259 = tpu.vector_load %arg8[%swap3A_257, %swap3A_258] {strides = array<i32>} : memref<112x512xf32, #tpu.memory_space<vmem>>, vector<16xf32>,
      tpu.vector_store %arg8[%swap3A_257, %swap3A_258], %broadcast_in_dim3A_134 {strides = array<i32>} : memref<112x512xf32, #tpu.memory_space<vmem>>, vector<16xf32>,
      %swap3A_260 = arith.index_cast %scan3A_181 : i32 to index
      %swap3A_261 = arith.constant 416 : index
      %swap3A_262 = tpu.vector_load %arg8[%swap3A_260, %swap3A_261] {strides = array<i32>} : memref<112x512xf32, #tpu.memory_space<vmem>>, vector<16xf32>,
      tpu.vector_store %arg8[%swap3A_260, %swap3A_261], %broadcast_in_dim3A_134 {strides = array<i32>} : memref<112x512xf32, #tpu.memory_space<vmem>>, vector<16xf32>,
      %swap3A_263 = arith.index_cast %scan3A_181 : i32 to index
      %swap3A_264 = arith.constant 432 : index
      %swap3A_265 = tpu.vector_load %arg8[%swap3A_263, %swap3A_264] {strides = array<i32>} : memref<112x512xf32, #tpu.memory_space<vmem>>, vector<16xf32>,
      tpu.vector_store %arg8[%swap3A_263, %swap3A_264], %broadcast_in_dim3A_134 {strides = array<i32>} : memref<112x512xf32, #tpu.memory_space<vmem>>, vector<16xf32>,
      %swap3A_266 = arith.index_cast %scan3A_181 : i32 to index
      %swap3A_267 = arith.constant 448 : index
      %swap3A_268 = tpu.vector_load %arg8[%swap3A_266, %swap3A_267] {strides = array<i32>} : memref<112x512xf32, #tpu.memory_space<vmem>>, vector<16xf32>,
      tpu.vector_store %arg8[%swap3A_266, %swap3A_267], %broadcast_in_dim3A_134 {strides = array<i32>} : memref<112x512xf32, #tpu.memory_space<vmem>>, vector<16xf32>,
      %swap3A_269 = arith.index_cast %scan3A_181 : i32 to index
      %swap3A_270 = arith.constant 464 : index
      %swap3A_271 = tpu.vector_load %arg8[%swap3A_269, %swap3A_270] {strides = array<i32>} : memref<112x512xf32, #tpu.memory_space<vmem>>, vector<16xf32>,
      tpu.vector_store %arg8[%swap3A_269, %swap3A_270], %broadcast_in_dim3A_134 {strides = array<i32>} : memref<112x512xf32, #tpu.memory_space<vmem>>, vector<16xf32>,
      %swap3A_272 = arith.index_cast %scan3A_181 : i32 to index
      %swap3A_273 = arith.constant 480 : index
      %swap3A_274 = tpu.vector_load %arg8[%swap3A_272, %swap3A_273] {strides = array<i32>} : memref<112x512xf32, #tpu.memory_space<vmem>>, vector<16xf32>,
      tpu.vector_store %arg8[%swap3A_272, %swap3A_273], %broadcast_in_dim3A_134 {strides = array<i32>} : memref<112x512xf32, #tpu.memory_space<vmem>>, vector<16xf32>,
      %swap3A_275 = arith.index_cast %scan3A_181 : i32 to index
      %swap3A_276 = arith.constant 496 : index
      %swap3A_277 = tpu.vector_load %arg8[%swap3A_275, %swap3A_276] {strides = array<i32>} : memref<112x512xf32, #tpu.memory_space<vmem>>, vector<16xf32>,
      tpu.vector_store %arg8[%swap3A_275, %swap3A_276], %broadcast_in_dim3A_134 {strides = array<i32>} : memref<112x512xf32, #tpu.memory_space<vmem>>, vector<16xf32>,
      %scan3A_278 = arith.constant 0 : i32
      scf.yield %scan3A_278 : i32
    }
    %scan3A_141 = arith.constant 112 : i32
    %scan3A_142 = arith.constant 0 : i32
    %scan3A_143 = arith.constant 0 : i32
    %scan3A_144 = arith.constant 6 : i32
    %scan3A_145 = arith.addi %scan3A_143, %scan3A_144 : i32
    %scan3A_146 = arith.constant 1 : i32
    %scan3A_147 = scf.for %scan3A_181 = %scan3A_143 to %scan3A_145 step %scan3A_146 iter_args(%scan3A_182 = %scan3A_142) -> (i32)  : i32 {
      %mul3A_183 = arith.constant 16 : i32
      %mul3A_184 = arith.muli %scan3A_181, %mul3A_183 : i32
      %add3A_185 = arith.constant 336 : i32
      %add3A_186 = arith.addi %add3A_185, %mul3A_184 : i32
      %get3A = arith.index_cast %add3A_186 : i32 to index
      %get3A_187 = tpu.vector_load %arg5[%get3A] {strides = array<i32>} : memref<448xf32, #tpu.memory_space<vmem>>, vector<16xf32>,
      %convert_element_type3A_188 = arith.fptosi %get3A_187 : vector<16xf32> to vector<16xi32>
      %add3A_189 = arith.constant 336 : i32
      %add3A_190 = arith.addi %add3A_189, %mul3A_184 : i32
      %get3A_191 = arith.index_cast %add3A_190 : i32 to index
      %get3A_192 = tpu.vector_load %arg6[%get3A_191] {strides = array<i32>} : memref<448xf32, #tpu.memory_space<vmem>>, vector<16xf32>,
      %convert_element_type3A_193 = arith.fptosi %get3A_192 : vector<16xf32> to vector<16xi32>
      %sub3A_194 = arith.constant 6 : i32
      %sub3A_195 = vector.broadcast %sub3A_194 : i32 to vector<16xi32>
      %sub3A_196 = arith.subi %convert_element_type3A_188, %sub3A_195 : vector<16xi32>
      %sub3A_197 = arith.constant 6 : i32
      %sub3A_198 = vector.broadcast %sub3A_197 : i32 to vector<16xi32>
      %sub3A_199 = arith.subi %convert_element_type3A_193, %sub3A_198 : vector<16xi32>
      %add3A_200 = arith.constant 7 : i32
      %add3A_201 = vector.broadcast %add3A_200 : i32 to vector<16xi32>
      %add3A_202 = arith.addi %convert_element_type3A_188, %add3A_201 : vector<16xi32>
      %add3A_203 = arith.constant 7 : i32
      %add3A_204 = vector.broadcast %add3A_203 : i32 to vector<16xi32>
      %add3A_205 = arith.addi %convert_element_type3A_193, %add3A_204 : vector<16xi32>
      %lt3A = arith.constant 0 : i32
      %lt3A_206 = vector.broadcast %lt3A : i32 to vector<16xi32>
      %lt3A_207 = arith.cmpi slt, %sub3A_196, %lt3A_206 : vector<16xi32>
      %gt3A = arith.constant 512 : i32
      %gt3A_208 = vector.broadcast %gt3A : i32 to vector<16xi32>
      %gt3A_209 = arith.cmpi sgt, %sub3A_196, %gt3A_208 : vector<16xi32>
      %or3A = arith.ori %lt3A_207, %gt3A_209 : vector<16xi1>
      %lt3A_210 = arith.constant 0 : i32
      %lt3A_211 = vector.broadcast %lt3A_210 : i32 to vector<16xi32>
      %lt3A_212 = arith.cmpi slt, %sub3A_199, %lt3A_211 : vector<16xi32>
      %or3A_213 = arith.ori %or3A, %lt3A_212 : vector<16xi1>
      %gt3A_214 = arith.constant 512 : i32
      %gt3A_215 = vector.broadcast %gt3A_214 : i32 to vector<16xi32>
      %gt3A_216 = arith.cmpi sgt, %sub3A_199, %gt3A_215 : vector<16xi32>
      %or3A_217 = arith.ori %or3A_213, %gt3A_216 : vector<16xi1>
      %not3A = arith.constant dense<true> : vector<16xi1>
      %not3A_218 = arith.xori %or3A_217, %not3A : vector<16xi1>
      %lt3A_219 = arith.constant 0 : i32
      %lt3A_220 = vector.broadcast %lt3A_219 : i32 to vector<16xi32>
      %lt3A_221 = arith.cmpi slt, %add3A_202, %lt3A_220 : vector<16xi32>
      %gt3A_222 = arith.constant 512 : i32
      %gt3A_223 = vector.broadcast %gt3A_222 : i32 to vector<16xi32>
      %gt3A_224 = arith.cmpi sgt, %add3A_202, %gt3A_223 : vector<16xi32>
      %or3A_225 = arith.ori %lt3A_221, %gt3A_224 : vector<16xi1>
      %lt3A_226 = arith.constant 0 : i32
      %lt3A_227 = vector.broadcast %lt3A_226 : i32 to vector<16xi32>
      %lt3A_228 = arith.cmpi slt, %add3A_205, %lt3A_227 : vector<16xi32>
      %or3A_229 = arith.ori %or3A_225, %lt3A_228 : vector<16xi1>
      %gt3A_230 = arith.constant 512 : i32
      %gt3A_231 = vector.broadcast %gt3A_230 : i32 to vector<16xi32>
      %gt3A_232 = arith.cmpi sgt, %add3A_205, %gt3A_231 : vector<16xi32>
      %or3A_233 = arith.ori %or3A_229, %gt3A_232 : vector<16xi1>
      %not3A_234 = arith.constant dense<true> : vector<16xi1>
      %not3A_235 = arith.xori %or3A_233, %not3A_234 : vector<16xi1>
      %or3A_236 = arith.ori %not3A_218, %not3A_235 : vector<16xi1>
      %convert_element_type3A_237 = arith.extui %or3A_236 : vector<16xi1> to vector<16xi32>
      %slice3A = vector.extract_strided_slice %convert_element_type3A_237 {offsets = [0], sizes = [1], strides = [1]} : vector<16xi32> to vector<1xi32>
      %squeeze3A = vector.extract %slice3A[0] : i32 from vector<1xi32>
      %ne3A = arith.constant 0 : i32
      %ne3A_238 = arith.cmpi ne, %squeeze3A, %ne3A : i32
      %add3A_239 = arith.constant 0 : i32
      %add3A_240 = arith.addi %mul3A_184, %add3A_239 : i32
      %lt3A_241 = arith.constant 88 : i32
      %lt3A_242 = arith.cmpi slt, %add3A_240, %lt3A_241 : i32
      %and3A = arith.andi %ne3A_238, %lt3A_242 : i1
      %slice3A_243 = vector.extract_strided_slice %sub3A_196 {offsets = [0], sizes = [1], strides = [1]} : vector<16xi32> to vector<1xi32>
      %squeeze3A_244 = vector.extract %slice3A_243[0] : i32 from vector<1xi32>
      %add3A_245 = vector.broadcast %squeeze3A_244 : i32 to vector<16xi32>
      %add3A_246 = arith.addi %iota3A, %add3A_245 : vector<16xi32>
      %ge3A = arith.constant 0 : i32
      %ge3A_247 = vector.broadcast %ge3A : i32 to vector<16xi32>
      %ge3A_248 = arith.cmpi sge, %add3A_246, %ge3A_247 : vector<16xi32>
      %lt3A_249 = arith.constant 512 : i32
      %lt3A_250 = vector.broadcast %lt3A_249 : i32 to vector<16xi32>
      %lt3A_251 = arith.cmpi slt, %add3A_246, %lt3A_250 : vector<16xi32>
      %and3A_252 = arith.andi %ge3A_248, %lt3A_251 : vector<16xi1>
      %lt3A_253 = arith.constant 13 : i32
      %lt3A_254 = vector.broadcast %lt3A_253 : i32 to vector<16xi32>
      %lt3A_255 = arith.cmpi slt, %iota3A, %lt3A_254 : vector<16xi32>
      %and3A_256 = arith.andi %and3A_252, %lt3A_255 : vector<16xi1>
      %and3A_257 = vector.broadcast %and3A : i1 to vector<16xi1>
      %and3A_258 = arith.andi %and3A_256, %and3A_257 : vector<16xi1>
      %add3A_259 = arith.constant 0 : i32
      %add3A_260 = arith.addi %mul3A_184, %add3A_259 : i32
      %broadcast_in_dim3A_261 = vector.broadcast %add3A_260 : i32 to vector<16xi32>
      tpu.vector_store_idx %arg8[%broadcast_in_dim3A_261, %add3A_246], %exp3A masked %and3A_258 : memref<112x512xf32, #tpu.memory_space<vmem>>[vector<16xi32>, vector<16xi32>], vector<16xf32>, vector<16xi1>
      %slice3A_262 = vector.extract_strided_slice %convert_element_type3A_237 {offsets = [1], sizes = [1], strides = [1]} : vector<16xi32> to vector<1xi32>
      %squeeze3A_263 = vector.extract %slice3A_262[0] : i32 from vector<1xi32>
      %ne3A_264 = arith.constant 0 : i32
      %ne3A_265 = arith.cmpi ne, %squeeze3A_263, %ne3A_264 : i32
      %add3A_266 = arith.constant 1 : i32
      %add3A_267 = arith.addi %mul3A_184, %add3A_266 : i32
      %lt3A_268 = arith.constant 88 : i32
      %lt3A_269 = arith.cmpi slt, %add3A_267, %lt3A_268 : i32
      %and3A_270 = arith.andi %ne3A_265, %lt3A_269 : i1
      %slice3A_271 = vector.extract_strided_slice %sub3A_196 {offsets = [1], sizes = [1], strides = [1]} : vector<16xi32> to vector<1xi32>
      %squeeze3A_272 = vector.extract %slice3A_271[0] : i32 from vector<1xi32>
      %add3A_273 = vector.broadcast %squeeze3A_272 : i32 to vector<16xi32>
      %add3A_274 = arith.addi %iota3A, %add3A_273 : vector<16xi32>
      %ge3A_275 = arith.constant 0 : i32
      %ge3A_276 = vector.broadcast %ge3A_275 : i32 to vector<16xi32>
      %ge3A_277 = arith.cmpi sge, %add3A_274, %ge3A_276 : vector<16xi32>
      %lt3A_278 = arith.constant 512 : i32
      %lt3A_279 = vector.broadcast %lt3A_278 : i32 to vector<16xi32>
      %lt3A_280 = arith.cmpi slt, %add3A_274, %lt3A_279 : vector<16xi32>
      %and3A_281 = arith.andi %ge3A_277, %lt3A_280 : vector<16xi1>
      %lt3A_282 = arith.constant 13 : i32
      %lt3A_283 = vector.broadcast %lt3A_282 : i32 to vector<16xi32>
      %lt3A_284 = arith.cmpi slt, %iota3A, %lt3A_283 : vector<16xi32>
      %and3A_285 = arith.andi %and3A_281, %lt3A_284 : vector<16xi1>
      %and3A_286 = vector.broadcast %and3A_270 : i1 to vector<16xi1>
      %and3A_287 = arith.andi %and3A_285, %and3A_286 : vector<16xi1>
      %add3A_288 = arith.constant 1 : i32
      %add3A_289 = arith.addi %mul3A_184, %add3A_288 : i32
      %broadcast_in_dim3A_290 = vector.broadcast %add3A_289 : i32 to vector<16xi32>
      tpu.vector_store_idx %arg8[%broadcast_in_dim3A_290, %add3A_274], %exp3A masked %and3A_287 : memref<112x512xf32, #tpu.memory_space<vmem>>[vector<16xi32>, vector<16xi32>], vector<16xf32>, vector<16xi1>
      %slice3A_291 = vector.extract_strided_slice %convert_element_type3A_237 {offsets = [2], sizes = [1], strides = [1]} : vector<16xi32> to vector<1xi32>
      %squeeze3A_292 = vector.extract %slice3A_291[0] : i32 from vector<1xi32>
      %ne3A_293 = arith.constant 0 : i32
      %ne3A_294 = arith.cmpi ne, %squeeze3A_292, %ne3A_293 : i32
      %add3A_295 = arith.constant 2 : i32
      %add3A_296 = arith.addi %mul3A_184, %add3A_295 : i32
      %lt3A_297 = arith.constant 88 : i32
      %lt3A_298 = arith.cmpi slt, %add3A_296, %lt3A_297 : i32
      %and3A_299 = arith.andi %ne3A_294, %lt3A_298 : i1
      %slice3A_300 = vector.extract_strided_slice %sub3A_196 {offsets = [2], sizes = [1], strides = [1]} : vector<16xi32> to vector<1xi32>
      %squeeze3A_301 = vector.extract %slice3A_300[0] : i32 from vector<1xi32>
      %add3A_302 = vector.broadcast %squeeze3A_301 : i32 to vector<16xi32>
      %add3A_303 = arith.addi %iota3A, %add3A_302 : vector<16xi32>
      %ge3A_304 = arith.constant 0 : i32
      %ge3A_305 = vector.broadcast %ge3A_304 : i32 to vector<16xi32>
      %ge3A_306 = arith.cmpi sge, %add3A_303, %ge3A_305 : vector<16xi32>
      %lt3A_307 = arith.constant 512 : i32
      %lt3A_308 = vector.broadcast %lt3A_307 : i32 to vector<16xi32>
      %lt3A_309 = arith.cmpi slt, %add3A_303, %lt3A_308 : vector<16xi32>
      %and3A_310 = arith.andi %ge3A_306, %lt3A_309 : vector<16xi1>
      %lt3A_311 = arith.constant 13 : i32
      %lt3A_312 = vector.broadcast %lt3A_311 : i32 to vector<16xi32>
      %lt3A_313 = arith.cmpi slt, %iota3A, %lt3A_312 : vector<16xi32>
      %and3A_314 = arith.andi %and3A_310, %lt3A_313 : vector<16xi1>
      %and3A_315 = vector.broadcast %and3A_299 : i1 to vector<16xi1>
      %and3A_316 = arith.andi %and3A_314, %and3A_315 : vector<16xi1>
      %add3A_317 = arith.constant 2 : i32
      %add3A_318 = arith.addi %mul3A_184, %add3A_317 : i32
      %broadcast_in_dim3A_319 = vector.broadcast %add3A_318 : i32 to vector<16xi32>
      tpu.vector_store_idx %arg8[%broadcast_in_dim3A_319, %add3A_303], %exp3A masked %and3A_316 : memref<112x512xf32, #tpu.memory_space<vmem>>[vector<16xi32>, vector<16xi32>], vector<16xf32>, vector<16xi1>
      %slice3A_320 = vector.extract_strided_slice %convert_element_type3A_237 {offsets = [3], sizes = [1], strides = [1]} : vector<16xi32> to vector<1xi32>
      %squeeze3A_321 = vector.extract %slice3A_320[0] : i32 from vector<1xi32>
      %ne3A_322 = arith.constant 0 : i32
      %ne3A_323 = arith.cmpi ne, %squeeze3A_321, %ne3A_322 : i32
      %add3A_324 = arith.constant 3 : i32
      %add3A_325 = arith.addi %mul3A_184, %add3A_324 : i32
      %lt3A_326 = arith.constant 88 : i32
      %lt3A_327 = arith.cmpi slt, %add3A_325, %lt3A_326 : i32
      %and3A_328 = arith.andi %ne3A_323, %lt3A_327 : i1
      %slice3A_329 = vector.extract_strided_slice %sub3A_196 {offsets = [3], sizes = [1], strides = [1]} : vector<16xi32> to vector<1xi32>
      %squeeze3A_330 = vector.extract %slice3A_329[0] : i32 from vector<1xi32>
      %add3A_331 = vector.broadcast %squeeze3A_330 : i32 to vector<16xi32>
      %add3A_332 = arith.addi %iota3A, %add3A_331 : vector<16xi32>
      %ge3A_333 = arith.constant 0 : i32
      %ge3A_334 = vector.broadcast %ge3A_333 : i32 to vector<16xi32>
      %ge3A_335 = arith.cmpi sge, %add3A_332, %ge3A_334 : vector<16xi32>
      %lt3A_336 = arith.constant 512 : i32
      %lt3A_337 = vector.broadcast %lt3A_336 : i32 to vector<16xi32>
      %lt3A_338 = arith.cmpi slt, %add3A_332, %lt3A_337 : vector<16xi32>
      %and3A_339 = arith.andi %ge3A_335, %lt3A_338 : vector<16xi1>
      %lt3A_340 = arith.constant 13 : i32
      %lt3A_341 = vector.broadcast %lt3A_340 : i32 to vector<16xi32>
      %lt3A_342 = arith.cmpi slt, %iota3A, %lt3A_341 : vector<16xi32>
      %and3A_343 = arith.andi %and3A_339, %lt3A_342 : vector<16xi1>
      %and3A_344 = vector.broadcast %and3A_328 : i1 to vector<16xi1>
      %and3A_345 = arith.andi %and3A_343, %and3A_344 : vector<16xi1>
      %add3A_346 = arith.constant 3 : i32
      %add3A_347 = arith.addi %mul3A_184, %add3A_346 : i32
      %broadcast_in_dim3A_348 = vector.broadcast %add3A_347 : i32 to vector<16xi32>
      tpu.vector_store_idx %arg8[%broadcast_in_dim3A_348, %add3A_332], %exp3A masked %and3A_345 : memref<112x512xf32, #tpu.memory_space<vmem>>[vector<16xi32>, vector<16xi32>], vector<16xf32>, vector<16xi1>
      %slice3A_349 = vector.extract_strided_slice %convert_element_type3A_237 {offsets = [4], sizes = [1], strides = [1]} : vector<16xi32> to vector<1xi32>
      %squeeze3A_350 = vector.extract %slice3A_349[0] : i32 from vector<1xi32>
      %ne3A_351 = arith.constant 0 : i32
      %ne3A_352 = arith.cmpi ne, %squeeze3A_350, %ne3A_351 : i32
      %add3A_353 = arith.constant 4 : i32
      %add3A_354 = arith.addi %mul3A_184, %add3A_353 : i32
      %lt3A_355 = arith.constant 88 : i32
      %lt3A_356 = arith.cmpi slt, %add3A_354, %lt3A_355 : i32
      %and3A_357 = arith.andi %ne3A_352, %lt3A_356 : i1
      %slice3A_358 = vector.extract_strided_slice %sub3A_196 {offsets = [4], sizes = [1], strides = [1]} : vector<16xi32> to vector<1xi32>
      %squeeze3A_359 = vector.extract %slice3A_358[0] : i32 from vector<1xi32>
      %add3A_360 = vector.broadcast %squeeze3A_359 : i32 to vector<16xi32>
      %add3A_361 = arith.addi %iota3A, %add3A_360 : vector<16xi32>
      %ge3A_362 = arith.constant 0 : i32
      %ge3A_363 = vector.broadcast %ge3A_362 : i32 to vector<16xi32>
      %ge3A_364 = arith.cmpi sge, %add3A_361, %ge3A_363 : vector<16xi32>
      %lt3A_365 = arith.constant 512 : i32
      %lt3A_366 = vector.broadcast %lt3A_365 : i32 to vector<16xi32>
      %lt3A_367 = arith.cmpi slt, %add3A_361, %lt3A_366 : vector<16xi32>
      %and3A_368 = arith.andi %ge3A_364, %lt3A_367 : vector<16xi1>
      %lt3A_369 = arith.constant 13 : i32
      %lt3A_370 = vector.broadcast %lt3A_369 : i32 to vector<16xi32>
      %lt3A_371 = arith.cmpi slt, %iota3A, %lt3A_370 : vector<16xi32>
      %and3A_372 = arith.andi %and3A_368, %lt3A_371 : vector<16xi1>
      %and3A_373 = vector.broadcast %and3A_357 : i1 to vector<16xi1>
      %and3A_374 = arith.andi %and3A_372, %and3A_373 : vector<16xi1>
      %add3A_375 = arith.constant 4 : i32
      %add3A_376 = arith.addi %mul3A_184, %add3A_375 : i32
      %broadcast_in_dim3A_377 = vector.broadcast %add3A_376 : i32 to vector<16xi32>
      tpu.vector_store_idx %arg8[%broadcast_in_dim3A_377, %add3A_361], %exp3A masked %and3A_374 : memref<112x512xf32, #tpu.memory_space<vmem>>[vector<16xi32>, vector<16xi32>], vector<16xf32>, vector<16xi1>
      %slice3A_378 = vector.extract_strided_slice %convert_element_type3A_237 {offsets = [5], sizes = [1], strides = [1]} : vector<16xi32> to vector<1xi32>
      %squeeze3A_379 = vector.extract %slice3A_378[0] : i32 from vector<1xi32>
      %ne3A_380 = arith.constant 0 : i32
      %ne3A_381 = arith.cmpi ne, %squeeze3A_379, %ne3A_380 : i32
      %add3A_382 = arith.constant 5 : i32
      %add3A_383 = arith.addi %mul3A_184, %add3A_382 : i32
      %lt3A_384 = arith.constant 88 : i32
      %lt3A_385 = arith.cmpi slt, %add3A_383, %lt3A_384 : i32
      %and3A_386 = arith.andi %ne3A_381, %lt3A_385 : i1
      %slice3A_387 = vector.extract_strided_slice %sub3A_196 {offsets = [5], sizes = [1], strides = [1]} : vector<16xi32> to vector<1xi32>
      %squeeze3A_388 = vector.extract %slice3A_387[0] : i32 from vector<1xi32>
      %add3A_389 = vector.broadcast %squeeze3A_388 : i32 to vector<16xi32>
      %add3A_390 = arith.addi %iota3A, %add3A_389 : vector<16xi32>
      %ge3A_391 = arith.constant 0 : i32
      %ge3A_392 = vector.broadcast %ge3A_391 : i32 to vector<16xi32>
      %ge3A_393 = arith.cmpi sge, %add3A_390, %ge3A_392 : vector<16xi32>
      %lt3A_394 = arith.constant 512 : i32
      %lt3A_395 = vector.broadcast %lt3A_394 : i32 to vector<16xi32>
      %lt3A_396 = arith.cmpi slt, %add3A_390, %lt3A_395 : vector<16xi32>
      %and3A_397 = arith.andi %ge3A_393, %lt3A_396 : vector<16xi1>
      %lt3A_398 = arith.constant 13 : i32
      %lt3A_399 = vector.broadcast %lt3A_398 : i32 to vector<16xi32>
      %lt3A_400 = arith.cmpi slt, %iota3A, %lt3A_399 : vector<16xi32>
      %and3A_401 = arith.andi %and3A_397, %lt3A_400 : vector<16xi1>
      %and3A_402 = vector.broadcast %and3A_386 : i1 to vector<16xi1>
      %and3A_403 = arith.andi %and3A_401, %and3A_402 : vector<16xi1>
      %add3A_404 = arith.constant 5 : i32
      %add3A_405 = arith.addi %mul3A_184, %add3A_404 : i32
      %broadcast_in_dim3A_406 = vector.broadcast %add3A_405 : i32 to vector<16xi32>
      tpu.vector_store_idx %arg8[%broadcast_in_dim3A_406, %add3A_390], %exp3A masked %and3A_403 : memref<112x512xf32, #tpu.memory_space<vmem>>[vector<16xi32>, vector<16xi32>], vector<16xf32>, vector<16xi1>
      %slice3A_407 = vector.extract_strided_slice %convert_element_type3A_237 {offsets = [6], sizes = [1], strides = [1]} : vector<16xi32> to vector<1xi32>
      %squeeze3A_408 = vector.extract %slice3A_407[0] : i32 from vector<1xi32>
      %ne3A_409 = arith.constant 0 : i32
      %ne3A_410 = arith.cmpi ne, %squeeze3A_408, %ne3A_409 : i32
      %add3A_411 = arith.constant 6 : i32
      %add3A_412 = arith.addi %mul3A_184, %add3A_411 : i32
      %lt3A_413 = arith.constant 88 : i32
      %lt3A_414 = arith.cmpi slt, %add3A_412, %lt3A_413 : i32
      %and3A_415 = arith.andi %ne3A_410, %lt3A_414 : i1
      %slice3A_416 = vector.extract_strided_slice %sub3A_196 {offsets = [6], sizes = [1], strides = [1]} : vector<16xi32> to vector<1xi32>
      %squeeze3A_417 = vector.extract %slice3A_416[0] : i32 from vector<1xi32>
      %add3A_418 = vector.broadcast %squeeze3A_417 : i32 to vector<16xi32>
      %add3A_419 = arith.addi %iota3A, %add3A_418 : vector<16xi32>
      %ge3A_420 = arith.constant 0 : i32
      %ge3A_421 = vector.broadcast %ge3A_420 : i32 to vector<16xi32>
      %ge3A_422 = arith.cmpi sge, %add3A_419, %ge3A_421 : vector<16xi32>
      %lt3A_423 = arith.constant 512 : i32
      %lt3A_424 = vector.broadcast %lt3A_423 : i32 to vector<16xi32>
      %lt3A_425 = arith.cmpi slt, %add3A_419, %lt3A_424 : vector<16xi32>
      %and3A_426 = arith.andi %ge3A_422, %lt3A_425 : vector<16xi1>
      %lt3A_427 = arith.constant 13 : i32
      %lt3A_428 = vector.broadcast %lt3A_427 : i32 to vector<16xi32>
      %lt3A_429 = arith.cmpi slt, %iota3A, %lt3A_428 : vector<16xi32>
      %and3A_430 = arith.andi %and3A_426, %lt3A_429 : vector<16xi1>
      %and3A_431 = vector.broadcast %and3A_415 : i1 to vector<16xi1>
      %and3A_432 = arith.andi %and3A_430, %and3A_431 : vector<16xi1>
      %add3A_433 = arith.constant 6 : i32
      %add3A_434 = arith.addi %mul3A_184, %add3A_433 : i32
      %broadcast_in_dim3A_435 = vector.broadcast %add3A_434 : i32 to vector<16xi32>
      tpu.vector_store_idx %arg8[%broadcast_in_dim3A_435, %add3A_419], %exp3A masked %and3A_432 : memref<112x512xf32, #tpu.memory_space<vmem>>[vector<16xi32>, vector<16xi32>], vector<16xf32>, vector<16xi1>
      %slice3A_436 = vector.extract_strided_slice %convert_element_type3A_237 {offsets = [7], sizes = [1], strides = [1]} : vector<16xi32> to vector<1xi32>
      %squeeze3A_437 = vector.extract %slice3A_436[0] : i32 from vector<1xi32>
      %ne3A_438 = arith.constant 0 : i32
      %ne3A_439 = arith.cmpi ne, %squeeze3A_437, %ne3A_438 : i32
      %add3A_440 = arith.constant 7 : i32
      %add3A_441 = arith.addi %mul3A_184, %add3A_440 : i32
      %lt3A_442 = arith.constant 88 : i32
      %lt3A_443 = arith.cmpi slt, %add3A_441, %lt3A_442 : i32
      %and3A_444 = arith.andi %ne3A_439, %lt3A_443 : i1
      %slice3A_445 = vector.extract_strided_slice %sub3A_196 {offsets = [7], sizes = [1], strides = [1]} : vector<16xi32> to vector<1xi32>
      %squeeze3A_446 = vector.extract %slice3A_445[0] : i32 from vector<1xi32>
      %add3A_447 = vector.broadcast %squeeze3A_446 : i32 to vector<16xi32>
      %add3A_448 = arith.addi %iota3A, %add3A_447 : vector<16xi32>
      %ge3A_449 = arith.constant 0 : i32
      %ge3A_450 = vector.broadcast %ge3A_449 : i32 to vector<16xi32>
      %ge3A_451 = arith.cmpi sge, %add3A_448, %ge3A_450 : vector<16xi32>
      %lt3A_452 = arith.constant 512 : i32
      %lt3A_453 = vector.broadcast %lt3A_452 : i32 to vector<16xi32>
      %lt3A_454 = arith.cmpi slt, %add3A_448, %lt3A_453 : vector<16xi32>
      %and3A_455 = arith.andi %ge3A_451, %lt3A_454 : vector<16xi1>
      %lt3A_456 = arith.constant 13 : i32
      %lt3A_457 = vector.broadcast %lt3A_456 : i32 to vector<16xi32>
      %lt3A_458 = arith.cmpi slt, %iota3A, %lt3A_457 : vector<16xi32>
      %and3A_459 = arith.andi %and3A_455, %lt3A_458 : vector<16xi1>
      %and3A_460 = vector.broadcast %and3A_444 : i1 to vector<16xi1>
      %and3A_461 = arith.andi %and3A_459, %and3A_460 : vector<16xi1>
      %add3A_462 = arith.constant 7 : i32
      %add3A_463 = arith.addi %mul3A_184, %add3A_462 : i32
      %broadcast_in_dim3A_464 = vector.broadcast %add3A_463 : i32 to vector<16xi32>
      tpu.vector_store_idx %arg8[%broadcast_in_dim3A_464, %add3A_448], %exp3A masked %and3A_461 : memref<112x512xf32, #tpu.memory_space<vmem>>[vector<16xi32>, vector<16xi32>], vector<16xf32>, vector<16xi1>
      %slice3A_465 = vector.extract_strided_slice %convert_element_type3A_237 {offsets = [8], sizes = [1], strides = [1]} : vector<16xi32> to vector<1xi32>
      %squeeze3A_466 = vector.extract %slice3A_465[0] : i32 from vector<1xi32>
      %ne3A_467 = arith.constant 0 : i32
      %ne3A_468 = arith.cmpi ne, %squeeze3A_466, %ne3A_467 : i32
      %add3A_469 = arith.constant 8 : i32
      %add3A_470 = arith.addi %mul3A_184, %add3A_469 : i32
      %lt3A_471 = arith.constant 88 : i32
      %lt3A_472 = arith.cmpi slt, %add3A_470, %lt3A_471 : i32
      %and3A_473 = arith.andi %ne3A_468, %lt3A_472 : i1
      %slice3A_474 = vector.extract_strided_slice %sub3A_196 {offsets = [8], sizes = [1], strides = [1]} : vector<16xi32> to vector<1xi32>
      %squeeze3A_475 = vector.extract %slice3A_474[0] : i32 from vector<1xi32>
      %add3A_476 = vector.broadcast %squeeze3A_475 : i32 to vector<16xi32>
      %add3A_477 = arith.addi %iota3A, %add3A_476 : vector<16xi32>
      %ge3A_478 = arith.constant 0 : i32
      %ge3A_479 = vector.broadcast %ge3A_478 : i32 to vector<16xi32>
      %ge3A_480 = arith.cmpi sge, %add3A_477, %ge3A_479 : vector<16xi32>
      %lt3A_481 = arith.constant 512 : i32
      %lt3A_482 = vector.broadcast %lt3A_481 : i32 to vector<16xi32>
      %lt3A_483 = arith.cmpi slt, %add3A_477, %lt3A_482 : vector<16xi32>
      %and3A_484 = arith.andi %ge3A_480, %lt3A_483 : vector<16xi1>
      %lt3A_485 = arith.constant 13 : i32
      %lt3A_486 = vector.broadcast %lt3A_485 : i32 to vector<16xi32>
      %lt3A_487 = arith.cmpi slt, %iota3A, %lt3A_486 : vector<16xi32>
      %and3A_488 = arith.andi %and3A_484, %lt3A_487 : vector<16xi1>
      %and3A_489 = vector.broadcast %and3A_473 : i1 to vector<16xi1>
      %and3A_490 = arith.andi %and3A_488, %and3A_489 : vector<16xi1>
      %add3A_491 = arith.constant 8 : i32
      %add3A_492 = arith.addi %mul3A_184, %add3A_491 : i32
      %broadcast_in_dim3A_493 = vector.broadcast %add3A_492 : i32 to vector<16xi32>
      tpu.vector_store_idx %arg8[%broadcast_in_dim3A_493, %add3A_477], %exp3A masked %and3A_490 : memref<112x512xf32, #tpu.memory_space<vmem>>[vector<16xi32>, vector<16xi32>], vector<16xf32>, vector<16xi1>
      %slice3A_494 = vector.extract_strided_slice %convert_element_type3A_237 {offsets = [9], sizes = [1], strides = [1]} : vector<16xi32> to vector<1xi32>
      %squeeze3A_495 = vector.extract %slice3A_494[0] : i32 from vector<1xi32>
      %ne3A_496 = arith.constant 0 : i32
      %ne3A_497 = arith.cmpi ne, %squeeze3A_495, %ne3A_496 : i32
      %add3A_498 = arith.constant 9 : i32
      %add3A_499 = arith.addi %mul3A_184, %add3A_498 : i32
      %lt3A_500 = arith.constant 88 : i32
      %lt3A_501 = arith.cmpi slt, %add3A_499, %lt3A_500 : i32
      %and3A_502 = arith.andi %ne3A_497, %lt3A_501 : i1
      %slice3A_503 = vector.extract_strided_slice %sub3A_196 {offsets = [9], sizes = [1], strides = [1]} : vector<16xi32> to vector<1xi32>
      %squeeze3A_504 = vector.extract %slice3A_503[0] : i32 from vector<1xi32>
      %add3A_505 = vector.broadcast %squeeze3A_504 : i32 to vector<16xi32>
      %add3A_506 = arith.addi %iota3A, %add3A_505 : vector<16xi32>
      %ge3A_507 = arith.constant 0 : i32
      %ge3A_508 = vector.broadcast %ge3A_507 : i32 to vector<16xi32>
      %ge3A_509 = arith.cmpi sge, %add3A_506, %ge3A_508 : vector<16xi32>
      %lt3A_510 = arith.constant 512 : i32
      %lt3A_511 = vector.broadcast %lt3A_510 : i32 to vector<16xi32>
      %lt3A_512 = arith.cmpi slt, %add3A_506, %lt3A_511 : vector<16xi32>
      %and3A_513 = arith.andi %ge3A_509, %lt3A_512 : vector<16xi1>
      %lt3A_514 = arith.constant 13 : i32
      %lt3A_515 = vector.broadcast %lt3A_514 : i32 to vector<16xi32>
      %lt3A_516 = arith.cmpi slt, %iota3A, %lt3A_515 : vector<16xi32>
      %and3A_517 = arith.andi %and3A_513, %lt3A_516 : vector<16xi1>
      %and3A_518 = vector.broadcast %and3A_502 : i1 to vector<16xi1>
      %and3A_519 = arith.andi %and3A_517, %and3A_518 : vector<16xi1>
      %add3A_520 = arith.constant 9 : i32
      %add3A_521 = arith.addi %mul3A_184, %add3A_520 : i32
      %broadcast_in_dim3A_522 = vector.broadcast %add3A_521 : i32 to vector<16xi32>
      tpu.vector_store_idx %arg8[%broadcast_in_dim3A_522, %add3A_506], %exp3A masked %and3A_519 : memref<112x512xf32, #tpu.memory_space<vmem>>[vector<16xi32>, vector<16xi32>], vector<16xf32>, vector<16xi1>
      %slice3A_523 = vector.extract_strided_slice %convert_element_type3A_237 {offsets = [10], sizes = [1], strides = [1]} : vector<16xi32> to vector<1xi32>
      %squeeze3A_524 = vector.extract %slice3A_523[0] : i32 from vector<1xi32>
      %ne3A_525 = arith.constant 0 : i32
      %ne3A_526 = arith.cmpi ne, %squeeze3A_524, %ne3A_525 : i32
      %add3A_527 = arith.constant 10 : i32
      %add3A_528 = arith.addi %mul3A_184, %add3A_527 : i32
      %lt3A_529 = arith.constant 88 : i32
      %lt3A_530 = arith.cmpi slt, %add3A_528, %lt3A_529 : i32
      %and3A_531 = arith.andi %ne3A_526, %lt3A_530 : i1
      %slice3A_532 = vector.extract_strided_slice %sub3A_196 {offsets = [10], sizes = [1], strides = [1]} : vector<16xi32> to vector<1xi32>
      %squeeze3A_533 = vector.extract %slice3A_532[0] : i32 from vector<1xi32>
      %add3A_534 = vector.broadcast %squeeze3A_533 : i32 to vector<16xi32>
      %add3A_535 = arith.addi %iota3A, %add3A_534 : vector<16xi32>
      %ge3A_536 = arith.constant 0 : i32
      %ge3A_537 = vector.broadcast %ge3A_536 : i32 to vector<16xi32>
      %ge3A_538 = arith.cmpi sge, %add3A_535, %ge3A_537 : vector<16xi32>
      %lt3A_539 = arith.constant 512 : i32
      %lt3A_540 = vector.broadcast %lt3A_539 : i32 to vector<16xi32>
      %lt3A_541 = arith.cmpi slt, %add3A_535, %lt3A_540 : vector<16xi32>
      %and3A_542 = arith.andi %ge3A_538, %lt3A_541 : vector<16xi1>
      %lt3A_543 = arith.constant 13 : i32
      %lt3A_544 = vector.broadcast %lt3A_543 : i32 to vector<16xi32>
      %lt3A_545 = arith.cmpi slt, %iota3A, %lt3A_544 : vector<16xi32>
      %and3A_546 = arith.andi %and3A_542, %lt3A_545 : vector<16xi1>
      %and3A_547 = vector.broadcast %and3A_531 : i1 to vector<16xi1>
      %and3A_548 = arith.andi %and3A_546, %and3A_547 : vector<16xi1>
      %add3A_549 = arith.constant 10 : i32
      %add3A_550 = arith.addi %mul3A_184, %add3A_549 : i32
      %broadcast_in_dim3A_551 = vector.broadcast %add3A_550 : i32 to vector<16xi32>
      tpu.vector_store_idx %arg8[%broadcast_in_dim3A_551, %add3A_535], %exp3A masked %and3A_548 : memref<112x512xf32, #tpu.memory_space<vmem>>[vector<16xi32>, vector<16xi32>], vector<16xf32>, vector<16xi1>
      %slice3A_552 = vector.extract_strided_slice %convert_element_type3A_237 {offsets = [11], sizes = [1], strides = [1]} : vector<16xi32> to vector<1xi32>
      %squeeze3A_553 = vector.extract %slice3A_552[0] : i32 from vector<1xi32>
      %ne3A_554 = arith.constant 0 : i32
      %ne3A_555 = arith.cmpi ne, %squeeze3A_553, %ne3A_554 : i32
      %add3A_556 = arith.constant 11 : i32
      %add3A_557 = arith.addi %mul3A_184, %add3A_556 : i32
      %lt3A_558 = arith.constant 88 : i32
      %lt3A_559 = arith.cmpi slt, %add3A_557, %lt3A_558 : i32
      %and3A_560 = arith.andi %ne3A_555, %lt3A_559 : i1
      %slice3A_561 = vector.extract_strided_slice %sub3A_196 {offsets = [11], sizes = [1], strides = [1]} : vector<16xi32> to vector<1xi32>
      %squeeze3A_562 = vector.extract %slice3A_561[0] : i32 from vector<1xi32>
      %add3A_563 = vector.broadcast %squeeze3A_562 : i32 to vector<16xi32>
      %add3A_564 = arith.addi %iota3A, %add3A_563 : vector<16xi32>
      %ge3A_565 = arith.constant 0 : i32
      %ge3A_566 = vector.broadcast %ge3A_565 : i32 to vector<16xi32>
      %ge3A_567 = arith.cmpi sge, %add3A_564, %ge3A_566 : vector<16xi32>
      %lt3A_568 = arith.constant 512 : i32
      %lt3A_569 = vector.broadcast %lt3A_568 : i32 to vector<16xi32>
      %lt3A_570 = arith.cmpi slt, %add3A_564, %lt3A_569 : vector<16xi32>
      %and3A_571 = arith.andi %ge3A_567, %lt3A_570 : vector<16xi1>
      %lt3A_572 = arith.constant 13 : i32
      %lt3A_573 = vector.broadcast %lt3A_572 : i32 to vector<16xi32>
      %lt3A_574 = arith.cmpi slt, %iota3A, %lt3A_573 : vector<16xi32>
      %and3A_575 = arith.andi %and3A_571, %lt3A_574 : vector<16xi1>
      %and3A_576 = vector.broadcast %and3A_560 : i1 to vector<16xi1>
      %and3A_577 = arith.andi %and3A_575, %and3A_576 : vector<16xi1>
      %add3A_578 = arith.constant 11 : i32
      %add3A_579 = arith.addi %mul3A_184, %add3A_578 : i32
      %broadcast_in_dim3A_580 = vector.broadcast %add3A_579 : i32 to vector<16xi32>
      tpu.vector_store_idx %arg8[%broadcast_in_dim3A_580, %add3A_564], %exp3A masked %and3A_577 : memref<112x512xf32, #tpu.memory_space<vmem>>[vector<16xi32>, vector<16xi32>], vector<16xf32>, vector<16xi1>
      %slice3A_581 = vector.extract_strided_slice %convert_element_type3A_237 {offsets = [12], sizes = [1], strides = [1]} : vector<16xi32> to vector<1xi32>
      %squeeze3A_582 = vector.extract %slice3A_581[0] : i32 from vector<1xi32>
      %ne3A_583 = arith.constant 0 : i32
      %ne3A_584 = arith.cmpi ne, %squeeze3A_582, %ne3A_583 : i32
      %add3A_585 = arith.constant 12 : i32
      %add3A_586 = arith.addi %mul3A_184, %add3A_585 : i32
      %lt3A_587 = arith.constant 88 : i32
      %lt3A_588 = arith.cmpi slt, %add3A_586, %lt3A_587 : i32
      %and3A_589 = arith.andi %ne3A_584, %lt3A_588 : i1
      %slice3A_590 = vector.extract_strided_slice %sub3A_196 {offsets = [12], sizes = [1], strides = [1]} : vector<16xi32> to vector<1xi32>
      %squeeze3A_591 = vector.extract %slice3A_590[0] : i32 from vector<1xi32>
      %add3A_592 = vector.broadcast %squeeze3A_591 : i32 to vector<16xi32>
      %add3A_593 = arith.addi %iota3A, %add3A_592 : vector<16xi32>
      %ge3A_594 = arith.constant 0 : i32
      %ge3A_595 = vector.broadcast %ge3A_594 : i32 to vector<16xi32>
      %ge3A_596 = arith.cmpi sge, %add3A_593, %ge3A_595 : vector<16xi32>
      %lt3A_597 = arith.constant 512 : i32
      %lt3A_598 = vector.broadcast %lt3A_597 : i32 to vector<16xi32>
      %lt3A_599 = arith.cmpi slt, %add3A_593, %lt3A_598 : vector<16xi32>
      %and3A_600 = arith.andi %ge3A_596, %lt3A_599 : vector<16xi1>
      %lt3A_601 = arith.constant 13 : i32
      %lt3A_602 = vector.broadcast %lt3A_601 : i32 to vector<16xi32>
      %lt3A_603 = arith.cmpi slt, %iota3A, %lt3A_602 : vector<16xi32>
      %and3A_604 = arith.andi %and3A_600, %lt3A_603 : vector<16xi1>
      %and3A_605 = vector.broadcast %and3A_589 : i1 to vector<16xi1>
      %and3A_606 = arith.andi %and3A_604, %and3A_605 : vector<16xi1>
      %add3A_607 = arith.constant 12 : i32
      %add3A_608 = arith.addi %mul3A_184, %add3A_607 : i32
      %broadcast_in_dim3A_609 = vector.broadcast %add3A_608 : i32 to vector<16xi32>
      tpu.vector_store_idx %arg8[%broadcast_in_dim3A_609, %add3A_593], %exp3A masked %and3A_606 : memref<112x512xf32, #tpu.memory_space<vmem>>[vector<16xi32>, vector<16xi32>], vector<16xf32>, vector<16xi1>
      %slice3A_610 = vector.extract_strided_slice %convert_element_type3A_237 {offsets = [13], sizes = [1], strides = [1]} : vector<16xi32> to vector<1xi32>
      %squeeze3A_611 = vector.extract %slice3A_610[0] : i32 from vector<1xi32>
      %ne3A_612 = arith.constant 0 : i32
      %ne3A_613 = arith.cmpi ne, %squeeze3A_611, %ne3A_612 : i32
      %add3A_614 = arith.constant 13 : i32
      %add3A_615 = arith.addi %mul3A_184, %add3A_614 : i32
      %lt3A_616 = arith.constant 88 : i32
      %lt3A_617 = arith.cmpi slt, %add3A_615, %lt3A_616 : i32
      %and3A_618 = arith.andi %ne3A_613, %lt3A_617 : i1
      %slice3A_619 = vector.extract_strided_slice %sub3A_196 {offsets = [13], sizes = [1], strides = [1]} : vector<16xi32> to vector<1xi32>
      %squeeze3A_620 = vector.extract %slice3A_619[0] : i32 from vector<1xi32>
      %add3A_621 = vector.broadcast %squeeze3A_620 : i32 to vector<16xi32>
      %add3A_622 = arith.addi %iota3A, %add3A_621 : vector<16xi32>
      %ge3A_623 = arith.constant 0 : i32
      %ge3A_624 = vector.broadcast %ge3A_623 : i32 to vector<16xi32>
      %ge3A_625 = arith.cmpi sge, %add3A_622, %ge3A_624 : vector<16xi32>
      %lt3A_626 = arith.constant 512 : i32
      %lt3A_627 = vector.broadcast %lt3A_626 : i32 to vector<16xi32>
      %lt3A_628 = arith.cmpi slt, %add3A_622, %lt3A_627 : vector<16xi32>
      %and3A_629 = arith.andi %ge3A_625, %lt3A_628 : vector<16xi1>
      %lt3A_630 = arith.constant 13 : i32
      %lt3A_631 = vector.broadcast %lt3A_630 : i32 to vector<16xi32>
      %lt3A_632 = arith.cmpi slt, %iota3A, %lt3A_631 : vector<16xi32>
      %and3A_633 = arith.andi %and3A_629, %lt3A_632 : vector<16xi1>
      %and3A_634 = vector.broadcast %and3A_618 : i1 to vector<16xi1>
      %and3A_635 = arith.andi %and3A_633, %and3A_634 : vector<16xi1>
      %add3A_636 = arith.constant 13 : i32
      %add3A_637 = arith.addi %mul3A_184, %add3A_636 : i32
      %broadcast_in_dim3A_638 = vector.broadcast %add3A_637 : i32 to vector<16xi32>
      tpu.vector_store_idx %arg8[%broadcast_in_dim3A_638, %add3A_622], %exp3A masked %and3A_635 : memref<112x512xf32, #tpu.memory_space<vmem>>[vector<16xi32>, vector<16xi32>], vector<16xf32>, vector<16xi1>
      %slice3A_639 = vector.extract_strided_slice %convert_element_type3A_237 {offsets = [14], sizes = [1], strides = [1]} : vector<16xi32> to vector<1xi32>
      %squeeze3A_640 = vector.extract %slice3A_639[0] : i32 from vector<1xi32>
      %ne3A_641 = arith.constant 0 : i32
      %ne3A_642 = arith.cmpi ne, %squeeze3A_640, %ne3A_641 : i32
      %add3A_643 = arith.constant 14 : i32
      %add3A_644 = arith.addi %mul3A_184, %add3A_643 : i32
      %lt3A_645 = arith.constant 88 : i32
      %lt3A_646 = arith.cmpi slt, %add3A_644, %lt3A_645 : i32
      %and3A_647 = arith.andi %ne3A_642, %lt3A_646 : i1
      %slice3A_648 = vector.extract_strided_slice %sub3A_196 {offsets = [14], sizes = [1], strides = [1]} : vector<16xi32> to vector<1xi32>
      %squeeze3A_649 = vector.extract %slice3A_648[0] : i32 from vector<1xi32>
      %add3A_650 = vector.broadcast %squeeze3A_649 : i32 to vector<16xi32>
      %add3A_651 = arith.addi %iota3A, %add3A_650 : vector<16xi32>
      %ge3A_652 = arith.constant 0 : i32
      %ge3A_653 = vector.broadcast %ge3A_652 : i32 to vector<16xi32>
      %ge3A_654 = arith.cmpi sge, %add3A_651, %ge3A_653 : vector<16xi32>
      %lt3A_655 = arith.constant 512 : i32
      %lt3A_656 = vector.broadcast %lt3A_655 : i32 to vector<16xi32>
      %lt3A_657 = arith.cmpi slt, %add3A_651, %lt3A_656 : vector<16xi32>
      %and3A_658 = arith.andi %ge3A_654, %lt3A_657 : vector<16xi1>
      %lt3A_659 = arith.constant 13 : i32
      %lt3A_660 = vector.broadcast %lt3A_659 : i32 to vector<16xi32>
      %lt3A_661 = arith.cmpi slt, %iota3A, %lt3A_660 : vector<16xi32>
      %and3A_662 = arith.andi %and3A_658, %lt3A_661 : vector<16xi1>
      %and3A_663 = vector.broadcast %and3A_647 : i1 to vector<16xi1>
      %and3A_664 = arith.andi %and3A_662, %and3A_663 : vector<16xi1>
      %add3A_665 = arith.constant 14 : i32
      %add3A_666 = arith.addi %mul3A_184, %add3A_665 : i32
      %broadcast_in_dim3A_667 = vector.broadcast %add3A_666 : i32 to vector<16xi32>
      tpu.vector_store_idx %arg8[%broadcast_in_dim3A_667, %add3A_651], %exp3A masked %and3A_664 : memref<112x512xf32, #tpu.memory_space<vmem>>[vector<16xi32>, vector<16xi32>], vector<16xf32>, vector<16xi1>
      %slice3A_668 = vector.extract_strided_slice %convert_element_type3A_237 {offsets = [15], sizes = [1], strides = [1]} : vector<16xi32> to vector<1xi32>
      %squeeze3A_669 = vector.extract %slice3A_668[0] : i32 from vector<1xi32>
      %ne3A_670 = arith.constant 0 : i32
      %ne3A_671 = arith.cmpi ne, %squeeze3A_669, %ne3A_670 : i32
      %add3A_672 = arith.constant 15 : i32
      %add3A_673 = arith.addi %mul3A_184, %add3A_672 : i32
      %lt3A_674 = arith.constant 88 : i32
      %lt3A_675 = arith.cmpi slt, %add3A_673, %lt3A_674 : i32
      %and3A_676 = arith.andi %ne3A_671, %lt3A_675 : i1
      %slice3A_677 = vector.extract_strided_slice %sub3A_196 {offsets = [15], sizes = [1], strides = [1]} : vector<16xi32> to vector<1xi32>
      %squeeze3A_678 = vector.extract %slice3A_677[0] : i32 from vector<1xi32>
      %add3A_679 = vector.broadcast %squeeze3A_678 : i32 to vector<16xi32>
      %add3A_680 = arith.addi %iota3A, %add3A_679 : vector<16xi32>
      %ge3A_681 = arith.constant 0 : i32
      %ge3A_682 = vector.broadcast %ge3A_681 : i32 to vector<16xi32>
      %ge3A_683 = arith.cmpi sge, %add3A_680, %ge3A_682 : vector<16xi32>
      %lt3A_684 = arith.constant 512 : i32
      %lt3A_685 = vector.broadcast %lt3A_684 : i32 to vector<16xi32>
      %lt3A_686 = arith.cmpi slt, %add3A_680, %lt3A_685 : vector<16xi32>
      %and3A_687 = arith.andi %ge3A_683, %lt3A_686 : vector<16xi1>
      %lt3A_688 = arith.constant 13 : i32
      %lt3A_689 = vector.broadcast %lt3A_688 : i32 to vector<16xi32>
      %lt3A_690 = arith.cmpi slt, %iota3A, %lt3A_689 : vector<16xi32>
      %and3A_691 = arith.andi %and3A_687, %lt3A_690 : vector<16xi1>
      %and3A_692 = vector.broadcast %and3A_676 : i1 to vector<16xi1>
      %and3A_693 = arith.andi %and3A_691, %and3A_692 : vector<16xi1>
      %add3A_694 = arith.constant 15 : i32
      %add3A_695 = arith.addi %mul3A_184, %add3A_694 : i32
      %broadcast_in_dim3A_696 = vector.broadcast %add3A_695 : i32 to vector<16xi32>
      tpu.vector_store_idx %arg8[%broadcast_in_dim3A_696, %add3A_680], %exp3A masked %and3A_693 : memref<112x512xf32, #tpu.memory_space<vmem>>[vector<16xi32>, vector<16xi32>], vector<16xf32>, vector<16xi1>
      %scan3A_697 = arith.constant 0 : i32
      scf.yield %scan3A_697 : i32
    }
    %scan3A_148 = arith.constant 6 : i32
    %add3A_149 = arith.constant 336 : i32
    %add3A_150 = arith.addi %mul3A_2, %add3A_149 : i32
    %dma_start3A_151 = arith.constant 0 : i32
    %dma_start3A_152 = arith.constant 0 : i32
    %dma_start3A_153 = tpu.memref_slice %arg8[%dma_start3A_151, %dma_start3A_152] : memref<112x512xf32, #tpu.memory_space<vmem>> -> memref<88x512xf32, #tpu.memory_space<vmem>>
    %dma_start3A_154 = arith.constant 0 : i32
    %dma_start3A_155 = tpu.memref_slice %arg4[%add3A_150, %dma_start3A_154] : memref<13568x512xf32, #tpu.memory_space<hbm>> -> memref<88x512xf32, #tpu.memory_space<hbm>>
    %dma_start3A_156 = arith.constant 0 : i32
    %dma_start3A_157 = tpu.memref_slice %arg4[%add3A_150, %dma_start3A_156] : memref<13568x512xf32, #tpu.memory_space<hbm>> -> memref<88x512xf32, #tpu.memory_space<hbm>>
    %dma_start3A_158 = arith.constant 0 : i32
    %dma_start3A_159 = arith.constant 0 : i32
    %dma_start3A_160 = tpu.memref_slice %arg8[%dma_start3A_158, %dma_start3A_159] : memref<112x512xf32, #tpu.memory_space<vmem>> -> memref<88x512xf32, #tpu.memory_space<vmem>>
    tpu.enqueue_dma source(%dma_start3A_160 : memref<88x512xf32, #tpu.memory_space<vmem>>) target(%dma_start3A_157 : memref<88x512xf32, #tpu.memory_space<hbm>>) target_semaphore(%arg12 : memref<!tpu.dma_semaphore, #tpu.memory_space<semaphore_mem>>)
    %dma_wait3A_161 = arith.constant 0 : i32
    %dma_wait3A_162 = arith.constant 0 : i32
    %dma_wait3A_163 = tpu.memref_slice %arg7[%dma_wait3A_161, %dma_wait3A_162] : memref<112x512xf32, #tpu.memory_space<vmem>> -> memref<112x512xf32, #tpu.memory_space<vmem>>
    %dma_wait3A_164 = arith.constant 0 : i32
    %dma_wait3A_165 = tpu.memref_slice %arg4[%add3A_112, %dma_wait3A_164] : memref<13568x512xf32, #tpu.memory_space<hbm>> -> memref<112x512xf32, #tpu.memory_space<hbm>>
    %dma_wait3A_166 = arith.constant 0 : i32
    %dma_wait3A_167 = tpu.memref_slice %arg4[%add3A_112, %dma_wait3A_166] : memref<13568x512xf32, #tpu.memory_space<hbm>> -> memref<112x512xf32, #tpu.memory_space<hbm>>
    %dma_wait3A_168 = arith.constant 0 : i32
    %dma_wait3A_169 = arith.constant 0 : i32
    %dma_wait3A_170 = tpu.memref_slice %arg7[%dma_wait3A_168, %dma_wait3A_169] : memref<112x512xf32, #tpu.memory_space<vmem>> -> memref<112x512xf32, #tpu.memory_space<vmem>>
    tpu.wait_dma2 semaphore(%arg11 : memref<!tpu.dma_semaphore, #tpu.memory_space<semaphore_mem>>) src(%dma_wait3A_170 : memref<112x512xf32, #tpu.memory_space<vmem>>) dst(%dma_wait3A_167 : memref<112x512xf32, #tpu.memory_space<hbm>>)
    %dma_wait3A_171 = arith.constant 0 : i32
    %dma_wait3A_172 = arith.constant 0 : i32
    %dma_wait3A_173 = tpu.memref_slice %arg8[%dma_wait3A_171, %dma_wait3A_172] : memref<112x512xf32, #tpu.memory_space<vmem>> -> memref<88x512xf32, #tpu.memory_space<vmem>>
    %dma_wait3A_174 = arith.constant 0 : i32
    %dma_wait3A_175 = tpu.memref_slice %arg4[%add3A_150, %dma_wait3A_174] : memref<13568x512xf32, #tpu.memory_space<hbm>> -> memref<88x512xf32, #tpu.memory_space<hbm>>
    %dma_wait3A_176 = arith.constant 0 : i32
    %dma_wait3A_177 = tpu.memref_slice %arg4[%add3A_150, %dma_wait3A_176] : memref<13568x512xf32, #tpu.memory_space<hbm>> -> memref<88x512xf32, #tpu.memory_space<hbm>>
    %dma_wait3A_178 = arith.constant 0 : i32
    %dma_wait3A_179 = arith.constant 0 : i32
    %dma_wait3A_180 = tpu.memref_slice %arg8[%dma_wait3A_178, %dma_wait3A_179] : memref<112x512xf32, #tpu.memory_space<vmem>> -> memref<88x512xf32, #tpu.memory_space<vmem>>
    tpu.wait_dma2 semaphore(%arg12 : memref<!tpu.dma_semaphore, #tpu.memory_space<semaphore_mem>>) src(%dma_wait3A_180 : memref<88x512xf32, #tpu.memory_space<vmem>>) dst(%dma_wait3A_177 : memref<88x512xf32, #tpu.memory_space<hbm>>)
    return
  }
}

module attributes {stable_mosaic.version = 14 : i64} {
  func.func @_tc_gauss(%arg0: i32, %arg1: memref<1696x8xf32, #tpu.memory_space<vmem>>, %arg2: memref<1696x8xf32, #tpu.memory_space<vmem>>, %arg3: memref<1696x512xf32, #tpu.memory_space<vmem>>) attributes {dimension_semantics = [#tpu.dimension_semantics<arbitrary>], iteration_bounds = array<i64: 8>, scalar_prefetch = 0 : i64, scratch_operands = 0 : i64, tpu.core_type = #tpu.core_type<tc>, window_params = [{pipeline_mode = #tpu.pipeline_mode<synchronous>, transform_indices = @transform_0, window_bounds = array<i64: 1696, 8>}, {pipeline_mode = #tpu.pipeline_mode<synchronous>, transform_indices = @transform_1, window_bounds = array<i64: 1696, 8>}, {transform_indices = @transform_2, window_bounds = array<i64: 1696, 512>}]} {
    %iota3A = tpu.iota {dimensions = array<i32: 1>} : vector<1696x8xi32>
    %eq3A = vector.broadcast %arg0 : i32 to vector<1696x8xi32>
    %eq3A_0 = arith.cmpi eq, %iota3A, %eq3A : vector<1696x8xi32>
    %convert_element_type3A = arith.extui %eq3A_0 : vector<1696x8xi1> to vector<1696x8xi32>
    %convert_element_type3A_1 = arith.sitofp %convert_element_type3A : vector<1696x8xi32> to vector<1696x8xf32>
    %get3A = arith.constant 0 : index
    %get3A_2 = arith.constant 0 : index
    %get3A_3 = vector.load %arg1[%get3A, %get3A_2] : memref<1696x8xf32, #tpu.memory_space<vmem>>, vector<1696x8xf32>
    %mul3A = arith.mulf %get3A_3, %convert_element_type3A_1 : vector<1696x8xf32>
    %reduce_sum3A = arith.constant dense<0.000000e+00> : vector<1696xf32>
    %reduce_sum3A_4 = vector.multi_reduction <add>, %mul3A, %reduce_sum3A [1] : vector<1696x8xf32> to vector<1696xf32>
    %broadcast_in_dim3A = vector.shape_cast %reduce_sum3A_4 : vector<1696xf32> to vector<1696x1xf32>
    %lt3A = arith.constant 0.000000e+00 : f32
    %lt3A_5 = vector.broadcast %lt3A : f32 to vector<1696x1xf32>
    %lt3A_6 = arith.cmpf olt, %broadcast_in_dim3A, %lt3A_5 : vector<1696x1xf32>
    %ceil3A = math.ceil %broadcast_in_dim3A : vector<1696x1xf32>
    %floor3A = math.floor %broadcast_in_dim3A : vector<1696x1xf32>
    %select_n3A = arith.select %lt3A_6, %ceil3A, %floor3A : vector<1696x1xi1>, vector<1696x1xf32>
    %get3A_7 = arith.constant 0 : index
    %get3A_8 = arith.constant 0 : index
    %get3A_9 = vector.load %arg2[%get3A_7, %get3A_8] : memref<1696x8xf32, #tpu.memory_space<vmem>>, vector<1696x8xf32>
    %mul3A_10 = arith.mulf %get3A_9, %convert_element_type3A_1 : vector<1696x8xf32>
    %reduce_sum3A_11 = arith.constant dense<0.000000e+00> : vector<1696xf32>
    %reduce_sum3A_12 = vector.multi_reduction <add>, %mul3A_10, %reduce_sum3A_11 [1] : vector<1696x8xf32> to vector<1696xf32>
    %broadcast_in_dim3A_13 = vector.shape_cast %reduce_sum3A_12 : vector<1696xf32> to vector<1696x1xf32>
    %lt3A_14 = arith.constant 0.000000e+00 : f32
    %lt3A_15 = vector.broadcast %lt3A_14 : f32 to vector<1696x1xf32>
    %lt3A_16 = arith.cmpf olt, %broadcast_in_dim3A_13, %lt3A_15 : vector<1696x1xf32>
    %ceil3A_17 = math.ceil %broadcast_in_dim3A_13 : vector<1696x1xf32>
    %floor3A_18 = math.floor %broadcast_in_dim3A_13 : vector<1696x1xf32>
    %select_n3A_19 = arith.select %lt3A_16, %ceil3A_17, %floor3A_18 : vector<1696x1xi1>, vector<1696x1xf32>
    %sub3A = arith.constant 6.000000e+00 : f32
    %sub3A_20 = vector.broadcast %sub3A : f32 to vector<1696x1xf32>
    %sub3A_21 = arith.subf %select_n3A, %sub3A_20 : vector<1696x1xf32>
    %sub3A_22 = arith.constant 6.000000e+00 : f32
    %sub3A_23 = vector.broadcast %sub3A_22 : f32 to vector<1696x1xf32>
    %sub3A_24 = arith.subf %select_n3A_19, %sub3A_23 : vector<1696x1xf32>
    %add3A = arith.constant 7.000000e+00 : f32
    %add3A_25 = vector.broadcast %add3A : f32 to vector<1696x1xf32>
    %add3A_26 = arith.addf %select_n3A, %add3A_25 : vector<1696x1xf32>
    %add3A_27 = arith.constant 7.000000e+00 : f32
    %add3A_28 = vector.broadcast %add3A_27 : f32 to vector<1696x1xf32>
    %add3A_29 = arith.addf %select_n3A_19, %add3A_28 : vector<1696x1xf32>
    %lt3A_30 = arith.constant 0.000000e+00 : f32
    %lt3A_31 = vector.broadcast %lt3A_30 : f32 to vector<1696x1xf32>
    %lt3A_32 = arith.cmpf olt, %sub3A_21, %lt3A_31 : vector<1696x1xf32>
    %gt3A = arith.constant 5.120000e+02 : f32
    %gt3A_33 = vector.broadcast %gt3A : f32 to vector<1696x1xf32>
    %gt3A_34 = arith.cmpf ogt, %sub3A_21, %gt3A_33 : vector<1696x1xf32>
    %or3A = arith.ori %lt3A_32, %gt3A_34 : vector<1696x1xi1>
    %lt3A_35 = arith.constant 0.000000e+00 : f32
    %lt3A_36 = vector.broadcast %lt3A_35 : f32 to vector<1696x1xf32>
    %lt3A_37 = arith.cmpf olt, %sub3A_24, %lt3A_36 : vector<1696x1xf32>
    %or3A_38 = arith.ori %or3A, %lt3A_37 : vector<1696x1xi1>
    %gt3A_39 = arith.constant 5.120000e+02 : f32
    %gt3A_40 = vector.broadcast %gt3A_39 : f32 to vector<1696x1xf32>
    %gt3A_41 = arith.cmpf ogt, %sub3A_24, %gt3A_40 : vector<1696x1xf32>
    %or3A_42 = arith.ori %or3A_38, %gt3A_41 : vector<1696x1xi1>
    %not3A = arith.constant dense<true> : vector<1696x1xi1>
    %not3A_43 = arith.xori %or3A_42, %not3A : vector<1696x1xi1>
    %lt3A_44 = arith.constant 0.000000e+00 : f32
    %lt3A_45 = vector.broadcast %lt3A_44 : f32 to vector<1696x1xf32>
    %lt3A_46 = arith.cmpf olt, %add3A_26, %lt3A_45 : vector<1696x1xf32>
    %gt3A_47 = arith.constant 5.120000e+02 : f32
    %gt3A_48 = vector.broadcast %gt3A_47 : f32 to vector<1696x1xf32>
    %gt3A_49 = arith.cmpf ogt, %add3A_26, %gt3A_48 : vector<1696x1xf32>
    %or3A_50 = arith.ori %lt3A_46, %gt3A_49 : vector<1696x1xi1>
    %lt3A_51 = arith.constant 0.000000e+00 : f32
    %lt3A_52 = vector.broadcast %lt3A_51 : f32 to vector<1696x1xf32>
    %lt3A_53 = arith.cmpf olt, %add3A_29, %lt3A_52 : vector<1696x1xf32>
    %or3A_54 = arith.ori %or3A_50, %lt3A_53 : vector<1696x1xi1>
    %gt3A_55 = arith.constant 5.120000e+02 : f32
    %gt3A_56 = vector.broadcast %gt3A_55 : f32 to vector<1696x1xf32>
    %gt3A_57 = arith.cmpf ogt, %add3A_29, %gt3A_56 : vector<1696x1xf32>
    %or3A_58 = arith.ori %or3A_54, %gt3A_57 : vector<1696x1xi1>
    %not3A_59 = arith.constant dense<true> : vector<1696x1xi1>
    %not3A_60 = arith.xori %or3A_58, %not3A_59 : vector<1696x1xi1>
    %or3A_61 = arith.ori %not3A_43, %not3A_60 : vector<1696x1xi1>
    %jit3A = arith.constant 0.000000e+00 : f32
    %jit3A_62 = arith.constant 0xFF800000 : f32
    %broadcast_in_dim3A_63 = vector.broadcast %jit3A : f32 to vector<1696x1xf32>
    %broadcast_in_dim3A_64 = vector.broadcast %jit3A_62 : f32 to vector<1696x1xf32>
    %select_n3A_65 = arith.select %or3A_61, %broadcast_in_dim3A_63, %broadcast_in_dim3A_64 : vector<1696x1xi1>, vector<1696x1xf32>
    %iota3A_66 = tpu.iota {dimensions = array<i32: 1>} : vector<1696x512xi32>
    %convert_element_type3A_67 = arith.sitofp %iota3A_66 : vector<1696x512xi32> to vector<1696x512xf32>
    %sub3A_68 = vector.broadcast %select_n3A : vector<1696x1xf32> to vector<1696x512xf32>
    %sub3A_69 = arith.subf %convert_element_type3A_67, %sub3A_68 : vector<1696x512xf32>
    %mul3A_70 = arith.mulf %sub3A_69, %sub3A_69 : vector<1696x512xf32>
    %mul3A_71 = arith.constant -0.180336878 : f32
    %mul3A_72 = vector.broadcast %mul3A_71 : f32 to vector<1696x512xf32>
    %mul3A_73 = arith.mulf %mul3A_70, %mul3A_72 : vector<1696x512xf32>
    %add3A_74 = vector.broadcast %select_n3A_65 : vector<1696x1xf32> to vector<1696x512xf32>
    %add3A_75 = arith.addf %mul3A_73, %add3A_74 : vector<1696x512xf32>
    %exp23A = math.exp2 %add3A_75 : vector<1696x512xf32>
    %le3A = arith.constant 3.600000e+01 : f32
    %le3A_76 = vector.broadcast %le3A : f32 to vector<1696x512xf32>
    %le3A_77 = arith.cmpf ole, %mul3A_70, %le3A_76 : vector<1696x512xf32>
    %jit3A_78 = arith.constant 0.000000e+00 : f32
    %broadcast_in_dim3A_79 = vector.broadcast %jit3A_78 : f32 to vector<1696x512xf32>
    %select_n3A_80 = arith.select %le3A_77, %exp23A, %broadcast_in_dim3A_79 : vector<1696x512xi1>, vector<1696x512xf32>
    %swap3A = arith.constant 0 : index
    %swap3A_81 = arith.constant 0 : index
    %swap3A_82 = vector.load %arg3[%swap3A, %swap3A_81] : memref<1696x512xf32, #tpu.memory_space<vmem>>, vector<1696x512xf32>
    tpu.vector_store %arg3[%swap3A, %swap3A_81], %select_n3A_80 {strides = array<i32>} : memref<1696x512xf32, #tpu.memory_space<vmem>>, vector<1696x512xf32>,
    return
  }
  func.func @transform_0(%arg0: i32) -> (i32, i32) {
    %c0_i32 = arith.constant 0 : i32
    %c0_i32_0 = arith.constant 0 : i32
    %c0_i32_1 = arith.constant 0 : i32
    return %c0_i32, %c0_i32_0 : i32, i32
  }
  func.func @transform_1(%arg0: i32) -> (i32, i32) {
    %c0_i32 = arith.constant 0 : i32
    %c0_i32_0 = arith.constant 0 : i32
    %c0_i32_1 = arith.constant 0 : i32
    return %c0_i32, %c0_i32_0 : i32, i32
  }
  func.func @transform_2(%arg0: i32) -> (i32, i32) {
    %c0_i32 = arith.constant 0 : i32
    %c0_i32_0 = arith.constant 0 : i32
    return %arg0, %c0_i32 : i32, i32
  }
}

</mosaic_0001>

<sc_bundles>
// kernel: kernel.5.cloned.1.call-start
scs
__scs_entry_jumppad:
0x0: {  	(pc) =	sbr.rel $0x88, $3  }
0x1: {  	(tag) =	ssettag $0x0;
	lr =	simm.s32 $0x1  }
0x2: {  	[smem:$0x3FA0] =	sst lr;
	_ =	strace $0xD0000000  }
0x3: {  	_ = 	snop  }
0x4: {  	_ = 	snop  }
0x5: {  	_ = 	snop  }
0x6: {  	_ = 	snop  }
0x7: {  	_ = 	snop  }
__scs_overlays_trampoline_lowered:
0x8: {  	[smem:$0x3FAF] =	sst s0  }
0x9: {  	[smem:$0x3FB0] =	sst s1  }
0xa: {  	[smem:$0x3FB1] =	sst s2  }
0xb: {  	[smem:$0x3FB2] =	sst s3  }
0xc: {  	[smem:$0x3FB3] =	sst s4  }
0xd: {  	[smem:$0x3FB4] =	sst s5  }
0xe: {  	[smem:$0x3FB5] =	sst s6  }
0xf: {  	[smem:$0x3FB6] =	sst s7  }
0x10: {  	[smem:$0x3FB7] =	sst s8  }
0x11: {  	[smem:$0x3FB8] =	sst s9;
	s0 =	simm.s32 @!p0 $0x0  }
0x12: {  	s1 =	sld [smem:$0x3F9E];
	s0 =	simm.s32 @p0 $0x1  }
0x13: {  	[smem:$0x3FB9] =	sst s0;
	s0 =	simm.s32 @!p1 $0x0  }
0x14: {  	s2 =	sld [smem:$0x3F9D];
	s0 =	simm.s32 @p1 $0x1  }
0x15: {  	[smem:$0x3FBA] =	sst s0;
	s0 =	simm.s32 @!p2 $0x0  }
0x16: {  	s3 =	sld [smem:$0x3FDB];
	s0 =	simm.s32 @p2 $0x1  }
0x17: {  	s4 =	simm.s32 $0x1BF5;
	[smem:$0x3FBC] =	sst s0  }
0x18: {  	s0 =	sld [smem:$0x3F9F];
	_ =	swait.ge [sflag:s4], $0x0  }
0x19: {  	s7 =	sld [smem:$0x3FA0]  }
0x1a: {  	s8 =	sadd.s32 $0xFFFFE003, lr  }
0x1b: {  	s9 =	sadd.s32 $0xFFFFFEF7, lr;
	s5 =	simm.s32 $0xFFFFFFFF;
	p2 =	slt.u32 s8, $0xFFFFF086  }
0x1c: {  	p1 =	slt.u32 s9, $0xF7A;
	s5 =	simm.s32 @!p2 $0x0  }
0x1d: {  	s5 =	simm.s32 @p1 $0x1;
	p0 =	seq.s32 s7, s2  }
0x1e: {  	s7 =	smul.u32 @!p0 $0xF7A, s2;
	p2 =	seq.s32 @!p0 s5, $0x0  }
0x1f: {  	s9 =	smul.u32 $0xF7A, s1;
	s8 =	simm.s32 @!p0 $0x1BF5;
	p2 =	por !p2, p0  }
0x20: {  	[sflag:s8] =	ssyncset.s32 @!p0 $0xFFFFF086;
	s6 =	sadd.s32 @!p0 s3, s7;
	s7 =	simm.s32 @!p0 $0x108  }
0x21: {  	s3 =	sadd.s32 s3, s9;
	s6 =	sadd.s32 @!p0 $0x88, s6;
	s7 =	simm.s32 @p2 $0x1082  }
0x22: {  	[simem:s7], [sflag:s8] =	dma.local @!p0 [hbm:s6], $0xF7A  }
0x23: {  	s9 =	sor.u32 $0xD0000000, s2;
	s6 =	simm.s32 $0x108;
	_ =	swait.ge @!p0 [sflag:s8], $0x0  }
0x24: {  	s3 =	sadd.s32 $0x88, s3;
	s6 =	simm.s32 @!p1 $0x1082;
	[sflag:s4] =	ssyncset.s32 $0xFFFFF086  }
0x25: {  	[simem:s6], [sflag:s4] =	dma.local [hbm:s3], $0xF7A  }
0x26: {  	[smem:$0x3FA0] =	sst s1;
	(tag) =	ssettag s2;
	_ =	strace s9  }
0x27: {  	s1 =	sld [smem:$0x3FB0]  }
0x28: {  	s2 =	sld [smem:$0x3FB1]  }
0x29: {  	s4 =	sld [smem:$0x3FB3]  }
0x2a: {  	p0 =	seq.s32 s5, $0x0;
	s5 =	sld [smem:$0x3FB4]  }
0x2b: {  	s6 =	sld [smem:$0x3FB5]  }
0x2c: {  	s7 =	sld [smem:$0x3FB6]  }
0x2d: {  	s3 =	simm.s32 $0x108;
	s8 =	sld [smem:$0x3FB7]  }
0x2e: {  	s3 =	simm.s32 @!p0 $0x1082;
	s9 =	sld [smem:$0x3FB8]  }
0x2f: {  	lr =	sadd.s32 s0, s3;
	s0 =	sld [smem:$0x3FAF]  }
0x30: {  	s3 =	sld [smem:$0x3FB2]  }
0x31: {  	[smem:$0x3FBB] =	sst s10  }
0x32: {  	s10 =	sld [smem:$0x3FB9];
	_ =	sdelay $0x3  }
0x33: {  	p0 =	seq.s32 s10, $0x1;
	s10 =	sld [smem:$0x3FBB];
	_ =	sdelay $0x3  }
0x34: {  	[smem:$0x3FBB] =	sst s10  }
0x35: {  	s10 =	sld [smem:$0x3FBA];
	_ =	sdelay $0x3  }
0x36: {  	p1 =	seq.s32 s10, $0x1;
	s10 =	sld [smem:$0x3FBB];
	_ =	sdelay $0x3  }
0x37: {  	[smem:$0x3FBB] =	sst s10  }
0x38: {  	s10 =	sld [smem:$0x3FBC]  }
0x39: {  	_ = 	snop;
	(pc) =	sbr.ind lr, $3  }
0x3a: {  	_ = 	snop  }
0x3b: {  	_ = 	snop  }
0x3c: {  	p2 =	seq.s32 s10, $0x1;
	s10 =	sld [smem:$0x3FBB]  }
0x3d: {  	_ =	shalt  }
0x3e: {  	_ =	shalt  }
0x3f: {  	_ =	shalt  }
0x40: {  	_ =	shalt  }
0x41: {  	_ =	shalt  }
0x42: {  	_ =	shalt  }
0x43: {  	_ =	shalt  }
0x44: {  	_ =	shalt  }
0x45: {  	_ =	shalt  }
0x46: {  	_ =	shalt  }
0x47: {  	_ =	shalt  }
0x48: {  	_ =	shalt  }
0x49: {  	_ =	shalt  }
0x4a: {  	_ =	shalt  }
0x4b: {  	_ =	shalt  }
0x4c: {  	_ =	shalt  }
0x4d: {  	_ =	shalt  }
0x4e: {  	_ =	shalt  }
0x4f: {  	_ =	shalt  }
0x50: {  	_ =	shalt  }
0x51: {  	_ =	shalt  }
0x52: {  	_ =	shalt  }
0x53: {  	_ =	shalt  }
0x54: {  	_ =	shalt  }
0x55: {  	_ =	shalt  }
0x56: {  	_ =	shalt  }
0x57: {  	_ =	shalt  }
0x58: {  	_ =	shalt  }
0x59: {  	_ =	shalt  }
0x5a: {  	_ =	shalt  }
0x5b: {  	_ =	shalt  }
0x5c: {  	_ =	shalt  }
0x5d: {  	_ =	shalt  }
0x5e: {  	_ =	shalt  }
0x5f: {  	_ =	shalt  }
0x60: {  	_ =	shalt  }
0x61: {  	_ =	shalt  }
0x62: {  	_ =	shalt  }
0x63: {  	_ =	shalt  }
0x64: {  	_ =	shalt  }
0x65: {  	_ =	shalt  }
0x66: {  	_ =	shalt  }
0x67: {  	_ =	shalt  }
0x68: {  	_ =	shalt  }
0x69: {  	_ =	shalt  }
0x6a: {  	_ =	shalt  }
0x6b: {  	_ =	shalt  }
0x6c: {  	_ =	shalt  }
0x6d: {  	_ =	shalt  }
0x6e: {  	_ =	shalt  }
0x6f: {  	_ =	shalt  }
0x70: {  	_ =	shalt  }
0x71: {  	_ =	shalt  }
0x72: {  	_ =	shalt  }
0x73: {  	_ =	shalt  }
0x74: {  	_ =	shalt  }
0x75: {  	_ =	shalt  }
0x76: {  	_ =	shalt  }
0x77: {  	_ =	shalt  }
0x78: {  	_ =	shalt  }
0x79: {  	_ =	shalt  }
0x7a: {  	_ =	shalt  }
0x7b: {  	_ =	shalt  }
0x7c: {  	_ =	shalt  }
0x7d: {  	_ =	shalt  }
0x7e: {  	_ =	shalt  }
0x7f: {  	_ =	shalt  }
0x80: {  	_ =	shalt  }
0x81: {  	_ =	shalt  }
0x82: {  	_ =	shalt  }
0x83: {  	_ =	shalt  }
0x84: {  	_ =	shalt  }
0x85: {  	_ =	shalt  }
0x86: {  	_ =	shalt  }
0x87: {  	_ =	shalt  }
.Lfunc_end0:
.L_simem_size_0:
called_computation_lowered:
.L_overlay_start_0:
0x88: {  	s2 =	sld [smem:$0x3FD9]  }
0x89: {  	s3 =	sld [smem:$0x3FFE];
	_ =	sdelay $0x1  }
0x8a: {  	s1 =	srdreg.scid  }
0x8b: {  	s0 =	sand.u32 $0x1, s1  }
0x8c: {  	s14 =	sshll.u32 s0, $0xA;
	s2 =	sadd.s32 s3, s2  }
0x8d: {  	s2 =	sadd.s32 s2, s14  }
0x8e: {  	[smem:$0x3FC7] =	sst s2  }
0x8f: {  	_ = 	snop  }
0x90: {  	s2 =	sld [smem:$0x3FD0];
	_ =	sdelay $0x2  }
0x91: {  	s15 =	simm.s32 $0xA;
	s4 =	simm.s32 $0x10  }
0x92: {  	[smem:s4], [sflag:s15] =	dma.local [hbm:s2], $0x1  }
0x93: {  	_ =	swait.eq [sflag:s15], $0x1  }
0x94: {  	[sflag:s15] =	ssyncset.done $0x0  }
0x95: {  	[sflag:s15] =	ssyncadd.s32 $0xFFFFFFFF  }
0x96: {  	s16 =	sld [smem:$0x10];
	(tm) =	ssettm $0x1  }
0x97: {  	s17 =	sld [smem:$0x3FFB];
	_ =	sdelay $0x3  }
0x98: {  	_ =	strace s17  }
0x99: {  	s3 =	sld [smem:$0x3FFC];
	_ =	sdelay $0x3  }
0x9a: {  	_ =	strace s3  }
0x9b: {  	s3 =	sld [smem:$0x3FFD];
	_ =	sdelay $0x3  }
0x9c: {  	_ =	strace s3  }
0x9d: {  	_ =	strace $0x8FFFFFFF  }
0x9e: {  	s18 =	sld [smem:$0x3FDB];
	_ =	sdelay $0x1  }
0x9f: {  	s19 =	simm.s32 $_scs_section_size  }
0xa0: {  	s5 =	simm.s32 $_size__tile_overlayer_lowered;
	s6 =	simm.s32 $_tile_overlayer_lowered  }
0xa1: {  	s22 =	simm.s32 $0x1BFF;
	s21 =	sshll.u32 s6, $0x1;
	s3 =	sadd.s32 s19, s18  }
0xa2: {  	s7 =	simm.s32 $0x0;
	s20 =	sshll.u32 s5, $0x1;
	s5 =	sadd.s32 s21, s3  }
0xa3: {  	[timem:s7], [sflag:s22] =	dma.local [hbm:s5], s20  }
0xa4: {  	_ =	swait.ge [sflag:s22], s20  }
0xa5: {  	s4 =	ssub.s32 $0x0, s20;
	[sflag:s22] =	ssyncset.done $0x0  }
0xa6: {  	[sflag:s22] =	ssyncadd.s32 s4;
	_ =	sdelay $0x1  }
0xa7: {  	s23 =	simm.s32 $0x1B8B  }
0xa8: {  	_ =	swait.ge [sflag:s23], $0x1  }
0xa9: {  	[sflag:s23] =	ssyncset.done $0x0  }
0xaa: {  	s25 =	simm.s32 $0x1B8E;
	s24 =	sld [smem:$0x3FFE];
	[sflag:s23] =	ssyncadd.s32 $0xFFFFFFFF  }
0xab: {  	s26 =	simm.s32 $execute0_lowered;
	[smem:$0x3FD2] =	sst s25  }
0xac: {  	s5 =	sshll.u32 s26, $0x1;
	_ =	strace $0x80000046;
	[dreg:$0x1] =	wrdreg $0xFFFFFFFF  }
0xad: {  	s28 =	simm.s32 $_size_execute0_lowered;
	s3 =	sadd.s32 s3, s5;
	[dreg:$0x0] =	wrdreg $0x0  }
0xae: {  	s5 =	sshll.u32 s28, $0x1;
	[dreg:$0x2] =	wrdreg s3  }
0xaf: {  	[dreg:$0x3] =	wrdreg s5  }
0xb0: {  	[dreg:$0x4] =	wrdreg $0xC0  }
0xb1: {  	_ =	task [dreg:s7], $0x5FFFF  }
0xb2: {  	[dreg:$0x1] =	wrdreg $0xFFFFFFFF  }
0xb3: {  	[dreg:$0x0] =	wrdreg $0x60  }
0xb4: {  	[dreg:$0x2] =	wrdreg s24  }
0xb5: {  	[dreg:$0x3] =	wrdreg s16  }
0xb6: {  	[dreg:$0x4] =	wrdreg $0x9  }
0xb7: {  	_ =	task.clear_ibuf [dreg:s7], $0x5FFFF;
	_ =	strace $0x90000046  }
0xb8: {  	s29 =	simm.s32 $0x9;
	_ =	strace $0x80000048  }
0xb9: {  	_ =	swait.ge [sflag:s29], $0x1  }
0xba: {  	[sflag:s29] =	ssyncadd.s32 $0xFFFFFFFF  }
0xbb: {  	_ =	strace $0x90000048  }
0xbc: {  	_ =	sfence  }
0xbd: {  	s30 =	sld [smem:$0x0];
	_ =	sdelay $0x2  }
0xbe: {  	s31 =	sshll.u32 s1, $0xD;
	s1 =	sshrl.u32 s1, $0x2  }
0xbf: {  	s3 =	sand.u32 $0x4000, s31;
	s1 =	sadd.s32 s1, s30  }
0xc0: {  	s0 =	sor.u32 s3, s0;
	s1 =	sshll.u32 s1, $0x11  }
0xc1: {  	s0 =	sor.u32 s1, s0  }
0xc2: {  	s0 =	sadd.s32 $0x8F2B, s0  }
0xc3: {  	[sflag:s0] =	ssyncadd.remote.s32 $0x1  }
0xc4: {  	_ =	sfence.sel $0xFFFF  }
0xc5: {  	[dreg:$0x0] =	wrdreg $0xFFFFFFFF;
	(pc) =	sbr.abs _section_cstart, $3  }
0xc6: {  	[dreg:$0x1] =	wrdreg $0xFFFFFFFF  }
0xc7: {  	_ =	task.clear_ibuf [dreg:s7], $0x2FFFF;
	_ =	strace $0x9FFFFFFF  }
0xc8: {  	(tm) =	ssettm $0x7FFFFFFF  }
0xc9: {  	_ =	shalt  }
tec
execute0_lowered:
.L_overlay_start_1:
0x0: {  	(tag) =	ssettag $0x1  }
0x1: {  	v0 =	vimm.f32 $-1.460728740e+01;
	vm0 =	vcmask $0x300  }
0x2: {  	vm1 =	vcmask $0x704;
	v0 =	vsel vm0, $0xC0CFBF82, v0  }
0x3: {  	vm7 =	vcmask $0xB08;
	v0 =	vsel vm1, $0xC09044FE, v0  }
0x4: {  	vm8 =	vcmask $0xF0C;
	v0 =	vsel vm7, $0xC038AA3B, v0  }
0x5: {  	vm9 =	vcmask $0x1310;
	v0 =	vsel vm8, $0xBFCFBF82, v0  }
0x6: {  	vm10 =	vcmask $0x1714;
	v0 =	vsel vm9, $0xBF38AA3B, v0  }
0x7: {  	vm11 =	vcmask $0x1B18;
	v0 =	vsel vm10, $0xBE38AA3B, v0  }
0x8: {  	vm4 =	vcmask $0x1F1C;
	v0 =	vsel vm11, $0x80000000, v0  }
0x9: {  	vm5 =	vcmask $0x2320;
	v0 =	vsel vm4, $0xBE38AA3B, v0  }
0xa: {  	vm6 =	vcmask $0x2724;
	v0 =	vsel vm5, $0xBF38AA3B, v0  }
0xb: {  	vm7 =	vcmask $0x2B28;
	v0 =	vsel vm6, $0xBFCFBF82, v0  }
0xc: {  	vm8 =	vcmask $0x2F2C;
	v0 =	vsel vm7, $0xC038AA3B, v0  }
0xd: {  	s3 =	rddreg [dreg:$0x0];
	vm9 =	vcmask $0x3330;
	v0 =	vsel vm8, $0xC09044FE, v0  }
0xe: {  	s6 =	rddreg [dreg:$0x1];
	s1 =	simm.s32 $0x0;
	vm10 =	vcmask $0x3734;
	v0 =	vsel vm9, $0xC0CFBF82, v0  }
0xf: {  	[smem:$0x7FF] =	sst s1;
	vm11 =	vcmask $0x3B38;
	v0 =	vsel vm10, $0xC10D6255, v0  }
0x10: {  	s0 =	rddreg [dreg:$0x2];
	_ =	strace $0x80000047;
	v0 =	vsel vm11, $0xC138AA3B, v0  }
0x11: {  	s4 =	srdreg.scid;
	s2 =	stileid.u32;
	(erf) = vpow2.f32 v0  }
0x12: {  	s10 =	simm.s32 $0x200;
	s4 =	sand.u32 $0x1, s4;
	s5 =	sshll.u32 s2, $0x1  }
0x13: {  	s11 =	simm.s32 $0x1;
	s12 =	simm.s32 $0x2;
	s5 =	sor.u32 s4, s5  }
0x14: {  	s13 =	simm.s32 $0x400;
	s14 =	simm.s32 $0xE400;
	s7 =	smul.u32 $0x35, s5  }
0x15: {  	s15 =	simm.s32 $0x3;
	s4 =	ssub.s32 $0x2, s4;
	s8 =	smul.u32 $0x35000, s5  }
0x16: {  	s16 =	simm.s32 $0x4;
	s31 =	sshrl.u32 s4, $0x1;
	s5 =	smul.u32 $0x6A00, s5  }
0x17: {  	s17 =	simm.s32 $0x0;
	s9 =	ssub.s32 s4, s31;
	s7 =	sadd.s32 s7, s3  }
0x18: {  	v5 =	vimm.s32 $0x0;
	s8 =	sshrl.u32 s8, $0x3;
	s5 =	sadd.s32 s6, s5;
	s9 =	smax.u32 s9, $0x1;
	vm9 =	vmmov $0x1fff  }
0x19: {  	v1 =	vimm.s32 $0x0;
	v2 =	vlaneseq.u32;
	s3 =	sadd.s32 $0x1000, s7;
	s4 =	sadd.s32 $0x800, s7;
	s8 =	sadd.s32 s6, s8;
	v5 =	vsel vm9, $0xFFFFFFFF, v5  }
0x1a: {  	vm15 =	vmxor vm15, vm15;
	v4 =	vsel vm0, $0xC, v1;
	s6 =	sadd.s32 $0x1C00, s8;
	s7 =	sadd.s32 $0x3800, s8;
	s8 =	sadd.s32 $0x5400, s8;
	[tilespmem:$0x1FFF0] =	vst v5;
	v0 =	vimm.f32 $0.0e+00;
	v3 =	vpop (erf)  }
.LBB2_1:
0x1b: {  	[tilespmem:s1], [sflag:$0x1] =	stream.linear.gather [hbm4b:s3+s1], $0x1A8, $0x38;
	[tilespmem:$0x1C400] =	vst v63  }
0x1c: {  	s18 =	sand.u32 $0xF000, s1;
	s19 =	sand.u32 $0x380, s1  }
0x1d: {  	s18 =	sor.u32 s19, s18  }
0x1e: {  	[tilespmem:s10], [sflag:$0x2] =	stream.linear.gather [hbm4b:s4+s1], $0x1A8, $0x38;
	[tilespmem:$0x1C400] =	vst v63  }
0x1f: {  	[tilespmem:s18+$0x1070] =	vst v0  }
0x20: {  	[tilespmem:s18+$0x400] =	vst v0  }
0x21: {  	[tilespmem:s18+$0x410] =	vst v0  }
0x22: {  	[tilespmem:s18+$0x420] =	vst v0  }
0x23: {  	[tilespmem:s18+$0x430] =	vst v0  }
0x24: {  	[tilespmem:s18+$0x440] =	vst v0  }
0x25: {  	[tilespmem:s18+$0x450] =	vst v0  }
0x26: {  	[tilespmem:s18+$0x460] =	vst v0  }
0x27: {  	[tilespmem:s18+$0x470] =	vst v0  }
0x28: {  	[tilespmem:s18+$0x800] =	vst v0  }
0x29: {  	[tilespmem:s18+$0x810] =	vst v0  }
0x2a: {  	[tilespmem:s18+$0x820] =	vst v0  }
0x2b: {  	[tilespmem:s18+$0x830] =	vst v0  }
0x2c: {  	[tilespmem:s18+$0x840] =	vst v0  }
0x2d: {  	[tilespmem:s18+$0x850] =	vst v0  }
0x2e: {  	[tilespmem:s18+$0x860] =	vst v0  }
0x2f: {  	[tilespmem:s18+$0x870] =	vst v0  }
0x30: {  	[tilespmem:s18+$0xC00] =	vst v0  }
0x31: {  	[tilespmem:s18+$0xC10] =	vst v0  }
0x32: {  	[tilespmem:s18+$0xC20] =	vst v0  }
0x33: {  	[tilespmem:s18+$0xC30] =	vst v0  }
0x34: {  	[tilespmem:s18+$0xC40] =	vst v0  }
0x35: {  	[tilespmem:s18+$0xC50] =	vst v0  }
0x36: {  	[tilespmem:s18+$0xC60] =	vst v0  }
0x37: {  	[tilespmem:s18+$0xC70] =	vst v0  }
0x38: {  	[tilespmem:s18+$0x1000] =	vst v0  }
0x39: {  	[tilespmem:s18+$0x1010] =	vst v0  }
0x3a: {  	[tilespmem:s18+$0x1020] =	vst v0  }
0x3b: {  	[tilespmem:s18+$0x1030] =	vst v0  }
0x3c: {  	s20 =	simm.s32 $0x200;
	s19 =	simm.s32 $0x80;
	[tilespmem:s18+$0x1040] =	vst v0  }
0x3d: {  	s21 =	sand.u32 $0xF000, s20;
	s20 =	simm.s32 $0x400;
	s22 =	sand.u32 $0x380, s19;
	[tilespmem:s18+$0x1050] =	vst v0  }
.LBB2_2:
0x3e: {  	p0 =	sne.s32 s20, $0xDE00;
	[tilespmem:s18+$0x1060] =	vst v0;
	s18 =	sor.u32 s22, s21  }
0x3f: {  	[tilespmem:s18+$0x1070] =	vst v0  }
0x40: {  	[tilespmem:s18+$0x400] =	vst v0  }
0x41: {  	[tilespmem:s18+$0x410] =	vst v0  }
0x42: {  	[tilespmem:s18+$0x420] =	vst v0  }
0x43: {  	[tilespmem:s18+$0x430] =	vst v0  }
0x44: {  	[tilespmem:s18+$0x440] =	vst v0  }
0x45: {  	[tilespmem:s18+$0x450] =	vst v0  }
0x46: {  	[tilespmem:s18+$0x460] =	vst v0  }
0x47: {  	[tilespmem:s18+$0x470] =	vst v0  }
0x48: {  	[tilespmem:s18+$0x800] =	vst v0  }
0x49: {  	[tilespmem:s18+$0x810] =	vst v0  }
0x4a: {  	[tilespmem:s18+$0x820] =	vst v0  }
0x4b: {  	[tilespmem:s18+$0x830] =	vst v0  }
0x4c: {  	[tilespmem:s18+$0x840] =	vst v0  }
0x4d: {  	[tilespmem:s18+$0x850] =	vst v0  }
0x4e: {  	[tilespmem:s18+$0x860] =	vst v0  }
0x4f: {  	[tilespmem:s18+$0x870] =	vst v0  }
0x50: {  	[tilespmem:s18+$0xC00] =	vst v0  }
0x51: {  	[tilespmem:s18+$0xC10] =	vst v0  }
0x52: {  	[tilespmem:s18+$0xC20] =	vst v0  }
0x53: {  	[tilespmem:s18+$0xC30] =	vst v0  }
0x54: {  	[tilespmem:s18+$0xC40] =	vst v0  }
0x55: {  	[tilespmem:s18+$0xC50] =	vst v0  }
0x56: {  	[tilespmem:s18+$0xC60] =	vst v0  }
0x57: {  	[tilespmem:s18+$0xC70] =	vst v0  }
0x58: {  	[tilespmem:s18+$0x1000] =	vst v0  }
.Ltmp0:
0x59: {  	[tilespmem:s18+$0x1010] =	vst v0;
	(pc) =	sbr.rel @p0 .LBB2_2-.Ltmp0, $4  }
0x5a: {  	[tilespmem:s18+$0x1020] =	vst v0  }
0x5b: {  	[tilespmem:s18+$0x1030] =	vst v0  }
0x5c: {  	s19 =	sadd.s32 $0x80, s19;
	[tilespmem:s18+$0x1040] =	vst v0  }
0x5d: {  	s21 =	sand.u32 $0xF000, s20;
	s20 =	sadd.s32 $0x200, s20;
	s22 =	sand.u32 $0x380, s19;
	[tilespmem:s18+$0x1050] =	vst v0  }
0x5e: {  	s19 =	sor.u32 s22, s21;
	[tilespmem:s18+$0x1060] =	vst v0  }
0x5f: {  	[tilespmem:s19+$0x1070] =	vst v0  }
0x60: {  	[tilespmem:s19+$0x400] =	vst v0  }
0x61: {  	[tilespmem:s19+$0x410] =	vst v0  }
0x62: {  	[tilespmem:s19+$0x420] =	vst v0  }
0x63: {  	[tilespmem:s19+$0x430] =	vst v0  }
0x64: {  	[tilespmem:s19+$0x440] =	vst v0  }
0x65: {  	[tilespmem:s19+$0x450] =	vst v0  }
0x66: {  	[tilespmem:s19+$0x460] =	vst v0  }
0x67: {  	[tilespmem:s19+$0x470] =	vst v0  }
0x68: {  	[tilespmem:s19+$0x800] =	vst v0  }
0x69: {  	[tilespmem:s19+$0x810] =	vst v0  }
0x6a: {  	[tilespmem:s19+$0x820] =	vst v0  }
0x6b: {  	[tilespmem:s19+$0x830] =	vst v0  }
0x6c: {  	[tilespmem:s19+$0x840] =	vst v0  }
0x6d: {  	[tilespmem:s19+$0x850] =	vst v0  }
0x6e: {  	[tilespmem:s19+$0x860] =	vst v0  }
0x6f: {  	[tilespmem:s19+$0x870] =	vst v0  }
0x70: {  	[tilespmem:s19+$0xC00] =	vst v0  }
0x71: {  	[tilespmem:s19+$0xC10] =	vst v0  }
0x72: {  	[tilespmem:s19+$0xC20] =	vst v0  }
0x73: {  	[tilespmem:s19+$0xC30] =	vst v0  }
0x74: {  	[tilespmem:s19+$0xC40] =	vst v0  }
0x75: {  	[tilespmem:s19+$0xC50] =	vst v0  }
0x76: {  	[tilespmem:s19+$0xC60] =	vst v0  }
0x77: {  	[tilespmem:s19+$0xC70] =	vst v0  }
0x78: {  	[tilespmem:s19+$0x1000] =	vst v0  }
0x79: {  	[tilespmem:s19+$0x1010] =	vst v0  }
0x7a: {  	[tilespmem:s19+$0x1020] =	vst v0  }
0x7b: {  	[tilespmem:s19+$0x1030] =	vst v0  }
0x7c: {  	s30 =	simm.s32 $0x0;
	[tilespmem:s19+$0x1040] =	vst v0  }
0x7d: {  	[tilespmem:s19+$0x1050] =	vst v0;
	s20 =	sand.u32 $0xF000, s30;
	s18 =	sand.u32 $0x380, s30  }
0x7e: {  	[tilespmem:s19+$0x1060] =	vst v0;
	s18 =	sor.u32 s18, s20  }
0x7f: {  	[tilespmem:s18+$0xF070] =	vst v0  }
0x80: {  	[tilespmem:s18+$0xE400] =	vst v0  }
0x81: {  	[tilespmem:s18+$0xE410] =	vst v0  }
0x82: {  	[tilespmem:s18+$0xE420] =	vst v0  }
0x83: {  	[tilespmem:s18+$0xE430] =	vst v0  }
0x84: {  	[tilespmem:s18+$0xE440] =	vst v0  }
0x85: {  	[tilespmem:s18+$0xE450] =	vst v0  }
0x86: {  	[tilespmem:s18+$0xE460] =	vst v0  }
0x87: {  	[tilespmem:s18+$0xE470] =	vst v0  }
0x88: {  	[tilespmem:s18+$0xE800] =	vst v0  }
0x89: {  	[tilespmem:s18+$0xE810] =	vst v0  }
0x8a: {  	[tilespmem:s18+$0xE820] =	vst v0  }
0x8b: {  	[tilespmem:s18+$0xE830] =	vst v0  }
0x8c: {  	[tilespmem:s18+$0xE840] =	vst v0  }
0x8d: {  	[tilespmem:s18+$0xE850] =	vst v0  }
0x8e: {  	[tilespmem:s18+$0xE860] =	vst v0  }
0x8f: {  	[tilespmem:s18+$0xE870] =	vst v0  }
0x90: {  	[tilespmem:s18+$0xEC00] =	vst v0  }
0x91: {  	[tilespmem:s18+$0xEC10] =	vst v0  }
0x92: {  	[tilespmem:s18+$0xEC20] =	vst v0  }
0x93: {  	[tilespmem:s18+$0xEC30] =	vst v0  }
0x94: {  	[tilespmem:s18+$0xEC40] =	vst v0  }
0x95: {  	[tilespmem:s18+$0xEC50] =	vst v0  }
0x96: {  	[tilespmem:s18+$0xEC60] =	vst v0  }
0x97: {  	[tilespmem:s18+$0xEC70] =	vst v0  }
0x98: {  	[tilespmem:s18+$0xF000] =	vst v0  }
0x99: {  	[tilespmem:s18+$0xF010] =	vst v0  }
0x9a: {  	[tilespmem:s18+$0xF020] =	vst v0  }
0x9b: {  	[tilespmem:s18+$0xF030] =	vst v0  }
0x9c: {  	s31 =	simm.s32 $0x200;
	s19 =	simm.s32 $0x80;
	[tilespmem:s18+$0xF040] =	vst v0  }
0x9d: {  	s21 =	sand.u32 $0xF000, s31;
	s22 =	sand.u32 $0x380, s19;
	s20 =	simm.s32 $0x400;
	[tilespmem:s18+$0xF050] =	vst v0  }
.LBB2_4:
0x9e: {  	p0 =	sne.s32 s20, $0xDE00;
	[tilespmem:s18+$0xF060] =	vst v0;
	s18 =	sor.u32 s22, s21  }
0x9f: {  	[tilespmem:s18+$0xF070] =	vst v0  }
0xa0: {  	[tilespmem:s18+$0xE400] =	vst v0  }
0xa1: {  	[tilespmem:s18+$0xE410] =	vst v0  }
0xa2: {  	[tilespmem:s18+$0xE420] =	vst v0  }
0xa3: {  	[tilespmem:s18+$0xE430] =	vst v0  }
0xa4: {  	[tilespmem:s18+$0xE440] =	vst v0  }
0xa5: {  	[tilespmem:s18+$0xE450] =	vst v0  }
0xa6: {  	[tilespmem:s18+$0xE460] =	vst v0  }
0xa7: {  	[tilespmem:s18+$0xE470] =	vst v0  }
0xa8: {  	[tilespmem:s18+$0xE800] =	vst v0  }
0xa9: {  	[tilespmem:s18+$0xE810] =	vst v0  }
0xaa: {  	[tilespmem:s18+$0xE820] =	vst v0  }
0xab: {  	[tilespmem:s18+$0xE830] =	vst v0  }
0xac: {  	[tilespmem:s18+$0xE840] =	vst v0  }
0xad: {  	[tilespmem:s18+$0xE850] =	vst v0  }
0xae: {  	[tilespmem:s18+$0xE860] =	vst v0  }
0xaf: {  	[tilespmem:s18+$0xE870] =	vst v0  }
0xb0: {  	[tilespmem:s18+$0xEC00] =	vst v0  }
0xb1: {  	[tilespmem:s18+$0xEC10] =	vst v0  }
0xb2: {  	[tilespmem:s18+$0xEC20] =	vst v0  }
0xb3: {  	[tilespmem:s18+$0xEC30] =	vst v0  }
0xb4: {  	[tilespmem:s18+$0xEC40] =	vst v0  }
0xb5: {  	[tilespmem:s18+$0xEC50] =	vst v0  }
0xb6: {  	[tilespmem:s18+$0xEC60] =	vst v0  }
0xb7: {  	[tilespmem:s18+$0xEC70] =	vst v0  }
0xb8: {  	[tilespmem:s18+$0xF000] =	vst v0  }
.Ltmp1:
0xb9: {  	[tilespmem:s18+$0xF010] =	vst v0;
	(pc) =	sbr.rel @p0 .LBB2_4-.Ltmp1, $4  }
0xba: {  	[tilespmem:s18+$0xF020] =	vst v0  }
0xbb: {  	[tilespmem:s18+$0xF030] =	vst v0  }
0xbc: {  	s19 =	sadd.s32 $0x80, s19;
	[tilespmem:s18+$0xF040] =	vst v0  }
0xbd: {  	s21 =	sand.u32 $0xF000, s20;
	s20 =	sadd.s32 $0x200, s20;
	s22 =	sand.u32 $0x380, s19;
	[tilespmem:s18+$0xF050] =	vst v0  }
0xbe: {  	s19 =	sor.u32 s22, s21;
	[tilespmem:s18+$0xF060] =	vst v0  }
0xbf: {  	[tilespmem:s19+$0xF070] =	vst v0  }
0xc0: {  	[tilespmem:s19+$0xE400] =	vst v0  }
0xc1: {  	[tilespmem:s19+$0xE410] =	vst v0  }
0xc2: {  	[tilespmem:s19+$0xE420] =	vst v0  }
0xc3: {  	[tilespmem:s19+$0xE430] =	vst v0  }
0xc4: {  	[tilespmem:s19+$0xE440] =	vst v0  }
0xc5: {  	[tilespmem:s19+$0xE450] =	vst v0  }
0xc6: {  	[tilespmem:s19+$0xE460] =	vst v0  }
0xc7: {  	[tilespmem:s19+$0xE470] =	vst v0  }
0xc8: {  	[tilespmem:s19+$0xE800] =	vst v0  }
0xc9: {  	[tilespmem:s19+$0xE810] =	vst v0  }
0xca: {  	[tilespmem:s19+$0xE820] =	vst v0  }
0xcb: {  	[tilespmem:s19+$0xE830] =	vst v0  }
0xcc: {  	[tilespmem:s19+$0xE840] =	vst v0  }
0xcd: {  	[tilespmem:s19+$0xE850] =	vst v0  }
0xce: {  	[tilespmem:s19+$0xE860] =	vst v0  }
0xcf: {  	[tilespmem:s19+$0xE870] =	vst v0  }
0xd0: {  	[tilespmem:s19+$0xEC00] =	vst v0  }
0xd1: {  	[tilespmem:s19+$0xEC10] =	vst v0  }
0xd2: {  	[tilespmem:s19+$0xEC20] =	vst v0  }
0xd3: {  	[tilespmem:s19+$0xEC30] =	vst v0  }
0xd4: {  	[tilespmem:s19+$0xEC40] =	vst v0  }
0xd5: {  	[tilespmem:s19+$0xEC50] =	vst v0  }
0xd6: {  	[tilespmem:s19+$0xEC60] =	vst v0  }
0xd7: {  	[tilespmem:s19+$0xEC70] =	vst v0  }
0xd8: {  	[tilespmem:s19+$0xF000] =	vst v0  }
0xd9: {  	[tilespmem:s19+$0xF010] =	vst v0  }
0xda: {  	[tilespmem:s19+$0xF020] =	vst v0  }
0xdb: {  	[tilespmem:s19+$0xF030] =	vst v0  }
0xdc: {  	[tilespmem:s19+$0xF040] =	vst v0  }
0xdd: {  	[tilespmem:s19+$0xF050] =	vst v0  }
0xde: {  	[tilespmem:s19+$0xF060] =	vst v0  }
0xdf: {  	_ =	swait.ge [sflag:s11], $0x1A8  }
0xe0: {  	[sflag:s11] =	ssyncset.done $0x0  }
0xe1: {  	[sflag:s11] =	ssyncadd.s32 $0xFFFFFE58  }
0xe2: {  	_ =	swait.ge [sflag:s12], $0x1A8  }
0xe3: {  	v5 =	vld [tilespmem:$0x1FFF0];
	_ =	sdelay $0x3  }
0xe4: {  	s18 =	simm.s32 $0xF;
	[sflag:s12] =	ssyncset.done $0x0  }
0xe5: {  	s20 =	simm.s32 $0x200;
	s19 =	simm.s32 $0x0;
	[sflag:s12] =	ssyncadd.s32 $0xFFFFFE58;
	vm12 =	vnez.u8 v5  }
.LBB2_6:
0xe6: {  	v5 =	vld [tilespmem:s19+$0x0]  }
0xe7: {  	v6 =	vld [tilespmem:s20+$0x0];
	_ =	sdelay $0x3  }
0xe8: {  	v38 =	vimm.s32 $0x0;
	v14 =	vimm.s32 $0x0;
	v5 =	vtrunc.f32 v5  }
0xe9: {  	v45 =	vimm.s32 $0x0;
	v7 =	vcvt.f32.s32 v5;
	v5 =	vtrunc.f32 v6  }
0xea: {  	s26 =	sadd.s32 $0xFFFFFFF1, s18;
	v47 =	vimm.s32 $0x0;
	v22 =	vimm.s32 $0x0;
	v6 =	vcvt.f32.s32 v5  }
0xeb: {  	v36 =	vmov s26;
	v5 =	vadd.s32 $0xFFFFFFFA, v7;
	v7 =	vadd.s32 $0x7, v7  }
0xec: {  	vm0 =	vlt.u32 v5, $0x201;
	v8 =	vadd.s32 $0xFFFFFFFA, v6;
	v6 =	vadd.s32 $0x7, v6  }
0xed: {  	vm2 =	vlt.u32 v7, $0x201;
	v7 =	vbroadcast v5, $0x0;
	v9 =	vbroadcast v5, $0x1  }
0xee: {  	v11 =	vbroadcast v5, $0x2;
	vm1 =	vlt.u32 v8, $0x201;
	vm3 =	vlt.u32 v6, $0x201  }
0xef: {  	v37 =	vbroadcast v5, $0x3;
	vm0 =	vmand vm0, vm1;
	vm4 =	vmand vm2, vm3  }
0xf0: {  	v39 =	vbroadcast v5, $0x4;
	v40 =	vbroadcast v5, $0x5;
	vm0 =	vmor vm0, vm4  }
0xf1: {  	v42 =	vbroadcast v5, $0x6;
	v43 =	vbroadcast v5, $0x7;
	v6 =	vsel vm0, $0x1, v1  }
0xf2: {  	v44 =	vbroadcast v5, $0xA;
	v8 =	vshrl.u32 v36, $0x3;
	(v2sf) =	vpush v6, $0x0  }
0xf3: {  	v46 =	vbroadcast v5, $0xC;
	v7 =	vadd.s32 v2, v7;
	v12 =	vshll.u32 v8, v4  }
0xf4: {  	v10 =	vadd.s32 v2, v9;
	v11 =	vadd.s32 v2, v11;
	vm2 =	vmmov vm15  }
0xf5: {  	v13 =	vadd.s32 v2, v37;
	v41 =	vadd.s32 v2, v39;
	(v2sf) =	vpush v6, $0x1  }
0xf6: {  	v15 =	vadd.s32 v2, v40;
	v16 =	vadd.s32 v2, v42;
	(v2sf) =	vpush v6, $0x2  }
0xf7: {  	v17 =	vadd.s32 v2, v43;
	vm3 =	vmmov vm15;
	v20 =	vadd.s32 v2, v44  }
0xf8: {  	vm5 =	vlt.u32 v7, $0x200;
	vm6 =	vlt.u32 v10, $0x200;
	(v2sf) =	vpush v6, $0x3  }
0xf9: {  	vm7 =	vlt.u32 v11, $0x200;
	vm10 =	vlt.u32 v13, $0x200;
	vm11 =	vlt.u32 v41, $0x200  }
0xfa: {  	vm4 =	vmmov vm15;
	v12 =	vbroadcast v12, $0x0;
	(v2sf) =	vpush v6, $0x4  }
0xfb: {  	v48 =	vshll.u32 v7, $0x3;
	v23 =	vshll.u32 v10, $0x3;
	v7 =	vand.u32 $0x7F, v7  }
0xfc: {  	v10 =	vand.u32 $0x7F, v10;
	v24 =	vshll.u32 v11, $0x3;
	(v2sf) =	vpush v6, $0x5  }
0xfd: {  	v11 =	vand.u32 $0x7F, v11;
	v50 =	vshll.u32 v13, $0x3;
	v52 =	vshll.u32 v41, $0x3  }
0xfe: {  	v13 =	vand.u32 $0x7F, v13;
	v53 =	vshll.u32 v15, $0x3;
	v55 =	vshll.u32 v16, $0x3  }
0xff: {  	v57 =	vshll.u32 v17, $0x3;
	v37 =	vshll.u32 v20, $0x3;
	vm0 =	vmmov vm15  }
0x100: {  	v23 =	vand.u32 $0xFFFFFC00, v23;
	v49 =	vand.u32 $0xFFFFFC00, v24;
	v51 =	vand.u32 $0xFFFFFC00, v50  }
0x101: {  	v54 =	vand.u32 $0xFFFFFC00, v53;
	v56 =	vand.u32 $0xFFFFFC00, v55;
	s21 =	spop (v2sf);
	(v2sf) =	vpush v6, $0x6  }
0x102: {  	v59 =	vand.u32 $0xFFFFFC00, v57;
	v23 =	vadd.s32 v12, v23;
	(v2sf) =	vpush v6, $0x7  }
0x103: {  	v57 =	vmov s18;
	v10 =	vor.u32 v10, v23;
	v23 =	vand.u32 $0xFFFFFC00, v52;
	p0 =	sne.s32 s21, $0x0  }
0x104: {  	v23 =	vadd.s32 v12, v23;
	s28 =	spop (v2sf);
	vm0 =	vmneg @p0 vm0;
	(v2sf) =	vpush v6, $0x8  }
0x105: {  	p0 =	sne.s32 s28, $0x0;
	s29 =	spop (v2sf);
	vm8 =	vmand vm5, vm0;
	(v2sf) =	vpush v6, $0x9;
	vm0 =	vmmov vm15  }
0x106: {  	v10 =	vor.u32 $0x80, v10;
	(v2sf) =	vpush v6, $0xA;
	vm0 =	vmneg @p0 vm0;
	p0 =	sne.s32 s29, $0x0  }
0x107: {  	s30 =	spop (v2sf);
	vm2 =	vmneg @p0 vm2;
	vm1 =	vmand vm6, vm0;
	(v2sf) =	vpush v6, $0xB  }
0x108: {  	p0 =	sne.s32 s30, $0x0;
	vm0 =	vmmov vm15;
	vm6 =	vlt.u32 v20, $0x200;
	v20 =	vand.u32 $0x7F, v20  }
0x109: {  	s31 =	spop (v2sf);
	vm9 =	vmand vm7, vm2;
	(v2sf) =	vpush v6, $0xC;
	vm0 =	vmneg @p0 vm0  }
0x10a: {  	p0 =	sne.s32 s31, $0x0;
	vm2 =	vmmov vm15;
	vm7 =	vmmov vm15;
	v9 =	vsel vm9, $0xFFFFFFFF, v38  }
0x10b: {  	s22 =	spop (v2sf);
	vm0 =	vmand vm10, vm0;
	(v2sf) =	vpush v6, $0xD;
	vm2 =	vmneg @p0 vm2  }
0x10c: {  	p0 =	sne.s32 s22, $0x0;
	vm9 =	vlt.u32 v15, $0x200;
	v15 =	vand.u32 $0x7F, v15;
	v14 =	vsel vm0, $0xFFFFFFFF, v14  }
0x10d: {  	(v2sf) =	vpush v6, $0xE;
	vm4 =	vmneg @p0 vm4;
	vm0 =	vmand vm11, vm2  }
0x10e: {  	vm2 =	vmmov vm15;
	vm11 =	vlt.u32 v16, $0x200;
	v16 =	vand.u32 $0x7F, v16  }
0x10f: {  	[tilespmem:$0x1FF90] =	vst v14;
	vm10 =	vmand vm9, vm4;
	vm9 =	vlt.u32 v17, $0x200;
	v14 =	vand.u32 $0x7F, v41  }
0x110: {  	v17 =	vand.u32 $0x7F, v17;
	s23 =	spop (v2sf);
	(v2sf) =	vpush v6, $0xF;
	v6 =	vimm.s32 $0x0  }
0x111: {  	v14 =	vor.u32 v14, v23;
	s22 =	spop (v2sf);
	v6 =	vsel vm0, $0xFFFFFFFF, v6;
	p0 =	sne.s32 s23, $0x0;
	vm0 =	vmmov vm15  }
0x112: {  	v23 =	vand.u32 $0xFFFFFC00, v37;
	[tilespmem:$0x1FFA0] =	vst v6;
	v6 =	vimm.s32 $0x0;
	vm0 =	vmneg @p0 vm0;
	p0 =	sne.s32 s22, $0x0  }
0x113: {  	v14 =	vor.u32 $0x200, v14;
	s24 =	spop (v2sf);
	v6 =	vsel vm10, $0xFFFFFFFF, v6;
	vm2 =	vmneg @p0 vm2  }
0x114: {  	vm5 =	vmand vm11, vm0;
	p0 =	sne.s32 s24, $0x0;
	vm0 =	vmmov vm15;
	s24 =	sadd.s32 $0xFFFFFFF9, s18;
	[tilespmem:$0x1FFB0] =	vst v6;
	v6 =	vbroadcast v5, $0x8  }
0x115: {  	vm10 =	vmand vm9, vm2;
	vm2 =	vmmov vm15;
	v58 =	vmov s24  }
0x116: {  	[tilespmem:$0x1FF80] =	vst v9;
	s25 =	spop (v2sf);
	vm5 =	vmand vm5, vm12;
	v9 =	vsel vm10, $0xFFFFFFFF, v45;
	vm2 =	vmneg @p0 vm2  }
0x117: {  	s26 =	spop (v2sf);
	p0 =	sne.s32 s25, $0x0;
	v60 =	vshrl.u32 v58, $0x3;
	s25 =	sadd.s32 $0xFFFFFFFA, s18;
	v18 =	vadd.s32 v2, v6;
	v6 =	vbroadcast v5, $0x9  }
0x118: {  	vm3 =	vmneg @p0 vm3;
	p0 =	sne.s32 s26, $0x0;
	v61 =	vshll.u32 v60, v4;
	v63 =	vmov s25  }
0x119: {  	s26 =	sadd.s32 $0xFFFFFFFB, s18;
	vm11 =	vlt.u32 v18, $0x200;
	vm7 =	vmneg @p0 vm7;
	v62 =	vshll.u32 v18, $0x3  }
0x11a: {  	s28 =	spop (v2sf);
	v28 =	vshrl.u32 v63, $0x3;
	v18 =	vand.u32 $0x7F, v18;
	v32 =	vmov s26  }
0x11b: {  	p0 =	sne.s32 s28, $0x0;
	v19 =	vadd.s32 v2, v6;
	v6 =	vbroadcast v5, $0xB;
	vm11 =	vmand vm11, vm2  }
0x11c: {  	vm7 =	vmand vm6, vm7;
	vm0 =	vmneg @p0 vm0;
	vm2 =	vmmov vm15  }
0x11d: {  	s28 =	sadd.s32 $0xFFFFFFFC, s18;
	v27 =	vand.u32 $0xFFFFFC00, v62;
	v29 =	vshll.u32 v28, v4;
	v33 =	vshrl.u32 v32, $0x3  }
0x11e: {  	[tilespmem:$0x1FFC0] =	vst v9;
	s29 =	spop (v2sf);
	v34 =	vmov s28;
	vm4 =	vlt.u32 v19, $0x200;
	v9 =	vsel vm7, $0xFFFFFFFF, v47  }
0x11f: {  	p0 =	sne.s32 s29, $0x0;
	s29 =	sadd.s32 $0xFFFFFFFD, s18;
	v30 =	vbroadcast v29, $0x0;
	v31 =	vshll.u32 v19, $0x3;
	v19 =	vand.u32 $0x7F, v19  }
0x120: {  	v35 =	vshll.u32 v33, v4;
	v36 =	vshrl.u32 v34, $0x3;
	v41 =	vmov s29  }
0x121: {  	vm10 =	vmand vm4, vm3;
	[tilespmem:$0x1FFD0] =	vst v9;
	v21 =	vadd.s32 v2, v6;
	v9 =	vadd.s32 v2, v46  }
0x122: {  	v6 =	vbroadcast v5, $0xD;
	vm4 =	vmmov vm15;
	vm9 =	vlt.u32 v21, $0x200  }
0x123: {  	vm3 =	vlt.u32 v9, $0x200;
	vm4 =	vmneg @p0 vm4;
	v38 =	vshll.u32 v21, $0x3  }
0x124: {  	s30 =	spop (v2sf);
	v21 =	vand.u32 $0x7F, v21;
	v43 =	vshll.u32 v9, $0x3;
	v9 =	vand.u32 $0x7F, v9  }
0x125: {  	v44 =	vld [tilespmem:$0x1FF80];
	p0 =	sne.s32 s30, $0x0;
	v8 =	vadd.s32 v2, v6;
	v6 =	vbroadcast v5, $0xE;
	vm9 =	vmand vm9, vm0  }
0x126: {  	vm4 =	vmand vm3, vm4;
	vm2 =	vmneg @p0 vm2;
	vm3 =	vmmov vm15  }
0x127: {  	s31 =	spop (v2sf);
	s30 =	sadd.s32 $0xFFFFFFFE, s18;
	v5 =	vbroadcast v5, $0xF;
	vm0 =	vmmov vm15;
	v39 =	vand.u32 $0xFFFFFC00, v38  }
0x128: {  	v45 =	vld [tilespmem:$0x1FF90];
	p0 =	sne.s32 s31, $0x0;
	v46 =	vmov s30;
	v22 =	vsel vm4, $0xFFFFFFFF, v22;
	vm6 =	vlt.u32 v8, $0x200  }
0x129: {  	vm3 =	vmneg @p0 vm3;
	v6 =	vadd.s32 v2, v6;
	vm13 =	vmand vm6, vm2  }
0x12a: {  	[tilespmem:$0x1FFE0] =	vst v22;
	v5 =	vadd.s32 v2, v5;
	v22 =	vand.u32 $0xFFFFFC00, v48;
	vm6 =	vnez.u8 v44  }
0x12b: {  	vm7 =	vlt.u32 v6, $0x200;
	vm4 =	vlt.u32 v5, $0x200;
	v22 =	vadd.s32 v12, v22  }
0x12c: {  	v50 =	vld [tilespmem:$0x1FFB0];
	s23 =	spop (v2sf);
	vm6 =	vmand vm6, vm12;
	vm14 =	vmand vm7, vm3;
	v7 =	vor.u32 v7, v22  }
0x12d: {  	v47 =	vld [tilespmem:$0x1FFA0];
	p0 =	sne.s32 s23, $0x0;
	v22 =	vadd.s32 v12, v49;
	vm3 =	vmand vm1, vm12;
	vm7 =	vnez.u8 v45  }
0x12e: {  	v49 =	vshll.u32 v8, $0x3;
	v8 =	vand.u32 $0x7F, v8;
	vm0 =	vmneg @p0 vm0  }
0x12f: {  	s31 =	sadd.s32 $0xFFFFFFFF, s18;
	v11 =	vor.u32 v11, v22;
	v22 =	vadd.s32 v12, v51;
	vm7 =	vmand vm7, vm12  }
0x130: {  	v51 =	vmov s31;
	vm15 =	vmand vm4, vm0;
	v13 =	vor.u32 v13, v22  }
0x131: {  	v52 =	vld [tilespmem:$0x1FFC0];
	v22 =	vadd.s32 v12, v54;
	vm0 =	vmand vm8, vm12;
	v11 =	vor.u32 $0x100, v11  }
0x132: {  	vm8 =	vnez.u8 v47;
	vm4 =	vnez.u8 v50;
	v54 =	vshll.u32 v6, $0x3  }
0x133: {  	v6 =	vand.u32 $0x7F, v6;
	v15 =	vor.u32 v15, v22;
	v22 =	vadd.s32 v12, v56  }
0x134: {  	v12 =	vadd.s32 v12, v59;
	v13 =	vor.u32 $0x180, v13;
	vm8 =	vmand vm8, vm12  }
0x135: {  	vm2 =	vmand vm4, vm12;
	v16 =	vor.u32 v16, v22;
	v22 =	vbroadcast v61, $0x0  }
0x136: {  	vm4 =	vnez.u8 v52;
	v55 =	vand.u32 $0xFFFFFC00, v54;
	v12 =	vor.u32 v17, v12  }
0x137: {  	v15 =	vor.u32 $0x280, v15;
	v17 =	vadd.s32 v22, v27;
	v22 =	vand.u32 $0xFFFFFC00, v31  }
0x138: {  	v58 =	vld [tilespmem:$0x1FFD0];
	v17 =	vor.u32 v18, v17;
	v18 =	vadd.s32 v30, v22;
	v22 =	vshll.u32 v36, v4  }
0x139: {  	vm1 =	vmand vm4, vm12;
	v61 =	vshll.u32 v5, $0x3;
	v22 =	vbroadcast v22, $0x0  }
0x13a: {  	v5 =	vand.u32 $0x7F, v5;
	v16 =	vor.u32 $0x300, v16;
	v18 =	vor.u32 v19, v18  }
0x13b: {  	v19 =	vbroadcast v35, $0x0;
	v40 =	vadd.s32 v22, v39;
	v22 =	vshrl.u32 v41, $0x3  }
0x13c: {  	v12 =	vor.u32 $0x380, v12;
	[tilespmem:v7+s13+$0x0] =	vst.idx.msk vm0, v3;
	vm0 =	vmand vm11, vm12;
	v22 =	vshll.u32 v22, v4  }
0x13d: {  	vm11 =	vnez.u8 v58;
	v19 =	vadd.s32 v19, v23;
	v42 =	vbroadcast v22, $0x0  }
0x13e: {  	[tilespmem:v10+s13+$0x0] =	vst.idx.msk vm3, v3;
	vm3 =	vmand vm10, vm12;
	v19 =	vor.u32 v20, v19;
	v22 =	vand.u32 $0xFFFFFC00, v43  }
0x13f: {  	v20 =	vor.u32 v21, v40;
	v21 =	vadd.s32 v42, v22;
	v22 =	vshrl.u32 v46, $0x3  }
0x140: {  	v63 =	vld [tilespmem:$0x1FFE0];
	v56 =	vor.u32 $0x80, v18;
	vm4 =	vmand vm11, vm12;
	v22 =	vshll.u32 v22, v4  }
0x141: {  	v10 =	vshrl.u32 v57, $0x3;
	vm10 =	vmand vm14, vm12;
	v48 =	vbroadcast v22, $0x0  }
0x142: {  	[tilespmem:v11+s13+$0x0] =	vst.idx.msk vm6, v3;
	vm6 =	vmand vm9, vm12;
	v10 =	vshll.u32 v10, v4;
	v22 =	vand.u32 $0xFFFFFC00, v49  }
0x143: {  	[tilespmem:v13+s13+$0x0] =	vst.idx.msk vm7, v3;
	v9 =	vor.u32 v9, v21;
	v21 =	vadd.s32 v48, v22;
	v22 =	vshrl.u32 v51, $0x3  }
0x144: {  	vm9 =	vmand vm13, vm12;
	v60 =	vbroadcast v10, $0x0;
	[tilespmem:v14+s13+$0x0] =	vst.idx.msk vm8, v3;
	v22 =	vshll.u32 v22, v4  }
0x145: {  	v59 =	vor.u32 $0x100, v19;
	vm8 =	vnez.u8 v63;
	[tilespmem:v15+s13+$0x0] =	vst.idx.msk vm2, v3;
	v53 =	vbroadcast v22, $0x0  }
0x146: {  	v10 =	vand.u32 $0xFFFFFC00, v61;
	v62 =	vor.u32 $0x180, v20;
	vm2 =	vmand vm8, vm12;
	[tilespmem:v16+s13+$0x0] =	vst.idx.msk vm5, v3  }
0x147: {  	[tilespmem:v12+s13+$0x0] =	vst.idx.msk vm1, v3;
	v9 =	vor.u32 $0x200, v9;
	v7 =	vor.u32 v8, v21;
	v8 =	vadd.s32 v53, v55  }
0x148: {  	[tilespmem:v17+s13+$0x0] =	vst.idx.msk vm0, v3;
	v7 =	vor.u32 $0x280, v7;
	v6 =	vor.u32 v6, v8;
	v8 =	vadd.s32 v60, v10  }
0x149: {  	vm11 =	vmand vm15, vm12;
	[tilespmem:v56+s13+$0x0] =	vst.idx.msk vm3, v3;
	v5 =	vor.u32 v5, v8;
	v6 =	vor.u32 $0x300, v6  }
0x14a: {  	p0 =	sne.s32 s18, $0x6F;
	[tilespmem:v59+s13+$0x0] =	vst.idx.msk vm4, v3;
	v5 =	vor.u32 $0x380, v5  }
.Ltmp2:
0x14b: {  	[tilespmem:v62+s13+$0x0] =	vst.idx.msk vm6, v3;
	(pc) =	sbr.rel @p0 .LBB2_6-.Ltmp2, $4  }
0x14c: {  	[tilespmem:v9+s13+$0x0] =	vst.idx.msk vm2, v3  }
0x14d: {  	[tilespmem:v7+s13+$0x0] =	vst.idx.msk vm9, v3  }
0x14e: {  	[tilespmem:v6+s13+$0x0] =	vst.idx.msk vm10, v3  }
0x14f: {  	s19 =	sadd.s32 $0x10, s19;
	s20 =	sadd.s32 $0x10, s20;
	s18 =	sadd.s32 $0x10, s18;
	vm15 =	vmxor vm15, vm15;
	[tilespmem:v5+s13+$0x0] =	vst.idx.msk vm11, v3  }
0x150: {  	[hbm4b:s5+s1] =	stream.linear.scatter [tilespmem:s13], [sflag:$0x3], $0xE000, $0x38;
	[tilespmem:$0x1C400] =	vst v63  }
0x151: {  	s18 =	simm.s32 $0xF;
	s19 =	simm.s32 $0x70;
	s20 =	simm.s32 $0x270  }
.LBB2_8:
0x152: {  	v5 =	vld [tilespmem:s19+$0x0];
	_ =	sdelay $0x1  }
0x153: {  	v6 =	vld [tilespmem:s20+$0x0];
	_ =	sdelay $0x2  }
0x154: {  	v5 =	vtrunc.f32 v5  }
0x155: {  	vm4 =	vmmov vm15;
	v7 =	vcvt.f32.s32 v5  }
0x156: {  	v50 =	vimm.s32 $0x0;
	v52 =	vimm.s32 $0x0;
	v5 =	vtrunc.f32 v6  }
0x157: {  	v6 =	vcvt.f32.s32 v5;
	v5 =	vadd.s32 $0xFFFFFFFA, v7;
	v7 =	vadd.s32 $0x7, v7  }
0x158: {  	s26 =	sadd.s32 $0xFFFFFFF1, s18;
	vm2 =	vlt.u32 v7, $0x201;
	v7 =	vbroadcast v5, $0x0;
	v9 =	vbroadcast v5, $0x1  }
0x159: {  	v43 =	vmov s26;
	v11 =	vbroadcast v5, $0x2;
	v44 =	vbroadcast v5, $0x3  }
0x15a: {  	vm0 =	vlt.u32 v5, $0x201;
	v45 =	vbroadcast v5, $0x4;
	v46 =	vbroadcast v5, $0x5  }
0x15b: {  	v8 =	vadd.s32 $0xFFFFFFFA, v6;
	v47 =	vbroadcast v5, $0x6;
	v48 =	vbroadcast v5, $0x7  }
0x15c: {  	v6 =	vadd.s32 $0x7, v6;
	v49 =	vbroadcast v5, $0xA;
	v51 =	vbroadcast v5, $0xC  }
0x15d: {  	vm1 =	vlt.u32 v8, $0x201;
	vm3 =	vlt.u32 v6, $0x201;
	v8 =	vshrl.u32 v43, $0x3  }
0x15e: {  	vm0 =	vmand vm0, vm1;
	vm9 =	vmand vm2, vm3;
	v7 =	vadd.s32 v2, v7  }
0x15f: {  	v12 =	vshll.u32 v8, v4;
	v10 =	vadd.s32 v2, v9;
	v11 =	vadd.s32 v2, v11  }
0x160: {  	vm2 =	vmmov vm15;
	v13 =	vadd.s32 v2, v44;
	v14 =	vadd.s32 v2, v45  }
0x161: {  	v15 =	vadd.s32 v2, v46;
	v16 =	vadd.s32 v2, v47;
	v17 =	vadd.s32 v2, v48  }
0x162: {  	vm3 =	vmmov vm15;
	v20 =	vadd.s32 v2, v49;
	vm0 =	vmor vm0, vm9  }
0x163: {  	v53 =	vadd.s32 v2, v51;
	vm10 =	vlt.u32 v7, $0x200;
	v6 =	vsel vm0, $0x1, v1  }
0x164: {  	vm11 =	vlt.u32 v10, $0x200;
	vm6 =	vlt.u32 v11, $0x200;
	(v2sf) =	vpush v6, $0x0  }
0x165: {  	vm7 =	vlt.u32 v13, $0x200;
	vm8 =	vlt.u32 v15, $0x200;
	v12 =	vbroadcast v12, $0x0  }
0x166: {  	v22 =	vshll.u32 v7, $0x3;
	v23 =	vshll.u32 v10, $0x3;
	(v2sf) =	vpush v6, $0x1  }
0x167: {  	v7 =	vand.u32 $0x7F, v7;
	v10 =	vand.u32 $0x7F, v10;
	(v2sf) =	vpush v6, $0x2  }
0x168: {  	v24 =	vshll.u32 v11, $0x3;
	v11 =	vand.u32 $0x7F, v11;
	v55 =	vshll.u32 v13, $0x3  }
0x169: {  	v57 =	vshll.u32 v14, $0x3;
	v13 =	vand.u32 $0x7F, v13;
	(v2sf) =	vpush v6, $0x3  }
0x16a: {  	v58 =	vshll.u32 v15, $0x3;
	v15 =	vand.u32 $0x7F, v15;
	v60 =	vshll.u32 v16, $0x3  }
0x16b: {  	v62 =	vshll.u32 v17, $0x3;
	v40 =	vshll.u32 v20, $0x3;
	v46 =	vshll.u32 v53, $0x3  }
0x16c: {  	vm0 =	vmmov vm15;
	v22 =	vand.u32 $0xFFFFFC00, v22;
	(v2sf) =	vpush v6, $0x4  }
0x16d: {  	v23 =	vand.u32 $0xFFFFFC00, v23;
	v54 =	vand.u32 $0xFFFFFC00, v24;
	(v2sf) =	vpush v6, $0x5  }
0x16e: {  	v56 =	vand.u32 $0xFFFFFC00, v55;
	v59 =	vand.u32 $0xFFFFFC00, v58;
	v61 =	vand.u32 $0xFFFFFC00, v60  }
0x16f: {  	v25 =	vand.u32 $0xFFFFFC00, v62;
	v22 =	vadd.s32 v12, v22;
	v23 =	vadd.s32 v12, v23  }
0x170: {  	v7 =	vor.u32 v7, v22;
	v10 =	vor.u32 v10, v23;
	v22 =	vadd.s32 v12, v54  }
0x171: {  	v23 =	vand.u32 $0xFFFFFC00, v57;
	v11 =	vor.u32 v11, v22;
	v22 =	vadd.s32 v12, v56  }
0x172: {  	v23 =	vadd.s32 v12, v23;
	v10 =	vor.u32 $0x80, v10;
	v13 =	vor.u32 v13, v22  }
0x173: {  	v22 =	vadd.s32 v12, v59;
	v11 =	vor.u32 $0x100, v11;
	s21 =	spop (v2sf);
	(v2sf) =	vpush v6, $0x6  }
0x174: {  	v59 =	vmov s18;
	v15 =	vor.u32 v15, v22;
	p0 =	sne.s32 s21, $0x0;
	(v2sf) =	vpush v6, $0x7  }
0x175: {  	v22 =	vadd.s32 v12, v61;
	v12 =	vadd.s32 v12, v25;
	s28 =	spop (v2sf);
	vm0 =	vmneg @p0 vm0  }
0x176: {  	(v2sf) =	vpush v6, $0x8;
	p0 =	sne.s32 s28, $0x0;
	s29 =	spop (v2sf);
	vm9 =	vmand vm10, vm0;
	vm0 =	vmmov vm15  }
0x177: {  	v13 =	vor.u32 $0x180, v13;
	(v2sf) =	vpush v6, $0x9;
	vm0 =	vmneg @p0 vm0;
	p0 =	sne.s32 s29, $0x0  }
0x178: {  	v15 =	vor.u32 $0x280, v15;
	s30 =	spop (v2sf);
	(v2sf) =	vpush v6, $0xA;
	vm2 =	vmneg @p0 vm2  }
0x179: {  	vm1 =	vmand vm11, vm0;
	(v2sf) =	vpush v6, $0xB;
	p0 =	sne.s32 s30, $0x0;
	vm0 =	vmmov vm15  }
0x17a: {  	vm10 =	vmand vm6, vm2;
	(v2sf) =	vpush v6, $0xC;
	vm0 =	vmneg @p0 vm0  }
0x17b: {  	s31 =	spop (v2sf);
	vm2 =	vmmov vm15;
	vm6 =	vlt.u32 v20, $0x200;
	v20 =	vand.u32 $0x7F, v20  }
0x17c: {  	s22 =	spop (v2sf);
	p0 =	sne.s32 s31, $0x0;
	vm1 =	vmand vm1, vm12;
	vm11 =	vmand vm7, vm0;
	(v2sf) =	vpush v6, $0xD  }
0x17d: {  	vm0 =	vlt.u32 v14, $0x200;
	vm2 =	vmneg @p0 vm2;
	p0 =	sne.s32 s22, $0x0;
	v14 =	vand.u32 $0x7F, v14  }
0x17e: {  	(v2sf) =	vpush v6, $0xE;
	vm4 =	vmneg @p0 vm4;
	vm0 =	vmand vm0, vm2  }
0x17f: {  	vm2 =	vmmov vm15;
	v14 =	vor.u32 v14, v23;
	v23 =	vand.u32 $0xFFFFFC00, v40  }
0x180: {  	vm7 =	vmand vm8, vm4;
	vm8 =	vlt.u32 v16, $0x200;
	vm4 =	vlt.u32 v17, $0x200  }
0x181: {  	v16 =	vand.u32 $0x7F, v16;
	v17 =	vand.u32 $0x7F, v17;
	v14 =	vor.u32 $0x200, v14  }
0x182: {  	v16 =	vor.u32 v16, v22;
	s23 =	spop (v2sf);
	(v2sf) =	vpush v6, $0xF;
	v6 =	vimm.s32 $0x0  }
0x183: {  	v12 =	vor.u32 v17, v12;
	s22 =	spop (v2sf);
	v6 =	vsel vm0, $0xFFFFFFFF, v6;
	p0 =	sne.s32 s23, $0x0;
	vm0 =	vmmov vm15  }
0x184: {  	v16 =	vor.u32 $0x300, v16;
	[tilespmem:$0x1FF40] =	vst v6;
	v6 =	vimm.s32 $0x0;
	vm0 =	vmneg @p0 vm0;
	p0 =	sne.s32 s22, $0x0  }
0x185: {  	v12 =	vor.u32 $0x380, v12;
	s24 =	spop (v2sf);
	v6 =	vsel vm7, $0xFFFFFFFF, v6;
	vm2 =	vmneg @p0 vm2  }
0x186: {  	vm8 =	vmand vm8, vm0;
	p0 =	sne.s32 s24, $0x0;
	s24 =	sadd.s32 $0xFFFFFFF9, s18;
	[tilespmem:$0x1FF50] =	vst v6;
	v6 =	vbroadcast v5, $0x8;
	vm7 =	vmand vm4, vm2  }
0x187: {  	vm2 =	vmmov vm15;
	v63 =	vmov s24;
	vm8 =	vmand vm8, vm12  }
0x188: {  	s25 =	spop (v2sf);
	v9 =	vsel vm7, $0xFFFFFFFF, v50;
	vm2 =	vmneg @p0 vm2;
	vm7 =	vmmov vm15  }
0x189: {  	s26 =	spop (v2sf);
	p0 =	sne.s32 s25, $0x0;
	v26 =	vshrl.u32 v63, $0x3;
	s25 =	sadd.s32 $0xFFFFFFFA, s18;
	v18 =	vadd.s32 v2, v6;
	v6 =	vbroadcast v5, $0x9  }
0x18a: {  	vm3 =	vmneg @p0 vm3;
	p0 =	sne.s32 s26, $0x0;
	v27 =	vshll.u32 v26, v4;
	v29 =	vmov s25  }
0x18b: {  	vm0 =	vlt.u32 v18, $0x200;
	vm7 =	vmneg @p0 vm7;
	v22 =	vbroadcast v27, $0x0  }
0x18c: {  	s26 =	sadd.s32 $0xFFFFFFFB, s18;
	v28 =	vshll.u32 v18, $0x3;
	v31 =	vshrl.u32 v29, $0x3;
	v18 =	vand.u32 $0x7F, v18  }
0x18d: {  	v35 =	vmov s26;
	v19 =	vadd.s32 v2, v6;
	v6 =	vbroadcast v5, $0xB  }
0x18e: {  	s28 =	spop (v2sf);
	vm5 =	vmand vm0, vm2;
	vm7 =	vmand vm6, vm7;
	vm0 =	vmmov vm15  }
0x18f: {  	p0 =	sne.s32 s28, $0x0;
	s28 =	sadd.s32 $0xFFFFFFFC, s18;
	vm6 =	vmmov vm15;
	v30 =	vand.u32 $0xFFFFFC00, v28;
	v32 =	vshll.u32 v31, v4  }
0x190: {  	v36 =	vshrl.u32 v35, $0x3;
	v37 =	vmov s28;
	vm4 =	vlt.u32 v19, $0x200  }
0x191: {  	vm0 =	vmneg @p0 vm0;
	v17 =	vadd.s32 v22, v30;
	v33 =	vbroadcast v32, $0x0  }
0x192: {  	s29 =	spop (v2sf);
	v34 =	vshll.u32 v19, $0x3;
	v19 =	vand.u32 $0x7F, v19;
	v38 =	vshll.u32 v36, v4  }
0x193: {  	p0 =	sne.s32 s29, $0x0;
	v39 =	vshrl.u32 v37, $0x3;
	vm4 =	vmand vm4, vm3;
	v21 =	vadd.s32 v2, v6  }
0x194: {  	s29 =	sadd.s32 $0xFFFFFFFD, s18;
	v6 =	vbroadcast v5, $0xD;
	vm6 =	vmneg @p0 vm6;
	v17 =	vor.u32 v18, v17  }
0x195: {  	[tilespmem:$0x1FF60] =	vst v9;
	v22 =	vand.u32 $0xFFFFFC00, v34;
	v44 =	vmov s29;
	v9 =	vsel vm4, $0xFFFFFFFF, v52  }
0x196: {  	s30 =	spop (v2sf);
	vm2 =	vlt.u32 v21, $0x200;
	vm4 =	vlt.u32 v53, $0x200;
	v18 =	vadd.s32 v33, v22  }
0x197: {  	p0 =	sne.s32 s30, $0x0;
	s30 =	sadd.s32 $0xFFFFFFFE, s18;
	v22 =	vshll.u32 v39, v4;
	v41 =	vshll.u32 v21, $0x3;
	v21 =	vand.u32 $0x7F, v21  }
0x198: {  	v47 =	vmov s30;
	v8 =	vadd.s32 v2, v6;
	v6 =	vbroadcast v5, $0xE  }
0x199: {  	vm3 =	vmand vm2, vm0;
	vm6 =	vmand vm4, vm6;
	vm2 =	vmmov vm15  }
0x19a: {  	vm4 =	vmmov vm15;
	v5 =	vbroadcast v5, $0xF;
	v18 =	vor.u32 v19, v18  }
0x19b: {  	v19 =	vbroadcast v38, $0x0;
	v22 =	vbroadcast v22, $0x0;
	v42 =	vand.u32 $0xFFFFFC00, v41  }
0x19c: {  	[tilespmem:$0x1FF70] =	vst v9;
	v9 =	vand.u32 $0x7F, v53;
	vm0 =	vlt.u32 v8, $0x200;
	vm2 =	vmneg @p0 vm2  }
0x19d: {  	s31 =	spop (v2sf);
	v50 =	vshll.u32 v8, $0x3;
	v8 =	vand.u32 $0x7F, v8;
	v58 =	vor.u32 $0x80, v18  }
0x19e: {  	p0 =	sne.s32 s31, $0x0;
	vm3 =	vmand vm3, vm12;
	v6 =	vadd.s32 v2, v6;
	vm13 =	vmand vm0, vm2  }
0x19f: {  	s31 =	sadd.s32 $0xFFFFFFFF, s18;
	vm4 =	vmneg @p0 vm4;
	v5 =	vadd.s32 v2, v5;
	v19 =	vadd.s32 v19, v23  }
0x1a0: {  	v43 =	vadd.s32 v22, v42;
	v22 =	vshrl.u32 v44, $0x3;
	v52 =	vmov s31  }
0x1a1: {  	vm0 =	vlt.u32 v6, $0x200;
	s23 =	spop (v2sf);
	v19 =	vor.u32 v20, v19;
	v22 =	vshll.u32 v22, v4  }
0x1a2: {  	v48 =	vld [tilespmem:$0x1FF40];
	v20 =	vor.u32 v21, v43;
	vm14 =	vmand vm0, vm4;
	p0 =	sne.s32 s23, $0x0;
	vm0 =	vmmov vm15  }
0x1a3: {  	v51 =	vld [tilespmem:$0x1FF50];
	v55 =	vshll.u32 v6, $0x3;
	vm4 =	vlt.u32 v5, $0x200;
	vm0 =	vmneg @p0 vm0  }
0x1a4: {  	v6 =	vand.u32 $0x7F, v6;
	vm15 =	vmand vm4, vm0;
	vm0 =	vmand vm9, vm12  }
0x1a5: {  	v53 =	vld [tilespmem:$0x1FF60];
	v62 =	vshll.u32 v5, $0x3;
	v45 =	vbroadcast v22, $0x0;
	v22 =	vand.u32 $0xFFFFFC00, v46  }
0x1a6: {  	v57 =	vand.u32 $0xFFFFFC00, v55;
	v60 =	vor.u32 $0x100, v19;
	vm9 =	vmand vm10, vm12  }
0x1a7: {  	v56 =	vld [tilespmem:$0x1FF70];
	v63 =	vor.u32 $0x180, v20;
	vm10 =	vmand vm11, vm12;
	vm11 =	vnez.u8 v48  }
0x1a8: {  	v5 =	vand.u32 $0x7F, v5;
	vm4 =	vnez.u8 v51;
	vm11 =	vmand vm11, vm12  }
0x1a9: {  	v21 =	vadd.s32 v45, v22;
	v22 =	vshrl.u32 v47, $0x3;
	vm2 =	vmand vm4, vm12  }
0x1aa: {  	v22 =	vshll.u32 v22, v4;
	v9 =	vor.u32 v9, v21;
	vm4 =	vnez.u8 v53;
	[tilespmem:v7+s14+$0x0] =	vst.idx.msk vm0, v3  }
0x1ab: {  	v49 =	vbroadcast v22, $0x0;
	v22 =	vand.u32 $0xFFFFFC00, v50;
	vm4 =	vmand vm4, vm12;
	[tilespmem:v10+s14+$0x0] =	vst.idx.msk vm1, v3  }
0x1ac: {  	v9 =	vor.u32 $0x200, v9;
	vm0 =	vmand vm5, vm12;
	vm5 =	vnez.u8 v56;
	[tilespmem:v11+s14+$0x0] =	vst.idx.msk vm9, v3  }
0x1ad: {  	v21 =	vadd.s32 v49, v22;
	v22 =	vshrl.u32 v52, $0x3;
	vm1 =	vmand vm5, vm12;
	[tilespmem:v13+s14+$0x0] =	vst.idx.msk vm10, v3  }
0x1ae: {  	v22 =	vshll.u32 v22, v4;
	vm5 =	vmand vm7, vm12;
	v10 =	vshrl.u32 v59, $0x3;
	[tilespmem:v14+s14+$0x0] =	vst.idx.msk vm11, v3  }
0x1af: {  	v7 =	vor.u32 v8, v21;
	v54 =	vbroadcast v22, $0x0;
	v10 =	vshll.u32 v10, v4;
	[tilespmem:v15+s14+$0x0] =	vst.idx.msk vm2, v3  }
0x1b0: {  	v7 =	vor.u32 $0x280, v7;
	v61 =	vbroadcast v10, $0x0;
	[tilespmem:v16+s14+$0x0] =	vst.idx.msk vm8, v3;
	vm8 =	vmand vm6, vm12  }
0x1b1: {  	v8 =	vadd.s32 v54, v57;
	vm9 =	vmand vm13, vm12;
	v10 =	vand.u32 $0xFFFFFC00, v62;
	[tilespmem:v12+s14+$0x0] =	vst.idx.msk vm4, v3  }
0x1b2: {  	v6 =	vor.u32 v6, v8;
	vm10 =	vmand vm14, vm12;
	v8 =	vadd.s32 v61, v10;
	[tilespmem:v17+s14+$0x0] =	vst.idx.msk vm0, v3  }
0x1b3: {  	v6 =	vor.u32 $0x300, v6;
	vm11 =	vmand vm15, vm12;
	v5 =	vor.u32 v5, v8;
	[tilespmem:v58+s14+$0x0] =	vst.idx.msk vm1, v3  }
0x1b4: {  	p0 =	sne.s32 s18, $0x6F;
	v5 =	vor.u32 $0x380, v5;
	[tilespmem:v60+s14+$0x0] =	vst.idx.msk vm5, v3  }
.Ltmp3:
0x1b5: {  	[tilespmem:v63+s14+$0x0] =	vst.idx.msk vm3, v3;
	(pc) =	sbr.rel @p0 .LBB2_8-.Ltmp3, $4  }
0x1b6: {  	[tilespmem:v9+s14+$0x0] =	vst.idx.msk vm8, v3  }
0x1b7: {  	[tilespmem:v7+s14+$0x0] =	vst.idx.msk vm9, v3  }
0x1b8: {  	[tilespmem:v6+s14+$0x0] =	vst.idx.msk vm10, v3  }
0x1b9: {  	s19 =	sadd.s32 $0x10, s19;
	s20 =	sadd.s32 $0x10, s20;
	s18 =	sadd.s32 $0x10, s18;
	vm15 =	vmxor vm15, vm15;
	[tilespmem:v5+s14+$0x0] =	vst.idx.msk vm11, v3  }
0x1ba: {  	s18 =	simm.s32 $0x0  }
0x1bb: {  	[hbm4b:s6+s18] =	stream.linear.scatter [tilespmem:s14], [sflag:$0x4], $0xE000, $0x38;
	[tilespmem:$0x1C400] =	vst v63  }
0x1bc: {  	_ =	swait.ge [sflag:s15], $0xE000  }
0x1bd: {  	s19 =	sand.u32 $0xF000, s18;
	s18 =	sand.u32 $0x380, s18;
	[sflag:s15] =	ssyncset.done $0x0  }
0x1be: {  	s18 =	sor.u32 s18, s19;
	[sflag:s15] =	ssyncadd.s32 $0xFFFF2000  }
0x1bf: {  	[tilespmem:s18+$0x1070] =	vst v0  }
0x1c0: {  	[tilespmem:s18+$0x400] =	vst v0  }
0x1c1: {  	[tilespmem:s18+$0x410] =	vst v0  }
0x1c2: {  	[tilespmem:s18+$0x420] =	vst v0  }
0x1c3: {  	[tilespmem:s18+$0x430] =	vst v0  }
0x1c4: {  	[tilespmem:s18+$0x440] =	vst v0  }
0x1c5: {  	[tilespmem:s18+$0x450] =	vst v0  }
0x1c6: {  	[tilespmem:s18+$0x460] =	vst v0  }
0x1c7: {  	[tilespmem:s18+$0x470] =	vst v0  }
0x1c8: {  	[tilespmem:s18+$0x800] =	vst v0  }
0x1c9: {  	[tilespmem:s18+$0x810] =	vst v0  }
0x1ca: {  	[tilespmem:s18+$0x820] =	vst v0  }
0x1cb: {  	[tilespmem:s18+$0x830] =	vst v0  }
0x1cc: {  	[tilespmem:s18+$0x840] =	vst v0  }
0x1cd: {  	[tilespmem:s18+$0x850] =	vst v0  }
0x1ce: {  	[tilespmem:s18+$0x860] =	vst v0  }
0x1cf: {  	[tilespmem:s18+$0x870] =	vst v0  }
0x1d0: {  	[tilespmem:s18+$0xC00] =	vst v0  }
0x1d1: {  	[tilespmem:s18+$0xC10] =	vst v0  }
0x1d2: {  	[tilespmem:s18+$0xC20] =	vst v0  }
0x1d3: {  	[tilespmem:s18+$0xC30] =	vst v0  }
0x1d4: {  	[tilespmem:s18+$0xC40] =	vst v0  }
0x1d5: {  	[tilespmem:s18+$0xC50] =	vst v0  }
0x1d6: {  	[tilespmem:s18+$0xC60] =	vst v0  }
0x1d7: {  	[tilespmem:s18+$0xC70] =	vst v0  }
0x1d8: {  	[tilespmem:s18+$0x1000] =	vst v0  }
0x1d9: {  	[tilespmem:s18+$0x1010] =	vst v0  }
0x1da: {  	[tilespmem:s18+$0x1020] =	vst v0  }
0x1db: {  	[tilespmem:s18+$0x1030] =	vst v0  }
0x1dc: {  	s20 =	simm.s32 $0x200;
	s19 =	simm.s32 $0x80;
	[tilespmem:s18+$0x1040] =	vst v0  }
0x1dd: {  	s21 =	sand.u32 $0xF000, s20;
	s20 =	simm.s32 $0x400;
	s22 =	sand.u32 $0x380, s19;
	[tilespmem:s18+$0x1050] =	vst v0  }
.LBB2_10:
0x1de: {  	p0 =	sne.s32 s20, $0xDE00;
	[tilespmem:s18+$0x1060] =	vst v0;
	s18 =	sor.u32 s22, s21  }
0x1df: {  	[tilespmem:s18+$0x1070] =	vst v0  }
0x1e0: {  	[tilespmem:s18+$0x400] =	vst v0  }
0x1e1: {  	[tilespmem:s18+$0x410] =	vst v0  }
0x1e2: {  	[tilespmem:s18+$0x420] =	vst v0  }
0x1e3: {  	[tilespmem:s18+$0x430] =	vst v0  }
0x1e4: {  	[tilespmem:s18+$0x440] =	vst v0  }
0x1e5: {  	[tilespmem:s18+$0x450] =	vst v0  }
0x1e6: {  	[tilespmem:s18+$0x460] =	vst v0  }
0x1e7: {  	[tilespmem:s18+$0x470] =	vst v0  }
0x1e8: {  	[tilespmem:s18+$0x800] =	vst v0  }
0x1e9: {  	[tilespmem:s18+$0x810] =	vst v0  }
0x1ea: {  	[tilespmem:s18+$0x820] =	vst v0  }
0x1eb: {  	[tilespmem:s18+$0x830] =	vst v0  }
0x1ec: {  	[tilespmem:s18+$0x840] =	vst v0  }
0x1ed: {  	[tilespmem:s18+$0x850] =	vst v0  }
0x1ee: {  	[tilespmem:s18+$0x860] =	vst v0  }
0x1ef: {  	[tilespmem:s18+$0x870] =	vst v0  }
0x1f0: {  	[tilespmem:s18+$0xC00] =	vst v0  }
0x1f1: {  	[tilespmem:s18+$0xC10] =	vst v0  }
0x1f2: {  	[tilespmem:s18+$0xC20] =	vst v0  }
0x1f3: {  	[tilespmem:s18+$0xC30] =	vst v0  }
0x1f4: {  	[tilespmem:s18+$0xC40] =	vst v0  }
0x1f5: {  	[tilespmem:s18+$0xC50] =	vst v0  }
0x1f6: {  	[tilespmem:s18+$0xC60] =	vst v0  }
0x1f7: {  	[tilespmem:s18+$0xC70] =	vst v0  }
0x1f8: {  	[tilespmem:s18+$0x1000] =	vst v0  }
.Ltmp4:
0x1f9: {  	[tilespmem:s18+$0x1010] =	vst v0;
	(pc) =	sbr.rel @p0 .LBB2_10-.Ltmp4, $4  }
0x1fa: {  	[tilespmem:s18+$0x1020] =	vst v0  }
0x1fb: {  	[tilespmem:s18+$0x1030] =	vst v0  }
0x1fc: {  	s19 =	sadd.s32 $0x80, s19;
	[tilespmem:s18+$0x1040] =	vst v0  }
0x1fd: {  	s21 =	sand.u32 $0xF000, s20;
	s20 =	sadd.s32 $0x200, s20;
	s22 =	sand.u32 $0x380, s19;
	[tilespmem:s18+$0x1050] =	vst v0  }
0x1fe: {  	s19 =	sor.u32 s22, s21;
	[tilespmem:s18+$0x1060] =	vst v0  }
0x1ff: {  	[tilespmem:s19+$0x1070] =	vst v0  }
0x200: {  	[tilespmem:s19+$0x400] =	vst v0  }
0x201: {  	[tilespmem:s19+$0x410] =	vst v0  }
0x202: {  	[tilespmem:s19+$0x420] =	vst v0  }
0x203: {  	[tilespmem:s19+$0x430] =	vst v0  }
0x204: {  	[tilespmem:s19+$0x440] =	vst v0  }
0x205: {  	[tilespmem:s19+$0x450] =	vst v0  }
0x206: {  	[tilespmem:s19+$0x460] =	vst v0  }
0x207: {  	[tilespmem:s19+$0x470] =	vst v0  }
0x208: {  	[tilespmem:s19+$0x800] =	vst v0  }
0x209: {  	[tilespmem:s19+$0x810] =	vst v0  }
0x20a: {  	[tilespmem:s19+$0x820] =	vst v0  }
0x20b: {  	[tilespmem:s19+$0x830] =	vst v0  }
0x20c: {  	[tilespmem:s19+$0x840] =	vst v0  }
0x20d: {  	[tilespmem:s19+$0x850] =	vst v0  }
0x20e: {  	[tilespmem:s19+$0x860] =	vst v0  }
0x20f: {  	[tilespmem:s19+$0x870] =	vst v0  }
0x210: {  	[tilespmem:s19+$0xC00] =	vst v0  }
0x211: {  	[tilespmem:s19+$0xC10] =	vst v0  }
0x212: {  	[tilespmem:s19+$0xC20] =	vst v0  }
0x213: {  	[tilespmem:s19+$0xC30] =	vst v0  }
0x214: {  	[tilespmem:s19+$0xC40] =	vst v0  }
0x215: {  	[tilespmem:s19+$0xC50] =	vst v0  }
0x216: {  	[tilespmem:s19+$0xC60] =	vst v0  }
0x217: {  	[tilespmem:s19+$0xC70] =	vst v0  }
0x218: {  	[tilespmem:s19+$0x1000] =	vst v0  }
0x219: {  	v5 =	vld [tilespmem:$0x1FFF0];
	[tilespmem:s19+$0x1010] =	vst v0  }
0x21a: {  	[tilespmem:s19+$0x1020] =	vst v0  }
0x21b: {  	[tilespmem:s19+$0x1030] =	vst v0  }
0x21c: {  	[tilespmem:s19+$0x1040] =	vst v0  }
0x21d: {  	[tilespmem:s19+$0x1050] =	vst v0  }
0x21e: {  	s18 =	simm.s32 $0xF;
	s20 =	simm.s32 $0x2E0;
	[tilespmem:s19+$0x1060] =	vst v0;
	s19 =	simm.s32 $0xE0;
	vm9 =	vnez.u8 v5  }
.LBB2_12:
0x21f: {  	v5 =	vld [tilespmem:s19+$0x0];
	_ =	sdelay $0x1  }
0x220: {  	v6 =	vld [tilespmem:s20+$0x0];
	_ =	sdelay $0x2  }
0x221: {  	v5 =	vtrunc.f32 v5  }
0x222: {  	vm4 =	vmmov vm15;
	v7 =	vcvt.f32.s32 v5  }
0x223: {  	v50 =	vimm.s32 $0x0;
	v52 =	vimm.s32 $0x0;
	v5 =	vtrunc.f32 v6  }
0x224: {  	s26 =	sadd.s32 $0xFFFFFFF1, s18;
	v6 =	vcvt.f32.s32 v5;
	v5 =	vadd.s32 $0xFFFFFFFA, v7;
	v7 =	vadd.s32 $0x7, v7  }
0x225: {  	v43 =	vmov s26;
	vm2 =	vlt.u32 v7, $0x201;
	v7 =	vbroadcast v5, $0x0  }
0x226: {  	vm0 =	vlt.u32 v5, $0x201;
	v9 =	vbroadcast v5, $0x1;
	v11 =	vbroadcast v5, $0x2  }
0x227: {  	v8 =	vadd.s32 $0xFFFFFFFA, v6;
	v44 =	vbroadcast v5, $0x3;
	v45 =	vbroadcast v5, $0x4  }
0x228: {  	v6 =	vadd.s32 $0x7, v6;
	v46 =	vbroadcast v5, $0x5;
	v47 =	vbroadcast v5, $0x6  }
0x229: {  	v48 =	vbroadcast v5, $0x7;
	vm1 =	vlt.u32 v8, $0x201;
	vm3 =	vlt.u32 v6, $0x201  }
0x22a: {  	v49 =	vbroadcast v5, $0xA;
	vm0 =	vmand vm0, vm1;
	vm5 =	vmand vm2, vm3  }
0x22b: {  	v51 =	vbroadcast v5, $0xC;
	v8 =	vshrl.u32 v43, $0x3;
	vm0 =	vmor vm0, vm5  }
0x22c: {  	v7 =	vadd.s32 v2, v7;
	v12 =	vshll.u32 v8, v4;
	v6 =	vsel vm0, $0x1, v1  }
0x22d: {  	v10 =	vadd.s32 v2, v9;
	v11 =	vadd.s32 v2, v11;
	(v2sf) =	vpush v6, $0x0  }
0x22e: {  	vm2 =	vmmov vm15;
	v13 =	vadd.s32 v2, v44;
	v14 =	vadd.s32 v2, v45  }
0x22f: {  	v15 =	vadd.s32 v2, v46;
	v16 =	vadd.s32 v2, v47;
	v17 =	vadd.s32 v2, v48  }
0x230: {  	v20 =	vadd.s32 v2, v49;
	v53 =	vadd.s32 v2, v51;
	(v2sf) =	vpush v6, $0x1  }
0x231: {  	vm6 =	vlt.u32 v7, $0x200;
	vm7 =	vlt.u32 v10, $0x200;
	(v2sf) =	vpush v6, $0x2  }
0x232: {  	vm3 =	vlt.u32 v15, $0x200;
	v12 =	vbroadcast v12, $0x0;
	v22 =	vshll.u32 v7, $0x3  }
0x233: {  	v23 =	vshll.u32 v10, $0x3;
	v7 =	vand.u32 $0x7F, v7;
	(v2sf) =	vpush v6, $0x3  }
0x234: {  	v10 =	vand.u32 $0x7F, v10;
	v24 =	vshll.u32 v11, $0x3;
	v55 =	vshll.u32 v13, $0x3  }
0x235: {  	v57 =	vshll.u32 v14, $0x3;
	v58 =	vshll.u32 v15, $0x3;
	v15 =	vand.u32 $0x7F, v15  }
0x236: {  	v60 =	vshll.u32 v16, $0x3;
	v62 =	vshll.u32 v17, $0x3;
	v40 =	vshll.u32 v20, $0x3  }
0x237: {  	v46 =	vshll.u32 v53, $0x3;
	vm0 =	vmmov vm15;
	(v2sf) =	vpush v6, $0x4  }
0x238: {  	v22 =	vand.u32 $0xFFFFFC00, v22;
	v23 =	vand.u32 $0xFFFFFC00, v23;
	v54 =	vand.u32 $0xFFFFFC00, v24  }
0x239: {  	v56 =	vand.u32 $0xFFFFFC00, v55;
	v59 =	vand.u32 $0xFFFFFC00, v58;
	(v2sf) =	vpush v6, $0x5  }
0x23a: {  	v61 =	vand.u32 $0xFFFFFC00, v60;
	v25 =	vand.u32 $0xFFFFFC00, v62;
	v22 =	vadd.s32 v12, v22  }
0x23b: {  	v58 =	vmov s18;
	v23 =	vadd.s32 v12, v23;
	v7 =	vor.u32 v7, v22  }
0x23c: {  	v10 =	vor.u32 v10, v23;
	v23 =	vand.u32 $0xFFFFFC00, v57;
	s21 =	spop (v2sf);
	(v2sf) =	vpush v6, $0x6  }
0x23d: {  	v22 =	vadd.s32 v12, v54;
	v23 =	vadd.s32 v12, v23;
	p0 =	sne.s32 s21, $0x0;
	(v2sf) =	vpush v6, $0x7  }
0x23e: {  	v10 =	vor.u32 $0x80, v10;
	vm0 =	vmneg @p0 vm0;
	(v2sf) =	vpush v6, $0x8  }
0x23f: {  	s28 =	spop (v2sf);
	vm12 =	vmand vm6, vm0;
	(v2sf) =	vpush v6, $0x9;
	vm0 =	vmmov vm15  }
0x240: {  	p0 =	sne.s32 s28, $0x0;
	s29 =	spop (v2sf);
	vm6 =	vlt.u32 v11, $0x200;
	v11 =	vand.u32 $0x7F, v11;
	(v2sf) =	vpush v6, $0xA  }
0x241: {  	vm0 =	vmneg @p0 vm0;
	p0 =	sne.s32 s29, $0x0;
	v11 =	vor.u32 v11, v22;
	v22 =	vadd.s32 v12, v56  }
0x242: {  	s30 =	spop (v2sf);
	vm2 =	vmneg @p0 vm2;
	vm1 =	vmand vm7, vm0;
	(v2sf) =	vpush v6, $0xB  }
0x243: {  	vm0 =	vmmov vm15;
	vm7 =	vlt.u32 v13, $0x200;
	v13 =	vand.u32 $0x7F, v13  }
0x244: {  	p0 =	sne.s32 s30, $0x0;
	v11 =	vor.u32 $0x100, v11;
	vm13 =	vmand vm6, vm2;
	(v2sf) =	vpush v6, $0xC  }
0x245: {  	vm0 =	vmneg @p0 vm0;
	vm2 =	vmmov vm15;
	vm6 =	vmmov vm15  }
0x246: {  	s31 =	spop (v2sf);
	v13 =	vor.u32 v13, v22;
	v22 =	vadd.s32 v12, v59;
	vm1 =	vmand vm1, vm9  }
0x247: {  	p0 =	sne.s32 s31, $0x0;
	vm14 =	vmand vm7, vm0;
	(v2sf) =	vpush v6, $0xD;
	vm0 =	vlt.u32 v14, $0x200  }
0x248: {  	s22 =	spop (v2sf);
	vm2 =	vmneg @p0 vm2;
	v14 =	vand.u32 $0x7F, v14;
	v15 =	vor.u32 v15, v22  }
0x249: {  	p0 =	sne.s32 s22, $0x0;
	v22 =	vadd.s32 v12, v61;
	v12 =	vadd.s32 v12, v25;
	v13 =	vor.u32 $0x180, v13  }
0x24a: {  	(v2sf) =	vpush v6, $0xE;
	vm4 =	vmneg @p0 vm4;
	vm0 =	vmand vm0, vm2  }
0x24b: {  	vm2 =	vmmov vm15;
	v14 =	vor.u32 v14, v23;
	v23 =	vand.u32 $0xFFFFFC00, v40  }
0x24c: {  	v15 =	vor.u32 $0x280, v15;
	vm4 =	vmand vm3, vm4;
	vm3 =	vlt.u32 v16, $0x200  }
0x24d: {  	v16 =	vand.u32 $0x7F, v16;
	s23 =	spop (v2sf);
	(v2sf) =	vpush v6, $0xF;
	v6 =	vimm.s32 $0x0  }
0x24e: {  	v14 =	vor.u32 $0x200, v14;
	v16 =	vor.u32 v16, v22;
	v6 =	vsel vm0, $0xFFFFFFFF, v6  }
0x24f: {  	v16 =	vor.u32 $0x300, v16;
	s22 =	spop (v2sf);
	p0 =	sne.s32 s23, $0x0;
	vm0 =	vmmov vm15;
	[tilespmem:$0x1FF00] =	vst v6;
	v6 =	vimm.s32 $0x0  }
0x250: {  	vm0 =	vmneg @p0 vm0;
	p0 =	sne.s32 s22, $0x0;
	v6 =	vsel vm4, $0xFFFFFFFF, v6;
	vm4 =	vlt.u32 v17, $0x200  }
0x251: {  	s24 =	spop (v2sf);
	vm2 =	vmneg @p0 vm2;
	vm8 =	vmand vm3, vm0;
	vm3 =	vmmov vm15  }
0x252: {  	p0 =	sne.s32 s24, $0x0;
	s24 =	sadd.s32 $0xFFFFFFF9, s18;
	v17 =	vand.u32 $0x7F, v17;
	[tilespmem:$0x1FF10] =	vst v6;
	v6 =	vbroadcast v5, $0x8;
	vm5 =	vmand vm4, vm2  }
0x253: {  	vm2 =	vmmov vm15;
	v63 =	vmov s24;
	v12 =	vor.u32 v17, v12  }
0x254: {  	s25 =	spop (v2sf);
	v9 =	vsel vm5, $0xFFFFFFFF, v50;
	vm2 =	vmneg @p0 vm2;
	vm5 =	vlt.u32 v20, $0x200  }
0x255: {  	p0 =	sne.s32 s25, $0x0;
	v26 =	vshrl.u32 v63, $0x3;
	v20 =	vand.u32 $0x7F, v20;
	v12 =	vor.u32 $0x380, v12  }
0x256: {  	s26 =	spop (v2sf);
	s25 =	sadd.s32 $0xFFFFFFFA, s18;
	v18 =	vadd.s32 v2, v6;
	v6 =	vbroadcast v5, $0x9;
	vm3 =	vmneg @p0 vm3  }
0x257: {  	p0 =	sne.s32 s26, $0x0;
	v27 =	vshll.u32 v26, v4;
	v29 =	vmov s25;
	vm0 =	vlt.u32 v18, $0x200  }
0x258: {  	s26 =	sadd.s32 $0xFFFFFFFB, s18;
	vm6 =	vmneg @p0 vm6;
	v22 =	vbroadcast v27, $0x0;
	v28 =	vshll.u32 v18, $0x3  }
0x259: {  	v31 =	vshrl.u32 v29, $0x3;
	v18 =	vand.u32 $0x7F, v18;
	v35 =	vmov s26  }
0x25a: {  	v19 =	vadd.s32 v2, v6;
	v6 =	vbroadcast v5, $0xB;
	vm11 =	vmand vm0, vm2  }
0x25b: {  	s28 =	spop (v2sf);
	vm6 =	vmand vm5, vm6;
	vm0 =	vmmov vm15;
	vm5 =	vmmov vm15  }
0x25c: {  	p0 =	sne.s32 s28, $0x0;
	s28 =	sadd.s32 $0xFFFFFFFC, s18;
	v30 =	vand.u32 $0xFFFFFC00, v28;
	v32 =	vshll.u32 v31, v4;
	v36 =	vshrl.u32 v35, $0x3  }
0x25d: {  	[tilespmem:$0x1FF20] =	vst v9;
	v37 =	vmov s28;
	vm4 =	vlt.u32 v19, $0x200;
	v9 =	vsel vm6, $0xFFFFFFFF, v52  }
0x25e: {  	vm0 =	vmneg @p0 vm0;
	v17 =	vadd.s32 v22, v30;
	v33 =	vbroadcast v32, $0x0  }
0x25f: {  	s29 =	spop (v2sf);
	v34 =	vshll.u32 v19, $0x3;
	v19 =	vand.u32 $0x7F, v19;
	v38 =	vshll.u32 v36, v4  }
0x260: {  	p0 =	sne.s32 s29, $0x0;
	v39 =	vshrl.u32 v37, $0x3;
	vm7 =	vmand vm4, vm3;
	v21 =	vadd.s32 v2, v6  }
0x261: {  	s29 =	sadd.s32 $0xFFFFFFFD, s18;
	v6 =	vbroadcast v5, $0xD;
	vm4 =	vlt.u32 v53, $0x200;
	vm5 =	vmneg @p0 vm5  }
0x262: {  	v17 =	vor.u32 v18, v17;
	v22 =	vand.u32 $0xFFFFFC00, v34;
	v44 =	vmov s29  }
0x263: {  	s30 =	spop (v2sf);
	[tilespmem:$0x1FF30] =	vst v9;
	v9 =	vand.u32 $0x7F, v53;
	vm2 =	vlt.u32 v21, $0x200;
	vm10 =	vmand vm4, vm5  }
0x264: {  	p0 =	sne.s32 s30, $0x0;
	s30 =	sadd.s32 $0xFFFFFFFE, s18;
	vm4 =	vmmov vm15;
	v18 =	vadd.s32 v33, v22;
	v22 =	vshll.u32 v39, v4  }
0x265: {  	v41 =	vshll.u32 v21, $0x3;
	v21 =	vand.u32 $0x7F, v21;
	v47 =	vmov s30  }
0x266: {  	v8 =	vadd.s32 v2, v6;
	v6 =	vbroadcast v5, $0xE;
	vm3 =	vmand vm2, vm0  }
0x267: {  	vm2 =	vmmov vm15;
	v5 =	vbroadcast v5, $0xF;
	v18 =	vor.u32 v19, v18  }
0x268: {  	v19 =	vbroadcast v38, $0x0;
	v22 =	vbroadcast v22, $0x0;
	v42 =	vand.u32 $0xFFFFFC00, v41  }
0x269: {  	s31 =	spop (v2sf);
	vm0 =	vlt.u32 v8, $0x200;
	vm2 =	vmneg @p0 vm2;
	v50 =	vshll.u32 v8, $0x3  }
0x26a: {  	p0 =	sne.s32 s31, $0x0;
	v8 =	vand.u32 $0x7F, v8;
	v57 =	vor.u32 $0x80, v18;
	vm3 =	vmand vm3, vm9  }
0x26b: {  	v6 =	vadd.s32 v2, v6;
	vm6 =	vmand vm0, vm2;
	vm4 =	vmneg @p0 vm4  }
0x26c: {  	s31 =	sadd.s32 $0xFFFFFFFF, s18;
	v5 =	vadd.s32 v2, v5;
	v19 =	vadd.s32 v19, v23;
	v43 =	vadd.s32 v22, v42  }
0x26d: {  	v22 =	vshrl.u32 v44, $0x3;
	v52 =	vmov s31;
	vm0 =	vlt.u32 v6, $0x200  }
0x26e: {  	s23 =	spop (v2sf);
	v19 =	vor.u32 v20, v19;
	v22 =	vshll.u32 v22, v4;
	v20 =	vor.u32 v21, v43  }
0x26f: {  	v48 =	vld [tilespmem:$0x1FF00];
	v55 =	vshll.u32 v6, $0x3;
	vm5 =	vmand vm0, vm4;
	p0 =	sne.s32 s23, $0x0;
	vm0 =	vmmov vm15  }
0x270: {  	v51 =	vld [tilespmem:$0x1FF10];
	v6 =	vand.u32 $0x7F, v6;
	vm4 =	vlt.u32 v5, $0x200;
	vm0 =	vmneg @p0 vm0  }
0x271: {  	v62 =	vshll.u32 v5, $0x3;
	vm15 =	vmand vm4, vm0;
	vm0 =	vmand vm12, vm9  }
0x272: {  	v53 =	vld [tilespmem:$0x1FF20];
	v45 =	vbroadcast v22, $0x0;
	v22 =	vand.u32 $0xFFFFFC00, v46;
	v56 =	vand.u32 $0xFFFFFC00, v55  }
0x273: {  	v60 =	vor.u32 $0x100, v19;
	v63 =	vor.u32 $0x180, v20;
	vm12 =	vmand vm13, vm9  }
0x274: {  	vm13 =	vmand vm14, vm9;
	v21 =	vadd.s32 v45, v22;
	vm4 =	vnez.u8 v48  }
0x275: {  	v59 =	vld [tilespmem:$0x1FF30];
	v22 =	vshrl.u32 v47, $0x3;
	vm14 =	vmand vm4, vm9;
	vm4 =	vnez.u8 v51  }
0x276: {  	v5 =	vand.u32 $0x7F, v5;
	v22 =	vshll.u32 v22, v4;
	vm2 =	vmand vm4, vm9  }
0x277: {  	v49 =	vbroadcast v22, $0x0;
	vm4 =	vmand vm8, vm9;
	vm8 =	vnez.u8 v53;
	[tilespmem:v7+s13+$0x0] =	vst.idx.msk vm0, v3  }
0x278: {  	vm5 =	vmand vm5, vm9;
	v22 =	vand.u32 $0xFFFFFC00, v50;
	vm8 =	vmand vm8, vm9;
	[tilespmem:v10+s13+$0x0] =	vst.idx.msk vm1, v3  }
0x279: {  	v9 =	vor.u32 v9, v21;
	v21 =	vadd.s32 v49, v22;
	vm0 =	vmand vm11, vm9;
	[tilespmem:v11+s13+$0x0] =	vst.idx.msk vm12, v3  }
0x27a: {  	v22 =	vshrl.u32 v52, $0x3;
	vm1 =	vmand vm7, vm9;
	vm7 =	vnez.u8 v59;
	[tilespmem:v13+s13+$0x0] =	vst.idx.msk vm13, v3  }
0x27b: {  	v22 =	vshll.u32 v22, v4;
	v10 =	vshrl.u32 v58, $0x3;
	vm7 =	vmand vm7, vm9;
	[tilespmem:v14+s13+$0x0] =	vst.idx.msk vm14, v3  }
0x27c: {  	v9 =	vor.u32 $0x200, v9;
	v54 =	vbroadcast v22, $0x0;
	v10 =	vshll.u32 v10, v4;
	[tilespmem:v15+s13+$0x0] =	vst.idx.msk vm2, v3  }
0x27d: {  	v7 =	vor.u32 v8, v21;
	v61 =	vbroadcast v10, $0x0;
	vm2 =	vmand vm10, vm9;
	[tilespmem:v16+s13+$0x0] =	vst.idx.msk vm4, v3  }
0x27e: {  	v8 =	vadd.s32 v54, v56;
	v10 =	vand.u32 $0xFFFFFC00, v62;
	vm4 =	vmand vm6, vm9;
	[tilespmem:v12+s13+$0x0] =	vst.idx.msk vm8, v3  }
0x27f: {  	v7 =	vor.u32 $0x280, v7;
	v6 =	vor.u32 v6, v8;
	v8 =	vadd.s32 v61, v10;
	[tilespmem:v17+s13+$0x0] =	vst.idx.msk vm0, v3  }
0x280: {  	v6 =	vor.u32 $0x300, v6;
	v5 =	vor.u32 v5, v8;
	vm6 =	vmand vm15, vm9;
	[tilespmem:v57+s13+$0x0] =	vst.idx.msk vm1, v3  }
0x281: {  	p0 =	sne.s32 s18, $0x6F;
	v5 =	vor.u32 $0x380, v5;
	[tilespmem:v60+s13+$0x0] =	vst.idx.msk vm7, v3  }
.Ltmp5:
0x282: {  	[tilespmem:v63+s13+$0x0] =	vst.idx.msk vm3, v3;
	(pc) =	sbr.rel @p0 .LBB2_12-.Ltmp5, $4  }
0x283: {  	[tilespmem:v9+s13+$0x0] =	vst.idx.msk vm2, v3  }
0x284: {  	[tilespmem:v7+s13+$0x0] =	vst.idx.msk vm4, v3  }
0x285: {  	[tilespmem:v6+s13+$0x0] =	vst.idx.msk vm5, v3  }
0x286: {  	s19 =	sadd.s32 $0x10, s19;
	s20 =	sadd.s32 $0x10, s20;
	s18 =	sadd.s32 $0x10, s18;
	vm15 =	vmxor vm15, vm15;
	[tilespmem:v5+s13+$0x0] =	vst.idx.msk vm6, v3  }
0x287: {  	s18 =	simm.s32 $0x0  }
0x288: {  	[hbm4b:s7+s18] =	stream.linear.scatter [tilespmem:s13], [sflag:$0x3], $0xE000, $0x38;
	[tilespmem:$0x1C400] =	vst v63  }
0x289: {  	_ =	swait.ge [sflag:s16], $0xE000  }
0x28a: {  	s19 =	sand.u32 $0xF000, s18;
	s18 =	sand.u32 $0x380, s18;
	[sflag:s16] =	ssyncset.done $0x0  }
0x28b: {  	s18 =	sor.u32 s18, s19;
	[sflag:s16] =	ssyncadd.s32 $0xFFFF2000  }
0x28c: {  	[tilespmem:s18+$0xF070] =	vst v0  }
0x28d: {  	[tilespmem:s18+$0xE400] =	vst v0  }
0x28e: {  	[tilespmem:s18+$0xE410] =	vst v0  }
0x28f: {  	[tilespmem:s18+$0xE420] =	vst v0  }
0x290: {  	[tilespmem:s18+$0xE430] =	vst v0  }
0x291: {  	[tilespmem:s18+$0xE440] =	vst v0  }
0x292: {  	[tilespmem:s18+$0xE450] =	vst v0  }
0x293: {  	[tilespmem:s18+$0xE460] =	vst v0  }
0x294: {  	[tilespmem:s18+$0xE470] =	vst v0  }
0x295: {  	[tilespmem:s18+$0xE800] =	vst v0  }
0x296: {  	[tilespmem:s18+$0xE810] =	vst v0  }
0x297: {  	[tilespmem:s18+$0xE820] =	vst v0  }
0x298: {  	[tilespmem:s18+$0xE830] =	vst v0  }
0x299: {  	[tilespmem:s18+$0xE840] =	vst v0  }
0x29a: {  	[tilespmem:s18+$0xE850] =	vst v0  }
0x29b: {  	[tilespmem:s18+$0xE860] =	vst v0  }
0x29c: {  	[tilespmem:s18+$0xE870] =	vst v0  }
0x29d: {  	[tilespmem:s18+$0xEC00] =	vst v0  }
0x29e: {  	[tilespmem:s18+$0xEC10] =	vst v0  }
0x29f: {  	[tilespmem:s18+$0xEC20] =	vst v0  }
0x2a0: {  	[tilespmem:s18+$0xEC30] =	vst v0  }
0x2a1: {  	[tilespmem:s18+$0xEC40] =	vst v0  }
0x2a2: {  	[tilespmem:s18+$0xEC50] =	vst v0  }
0x2a3: {  	[tilespmem:s18+$0xEC60] =	vst v0  }
0x2a4: {  	[tilespmem:s18+$0xEC70] =	vst v0  }
0x2a5: {  	[tilespmem:s18+$0xF000] =	vst v0  }
0x2a6: {  	[tilespmem:s18+$0xF010] =	vst v0  }
0x2a7: {  	[tilespmem:s18+$0xF020] =	vst v0  }
0x2a8: {  	[tilespmem:s18+$0xF030] =	vst v0  }
0x2a9: {  	s20 =	simm.s32 $0x200;
	s19 =	simm.s32 $0x80;
	[tilespmem:s18+$0xF040] =	vst v0  }
0x2aa: {  	s21 =	sand.u32 $0xF000, s20;
	s20 =	simm.s32 $0x400;
	s22 =	sand.u32 $0x380, s19;
	[tilespmem:s18+$0xF050] =	vst v0  }
.LBB2_14:
0x2ab: {  	p0 =	sne.s32 s20, $0xDE00;
	[tilespmem:s18+$0xF060] =	vst v0;
	s18 =	sor.u32 s22, s21  }
0x2ac: {  	[tilespmem:s18+$0xF070] =	vst v0  }
0x2ad: {  	[tilespmem:s18+$0xE400] =	vst v0  }
0x2ae: {  	[tilespmem:s18+$0xE410] =	vst v0  }
0x2af: {  	[tilespmem:s18+$0xE420] =	vst v0  }
0x2b0: {  	[tilespmem:s18+$0xE430] =	vst v0  }
0x2b1: {  	[tilespmem:s18+$0xE440] =	vst v0  }
0x2b2: {  	[tilespmem:s18+$0xE450] =	vst v0  }
0x2b3: {  	[tilespmem:s18+$0xE460] =	vst v0  }
0x2b4: {  	[tilespmem:s18+$0xE470] =	vst v0  }
0x2b5: {  	[tilespmem:s18+$0xE800] =	vst v0  }
0x2b6: {  	[tilespmem:s18+$0xE810] =	vst v0  }
0x2b7: {  	[tilespmem:s18+$0xE820] =	vst v0  }
0x2b8: {  	[tilespmem:s18+$0xE830] =	vst v0  }
0x2b9: {  	[tilespmem:s18+$0xE840] =	vst v0  }
0x2ba: {  	[tilespmem:s18+$0xE850] =	vst v0  }
0x2bb: {  	[tilespmem:s18+$0xE860] =	vst v0  }
0x2bc: {  	[tilespmem:s18+$0xE870] =	vst v0  }
0x2bd: {  	[tilespmem:s18+$0xEC00] =	vst v0  }
0x2be: {  	[tilespmem:s18+$0xEC10] =	vst v0  }
0x2bf: {  	[tilespmem:s18+$0xEC20] =	vst v0  }
0x2c0: {  	[tilespmem:s18+$0xEC30] =	vst v0  }
0x2c1: {  	[tilespmem:s18+$0xEC40] =	vst v0  }
0x2c2: {  	[tilespmem:s18+$0xEC50] =	vst v0  }
0x2c3: {  	[tilespmem:s18+$0xEC60] =	vst v0  }
0x2c4: {  	[tilespmem:s18+$0xEC70] =	vst v0  }
0x2c5: {  	[tilespmem:s18+$0xF000] =	vst v0  }
.Ltmp6:
0x2c6: {  	[tilespmem:s18+$0xF010] =	vst v0;
	(pc) =	sbr.rel @p0 .LBB2_14-.Ltmp6, $4  }
0x2c7: {  	[tilespmem:s18+$0xF020] =	vst v0  }
0x2c8: {  	[tilespmem:s18+$0xF030] =	vst v0  }
0x2c9: {  	s19 =	sadd.s32 $0x80, s19;
	[tilespmem:s18+$0xF040] =	vst v0  }
0x2ca: {  	s21 =	sand.u32 $0xF000, s20;
	s20 =	sadd.s32 $0x200, s20;
	s22 =	sand.u32 $0x380, s19;
	[tilespmem:s18+$0xF050] =	vst v0  }
0x2cb: {  	s19 =	sor.u32 s22, s21;
	[tilespmem:s18+$0xF060] =	vst v0  }
0x2cc: {  	[tilespmem:s19+$0xF070] =	vst v0  }
0x2cd: {  	[tilespmem:s19+$0xE400] =	vst v0  }
0x2ce: {  	[tilespmem:s19+$0xE410] =	vst v0  }
0x2cf: {  	[tilespmem:s19+$0xE420] =	vst v0  }
0x2d0: {  	[tilespmem:s19+$0xE430] =	vst v0  }
0x2d1: {  	[tilespmem:s19+$0xE440] =	vst v0  }
0x2d2: {  	[tilespmem:s19+$0xE450] =	vst v0  }
0x2d3: {  	[tilespmem:s19+$0xE460] =	vst v0  }
0x2d4: {  	[tilespmem:s19+$0xE470] =	vst v0  }
0x2d5: {  	[tilespmem:s19+$0xE800] =	vst v0  }
0x2d6: {  	[tilespmem:s19+$0xE810] =	vst v0  }
0x2d7: {  	[tilespmem:s19+$0xE820] =	vst v0  }
0x2d8: {  	[tilespmem:s19+$0xE830] =	vst v0  }
0x2d9: {  	[tilespmem:s19+$0xE840] =	vst v0  }
0x2da: {  	[tilespmem:s19+$0xE850] =	vst v0  }
0x2db: {  	[tilespmem:s19+$0xE860] =	vst v0  }
0x2dc: {  	[tilespmem:s19+$0xE870] =	vst v0  }
0x2dd: {  	[tilespmem:s19+$0xEC00] =	vst v0  }
0x2de: {  	[tilespmem:s19+$0xEC10] =	vst v0  }
0x2df: {  	[tilespmem:s19+$0xEC20] =	vst v0  }
0x2e0: {  	[tilespmem:s19+$0xEC30] =	vst v0  }
0x2e1: {  	[tilespmem:s19+$0xEC40] =	vst v0  }
0x2e2: {  	[tilespmem:s19+$0xEC50] =	vst v0  }
0x2e3: {  	[tilespmem:s19+$0xEC60] =	vst v0  }
0x2e4: {  	[tilespmem:s19+$0xEC70] =	vst v0  }
0x2e5: {  	[tilespmem:s19+$0xF000] =	vst v0  }
0x2e6: {  	v5 =	vld [tilespmem:$0x1FFF0];
	[tilespmem:s19+$0xF010] =	vst v0  }
0x2e7: {  	[tilespmem:s19+$0xF020] =	vst v0  }
0x2e8: {  	[tilespmem:s19+$0xF030] =	vst v0  }
0x2e9: {  	[tilespmem:s19+$0xF040] =	vst v0  }
0x2ea: {  	[tilespmem:s19+$0xF050] =	vst v0  }
0x2eb: {  	s18 =	simm.s32 $0xF;
	s20 =	simm.s32 $0x350;
	[tilespmem:s19+$0xF060] =	vst v0;
	s19 =	simm.s32 $0x150;
	vm9 =	vnez.u8 v5  }
.LBB2_16:
0x2ec: {  	v5 =	vld [tilespmem:s19+$0x0];
	_ =	sdelay $0x1  }
0x2ed: {  	v6 =	vld [tilespmem:s20+$0x0];
	_ =	sdelay $0x2  }
0x2ee: {  	v36 =	vimm.s32 $0x0;
	v12 =	vimm.s32 $0x0;
	v5 =	vtrunc.f32 v5  }
0x2ef: {  	v13 =	vimm.s32 $0x0;
	v14 =	vimm.s32 $0x0;
	v7 =	vcvt.f32.s32 v5  }
0x2f0: {  	v16 =	vimm.s32 $0x0;
	v46 =	vimm.s32 $0x0;
	v5 =	vtrunc.f32 v6  }
0x2f1: {  	v6 =	vcvt.f32.s32 v5;
	v5 =	vadd.s32 $0xFFFFFFFA, v7;
	v7 =	vadd.s32 $0x7, v7  }
0x2f2: {  	v18 =	vimm.s32 $0x0;
	vm2 =	vlt.u32 v7, $0x201;
	v7 =	vbroadcast v5, $0x1  }
0x2f3: {  	vm0 =	vlt.u32 v5, $0x201;
	v9 =	vbroadcast v5, $0x2;
	v38 =	vbroadcast v5, $0x3  }
0x2f4: {  	v8 =	vadd.s32 $0xFFFFFFFA, v6;
	v10 =	vbroadcast v5, $0x4;
	v39 =	vbroadcast v5, $0x5  }
0x2f5: {  	v6 =	vadd.s32 $0x7, v6;
	v41 =	vbroadcast v5, $0x6;
	v42 =	vbroadcast v5, $0x7  }
0x2f6: {  	v43 =	vbroadcast v5, $0x8;
	vm1 =	vlt.u32 v8, $0x201;
	vm3 =	vlt.u32 v6, $0x201  }
0x2f7: {  	v44 =	vbroadcast v5, $0x9;
	vm0 =	vmand vm0, vm1;
	vm5 =	vmand vm2, vm3  }
0x2f8: {  	v45 =	vbroadcast v5, $0xA;
	v48 =	vbroadcast v5, $0xB;
	vm0 =	vmor vm0, vm5  }
0x2f9: {  	v49 =	vbroadcast v5, $0xC;
	v51 =	vbroadcast v5, $0xD;
	v11 =	vsel vm0, $0x1, v1  }
0x2fa: {  	v53 =	vbroadcast v5, $0xE;
	v6 =	vbroadcast v5, $0x0;
	(v2sf) =	vpush v11, $0x0  }
0x2fb: {  	v5 =	vbroadcast v5, $0xF;
	vm1 =	vmmov vm15;
	v37 =	vadd.s32 v2, v7  }
0x2fc: {  	v7 =	vadd.s32 v2, v9;
	vm3 =	vmmov vm15;
	(v2sf) =	vpush v11, $0x1  }
0x2fd: {  	v9 =	vadd.s32 v2, v38;
	v10 =	vadd.s32 v2, v10;
	(v2sf) =	vpush v11, $0x2  }
0x2fe: {  	v40 =	vadd.s32 v2, v39;
	v15 =	vadd.s32 v2, v41;
	v19 =	vadd.s32 v2, v43  }
0x2ff: {  	v47 =	vadd.s32 v2, v44;
	v17 =	vadd.s32 v2, v45;
	v20 =	vadd.s32 v2, v48  }
0x300: {  	v50 =	vadd.s32 v2, v49;
	v52 =	vadd.s32 v2, v51;
	v6 =	vadd.s32 v2, v6  }
0x301: {  	vm7 =	vlt.u32 v37, $0x200;
	vm2 =	vlt.u32 v7, $0x200;
	v5 =	vadd.s32 v2, v5  }
0x302: {  	v27 =	vshll.u32 v37, $0x3;
	v55 =	vshll.u32 v7, $0x3;
	(v2sf) =	vpush v11, $0x3  }
0x303: {  	v57 =	vshll.u32 v9, $0x3;
	v7 =	vand.u32 $0x7F, v7;
	(v2sf) =	vpush v11, $0x4  }
0x304: {  	v59 =	vshll.u32 v10, $0x3;
	v60 =	vshll.u32 v40, $0x3;
	(v2sf) =	vpush v11, $0x5  }
0x305: {  	v61 =	vshll.u32 v15, $0x3;
	v29 =	vshll.u32 v19, $0x3;
	(v2sf) =	vpush v11, $0x6  }
0x306: {  	v30 =	vshll.u32 v47, $0x3;
	v32 =	vshll.u32 v17, $0x3;
	(v2sf) =	vpush v11, $0x7  }
0x307: {  	vm6 =	vlt.u32 v6, $0x200;
	v24 =	vshll.u32 v6, $0x3;
	(v2sf) =	vpush v11, $0x8  }
0x308: {  	v6 =	vand.u32 $0x7F, v6;
	v54 =	vand.u32 $0xFFFFFC00, v27;
	(v2sf) =	vpush v11, $0x9  }
0x309: {  	v56 =	vand.u32 $0xFFFFFC00, v55;
	v27 =	vand.u32 $0xFFFFFC00, v57;
	(v2sf) =	vpush v11, $0xA;
	s21 =	spop (v2sf)  }
0x30a: {  	v63 =	vand.u32 $0xFFFFFC00, v29;
	v34 =	vand.u32 $0xFFFFFC00, v32;
	(v2sf) =	vpush v11, $0xB;
	p0 =	sne.s32 s21, $0x0  }
0x30b: {  	v55 =	vmov s18;
	(v2sf) =	vpush v11, $0xC;
	s29 =	spop (v2sf);
	vm1 =	vmneg @p0 vm1  }
0x30c: {  	v24 =	vand.u32 $0xFFFFFC00, v24;
	s22 =	spop (v2sf);
	(v2sf) =	vpush v11, $0xD;
	vm0 =	vmand vm6, vm1  }
0x30d: {  	p0 =	sne.s32 s29, $0x0;
	vm1 =	vmmov vm15;
	(v2sf) =	vpush v11, $0xE;
	vm6 =	vlt.u32 v9, $0x200  }
0x30e: {  	v9 =	vand.u32 $0x7F, v9;
	v8 =	vsel vm0, $0xFFFFFFFF, v36;
	vm1 =	vmneg @p0 vm1;
	p0 =	sne.s32 s22, $0x0  }
0x30f: {  	(v2sf) =	vpush v11, $0xF;
	v11 =	vadd.s32 v2, v53;
	vm3 =	vmneg @p0 vm3  }
0x310: {  	vm5 =	vmand vm7, vm1;
	vm1 =	vmmov vm15;
	vm7 =	vlt.u32 v10, $0x200  }
0x311: {  	s23 =	spop (v2sf);
	s22 =	sadd.s32 $0xFFFFFFFE, s18;
	[tilespmem:$0x1FE90] =	vst v8;
	v8 =	vand.u32 $0x7F, v37;
	v10 =	vand.u32 $0x7F, v10;
	v37 =	vshll.u32 v20, $0x3  }
0x312: {  	p0 =	sne.s32 s23, $0x0;
	v45 =	vmov s22;
	v53 =	vshll.u32 v11, $0x3;
	vm4 =	vmand vm2, vm3  }
0x313: {  	s24 =	spop (v2sf);
	s23 =	sadd.s32 $0xFFFFFFF9, s18;
	vm1 =	vmneg @p0 vm1;
	vm2 =	vmmov vm15;
	vm3 =	vlt.u32 v40, $0x200  }
0x314: {  	p0 =	sne.s32 s24, $0x0;
	s24 =	sadd.s32 $0xFFFFFFFA, s18;
	v22 =	vmov s23;
	vm5 =	vmand vm5, vm9;
	v12 =	vsel vm4, $0xFFFFFFFF, v12  }
0x315: {  	vm0 =	vmand vm6, vm1;
	vm1 =	vmmov vm15;
	v23 =	vmov s24  }
0x316: {  	s30 =	spop (v2sf);
	v22 =	vshrl.u32 v22, $0x3;
	v13 =	vsel vm0, $0xFFFFFFFF, v13;
	vm1 =	vmneg @p0 vm1  }
0x317: {  	s31 =	spop (v2sf);
	[tilespmem:$0x1FEA0] =	vst v12;
	vm0 =	vlt.u32 v15, $0x200;
	v12 =	vadd.s32 v2, v42;
	v15 =	vand.u32 $0x7F, v15  }
0x318: {  	s25 =	spop (v2sf);
	p0 =	sne.s32 s30, $0x0;
	v22 =	vshll.u32 v22, v4;
	v29 =	vshrl.u32 v23, $0x3;
	v42 =	vshll.u32 v50, $0x3  }
0x319: {  	p3 =	sne.s32 s25, $0x0;
	s25 =	sadd.s32 $0xFFFFFFFB, s18;
	vm2 =	vmneg @p0 vm2;
	vm6 =	vmand vm7, vm1;
	vm1 =	vmmov vm15  }
0x31a: {  	[tilespmem:$0x1FEB0] =	vst v13;
	vm7 =	vlt.u32 v12, $0x200;
	v25 =	vmov s25;
	v13 =	vand.u32 $0x7F, v40  }
0x31b: {  	p1 =	sne.s32 s31, $0x0;
	s26 =	spop (v2sf);
	v62 =	vshll.u32 v12, $0x3;
	v22 =	vbroadcast v22, $0x0;
	v12 =	vand.u32 $0x7F, v12  }
0x31c: {  	p6 =	sne.s32 s26, $0x0;
	s26 =	sadd.s32 $0xFFFFFFFD, s18;
	vm4 =	vmand vm3, vm2;
	vm2 =	vmmov vm15;
	vm1 =	vmneg @p1 vm1  }
0x31d: {  	vm3 =	vlt.u32 v47, $0x200;
	v28 =	vmov s26;
	v31 =	vshrl.u32 v25, $0x3  }
0x31e: {  	vm6 =	vmand vm6, vm9;
	v14 =	vsel vm4, $0xFFFFFFFF, v14;
	vm2 =	vmneg @p3 vm2  }
0x31f: {  	p2 =	slt.u32 s23, $0x58;
	vm0 =	vmand vm0, vm1;
	vm1 =	vmmov vm15;
	vm4 =	vlt.u32 v17, $0x200  }
0x320: {  	p0 =	por !p2, !p6;
	v22 =	vadd.s32 v22, v63;
	v23 =	vshll.u32 v31, v4;
	v17 =	vand.u32 $0x7F, v17  }
0x321: {  	s28 =	spop (v2sf);
	p0 =	por !p0, !p0;
	v40 =	vshrl.u32 v28, $0x3;
	v16 =	vsel vm0, $0xFFFFFFFF, v16;
	vm7 =	vmand vm7, vm2  }
0x322: {  	p3 =	sne.s32 s28, $0x0;
	s28 =	sadd.s32 $0xFFFFFFFC, s18;
	vm0 =	vlt.u32 v19, $0x200;
	vm1 =	vmneg @p0 vm1;
	vm2 =	vmmov vm15  }
0x323: {  	s29 =	spop (v2sf);
	[tilespmem:$0x1FEC0] =	vst v14;
	v26 =	vmov s28;
	v19 =	vand.u32 $0x7F, v19;
	v23 =	vbroadcast v23, $0x0  }
0x324: {  	p4 =	slt.u32 s24, $0x58;
	p6 =	slt.u32 s25, $0x58;
	p5 =	sne.s32 s29, $0x0;
	v14 =	vand.u32 $0x7F, v52;
	[tilespmem:$0x1FED0] =	vst v16;
	v16 =	vsel vm7, $0xFFFFFFFF, v46;
	vm7 =	vmmov vm15  }
0x325: {  	p1 =	por !p4, !p3;
	p2 =	por !p6, !p5;
	vm10 =	vmand vm0, vm1;
	vm0 =	vmmov vm15;
	vm1 =	vlt.u32 v20, $0x200  }
0x326: {  	s21 =	spop (v2sf);
	p0 =	por !p1, !p1;
	p1 =	por !p2, !p2;
	v19 =	vor.u32 v19, v22;
	v22 =	vand.u32 $0xFFFFFC00, v30;
	v33 =	vshrl.u32 v26, $0x3  }
0x327: {  	s30 =	spop (v2sf);
	p3 =	sne.s32 s21, $0x0;
	v20 =	vand.u32 $0x7F, v20;
	vm2 =	vmneg @p0 vm2;
	vm7 =	vmneg @p1 vm7  }
0x328: {  	p4 =	slt.u32 s28, $0x58;
	p6 =	slt.u32 s26, $0x58;
	p5 =	sne.s32 s30, $0x0;
	[tilespmem:$0x1FEE0] =	vst v16;
	v35 =	vshll.u32 v33, v4;
	v16 =	vand.u32 $0x7F, v47;
	v47 =	vshll.u32 v52, $0x3  }
0x329: {  	s21 =	sadd.s32 $0xFFFFFFFF, s18;
	p0 =	por !p4, !p3;
	p4 =	por !p6, !p5;
	vm11 =	vmand vm3, vm2;
	vm4 =	vmand vm4, vm7;
	vm7 =	vlt.u32 v50, $0x200  }
0x32a: {  	p0 =	por !p0, !p0;
	p1 =	por !p4, !p4;
	vm3 =	vmmov vm15;
	vm2 =	vmmov vm15;
	v36 =	vbroadcast v35, $0x0;
	s31 =	spop (v2sf)  }
0x32b: {  	p6 =	slt.u32 s22, $0x58;
	p3 =	slt.u32 s21, $0x58;
	v18 =	vsel vm4, $0xFFFFFFFF, v18;
	vm0 =	vmneg @p0 vm0;
	vm3 =	vmneg @p1 vm3;
	p5 =	sne.s32 s31, $0x0  }
0x32c: {  	vm4 =	vlt.u32 v11, $0x200;
	vm13 =	vmand vm1, vm0;
	vm12 =	vmand vm7, vm3;
	s30 =	spop (v2sf);
	s31 =	sadd.s32 $0xFFFFFFF1, s18;
	p0 =	por !p6, !p5  }
0x32d: {  	v39 =	vld [tilespmem:$0x1FE90];
	vm7 =	vlt.u32 v52, $0x200;
	vm1 =	vmmov vm15;
	p2 =	sne.s32 s30, $0x0;
	s30 =	spop (v2sf);
	p5 =	slt.u32 s18, $0x58;
	v21 =	vmov s31  }
0x32e: {  	[tilespmem:$0x1FEF0] =	vst v18;
	vm0 =	vmmov vm15;
	v18 =	vand.u32 $0x7F, v50;
	p0 =	por !p0, !p0;
	p1 =	por !p3, !p2;
	p4 =	sne.s32 s30, $0x0;
	v21 =	vshrl.u32 v21, $0x3  }
0x32f: {  	v43 =	vld [tilespmem:$0x1FEA0];
	v50 =	vmov s21;
	vm1 =	vmneg @p0 vm1;
	p0 =	por !p1, !p1;
	p6 =	por !p5, !p4;
	v21 =	vshll.u32 v21, v4  }
0x330: {  	vm2 =	vmneg @p0 vm2;
	vm14 =	vmand vm7, vm1;
	p0 =	por !p6, !p6;
	v21 =	vbroadcast v21, $0x0  }
0x331: {  	v44 =	vld [tilespmem:$0x1FEB0];
	vm7 =	vlt.u32 v5, $0x200;
	vm8 =	vmand vm4, vm2;
	vm0 =	vmneg @p0 vm0  }
0x332: {  	vm4 =	vnez.u8 v39;
	vm7 =	vmand vm7, vm0;
	v24 =	vadd.s32 v21, v24  }
0x333: {  	v58 =	vadd.s32 v21, v27;
	v27 =	vand.u32 $0xFFFFFC00, v60;
	vm1 =	vmand vm4, vm9  }
0x334: {  	v48 =	vld [tilespmem:$0x1FEC0];
	vm4 =	vnez.u8 v43;
	v6 =	vor.u32 v6, v24;
	v24 =	vadd.s32 v21, v54  }
0x335: {  	v9 =	vor.u32 v9, v58;
	v27 =	vadd.s32 v21, v27;
	vm3 =	vmand vm4, vm9  }
0x336: {  	v49 =	vld [tilespmem:$0x1FED0];
	vm4 =	vnez.u8 v44;
	v54 =	vand.u32 $0xFFFFFC00, v53;
	v58 =	vand.u32 $0x7F, v11  }
0x337: {  	v8 =	vor.u32 v8, v24;
	v24 =	vadd.s32 v21, v56;
	v13 =	vor.u32 v13, v27  }
0x338: {  	v51 =	vld [tilespmem:$0x1FEE0];
	v27 =	vand.u32 $0xFFFFFC00, v62;
	vm15 =	vmand vm4, vm9;
	v9 =	vor.u32 $0x180, v9  }
0x339: {  	vm4 =	vnez.u8 v48;
	v7 =	vor.u32 v7, v24;
	v24 =	vand.u32 $0xFFFFFC00, v59  }
0x33a: {  	v8 =	vor.u32 $0x80, v8;
	vm0 =	vmand vm4, vm9;
	v13 =	vor.u32 $0x280, v13  }
0x33b: {  	vm4 =	vnez.u8 v49;
	v24 =	vadd.s32 v21, v24;
	v7 =	vor.u32 $0x100, v7  }
0x33c: {  	vm2 =	vmand vm4, vm9;
	v10 =	vor.u32 v10, v24;
	v24 =	vand.u32 $0xFFFFFC00, v61  }
0x33d: {  	vm4 =	vnez.u8 v51;
	v24 =	vadd.s32 v21, v24;
	v21 =	vadd.s32 v21, v27  }
0x33e: {  	vm4 =	vmand vm4, vm9;
	v12 =	vor.u32 v12, v21;
	v21 =	vshll.u32 v29, v4  }
0x33f: {  	v61 =	vshll.u32 v5, $0x3;
	v5 =	vand.u32 $0x7F, v5;
	v21 =	vbroadcast v21, $0x0  }
0x340: {  	v10 =	vor.u32 $0x200, v10;
	[tilespmem:v6+s14+$0x0] =	vst.idx.msk vm1, v3;
	vm1 =	vmand vm10, vm9;
	v11 =	vand.u32 $0xFFFFFC00, v61  }
0x341: {  	v56 =	vld [tilespmem:$0x1FEF0];
	v15 =	vor.u32 v15, v24;
	v21 =	vadd.s32 v21, v22;
	v22 =	vadd.s32 v23, v34  }
0x342: {  	v24 =	vand.u32 $0xFFFFFC00, v37;
	v17 =	vor.u32 v17, v22;
	v22 =	vshll.u32 v40, v4  }
0x343: {  	v38 =	vadd.s32 v36, v24;
	v15 =	vor.u32 $0x300, v15;
	v41 =	vbroadcast v22, $0x0  }
0x344: {  	v12 =	vor.u32 $0x380, v12;
	[tilespmem:v8+s14+$0x0] =	vst.idx.msk vm5, v3;
	vm5 =	vmand vm11, vm9;
	v22 =	vand.u32 $0xFFFFFC00, v42  }
0x345: {  	v16 =	vor.u32 v16, v21;
	v21 =	vadd.s32 v41, v22;
	v22 =	vshrl.u32 v45, $0x3  }
0x346: {  	v20 =	vor.u32 v20, v38;
	[tilespmem:v7+s14+$0x0] =	vst.idx.msk vm3, v3;
	vm3 =	vnez.u8 v56;
	v22 =	vshll.u32 v22, v4  }
0x347: {  	[tilespmem:v9+s14+$0x0] =	vst.idx.msk vm15, v3;
	vm3 =	vmand vm3, vm9;
	v62 =	vor.u32 $0x180, v20;
	v46 =	vbroadcast v22, $0x0  }
0x348: {  	[tilespmem:v10+s14+$0x0] =	vst.idx.msk vm6, v3;
	vm6 =	vmand vm13, vm9;
	v7 =	vor.u32 $0x80, v16;
	v22 =	vand.u32 $0xFFFFFC00, v47  }
0x349: {  	v18 =	vor.u32 v18, v21;
	v21 =	vadd.s32 v46, v22;
	v22 =	vshrl.u32 v50, $0x3  }
0x34a: {  	[tilespmem:v13+s14+$0x0] =	vst.idx.msk vm0, v3;
	v22 =	vshll.u32 v22, v4;
	v6 =	vor.u32 v14, v21;
	v14 =	vshrl.u32 v55, $0x3  }
0x34b: {  	v57 =	vor.u32 $0x100, v17;
	[tilespmem:v15+s14+$0x0] =	vst.idx.msk vm2, v3;
	v52 =	vbroadcast v22, $0x0;
	v59 =	vshll.u32 v14, v4  }
0x34c: {  	vm0 =	vmand vm12, vm9;
	vm2 =	vmand vm14, vm9;
	[tilespmem:v12+s14+$0x0] =	vst.idx.msk vm4, v3;
	v60 =	vbroadcast v59, $0x0  }
0x34d: {  	[tilespmem:v19+s14+$0x0] =	vst.idx.msk vm1, v3;
	vm1 =	vmand vm8, vm9;
	v63 =	vor.u32 $0x200, v18;
	v8 =	vadd.s32 v52, v54  }
0x34e: {  	v6 =	vor.u32 $0x280, v6;
	v8 =	vor.u32 v58, v8;
	v10 =	vadd.s32 v60, v11  }
0x34f: {  	vm4 =	vmand vm7, vm9;
	[tilespmem:v7+s14+$0x0] =	vst.idx.msk vm5, v3;
	v5 =	vor.u32 v5, v10;
	v7 =	vor.u32 $0x300, v8  }
0x350: {  	p0 =	sne.s32 s18, $0x5F;
	[tilespmem:v57+s14+$0x0] =	vst.idx.msk vm3, v3;
	v5 =	vor.u32 $0x380, v5  }
.Ltmp7:
0x351: {  	[tilespmem:v62+s14+$0x0] =	vst.idx.msk vm6, v3;
	(pc) =	sbr.rel @p0 .LBB2_16-.Ltmp7, $4  }
0x352: {  	[tilespmem:v63+s14+$0x0] =	vst.idx.msk vm0, v3  }
0x353: {  	[tilespmem:v6+s14+$0x0] =	vst.idx.msk vm2, v3  }
0x354: {  	[tilespmem:v7+s14+$0x0] =	vst.idx.msk vm1, v3  }
0x355: {  	s19 =	sadd.s32 $0x10, s19;
	s20 =	sadd.s32 $0x10, s20;
	s18 =	sadd.s32 $0x10, s18;
	vm15 =	vmxor vm15, vm15;
	[tilespmem:v5+s14+$0x0] =	vst.idx.msk vm4, v3  }
0x356: {  	[hbm4b:s8+s1] =	stream.linear.scatter [tilespmem:s14], [sflag:$0x4], $0xB000, $0x38;
	[tilespmem:$0x1C400] =	vst v63  }
0x357: {  	s17 =	sadd.s32 $0x1, s17  }
0x358: {  	_ =	swait.ge [sflag:s15], $0xE000;
	p0 =	sne.s32 s17, s9  }
.Ltmp8:
0x359: {  	[sflag:s15] =	ssyncset.done $0x0;
	(pc) =	sbr.rel @p0 .LBB2_1-.Ltmp8, $4  }
0x35a: {  	[sflag:s15] =	ssyncadd.s32 $0xFFFF2000  }
0x35b: {  	_ =	swait.ge [sflag:s16], $0xB000  }
0x35c: {  	[sflag:s16] =	ssyncset.done $0x0  }
0x35d: {  	[sflag:s16] =	ssyncadd.s32 $0xFFFF5000  }
0x35e: {  	_ =	sfence.sel $0x180000  }
0x35f: {  	[bflag:$0x0] =	sbarrier.arrive $0xFFFF  }
0x360: {  	p0 =	sne.s32 s2, $0x0;
	_ =	strace $0x90000047  }
0x361: {  	s0 =	sadd.s32 @!p0 $0x100000, s0;
	[bflag:$0x2] =	sbarrier.arrive $0xFFFF  }
0x362: {  	[sflag:s0] =	ssyncadd.tile.s32 @!p0 $0x1;
	_ =	shalt  }
.Lfunc_end2:
_tile_overlayer_lowered:
.L_overlay_start_2:
0x363: {  	(tag) =	ssettag $0x2  }
0x364: {  	s0 =	rddreg [dreg:$0x0];
	s2 =	stileid.u32  }
0x365: {  	s1 =	rddreg [dreg:$0x1];
	p0 =	sne.s32 s2, $0x0  }
0x366: {  	s3 =	rddreg [dreg:$0x2];
	[bflag:$0x3] =	sbarrier.arrive $0xFFFF;
	s2 =	simm.s32 @!p0 $0x1C05  }
0x367: {  	[timem:s3], [sflag:s2] =	dma.local @!p0 [hbm:s0], s1  }
0x368: {  	s0 =	simm.s32 @!p0 $0x5  }
0x369: {  	_ =	swait.ge @!p0 [sflag:s0], s1  }
0x36a: {  	s1 =	ssub.s32 @!p0 $0x0, s1;
	[sflag:s0] =	ssyncset.done @!p0 $0x0  }
0x36b: {  	[sflag:s0] =	ssyncadd.s32 @!p0 s1  }
0x36c: {  	[bflag:$0x3] =	sbarrier.arrive $0xFFFF  }
0x36d: {  	_ =	shalt  }

</sc_bundles>
